<compile_context>
chip_gen: v7x
topology: tpu7x:2x2x1
jax: 0.10.2.dev20260603
libtpu: 0.0.44.dev20260713+nightly
codegen_flags: <defaults>
</compile_context>

<pallas_src>
import jax
import jax.numpy as jnp
from jax import lax
from jax.experimental import pallas as pl
from jax.experimental.pallas import tpu as pltpu
from jax.experimental.pallas import tpu_sc as plsc

N_NODES = 10000
N_PAD = 10240
E_TOTAL = 320000
H = 128
NC, NS, L = 2, 16, 16
NW = NC * NS
EPW = E_TOTAL // NW
C = 80
NCHUNK = EPW // C
NEG_INF = float("-inf")

_SC_PARAMS = pltpu.CompilerParams(needs_layout_passes=False)
_GDN = lax.GatherDimensionNumbers(
    offset_dims=(), collapsed_slice_dims=(0,), start_index_map=(0,))


def _iota16():
    return lax.iota(jnp.int32, L)


def _take16(x, idx):
    return lax.gather(x, idx[:, None], _GDN, (1,),
                      mode=lax.GatherScatterMode.PROMISE_IN_BOUNDS)


def _seg_update(tab_ref, k16, v16, op):
    ks, vs = plsc.sort_key_val(k16, v16)
    it = _iota16()
    prev = _take16(ks, jnp.maximum(it - 1, 0))
    is_start = (it == 0) | (ks != prev)
    segid = plsc.cumsum(is_start.astype(jnp.int32))
    v = vs
    for d in (1, 2, 4, 8):
        idx = jnp.maximum(it - d, 0)
        same = (it >= d) & (segid == _take16(segid, idx))
        vd = _take16(v, idx)
        v = jnp.where(same, op(v, vd), v)
    nxt = _take16(ks, jnp.minimum(it + 1, L - 1))
    is_end = (it == L - 1) | (ks != nxt)
    cur = plsc.load_gather(tab_ref, [ks])
    plsc.store_scatter(tab_ref, [ks], op(cur, v), mask=is_end)


def _fill1d(ref, n, value):
    def body(i, _):
        ref[pl.ds(i * L, L)] = jnp.full((L,), value, jnp.float32)
        return _
    lax.fori_loop(0, n // L, body, None, unroll=8)


def _wid():
    return lax.axis_index("s") * NC + lax.axis_index("c")



def _tree_dot(sb, rb, db, e):
    parts = []
    for j in range(H // L):
        sl = pl.ds(j * L, L)
        parts.append((sb[e, sl] + rb[e, sl]) * db[e, sl])
    while len(parts) > 1:
        parts = [parts[i] + parts[i + 1] for i in range(0, len(parts), 2)]
    return jnp.sum(parts[0])


def _k1_body(ent, rel_emb, src_h, dst_h, rel_h, norm_out, mpart_out,
             src_v, dst_v, rel_v, norm_v, mloc_v,
             s0, r0, d0, s1, r1, d1, sem0, sem1):
    wid = _wid()
    ebase = wid * EPW

    pltpu.sync_copy(src_h.at[pl.ds(ebase, EPW)], src_v)
    pltpu.sync_copy(dst_h.at[pl.ds(ebase, EPW)], dst_v)
    pltpu.sync_copy(rel_h.at[pl.ds(ebase, EPW)], rel_v)
    _fill1d(mloc_v, N_PAD, NEG_INF)

    def issue(g, sb, rb, db, sem):
        cb = g * C
        pltpu.async_copy(ent.at[src_v.at[pl.ds(cb, C)]], sb, sem)
        pltpu.async_copy(rel_emb.at[rel_v.at[pl.ds(cb, C)]], rb, sem)
        pltpu.async_copy(ent.at[dst_v.at[pl.ds(cb, C)]], db, sem)

    def wait3(sb, rb, db, sem):
        pltpu.make_async_copy(ent.at[pl.ds(0, C)], sb, sem).wait()
        pltpu.make_async_copy(ent.at[pl.ds(0, C)], rb, sem).wait()
        pltpu.make_async_copy(ent.at[pl.ds(0, C)], db, sem).wait()

    def compute(sb, rb, db, g):
        cb = g * C

        def q_body(q, norms):
            e0 = q * 4
            lane0 = lax.rem(e0, L)
            it = _iota16()
            for c in range(4):
                norms = jnp.where(it == lane0 + c,
                                  _tree_dot(sb, rb, db, e0 + c), norms)

            @pl.when(lane0 == L - 4)
            def _flush():
                norm_v[pl.ds(cb + e0 - (L - 4), L)] = norms
            return norms

        lax.fori_loop(0, C // 4, q_body, jnp.zeros((L,), jnp.float32))

    issue(0, s0, r0, d0, sem0)

    def pair_body(u, _):
        g0 = 2 * u
        wait3(s0, r0, d0, sem0)
        issue(g0 + 1, s1, r1, d1, sem1)
        compute(s0, r0, d0, g0)
        wait3(s1, r1, d1, sem1)
        issue(g0 + 2, s0, r0, d0, sem0)
        compute(s1, r1, d1, g0 + 1)
        return _
    lax.fori_loop(0, (NCHUNK - 1) // 2, pair_body, None)
    wait3(s0, r0, d0, sem0)
    compute(s0, r0, d0, NCHUNK - 1)

    def seg_body(i, _):
        d16 = dst_v[pl.ds(i * L, L)]
        n16 = norm_v[pl.ds(i * L, L)]
        _seg_update(mloc_v, d16, n16, jnp.maximum)
        return _
    lax.fori_loop(0, EPW // L, seg_body, None)

    pltpu.sync_copy(norm_v, norm_out.at[pl.ds(ebase, EPW)])
    pltpu.sync_copy(mloc_v, mpart_out.at[wid])



def _k2_body(norm_h, dst_h, mglob_h, e_out, spart_out,
             dst_v, norm_v, mglob_v, sloc_v):
    wid = _wid()
    ebase = wid * EPW

    pltpu.sync_copy(dst_h.at[pl.ds(ebase, EPW)], dst_v)
    pltpu.sync_copy(norm_h.at[pl.ds(ebase, EPW)], norm_v)
    pltpu.sync_copy(mglob_h, mglob_v)
    _fill1d(sloc_v, N_PAD, 0.0)

    def grp_body(i, _):
        sl = pl.ds(i * L, L)
        d16 = dst_v[sl]
        m16 = plsc.load_gather(mglob_v, [d16])
        e16 = jnp.exp(norm_v[sl] - m16)
        norm_v[sl] = e16
        _seg_update(sloc_v, d16, e16, jnp.add)
        return _
    lax.fori_loop(0, EPW // L, grp_body, None)

    pltpu.sync_copy(norm_v, e_out.at[pl.ds(ebase, EPW)])
    pltpu.sync_copy(sloc_v, spart_out.at[wid])



C3 = 40
SCE = 400
NSUP = EPW // SCE
NIN = SCE // C3


def _k3_body(ent, rel_emb, src_h, dst_h, rel_h, e_h, sglob_h, npart_out,
             srcc_v, relc_v, dstc_v, evc_v, sglob_v,
             s0, r0, i0, s1, r1, i1, msg0, msg1, neigh_sh,
             sem0, sem1, scs0, scs1):
    cid = lax.axis_index("c")
    sid = lax.axis_index("s")
    ebase = (sid * NC + cid) * EPW

    pltpu.sync_copy(sglob_h, sglob_v)
    msg = msg0

    def zrow_body(r, _):
        for j in range(H // L):
            msg[r, pl.ds(j * L, L)] = jnp.zeros((L,), jnp.float32)
        return _
    lax.fori_loop(0, C3, zrow_body, None)
    for k in range(N_PAD // NS // C3):
        pltpu.sync_copy(msg, neigh_sh.at[pl.ds(sid * (N_PAD // NS) + k * C3, C3)])
    plsc.subcore_barrier()

    def sup_body(u, _):
        sb = ebase + u * SCE
        pltpu.sync_copy(src_h.at[pl.ds(sb, SCE)], srcc_v)
        pltpu.sync_copy(rel_h.at[pl.ds(sb, SCE)], relc_v)
        pltpu.sync_copy(dst_h.at[pl.ds(sb, SCE)], dstc_v)
        pltpu.sync_copy(e_h.at[pl.ds(sb, SCE)], evc_v)

        def alpha_body(i, _):
            sl = pl.ds(i * L, L)
            s16 = plsc.load_gather(sglob_v, [dstc_v[sl]])
            evc_v[sl] = evc_v[sl] / (s16 + 1e-16)
            return _
        lax.fori_loop(0, SCE // L, alpha_body, None, unroll=2)

        def issue(g, sbuf, rbuf, ibuf, sem):
            cb = g * C3
            pltpu.async_copy(ent.at[srcc_v.at[pl.ds(cb, C3)]], sbuf, sem)
            pltpu.async_copy(rel_emb.at[relc_v.at[pl.ds(cb, C3)]], rbuf, sem)
            pltpu.async_copy(dst_h.at[pl.ds(sb + cb, C3)], ibuf, sem)

        def wait3(sbuf, rbuf, ibuf, sem):
            pltpu.make_async_copy(ent.at[pl.ds(0, C3)], sbuf, sem).wait()
            pltpu.make_async_copy(ent.at[pl.ds(0, C3)], rbuf, sem).wait()
            pltpu.make_async_copy(dst_h.at[pl.ds(0, C3)], ibuf, sem).wait()

        def compute(sbuf, rbuf, ibuf, g, msgb, scs, first):
            cb = g * C3

            @pl.when(jnp.logical_not(first))
            def _drain():
                pltpu.make_async_copy(npart_out.at[0, pl.ds(0, C3)], msgb,
                                      scs).wait()

            def q_body(q, _q):
                e0 = q * 4
                for c in range(4):
                    a16 = plsc.load_gather(
                        evc_v, [jnp.full((L,), cb + e0 + c, jnp.int32)])
                    for j in range(H // L):
                        sl = pl.ds(j * L, L)
                        msgb[e0 + c, sl] = (sbuf[e0 + c, sl]
                                            + rbuf[e0 + c, sl]) * a16
                return _q
            lax.fori_loop(0, C3 // 4, q_body, None)
            pltpu.async_copy(msgb, neigh_sh.at[ibuf], scs, add=True)

        issue(0, s0, r0, i0, sem0)

        def pair_body(p, _p):
            g0 = 2 * p
            wait3(s0, r0, i0, sem0)
            issue(g0 + 1, s1, r1, i1, sem1)
            compute(s0, r0, i0, g0, msg0, scs0, p == 0)
            wait3(s1, r1, i1, sem1)

            @pl.when(g0 + 2 < NIN)
            def _nxt():
                issue(g0 + 2, s0, r0, i0, sem0)
            compute(s1, r1, i1, g0 + 1, msg1, scs1, p == 0)
            return _p
        lax.fori_loop(0, NIN // 2, pair_body, None)
        pltpu.make_async_copy(npart_out.at[0, pl.ds(0, C3)], msg0, scs0).wait()
        pltpu.make_async_copy(npart_out.at[0, pl.ds(0, C3)], msg1, scs1).wait()
        return _
    lax.fori_loop(0, NSUP, sup_body, None)

    plsc.subcore_barrier()
    rows = pl.ds(sid * (N_PAD // NS), N_PAD // NS)
    pltpu.sync_copy(neigh_sh.at[rows], npart_out.at[cid, rows])


def _merge_max_body(p_ref, o_ref):
    o_ref[...] = jnp.max(p_ref[...], axis=0)


def _merge_sum_body(p_ref, o_ref):
    o_ref[...] = jnp.sum(p_ref[...], axis=0)


def _tc_merge(part, body):
    return pl.pallas_call(
        body,
        out_shape=jax.ShapeDtypeStruct((N_PAD,), jnp.float32),
    )(part)


def _sc_k12_impl(ent, rel_emb, src, dst, rel):
    mesh = plsc.VectorSubcoreMesh(core_axis_name="c", subcore_axis_name="s")
    norm, mpart = pl.kernel(
        _k1_body,
        out_type=[
            jax.ShapeDtypeStruct((E_TOTAL,), jnp.float32),
            jax.ShapeDtypeStruct((NW, N_PAD), jnp.float32),
        ],
        mesh=mesh,
        compiler_params=_SC_PARAMS,
        scratch_types=[
            pltpu.VMEM((EPW,), jnp.int32),
            pltpu.VMEM((EPW,), jnp.int32),
            pltpu.VMEM((EPW,), jnp.int32),
            pltpu.VMEM((EPW,), jnp.float32),
            pltpu.VMEM((N_PAD,), jnp.float32),
            pltpu.VMEM((C, H), jnp.float32),
            pltpu.VMEM((C, H), jnp.float32),
            pltpu.VMEM((C, H), jnp.float32),
            pltpu.VMEM((C, H), jnp.float32),
            pltpu.VMEM((C, H), jnp.float32),
            pltpu.VMEM((C, H), jnp.float32),
            pltpu.SemaphoreType.DMA,
            pltpu.SemaphoreType.DMA,
        ],
    )(ent, rel_emb, src, dst, rel)

    mglob = _tc_merge(mpart, _merge_max_body)
    ev, spart = pl.kernel(
        _k2_body,
        out_type=[
            jax.ShapeDtypeStruct((E_TOTAL,), jnp.float32),
            jax.ShapeDtypeStruct((NW, N_PAD), jnp.float32),
        ],
        mesh=mesh,
        compiler_params=_SC_PARAMS,
        scratch_types=[
            pltpu.VMEM((EPW,), jnp.int32),
            pltpu.VMEM((EPW,), jnp.float32),
            pltpu.VMEM((N_PAD,), jnp.float32),
            pltpu.VMEM((N_PAD,), jnp.float32),
        ],
    )(norm, dst, mglob)
    return ev, spart


@jax.jit
def _sc_pipeline(ent, rel_emb, src, dst, rel):
    mesh = plsc.VectorSubcoreMesh(core_axis_name="c", subcore_axis_name="s")
    ev, spart = _sc_k12_impl(ent, rel_emb, src, dst, rel)
    sglob = _tc_merge(spart, _merge_sum_body)
    npart = pl.kernel(
        _k3_body,
        out_type=jax.ShapeDtypeStruct((NC, N_PAD, H), jnp.float32),
        mesh=mesh,
        compiler_params=_SC_PARAMS,
        scratch_types=[
            pltpu.VMEM((SCE,), jnp.int32),
            pltpu.VMEM((SCE,), jnp.int32),
            pltpu.VMEM((SCE,), jnp.int32),
            pltpu.VMEM((SCE,), jnp.float32),
            pltpu.VMEM((N_PAD,), jnp.float32),
            pltpu.VMEM((C3, H), jnp.float32),
            pltpu.VMEM((C3, H), jnp.float32),
            pltpu.VMEM((C3,), jnp.int32),
            pltpu.VMEM((C3, H), jnp.float32),
            pltpu.VMEM((C3, H), jnp.float32),
            pltpu.VMEM((C3,), jnp.int32),
            pltpu.VMEM((C3, H), jnp.float32),
            pltpu.VMEM((C3, H), jnp.float32),
            pltpu.VMEM_SHARED((N_PAD, H), jnp.float32),
            pltpu.SemaphoreType.DMA,
            pltpu.SemaphoreType.DMA,
            pltpu.SemaphoreType.DMA,
            pltpu.SemaphoreType.DMA,
        ],
    )(ent, rel_emb, src, dst, rel, ev, sglob)
    return npart



_BLK = 512


def _k4_body(p_ref, w_ref, o_ref):
    x = p_ref[0] + p_ref[1]
    o_ref[...] = jnp.tanh(
        jnp.dot(x, w_ref[...], preferred_element_type=jnp.float32))


@jax.jit
def _project(npart, neigh_w):
    return pl.pallas_call(
        _k4_body,
        grid=(N_PAD // _BLK,),
        in_specs=[
            pl.BlockSpec((NC, _BLK, H), lambda i: (0, i, 0)),
            pl.BlockSpec((H, H), lambda i: (0, 0)),
        ],
        out_specs=pl.BlockSpec((_BLK, H), lambda i: (i, 0)),
        out_shape=jax.ShapeDtypeStruct((N_PAD, H), jnp.float32),
    )(npart, neigh_w)


def kernel(ent_emb, rel_emb, neigh_w, edge_index, rel_id):
    src = edge_index[0]
    dst = edge_index[1]
    npart = _sc_pipeline(ent_emb, rel_emb, src, dst, rel_id)
    out = _project(npart, neigh_w)
    return out[:N_NODES]

# --- scband reference (transcript-rebuilt; emitter-appended) ---
"""Pipeline reference for scband-comp-layer-13134009991285 (READ-ONLY COPY).

The authoritative reference and input builder live on the scoring server;
editing this copy changes nothing except your own understanding.
"""

import jax, jax.numpy as jnp
import numpy as np

N_NODES = 10000
N_EDGES = 320000
H_DIM = 128
N_REL2 = 474  # 2 * n_rel


def setup_inputs(seed: int = 0) -> dict:
    key = jax.random.key(seed)
    k1, k2, k3, k4, k5 = jax.random.split(key, 5)
    ent_emb = jax.random.normal(k1, (N_NODES, H_DIM), dtype=jnp.float32)
    rel_emb = jax.random.normal(k2, (N_REL2, H_DIM), dtype=jnp.float32)
    edge_index = jax.random.randint(k3, (2, N_EDGES), 0, N_NODES, dtype=jnp.int32)
    rel_id = jax.random.randint(k4, (N_EDGES,), 0, N_REL2, dtype=jnp.int32)
    # learned parameter: neigh_w (h_dim x h_dim), Xavier-ish scale
    neigh_w = jax.random.normal(k5, (H_DIM, H_DIM), dtype=jnp.float32) * (1.0 / np.sqrt(H_DIM))
    return {"ent_emb": ent_emb, "rel_emb": rel_emb, "neigh_w": neigh_w,
            "edge_index": edge_index, "rel_id": rel_id}


def reference(ent_emb, rel_emb, neigh_w, edge_index, rel_id):
    # CompLayer forward with comp_op='add', bn=None
    src = edge_index[0]
    dst = edge_index[1]
    # u_add_e: composed edge embedding = src node emb + relation emb gathered by rel_id
    comp_emb = ent_emb[src] + rel_emb[rel_id]            # [E, H] (gather)
    # e_dot_v: attention logit = dot(comp_emb, dst node emb)
    norm = jnp.sum(comp_emb * ent_emb[dst], axis=-1)     # [E]
    # edge_softmax over incoming edges of each dst node
    seg_max = jax.ops.segment_max(norm, dst, num_segments=N_NODES)
    seg_max = jnp.where(jnp.isfinite(seg_max), seg_max, 0.0)
    e = jnp.exp(norm - seg_max[dst])
    seg_sum = jax.ops.segment_sum(e, dst, num_segments=N_NODES)
    alpha = e / (seg_sum[dst] + 1e-16)                   # [E]
    # weight messages and scatter-add to dst nodes
    msg = comp_emb * alpha[:, None]                      # [E, H]
    neigh = jax.ops.segment_sum(msg, dst, num_segments=N_NODES)  # [N, H]
    # linear projection + tanh
    out = jnp.tanh(neigh @ neigh_w)                      # [N, H]
    return out

if __name__ == "__main__":
    import jax
    _d = setup_inputs()
    print(jax.jit(kernel)(*tuple(_d.values())))

</pallas_src>

<mosaic_0001>
#map = affine_map<(d0, d1) -> (0)>
#map1 = affine_map<(d0, d1) -> (0, 0)>
module attributes {stable_mosaic.version = 14 : i64} {
  func.func @_k2_body(%arg0: i32, %arg1: i32, %arg2: memref<320000xf32, #tpu.memory_space<hbm>>, %arg3: memref<320000xi32, #tpu.memory_space<hbm>>, %arg4: memref<10240xf32, #tpu.memory_space<hbm>>, %arg5: memref<320000xf32, #tpu.memory_space<hbm>>, %arg6: memref<32x10240xf32, #tpu.memory_space<hbm>>, %arg7: memref<10000xi32, #tpu.memory_space<vmem>>, %arg8: memref<10000xf32, #tpu.memory_space<vmem>>, %arg9: memref<10240xf32, #tpu.memory_space<vmem>>, %arg10: memref<10240xf32, #tpu.memory_space<vmem>>) attributes {dimension_semantics = [#tpu.dimension_semantics<core_parallel>, #tpu.dimension_semantics<subcore_parallel>], iteration_bounds = array<i64: 2, 16>, scalar_prefetch = 0 : i64, scratch_operands = 4 : i64, tpu.core_type = #tpu.core_type<sc_vector_subcore>, window_params = [{transform_indices = #map}, {transform_indices = #map}, {transform_indices = #map}, {transform_indices = #map}, {transform_indices = #map1}]} {
    %mul3A = arith.constant 2 : i32
    %mul3A_0 = arith.muli %arg1, %mul3A : i32
    %add3A = arith.addi %mul3A_0, %arg0 : i32
    %mul3A_1 = arith.constant 10000 : i32
    %mul3A_2 = arith.muli %add3A, %mul3A_1 : i32
    "tpu.region"() ({
      %run_scoped3A = tpu.sem_alloc : memref<!tpu.dma_semaphore, #tpu.memory_space<semaphore_mem>>
      %dma_start3A = tpu.memref_slice %arg3[%mul3A_2] : memref<320000xi32, #tpu.memory_space<hbm>> -> memref<10000xi32, #tpu.memory_space<hbm>>
      %dma_start3A_12 = tpu.memref_slice %arg3[%mul3A_2] : memref<320000xi32, #tpu.memory_space<hbm>> -> memref<10000xi32, #tpu.memory_space<hbm>>
      tpu.enqueue_dma source(%dma_start3A_12 : memref<10000xi32, #tpu.memory_space<hbm>>) target(%arg7 : memref<10000xi32, #tpu.memory_space<vmem>>) target_semaphore(%run_scoped3A : memref<!tpu.dma_semaphore, #tpu.memory_space<semaphore_mem>>)
      %dma_wait3A = tpu.memref_slice %arg3[%mul3A_2] : memref<320000xi32, #tpu.memory_space<hbm>> -> memref<10000xi32, #tpu.memory_space<hbm>>
      %dma_wait3A_13 = tpu.memref_slice %arg3[%mul3A_2] : memref<320000xi32, #tpu.memory_space<hbm>> -> memref<10000xi32, #tpu.memory_space<hbm>>
      tpu.wait_dma2 semaphore(%run_scoped3A : memref<!tpu.dma_semaphore, #tpu.memory_space<semaphore_mem>>) src(%dma_wait3A_13 : memref<10000xi32, #tpu.memory_space<hbm>>) dst(%arg7 : memref<10000xi32, #tpu.memory_space<vmem>>)
      tpu.yield
    }) : () -> ()
    "tpu.region"() ({
      %run_scoped3A = tpu.sem_alloc : memref<!tpu.dma_semaphore, #tpu.memory_space<semaphore_mem>>
      %dma_start3A = tpu.memref_slice %arg2[%mul3A_2] : memref<320000xf32, #tpu.memory_space<hbm>> -> memref<10000xf32, #tpu.memory_space<hbm>>
      %dma_start3A_12 = tpu.memref_slice %arg2[%mul3A_2] : memref<320000xf32, #tpu.memory_space<hbm>> -> memref<10000xf32, #tpu.memory_space<hbm>>
      tpu.enqueue_dma source(%dma_start3A_12 : memref<10000xf32, #tpu.memory_space<hbm>>) target(%arg8 : memref<10000xf32, #tpu.memory_space<vmem>>) target_semaphore(%run_scoped3A : memref<!tpu.dma_semaphore, #tpu.memory_space<semaphore_mem>>)
      %dma_wait3A = tpu.memref_slice %arg2[%mul3A_2] : memref<320000xf32, #tpu.memory_space<hbm>> -> memref<10000xf32, #tpu.memory_space<hbm>>
      %dma_wait3A_13 = tpu.memref_slice %arg2[%mul3A_2] : memref<320000xf32, #tpu.memory_space<hbm>> -> memref<10000xf32, #tpu.memory_space<hbm>>
      tpu.wait_dma2 semaphore(%run_scoped3A : memref<!tpu.dma_semaphore, #tpu.memory_space<semaphore_mem>>) src(%dma_wait3A_13 : memref<10000xf32, #tpu.memory_space<hbm>>) dst(%arg8 : memref<10000xf32, #tpu.memory_space<vmem>>)
      tpu.yield
    }) : () -> ()
    "tpu.region"() ({
      %run_scoped3A = tpu.sem_alloc : memref<!tpu.dma_semaphore, #tpu.memory_space<semaphore_mem>>
      tpu.enqueue_dma source(%arg4 : memref<10240xf32, #tpu.memory_space<hbm>>) target(%arg9 : memref<10240xf32, #tpu.memory_space<vmem>>) target_semaphore(%run_scoped3A : memref<!tpu.dma_semaphore, #tpu.memory_space<semaphore_mem>>)
      tpu.wait_dma2 semaphore(%run_scoped3A : memref<!tpu.dma_semaphore, #tpu.memory_space<semaphore_mem>>) src(%arg4 : memref<10240xf32, #tpu.memory_space<hbm>>) dst(%arg9 : memref<10240xf32, #tpu.memory_space<vmem>>)
      tpu.yield
    }) : () -> ()
    %scan3A = arith.constant 0 : i32
    %scan3A_3 = arith.constant 640 : i32
    %scan3A_4 = arith.addi %scan3A, %scan3A_3 : i32
    %scan3A_5 = arith.constant 8 : i32
    scf.for %scan3A_12 = %scan3A to %scan3A_4 step %scan3A_5  : i32 {
      %broadcast_in_dim3A = arith.constant 0.000000e+00 : f32
      %broadcast_in_dim3A_13 = vector.broadcast %broadcast_in_dim3A : f32 to vector<16xf32>
      %mul3A_14 = arith.constant 16 : i32
      %mul3A_15 = arith.muli %scan3A_12, %mul3A_14 : i32
      %swap3A = arith.index_cast %mul3A_15 : i32 to index
      %swap3A_16 = tpu.vector_load %arg10[%swap3A] {strides = array<i32>} : memref<10240xf32, #tpu.memory_space<vmem>>, vector<16xf32>,
      tpu.vector_store %arg10[%swap3A], %broadcast_in_dim3A_13 {strides = array<i32>} : memref<10240xf32, #tpu.memory_space<vmem>>, vector<16xf32>,
      %scan3A_17 = arith.constant 1 : i32
      %scan3A_18 = arith.addi %scan3A_12, %scan3A_17 : i32
      %broadcast_in_dim3A_19 = arith.constant 0.000000e+00 : f32
      %broadcast_in_dim3A_20 = vector.broadcast %broadcast_in_dim3A_19 : f32 to vector<16xf32>
      %mul3A_21 = arith.constant 16 : i32
      %mul3A_22 = arith.muli %scan3A_18, %mul3A_21 : i32
      %swap3A_23 = arith.index_cast %mul3A_22 : i32 to index
      %swap3A_24 = tpu.vector_load %arg10[%swap3A_23] {strides = array<i32>} : memref<10240xf32, #tpu.memory_space<vmem>>, vector<16xf32>,
      tpu.vector_store %arg10[%swap3A_23], %broadcast_in_dim3A_20 {strides = array<i32>} : memref<10240xf32, #tpu.memory_space<vmem>>, vector<16xf32>,
      %scan3A_25 = arith.constant 2 : i32
      %scan3A_26 = arith.addi %scan3A_12, %scan3A_25 : i32
      %broadcast_in_dim3A_27 = arith.constant 0.000000e+00 : f32
      %broadcast_in_dim3A_28 = vector.broadcast %broadcast_in_dim3A_27 : f32 to vector<16xf32>
      %mul3A_29 = arith.constant 16 : i32
      %mul3A_30 = arith.muli %scan3A_26, %mul3A_29 : i32
      %swap3A_31 = arith.index_cast %mul3A_30 : i32 to index
      %swap3A_32 = tpu.vector_load %arg10[%swap3A_31] {strides = array<i32>} : memref<10240xf32, #tpu.memory_space<vmem>>, vector<16xf32>,
      tpu.vector_store %arg10[%swap3A_31], %broadcast_in_dim3A_28 {strides = array<i32>} : memref<10240xf32, #tpu.memory_space<vmem>>, vector<16xf32>,
      %scan3A_33 = arith.constant 3 : i32
      %scan3A_34 = arith.addi %scan3A_12, %scan3A_33 : i32
      %broadcast_in_dim3A_35 = arith.constant 0.000000e+00 : f32
      %broadcast_in_dim3A_36 = vector.broadcast %broadcast_in_dim3A_35 : f32 to vector<16xf32>
      %mul3A_37 = arith.constant 16 : i32
      %mul3A_38 = arith.muli %scan3A_34, %mul3A_37 : i32
      %swap3A_39 = arith.index_cast %mul3A_38 : i32 to index
      %swap3A_40 = tpu.vector_load %arg10[%swap3A_39] {strides = array<i32>} : memref<10240xf32, #tpu.memory_space<vmem>>, vector<16xf32>,
      tpu.vector_store %arg10[%swap3A_39], %broadcast_in_dim3A_36 {strides = array<i32>} : memref<10240xf32, #tpu.memory_space<vmem>>, vector<16xf32>,
      %scan3A_41 = arith.constant 4 : i32
      %scan3A_42 = arith.addi %scan3A_12, %scan3A_41 : i32
      %broadcast_in_dim3A_43 = arith.constant 0.000000e+00 : f32
      %broadcast_in_dim3A_44 = vector.broadcast %broadcast_in_dim3A_43 : f32 to vector<16xf32>
      %mul3A_45 = arith.constant 16 : i32
      %mul3A_46 = arith.muli %scan3A_42, %mul3A_45 : i32
      %swap3A_47 = arith.index_cast %mul3A_46 : i32 to index
      %swap3A_48 = tpu.vector_load %arg10[%swap3A_47] {strides = array<i32>} : memref<10240xf32, #tpu.memory_space<vmem>>, vector<16xf32>,
      tpu.vector_store %arg10[%swap3A_47], %broadcast_in_dim3A_44 {strides = array<i32>} : memref<10240xf32, #tpu.memory_space<vmem>>, vector<16xf32>,
      %scan3A_49 = arith.constant 5 : i32
      %scan3A_50 = arith.addi %scan3A_12, %scan3A_49 : i32
      %broadcast_in_dim3A_51 = arith.constant 0.000000e+00 : f32
      %broadcast_in_dim3A_52 = vector.broadcast %broadcast_in_dim3A_51 : f32 to vector<16xf32>
      %mul3A_53 = arith.constant 16 : i32
      %mul3A_54 = arith.muli %scan3A_50, %mul3A_53 : i32
      %swap3A_55 = arith.index_cast %mul3A_54 : i32 to index
      %swap3A_56 = tpu.vector_load %arg10[%swap3A_55] {strides = array<i32>} : memref<10240xf32, #tpu.memory_space<vmem>>, vector<16xf32>,
      tpu.vector_store %arg10[%swap3A_55], %broadcast_in_dim3A_52 {strides = array<i32>} : memref<10240xf32, #tpu.memory_space<vmem>>, vector<16xf32>,
      %scan3A_57 = arith.constant 6 : i32
      %scan3A_58 = arith.addi %scan3A_12, %scan3A_57 : i32
      %broadcast_in_dim3A_59 = arith.constant 0.000000e+00 : f32
      %broadcast_in_dim3A_60 = vector.broadcast %broadcast_in_dim3A_59 : f32 to vector<16xf32>
      %mul3A_61 = arith.constant 16 : i32
      %mul3A_62 = arith.muli %scan3A_58, %mul3A_61 : i32
      %swap3A_63 = arith.index_cast %mul3A_62 : i32 to index
      %swap3A_64 = tpu.vector_load %arg10[%swap3A_63] {strides = array<i32>} : memref<10240xf32, #tpu.memory_space<vmem>>, vector<16xf32>,
      tpu.vector_store %arg10[%swap3A_63], %broadcast_in_dim3A_60 {strides = array<i32>} : memref<10240xf32, #tpu.memory_space<vmem>>, vector<16xf32>,
      %scan3A_65 = arith.constant 7 : i32
      %scan3A_66 = arith.addi %scan3A_12, %scan3A_65 : i32
      %broadcast_in_dim3A_67 = arith.constant 0.000000e+00 : f32
      %broadcast_in_dim3A_68 = vector.broadcast %broadcast_in_dim3A_67 : f32 to vector<16xf32>
      %mul3A_69 = arith.constant 16 : i32
      %mul3A_70 = arith.muli %scan3A_66, %mul3A_69 : i32
      %swap3A_71 = arith.index_cast %mul3A_70 : i32 to index
      %swap3A_72 = tpu.vector_load %arg10[%swap3A_71] {strides = array<i32>} : memref<10240xf32, #tpu.memory_space<vmem>>, vector<16xf32>,
      tpu.vector_store %arg10[%swap3A_71], %broadcast_in_dim3A_68 {strides = array<i32>} : memref<10240xf32, #tpu.memory_space<vmem>>, vector<16xf32>,
    }
    %scan3A_6 = arith.constant 640 : i32
    %scan3A_7 = arith.constant 0 : i32
    %scan3A_8 = arith.constant 625 : i32
    %scan3A_9 = arith.addi %scan3A_7, %scan3A_8 : i32
    %scan3A_10 = arith.constant 1 : i32
    scf.for %scan3A_12 = %scan3A_7 to %scan3A_9 step %scan3A_10  : i32 {
      %mul3A_13 = arith.constant 16 : i32
      %mul3A_14 = arith.muli %scan3A_12, %mul3A_13 : i32
      %get3A = arith.index_cast %mul3A_14 : i32 to index
      %get3A_15 = tpu.vector_load %arg7[%get3A] {strides = array<i32>} : memref<10000xi32, #tpu.memory_space<vmem>>, vector<16xi32>,
      %gather3A = tpu.vector_load_idx %arg9[%get3A_15] : memref<10240xf32, #tpu.memory_space<vmem>>[vector<16xi32>], vector<16xf32>,
      %get3A_16 = arith.index_cast %mul3A_14 : i32 to index
      %get3A_17 = tpu.vector_load %arg8[%get3A_16] {strides = array<i32>} : memref<10000xf32, #tpu.memory_space<vmem>>, vector<16xf32>,
      %sub3A = arith.subf %get3A_17, %gather3A : vector<16xf32>
      %exp3A = math.exp %sub3A : vector<16xf32>
      %swap3A = arith.index_cast %mul3A_14 : i32 to index
      %swap3A_18 = tpu.vector_load %arg8[%swap3A] {strides = array<i32>} : memref<10000xf32, #tpu.memory_space<vmem>>, vector<16xf32>,
      tpu.vector_store %arg8[%swap3A], %exp3A {strides = array<i32>} : memref<10000xf32, #tpu.memory_space<vmem>>, vector<16xf32>,
      %masked_sort3A = arith.constant dense<true> : vector<16xi1>
      %masked_sort3A_19 = arith.constant -2147483648 : i32
      %masked_sort3A_20 = vector.broadcast %masked_sort3A_19 : i32 to vector<16xi32>
      %masked_sort3A_21 = arith.xori %get3A_15, %masked_sort3A_20 : vector<16xi32>
      %masked_sort3A_22, %masked_sort3A_23, %masked_sort3A_24 = tpu.sort %masked_sort3A_21, %exp3A masked %masked_sort3A : (vector<16xi32>, vector<16xf32>, vector<16xi1>) -> (vector<16xi1>, vector<16xi32>, vector<16xf32>)
      %masked_sort3A_25 = arith.xori %masked_sort3A_23, %masked_sort3A_20 : vector<16xi32>
      %iota3A = tpu.iota {dimensions = array<i32: 0>} : vector<16xi32>
      %sub3A_26 = arith.constant 1 : i32
      %sub3A_27 = vector.broadcast %sub3A_26 : i32 to vector<16xi32>
      %sub3A_28 = arith.subi %iota3A, %sub3A_27 : vector<16xi32>
      %max3A = arith.constant 0 : i32
      %max3A_29 = vector.broadcast %max3A : i32 to vector<16xi32>
      %max3A_30 = arith.maxsi %sub3A_28, %max3A_29 : vector<16xi32>
      %broadcast_in_dim3A = vector.shape_cast %max3A_30 : vector<16xi32> to vector<16x1xi32>
      %gather3A_31 = vector.shape_cast %broadcast_in_dim3A : vector<16x1xi32> to vector<16xi32>
      %gather3A_32 = tpu.dynamic_gather %masked_sort3A_25[%gather3A_31] in [0] : vector<16xi32>, vector<16xi32> -> vector<16xi32>
      %eq3A = arith.constant 0 : i32
      %eq3A_33 = vector.broadcast %eq3A : i32 to vector<16xi32>
      %eq3A_34 = arith.cmpi eq, %iota3A, %eq3A_33 : vector<16xi32>
      %ne3A = arith.cmpi ne, %masked_sort3A_25, %gather3A_32 : vector<16xi32>
      %or3A = arith.ori %eq3A_34, %ne3A : vector<16xi1>
      %convert_element_type3A = arith.extui %or3A : vector<16xi1> to vector<16xi32>
      %broadcast_in_dim3A_35 = arith.constant true
      %broadcast_in_dim3A_36 = vector.broadcast %broadcast_in_dim3A_35 : i1 to vector<16xi1>
      %masked_cumsum3A = tpu.scan <sum>, %convert_element_type3A masked %broadcast_in_dim3A_36 : vector<16xi32>, vector<16xi1> -> vector<16xi32>
      %sub3A_37 = arith.constant 1 : i32
      %sub3A_38 = vector.broadcast %sub3A_37 : i32 to vector<16xi32>
      %sub3A_39 = arith.subi %iota3A, %sub3A_38 : vector<16xi32>
      %max3A_40 = arith.constant 0 : i32
      %max3A_41 = vector.broadcast %max3A_40 : i32 to vector<16xi32>
      %max3A_42 = arith.maxsi %sub3A_39, %max3A_41 : vector<16xi32>
      %ge3A = arith.constant 1 : i32
      %ge3A_43 = vector.broadcast %ge3A : i32 to vector<16xi32>
      %ge3A_44 = arith.cmpi sge, %iota3A, %ge3A_43 : vector<16xi32>
      %broadcast_in_dim3A_45 = vector.shape_cast %max3A_42 : vector<16xi32> to vector<16x1xi32>
      %gather3A_46 = vector.shape_cast %broadcast_in_dim3A_45 : vector<16x1xi32> to vector<16xi32>
      %gather3A_47 = tpu.dynamic_gather %masked_cumsum3A[%gather3A_46] in [0] : vector<16xi32>, vector<16xi32> -> vector<16xi32>
      %eq3A_48 = arith.cmpi eq, %masked_cumsum3A, %gather3A_47 : vector<16xi32>
      %and3A = arith.andi %ge3A_44, %eq3A_48 : vector<16xi1>
      %broadcast_in_dim3A_49 = vector.shape_cast %max3A_42 : vector<16xi32> to vector<16x1xi32>
      %gather3A_50 = vector.shape_cast %broadcast_in_dim3A_49 : vector<16x1xi32> to vector<16xi32>
      %gather3A_51 = tpu.dynamic_gather %masked_sort3A_24[%gather3A_50] in [0] : vector<16xf32>, vector<16xi32> -> vector<16xf32>
      %add3A_52 = arith.addf %masked_sort3A_24, %gather3A_51 : vector<16xf32>
      %select_n3A = arith.select %and3A, %add3A_52, %masked_sort3A_24 : vector<16xi1>, vector<16xf32>
      %sub3A_53 = arith.constant 2 : i32
      %sub3A_54 = vector.broadcast %sub3A_53 : i32 to vector<16xi32>
      %sub3A_55 = arith.subi %iota3A, %sub3A_54 : vector<16xi32>
      %max3A_56 = arith.constant 0 : i32
      %max3A_57 = vector.broadcast %max3A_56 : i32 to vector<16xi32>
      %max3A_58 = arith.maxsi %sub3A_55, %max3A_57 : vector<16xi32>
      %ge3A_59 = arith.constant 2 : i32
      %ge3A_60 = vector.broadcast %ge3A_59 : i32 to vector<16xi32>
      %ge3A_61 = arith.cmpi sge, %iota3A, %ge3A_60 : vector<16xi32>
      %broadcast_in_dim3A_62 = vector.shape_cast %max3A_58 : vector<16xi32> to vector<16x1xi32>
      %gather3A_63 = vector.shape_cast %broadcast_in_dim3A_62 : vector<16x1xi32> to vector<16xi32>
      %gather3A_64 = tpu.dynamic_gather %masked_cumsum3A[%gather3A_63] in [0] : vector<16xi32>, vector<16xi32> -> vector<16xi32>
      %eq3A_65 = arith.cmpi eq, %masked_cumsum3A, %gather3A_64 : vector<16xi32>
      %and3A_66 = arith.andi %ge3A_61, %eq3A_65 : vector<16xi1>
      %broadcast_in_dim3A_67 = vector.shape_cast %max3A_58 : vector<16xi32> to vector<16x1xi32>
      %gather3A_68 = vector.shape_cast %broadcast_in_dim3A_67 : vector<16x1xi32> to vector<16xi32>
      %gather3A_69 = tpu.dynamic_gather %select_n3A[%gather3A_68] in [0] : vector<16xf32>, vector<16xi32> -> vector<16xf32>
      %add3A_70 = arith.addf %select_n3A, %gather3A_69 : vector<16xf32>
      %select_n3A_71 = arith.select %and3A_66, %add3A_70, %select_n3A : vector<16xi1>, vector<16xf32>
      %sub3A_72 = arith.constant 4 : i32
      %sub3A_73 = vector.broadcast %sub3A_72 : i32 to vector<16xi32>
      %sub3A_74 = arith.subi %iota3A, %sub3A_73 : vector<16xi32>
      %max3A_75 = arith.constant 0 : i32
      %max3A_76 = vector.broadcast %max3A_75 : i32 to vector<16xi32>
      %max3A_77 = arith.maxsi %sub3A_74, %max3A_76 : vector<16xi32>
      %ge3A_78 = arith.constant 4 : i32
      %ge3A_79 = vector.broadcast %ge3A_78 : i32 to vector<16xi32>
      %ge3A_80 = arith.cmpi sge, %iota3A, %ge3A_79 : vector<16xi32>
      %broadcast_in_dim3A_81 = vector.shape_cast %max3A_77 : vector<16xi32> to vector<16x1xi32>
      %gather3A_82 = vector.shape_cast %broadcast_in_dim3A_81 : vector<16x1xi32> to vector<16xi32>
      %gather3A_83 = tpu.dynamic_gather %masked_cumsum3A[%gather3A_82] in [0] : vector<16xi32>, vector<16xi32> -> vector<16xi32>
      %eq3A_84 = arith.cmpi eq, %masked_cumsum3A, %gather3A_83 : vector<16xi32>
      %and3A_85 = arith.andi %ge3A_80, %eq3A_84 : vector<16xi1>
      %broadcast_in_dim3A_86 = vector.shape_cast %max3A_77 : vector<16xi32> to vector<16x1xi32>
      %gather3A_87 = vector.shape_cast %broadcast_in_dim3A_86 : vector<16x1xi32> to vector<16xi32>
      %gather3A_88 = tpu.dynamic_gather %select_n3A_71[%gather3A_87] in [0] : vector<16xf32>, vector<16xi32> -> vector<16xf32>
      %add3A_89 = arith.addf %select_n3A_71, %gather3A_88 : vector<16xf32>
      %select_n3A_90 = arith.select %and3A_85, %add3A_89, %select_n3A_71 : vector<16xi1>, vector<16xf32>
      %sub3A_91 = arith.constant 8 : i32
      %sub3A_92 = vector.broadcast %sub3A_91 : i32 to vector<16xi32>
      %sub3A_93 = arith.subi %iota3A, %sub3A_92 : vector<16xi32>
      %max3A_94 = arith.constant 0 : i32
      %max3A_95 = vector.broadcast %max3A_94 : i32 to vector<16xi32>
      %max3A_96 = arith.maxsi %sub3A_93, %max3A_95 : vector<16xi32>
      %ge3A_97 = arith.constant 8 : i32
      %ge3A_98 = vector.broadcast %ge3A_97 : i32 to vector<16xi32>
      %ge3A_99 = arith.cmpi sge, %iota3A, %ge3A_98 : vector<16xi32>
      %broadcast_in_dim3A_100 = vector.shape_cast %max3A_96 : vector<16xi32> to vector<16x1xi32>
      %gather3A_101 = vector.shape_cast %broadcast_in_dim3A_100 : vector<16x1xi32> to vector<16xi32>
      %gather3A_102 = tpu.dynamic_gather %masked_cumsum3A[%gather3A_101] in [0] : vector<16xi32>, vector<16xi32> -> vector<16xi32>
      %eq3A_103 = arith.cmpi eq, %masked_cumsum3A, %gather3A_102 : vector<16xi32>
      %and3A_104 = arith.andi %ge3A_99, %eq3A_103 : vector<16xi1>
      %broadcast_in_dim3A_105 = vector.shape_cast %max3A_96 : vector<16xi32> to vector<16x1xi32>
      %gather3A_106 = vector.shape_cast %broadcast_in_dim3A_105 : vector<16x1xi32> to vector<16xi32>
      %gather3A_107 = tpu.dynamic_gather %select_n3A_90[%gather3A_106] in [0] : vector<16xf32>, vector<16xi32> -> vector<16xf32>
      %add3A_108 = arith.addf %select_n3A_90, %gather3A_107 : vector<16xf32>
      %select_n3A_109 = arith.select %and3A_104, %add3A_108, %select_n3A_90 : vector<16xi1>, vector<16xf32>
      %add3A_110 = arith.constant 1 : i32
      %add3A_111 = vector.broadcast %add3A_110 : i32 to vector<16xi32>
      %add3A_112 = arith.addi %iota3A, %add3A_111 : vector<16xi32>
      %min3A = arith.constant 15 : i32
      %min3A_113 = vector.broadcast %min3A : i32 to vector<16xi32>
      %min3A_114 = arith.minsi %add3A_112, %min3A_113 : vector<16xi32>
      %broadcast_in_dim3A_115 = vector.shape_cast %min3A_114 : vector<16xi32> to vector<16x1xi32>
      %gather3A_116 = vector.shape_cast %broadcast_in_dim3A_115 : vector<16x1xi32> to vector<16xi32>
      %gather3A_117 = tpu.dynamic_gather %masked_sort3A_25[%gather3A_116] in [0] : vector<16xi32>, vector<16xi32> -> vector<16xi32>
      %eq3A_118 = arith.constant 15 : i32
      %eq3A_119 = vector.broadcast %eq3A_118 : i32 to vector<16xi32>
      %eq3A_120 = arith.cmpi eq, %iota3A, %eq3A_119 : vector<16xi32>
      %ne3A_121 = arith.cmpi ne, %masked_sort3A_25, %gather3A_117 : vector<16xi32>
      %or3A_122 = arith.ori %eq3A_120, %ne3A_121 : vector<16xi1>
      %gather3A_123 = tpu.vector_load_idx %arg10[%masked_sort3A_25] : memref<10240xf32, #tpu.memory_space<vmem>>[vector<16xi32>], vector<16xf32>,
      %add3A_124 = arith.addf %gather3A_123, %select_n3A_109 : vector<16xf32>
      tpu.vector_store_idx %arg10[%masked_sort3A_25], %add3A_124 masked %or3A_122 : memref<10240xf32, #tpu.memory_space<vmem>>[vector<16xi32>], vector<16xf32>, vector<16xi1>
    }
    %scan3A_11 = arith.constant 625 : i32
    "tpu.region"() ({
      %run_scoped3A = tpu.sem_alloc : memref<!tpu.dma_semaphore, #tpu.memory_space<semaphore_mem>>
      %dma_start3A = tpu.memref_slice %arg5[%mul3A_2] : memref<320000xf32, #tpu.memory_space<hbm>> -> memref<10000xf32, #tpu.memory_space<hbm>>
      %dma_start3A_12 = tpu.memref_slice %arg5[%mul3A_2] : memref<320000xf32, #tpu.memory_space<hbm>> -> memref<10000xf32, #tpu.memory_space<hbm>>
      tpu.enqueue_dma source(%arg8 : memref<10000xf32, #tpu.memory_space<vmem>>) target(%dma_start3A_12 : memref<10000xf32, #tpu.memory_space<hbm>>) target_semaphore(%run_scoped3A : memref<!tpu.dma_semaphore, #tpu.memory_space<semaphore_mem>>)
      %dma_wait3A = tpu.memref_slice %arg5[%mul3A_2] : memref<320000xf32, #tpu.memory_space<hbm>> -> memref<10000xf32, #tpu.memory_space<hbm>>
      %dma_wait3A_13 = tpu.memref_slice %arg5[%mul3A_2] : memref<320000xf32, #tpu.memory_space<hbm>> -> memref<10000xf32, #tpu.memory_space<hbm>>
      tpu.wait_dma2 semaphore(%run_scoped3A : memref<!tpu.dma_semaphore, #tpu.memory_space<semaphore_mem>>) src(%arg8 : memref<10000xf32, #tpu.memory_space<vmem>>) dst(%dma_wait3A_13 : memref<10000xf32, #tpu.memory_space<hbm>>)
      tpu.yield
    }) : () -> ()
    "tpu.region"() ({
      %run_scoped3A = tpu.sem_alloc : memref<!tpu.dma_semaphore, #tpu.memory_space<semaphore_mem>>
      %dma_start3A = arith.constant 0 : i32
      %dma_start3A_12 = tpu.memref_slice %arg6[%add3A, %dma_start3A] : memref<32x10240xf32, #tpu.memory_space<hbm>> -> memref<1x10240xf32, #tpu.memory_space<hbm>>
      %dma_start3A_13 = tpu.memref_squeeze %dma_start3A_12 : memref<1x10240xf32, #tpu.memory_space<hbm>> -> memref<10240xf32, #tpu.memory_space<hbm>>
      %dma_start3A_14 = arith.constant 0 : i32
      %dma_start3A_15 = tpu.memref_slice %arg6[%add3A, %dma_start3A_14] : memref<32x10240xf32, #tpu.memory_space<hbm>> -> memref<1x10240xf32, #tpu.memory_space<hbm>>
      %dma_start3A_16 = tpu.memref_squeeze %dma_start3A_15 : memref<1x10240xf32, #tpu.memory_space<hbm>> -> memref<10240xf32, #tpu.memory_space<hbm>>
      tpu.enqueue_dma source(%arg10 : memref<10240xf32, #tpu.memory_space<vmem>>) target(%dma_start3A_16 : memref<10240xf32, #tpu.memory_space<hbm>>) target_semaphore(%run_scoped3A : memref<!tpu.dma_semaphore, #tpu.memory_space<semaphore_mem>>)
      %dma_wait3A = arith.constant 0 : i32
      %dma_wait3A_17 = tpu.memref_slice %arg6[%add3A, %dma_wait3A] : memref<32x10240xf32, #tpu.memory_space<hbm>> -> memref<1x10240xf32, #tpu.memory_space<hbm>>
      %dma_wait3A_18 = tpu.memref_squeeze %dma_wait3A_17 : memref<1x10240xf32, #tpu.memory_space<hbm>> -> memref<10240xf32, #tpu.memory_space<hbm>>
      %dma_wait3A_19 = arith.constant 0 : i32
      %dma_wait3A_20 = tpu.memref_slice %arg6[%add3A, %dma_wait3A_19] : memref<32x10240xf32, #tpu.memory_space<hbm>> -> memref<1x10240xf32, #tpu.memory_space<hbm>>
      %dma_wait3A_21 = tpu.memref_squeeze %dma_wait3A_20 : memref<1x10240xf32, #tpu.memory_space<hbm>> -> memref<10240xf32, #tpu.memory_space<hbm>>
      tpu.wait_dma2 semaphore(%run_scoped3A : memref<!tpu.dma_semaphore, #tpu.memory_space<semaphore_mem>>) src(%arg10 : memref<10240xf32, #tpu.memory_space<vmem>>) dst(%dma_wait3A_21 : memref<10240xf32, #tpu.memory_space<hbm>>)
      tpu.yield
    }) : () -> ()
    return
  }
}

#map = affine_map<(d0, d1) -> (0, 0)>
#map1 = affine_map<(d0, d1) -> (0)>
#map2 = affine_map<(d0, d1) -> (0, 0, 0)>
module attributes {stable_mosaic.version = 14 : i64} {
  func.func @_k3_body(%arg0: i32, %arg1: i32, %arg2: memref<10000x128xf32, #tpu.memory_space<hbm>>, %arg3: memref<474x128xf32, #tpu.memory_space<hbm>>, %arg4: memref<320000xi32, #tpu.memory_space<hbm>>, %arg5: memref<320000xi32, #tpu.memory_space<hbm>>, %arg6: memref<320000xi32, #tpu.memory_space<hbm>>, %arg7: memref<320000xf32, #tpu.memory_space<hbm>>, %arg8: memref<10240xf32, #tpu.memory_space<hbm>>, %arg9: memref<2x10240x128xf32, #tpu.memory_space<hbm>>, %arg10: memref<400xi32, #tpu.memory_space<vmem>>, %arg11: memref<400xi32, #tpu.memory_space<vmem>>, %arg12: memref<400xi32, #tpu.memory_space<vmem>>, %arg13: memref<400xf32, #tpu.memory_space<vmem>>, %arg14: memref<10240xf32, #tpu.memory_space<vmem>>, %arg15: memref<40x128xf32, #tpu.memory_space<vmem>>, %arg16: memref<40x128xf32, #tpu.memory_space<vmem>>, %arg17: memref<40xi32, #tpu.memory_space<vmem>>, %arg18: memref<40x128xf32, #tpu.memory_space<vmem>>, %arg19: memref<40x128xf32, #tpu.memory_space<vmem>>, %arg20: memref<40xi32, #tpu.memory_space<vmem>>, %arg21: memref<40x128xf32, #tpu.memory_space<vmem>>, %arg22: memref<40x128xf32, #tpu.memory_space<vmem>>, %arg23: memref<10240x128xf32, #tpu.memory_space<vmem_shared>>, %arg24: memref<!tpu.dma_semaphore, #tpu.memory_space<semaphore_mem>>, %arg25: memref<!tpu.dma_semaphore, #tpu.memory_space<semaphore_mem>>, %arg26: memref<!tpu.dma_semaphore, #tpu.memory_space<semaphore_mem>>, %arg27: memref<!tpu.dma_semaphore, #tpu.memory_space<semaphore_mem>>) attributes {dimension_semantics = [#tpu.dimension_semantics<core_parallel>, #tpu.dimension_semantics<subcore_parallel>], iteration_bounds = array<i64: 2, 16>, scalar_prefetch = 0 : i64, scratch_operands = 18 : i64, tpu.core_type = #tpu.core_type<sc_vector_subcore>, window_params = [{transform_indices = #map}, {transform_indices = #map}, {transform_indices = #map1}, {transform_indices = #map1}, {transform_indices = #map1}, {transform_indices = #map1}, {transform_indices = #map1}, {transform_indices = #map2}]} {
    %mul3A = arith.constant 2 : i32
    %mul3A_0 = arith.muli %arg1, %mul3A : i32
    %add3A = arith.addi %mul3A_0, %arg0 : i32
    %mul3A_1 = arith.constant 10000 : i32
    %mul3A_2 = arith.muli %add3A, %mul3A_1 : i32
    "tpu.region"() ({
      %run_scoped3A = tpu.sem_alloc : memref<!tpu.dma_semaphore, #tpu.memory_space<semaphore_mem>>
      tpu.enqueue_dma source(%arg8 : memref<10240xf32, #tpu.memory_space<hbm>>) target(%arg14 : memref<10240xf32, #tpu.memory_space<vmem>>) target_semaphore(%run_scoped3A : memref<!tpu.dma_semaphore, #tpu.memory_space<semaphore_mem>>)
      tpu.wait_dma2 semaphore(%run_scoped3A : memref<!tpu.dma_semaphore, #tpu.memory_space<semaphore_mem>>) src(%arg8 : memref<10240xf32, #tpu.memory_space<hbm>>) dst(%arg14 : memref<10240xf32, #tpu.memory_space<vmem>>)
      tpu.yield
    }) : () -> ()
    %scan3A = arith.constant 0 : i32
    %scan3A_3 = arith.constant 40 : i32
    %scan3A_4 = arith.addi %scan3A, %scan3A_3 : i32
    %scan3A_5 = arith.constant 1 : i32
    scf.for %scan3A_79 = %scan3A to %scan3A_4 step %scan3A_5  : i32 {
      %broadcast_in_dim3A = arith.constant 0.000000e+00 : f32
      %broadcast_in_dim3A_80 = vector.broadcast %broadcast_in_dim3A : f32 to vector<16xf32>
      %swap3A = arith.index_cast %scan3A_79 : i32 to index
      %swap3A_81 = arith.constant 0 : index
      %swap3A_82 = tpu.vector_load %arg21[%swap3A, %swap3A_81] {strides = array<i32>} : memref<40x128xf32, #tpu.memory_space<vmem>>, vector<16xf32>,
      tpu.vector_store %arg21[%swap3A, %swap3A_81], %broadcast_in_dim3A_80 {strides = array<i32>} : memref<40x128xf32, #tpu.memory_space<vmem>>, vector<16xf32>,
      %broadcast_in_dim3A_83 = arith.constant 0.000000e+00 : f32
      %broadcast_in_dim3A_84 = vector.broadcast %broadcast_in_dim3A_83 : f32 to vector<16xf32>
      %swap3A_85 = arith.index_cast %scan3A_79 : i32 to index
      %swap3A_86 = arith.constant 16 : index
      %swap3A_87 = tpu.vector_load %arg21[%swap3A_85, %swap3A_86] {strides = array<i32>} : memref<40x128xf32, #tpu.memory_space<vmem>>, vector<16xf32>,
      tpu.vector_store %arg21[%swap3A_85, %swap3A_86], %broadcast_in_dim3A_84 {strides = array<i32>} : memref<40x128xf32, #tpu.memory_space<vmem>>, vector<16xf32>,
      %broadcast_in_dim3A_88 = arith.constant 0.000000e+00 : f32
      %broadcast_in_dim3A_89 = vector.broadcast %broadcast_in_dim3A_88 : f32 to vector<16xf32>
      %swap3A_90 = arith.index_cast %scan3A_79 : i32 to index
      %swap3A_91 = arith.constant 32 : index
      %swap3A_92 = tpu.vector_load %arg21[%swap3A_90, %swap3A_91] {strides = array<i32>} : memref<40x128xf32, #tpu.memory_space<vmem>>, vector<16xf32>,
      tpu.vector_store %arg21[%swap3A_90, %swap3A_91], %broadcast_in_dim3A_89 {strides = array<i32>} : memref<40x128xf32, #tpu.memory_space<vmem>>, vector<16xf32>,
      %broadcast_in_dim3A_93 = arith.constant 0.000000e+00 : f32
      %broadcast_in_dim3A_94 = vector.broadcast %broadcast_in_dim3A_93 : f32 to vector<16xf32>
      %swap3A_95 = arith.index_cast %scan3A_79 : i32 to index
      %swap3A_96 = arith.constant 48 : index
      %swap3A_97 = tpu.vector_load %arg21[%swap3A_95, %swap3A_96] {strides = array<i32>} : memref<40x128xf32, #tpu.memory_space<vmem>>, vector<16xf32>,
      tpu.vector_store %arg21[%swap3A_95, %swap3A_96], %broadcast_in_dim3A_94 {strides = array<i32>} : memref<40x128xf32, #tpu.memory_space<vmem>>, vector<16xf32>,
      %broadcast_in_dim3A_98 = arith.constant 0.000000e+00 : f32
      %broadcast_in_dim3A_99 = vector.broadcast %broadcast_in_dim3A_98 : f32 to vector<16xf32>
      %swap3A_100 = arith.index_cast %scan3A_79 : i32 to index
      %swap3A_101 = arith.constant 64 : index
      %swap3A_102 = tpu.vector_load %arg21[%swap3A_100, %swap3A_101] {strides = array<i32>} : memref<40x128xf32, #tpu.memory_space<vmem>>, vector<16xf32>,
      tpu.vector_store %arg21[%swap3A_100, %swap3A_101], %broadcast_in_dim3A_99 {strides = array<i32>} : memref<40x128xf32, #tpu.memory_space<vmem>>, vector<16xf32>,
      %broadcast_in_dim3A_103 = arith.constant 0.000000e+00 : f32
      %broadcast_in_dim3A_104 = vector.broadcast %broadcast_in_dim3A_103 : f32 to vector<16xf32>
      %swap3A_105 = arith.index_cast %scan3A_79 : i32 to index
      %swap3A_106 = arith.constant 80 : index
      %swap3A_107 = tpu.vector_load %arg21[%swap3A_105, %swap3A_106] {strides = array<i32>} : memref<40x128xf32, #tpu.memory_space<vmem>>, vector<16xf32>,
      tpu.vector_store %arg21[%swap3A_105, %swap3A_106], %broadcast_in_dim3A_104 {strides = array<i32>} : memref<40x128xf32, #tpu.memory_space<vmem>>, vector<16xf32>,
      %broadcast_in_dim3A_108 = arith.constant 0.000000e+00 : f32
      %broadcast_in_dim3A_109 = vector.broadcast %broadcast_in_dim3A_108 : f32 to vector<16xf32>
      %swap3A_110 = arith.index_cast %scan3A_79 : i32 to index
      %swap3A_111 = arith.constant 96 : index
      %swap3A_112 = tpu.vector_load %arg21[%swap3A_110, %swap3A_111] {strides = array<i32>} : memref<40x128xf32, #tpu.memory_space<vmem>>, vector<16xf32>,
      tpu.vector_store %arg21[%swap3A_110, %swap3A_111], %broadcast_in_dim3A_109 {strides = array<i32>} : memref<40x128xf32, #tpu.memory_space<vmem>>, vector<16xf32>,
      %broadcast_in_dim3A_113 = arith.constant 0.000000e+00 : f32
      %broadcast_in_dim3A_114 = vector.broadcast %broadcast_in_dim3A_113 : f32 to vector<16xf32>
      %swap3A_115 = arith.index_cast %scan3A_79 : i32 to index
      %swap3A_116 = arith.constant 112 : index
      %swap3A_117 = tpu.vector_load %arg21[%swap3A_115, %swap3A_116] {strides = array<i32>} : memref<40x128xf32, #tpu.memory_space<vmem>>, vector<16xf32>,
      tpu.vector_store %arg21[%swap3A_115, %swap3A_116], %broadcast_in_dim3A_114 {strides = array<i32>} : memref<40x128xf32, #tpu.memory_space<vmem>>, vector<16xf32>,
    }
    %scan3A_6 = arith.constant 40 : i32
    %mul3A_7 = arith.constant 640 : i32
    %mul3A_8 = arith.muli %arg1, %mul3A_7 : i32
    %add3A_9 = arith.constant 0 : i32
    %add3A_10 = arith.addi %mul3A_8, %add3A_9 : i32
    "tpu.region"() ({
      %run_scoped3A = tpu.sem_alloc : memref<!tpu.dma_semaphore, #tpu.memory_space<semaphore_mem>>
      %dma_start3A = arith.constant 0 : i32
      %dma_start3A_79 = tpu.memref_slice %arg23[%add3A_10, %dma_start3A] : memref<10240x128xf32, #tpu.memory_space<vmem_shared>> -> memref<40x128xf32, #tpu.memory_space<vmem_shared>>
      %dma_start3A_80 = arith.constant 0 : i32
      %dma_start3A_81 = tpu.memref_slice %arg23[%add3A_10, %dma_start3A_80] : memref<10240x128xf32, #tpu.memory_space<vmem_shared>> -> memref<40x128xf32, #tpu.memory_space<vmem_shared>>
      tpu.enqueue_dma source(%arg21 : memref<40x128xf32, #tpu.memory_space<vmem>>) target(%dma_start3A_81 : memref<40x128xf32, #tpu.memory_space<vmem_shared>>) target_semaphore(%run_scoped3A : memref<!tpu.dma_semaphore, #tpu.memory_space<semaphore_mem>>)
      %dma_wait3A = arith.constant 0 : i32
      %dma_wait3A_82 = tpu.memref_slice %arg23[%add3A_10, %dma_wait3A] : memref<10240x128xf32, #tpu.memory_space<vmem_shared>> -> memref<40x128xf32, #tpu.memory_space<vmem_shared>>
      %dma_wait3A_83 = arith.constant 0 : i32
      %dma_wait3A_84 = tpu.memref_slice %arg23[%add3A_10, %dma_wait3A_83] : memref<10240x128xf32, #tpu.memory_space<vmem_shared>> -> memref<40x128xf32, #tpu.memory_space<vmem_shared>>
      tpu.wait_dma2 semaphore(%run_scoped3A : memref<!tpu.dma_semaphore, #tpu.memory_space<semaphore_mem>>) src(%arg21 : memref<40x128xf32, #tpu.memory_space<vmem>>) dst(%dma_wait3A_84 : memref<40x128xf32, #tpu.memory_space<vmem_shared>>)
      tpu.yield
    }) : () -> ()
    %mul3A_11 = arith.constant 640 : i32
    %mul3A_12 = arith.muli %arg1, %mul3A_11 : i32
    %add3A_13 = arith.constant 40 : i32
    %add3A_14 = arith.addi %mul3A_12, %add3A_13 : i32
    "tpu.region"() ({
      %run_scoped3A = tpu.sem_alloc : memref<!tpu.dma_semaphore, #tpu.memory_space<semaphore_mem>>
      %dma_start3A = arith.constant 0 : i32
      %dma_start3A_79 = tpu.memref_slice %arg23[%add3A_14, %dma_start3A] : memref<10240x128xf32, #tpu.memory_space<vmem_shared>> -> memref<40x128xf32, #tpu.memory_space<vmem_shared>>
      %dma_start3A_80 = arith.constant 0 : i32
      %dma_start3A_81 = tpu.memref_slice %arg23[%add3A_14, %dma_start3A_80] : memref<10240x128xf32, #tpu.memory_space<vmem_shared>> -> memref<40x128xf32, #tpu.memory_space<vmem_shared>>
      tpu.enqueue_dma source(%arg21 : memref<40x128xf32, #tpu.memory_space<vmem>>) target(%dma_start3A_81 : memref<40x128xf32, #tpu.memory_space<vmem_shared>>) target_semaphore(%run_scoped3A : memref<!tpu.dma_semaphore, #tpu.memory_space<semaphore_mem>>)
      %dma_wait3A = arith.constant 0 : i32
      %dma_wait3A_82 = tpu.memref_slice %arg23[%add3A_14, %dma_wait3A] : memref<10240x128xf32, #tpu.memory_space<vmem_shared>> -> memref<40x128xf32, #tpu.memory_space<vmem_shared>>
      %dma_wait3A_83 = arith.constant 0 : i32
      %dma_wait3A_84 = tpu.memref_slice %arg23[%add3A_14, %dma_wait3A_83] : memref<10240x128xf32, #tpu.memory_space<vmem_shared>> -> memref<40x128xf32, #tpu.memory_space<vmem_shared>>
      tpu.wait_dma2 semaphore(%run_scoped3A : memref<!tpu.dma_semaphore, #tpu.memory_space<semaphore_mem>>) src(%arg21 : memref<40x128xf32, #tpu.memory_space<vmem>>) dst(%dma_wait3A_84 : memref<40x128xf32, #tpu.memory_space<vmem_shared>>)
      tpu.yield
    }) : () -> ()
    %mul3A_15 = arith.constant 640 : i32
    %mul3A_16 = arith.muli %arg1, %mul3A_15 : i32
    %add3A_17 = arith.constant 80 : i32
    %add3A_18 = arith.addi %mul3A_16, %add3A_17 : i32
    "tpu.region"() ({
      %run_scoped3A = tpu.sem_alloc : memref<!tpu.dma_semaphore, #tpu.memory_space<semaphore_mem>>
      %dma_start3A = arith.constant 0 : i32
      %dma_start3A_79 = tpu.memref_slice %arg23[%add3A_18, %dma_start3A] : memref<10240x128xf32, #tpu.memory_space<vmem_shared>> -> memref<40x128xf32, #tpu.memory_space<vmem_shared>>
      %dma_start3A_80 = arith.constant 0 : i32
      %dma_start3A_81 = tpu.memref_slice %arg23[%add3A_18, %dma_start3A_80] : memref<10240x128xf32, #tpu.memory_space<vmem_shared>> -> memref<40x128xf32, #tpu.memory_space<vmem_shared>>
      tpu.enqueue_dma source(%arg21 : memref<40x128xf32, #tpu.memory_space<vmem>>) target(%dma_start3A_81 : memref<40x128xf32, #tpu.memory_space<vmem_shared>>) target_semaphore(%run_scoped3A : memref<!tpu.dma_semaphore, #tpu.memory_space<semaphore_mem>>)
      %dma_wait3A = arith.constant 0 : i32
      %dma_wait3A_82 = tpu.memref_slice %arg23[%add3A_18, %dma_wait3A] : memref<10240x128xf32, #tpu.memory_space<vmem_shared>> -> memref<40x128xf32, #tpu.memory_space<vmem_shared>>
      %dma_wait3A_83 = arith.constant 0 : i32
      %dma_wait3A_84 = tpu.memref_slice %arg23[%add3A_18, %dma_wait3A_83] : memref<10240x128xf32, #tpu.memory_space<vmem_shared>> -> memref<40x128xf32, #tpu.memory_space<vmem_shared>>
      tpu.wait_dma2 semaphore(%run_scoped3A : memref<!tpu.dma_semaphore, #tpu.memory_space<semaphore_mem>>) src(%arg21 : memref<40x128xf32, #tpu.memory_space<vmem>>) dst(%dma_wait3A_84 : memref<40x128xf32, #tpu.memory_space<vmem_shared>>)
      tpu.yield
    }) : () -> ()
    %mul3A_19 = arith.constant 640 : i32
    %mul3A_20 = arith.muli %arg1, %mul3A_19 : i32
    %add3A_21 = arith.constant 120 : i32
    %add3A_22 = arith.addi %mul3A_20, %add3A_21 : i32
    "tpu.region"() ({
      %run_scoped3A = tpu.sem_alloc : memref<!tpu.dma_semaphore, #tpu.memory_space<semaphore_mem>>
      %dma_start3A = arith.constant 0 : i32
      %dma_start3A_79 = tpu.memref_slice %arg23[%add3A_22, %dma_start3A] : memref<10240x128xf32, #tpu.memory_space<vmem_shared>> -> memref<40x128xf32, #tpu.memory_space<vmem_shared>>
      %dma_start3A_80 = arith.constant 0 : i32
      %dma_start3A_81 = tpu.memref_slice %arg23[%add3A_22, %dma_start3A_80] : memref<10240x128xf32, #tpu.memory_space<vmem_shared>> -> memref<40x128xf32, #tpu.memory_space<vmem_shared>>
      tpu.enqueue_dma source(%arg21 : memref<40x128xf32, #tpu.memory_space<vmem>>) target(%dma_start3A_81 : memref<40x128xf32, #tpu.memory_space<vmem_shared>>) target_semaphore(%run_scoped3A : memref<!tpu.dma_semaphore, #tpu.memory_space<semaphore_mem>>)
      %dma_wait3A = arith.constant 0 : i32
      %dma_wait3A_82 = tpu.memref_slice %arg23[%add3A_22, %dma_wait3A] : memref<10240x128xf32, #tpu.memory_space<vmem_shared>> -> memref<40x128xf32, #tpu.memory_space<vmem_shared>>
      %dma_wait3A_83 = arith.constant 0 : i32
      %dma_wait3A_84 = tpu.memref_slice %arg23[%add3A_22, %dma_wait3A_83] : memref<10240x128xf32, #tpu.memory_space<vmem_shared>> -> memref<40x128xf32, #tpu.memory_space<vmem_shared>>
      tpu.wait_dma2 semaphore(%run_scoped3A : memref<!tpu.dma_semaphore, #tpu.memory_space<semaphore_mem>>) src(%arg21 : memref<40x128xf32, #tpu.memory_space<vmem>>) dst(%dma_wait3A_84 : memref<40x128xf32, #tpu.memory_space<vmem_shared>>)
      tpu.yield
    }) : () -> ()
    %mul3A_23 = arith.constant 640 : i32
    %mul3A_24 = arith.muli %arg1, %mul3A_23 : i32
    %add3A_25 = arith.constant 160 : i32
    %add3A_26 = arith.addi %mul3A_24, %add3A_25 : i32
    "tpu.region"() ({
      %run_scoped3A = tpu.sem_alloc : memref<!tpu.dma_semaphore, #tpu.memory_space<semaphore_mem>>
      %dma_start3A = arith.constant 0 : i32
      %dma_start3A_79 = tpu.memref_slice %arg23[%add3A_26, %dma_start3A] : memref<10240x128xf32, #tpu.memory_space<vmem_shared>> -> memref<40x128xf32, #tpu.memory_space<vmem_shared>>
      %dma_start3A_80 = arith.constant 0 : i32
      %dma_start3A_81 = tpu.memref_slice %arg23[%add3A_26, %dma_start3A_80] : memref<10240x128xf32, #tpu.memory_space<vmem_shared>> -> memref<40x128xf32, #tpu.memory_space<vmem_shared>>
      tpu.enqueue_dma source(%arg21 : memref<40x128xf32, #tpu.memory_space<vmem>>) target(%dma_start3A_81 : memref<40x128xf32, #tpu.memory_space<vmem_shared>>) target_semaphore(%run_scoped3A : memref<!tpu.dma_semaphore, #tpu.memory_space<semaphore_mem>>)
      %dma_wait3A = arith.constant 0 : i32
      %dma_wait3A_82 = tpu.memref_slice %arg23[%add3A_26, %dma_wait3A] : memref<10240x128xf32, #tpu.memory_space<vmem_shared>> -> memref<40x128xf32, #tpu.memory_space<vmem_shared>>
      %dma_wait3A_83 = arith.constant 0 : i32
      %dma_wait3A_84 = tpu.memref_slice %arg23[%add3A_26, %dma_wait3A_83] : memref<10240x128xf32, #tpu.memory_space<vmem_shared>> -> memref<40x128xf32, #tpu.memory_space<vmem_shared>>
      tpu.wait_dma2 semaphore(%run_scoped3A : memref<!tpu.dma_semaphore, #tpu.memory_space<semaphore_mem>>) src(%arg21 : memref<40x128xf32, #tpu.memory_space<vmem>>) dst(%dma_wait3A_84 : memref<40x128xf32, #tpu.memory_space<vmem_shared>>)
      tpu.yield
    }) : () -> ()
    %mul3A_27 = arith.constant 640 : i32
    %mul3A_28 = arith.muli %arg1, %mul3A_27 : i32
    %add3A_29 = arith.constant 200 : i32
    %add3A_30 = arith.addi %mul3A_28, %add3A_29 : i32
    "tpu.region"() ({
      %run_scoped3A = tpu.sem_alloc : memref<!tpu.dma_semaphore, #tpu.memory_space<semaphore_mem>>
      %dma_start3A = arith.constant 0 : i32
      %dma_start3A_79 = tpu.memref_slice %arg23[%add3A_30, %dma_start3A] : memref<10240x128xf32, #tpu.memory_space<vmem_shared>> -> memref<40x128xf32, #tpu.memory_space<vmem_shared>>
      %dma_start3A_80 = arith.constant 0 : i32
      %dma_start3A_81 = tpu.memref_slice %arg23[%add3A_30, %dma_start3A_80] : memref<10240x128xf32, #tpu.memory_space<vmem_shared>> -> memref<40x128xf32, #tpu.memory_space<vmem_shared>>
      tpu.enqueue_dma source(%arg21 : memref<40x128xf32, #tpu.memory_space<vmem>>) target(%dma_start3A_81 : memref<40x128xf32, #tpu.memory_space<vmem_shared>>) target_semaphore(%run_scoped3A : memref<!tpu.dma_semaphore, #tpu.memory_space<semaphore_mem>>)
      %dma_wait3A = arith.constant 0 : i32
      %dma_wait3A_82 = tpu.memref_slice %arg23[%add3A_30, %dma_wait3A] : memref<10240x128xf32, #tpu.memory_space<vmem_shared>> -> memref<40x128xf32, #tpu.memory_space<vmem_shared>>
      %dma_wait3A_83 = arith.constant 0 : i32
      %dma_wait3A_84 = tpu.memref_slice %arg23[%add3A_30, %dma_wait3A_83] : memref<10240x128xf32, #tpu.memory_space<vmem_shared>> -> memref<40x128xf32, #tpu.memory_space<vmem_shared>>
      tpu.wait_dma2 semaphore(%run_scoped3A : memref<!tpu.dma_semaphore, #tpu.memory_space<semaphore_mem>>) src(%arg21 : memref<40x128xf32, #tpu.memory_space<vmem>>) dst(%dma_wait3A_84 : memref<40x128xf32, #tpu.memory_space<vmem_shared>>)
      tpu.yield
    }) : () -> ()
    %mul3A_31 = arith.constant 640 : i32
    %mul3A_32 = arith.muli %arg1, %mul3A_31 : i32
    %add3A_33 = arith.constant 240 : i32
    %add3A_34 = arith.addi %mul3A_32, %add3A_33 : i32
    "tpu.region"() ({
      %run_scoped3A = tpu.sem_alloc : memref<!tpu.dma_semaphore, #tpu.memory_space<semaphore_mem>>
      %dma_start3A = arith.constant 0 : i32
      %dma_start3A_79 = tpu.memref_slice %arg23[%add3A_34, %dma_start3A] : memref<10240x128xf32, #tpu.memory_space<vmem_shared>> -> memref<40x128xf32, #tpu.memory_space<vmem_shared>>
      %dma_start3A_80 = arith.constant 0 : i32
      %dma_start3A_81 = tpu.memref_slice %arg23[%add3A_34, %dma_start3A_80] : memref<10240x128xf32, #tpu.memory_space<vmem_shared>> -> memref<40x128xf32, #tpu.memory_space<vmem_shared>>
      tpu.enqueue_dma source(%arg21 : memref<40x128xf32, #tpu.memory_space<vmem>>) target(%dma_start3A_81 : memref<40x128xf32, #tpu.memory_space<vmem_shared>>) target_semaphore(%run_scoped3A : memref<!tpu.dma_semaphore, #tpu.memory_space<semaphore_mem>>)
      %dma_wait3A = arith.constant 0 : i32
      %dma_wait3A_82 = tpu.memref_slice %arg23[%add3A_34, %dma_wait3A] : memref<10240x128xf32, #tpu.memory_space<vmem_shared>> -> memref<40x128xf32, #tpu.memory_space<vmem_shared>>
      %dma_wait3A_83 = arith.constant 0 : i32
      %dma_wait3A_84 = tpu.memref_slice %arg23[%add3A_34, %dma_wait3A_83] : memref<10240x128xf32, #tpu.memory_space<vmem_shared>> -> memref<40x128xf32, #tpu.memory_space<vmem_shared>>
      tpu.wait_dma2 semaphore(%run_scoped3A : memref<!tpu.dma_semaphore, #tpu.memory_space<semaphore_mem>>) src(%arg21 : memref<40x128xf32, #tpu.memory_space<vmem>>) dst(%dma_wait3A_84 : memref<40x128xf32, #tpu.memory_space<vmem_shared>>)
      tpu.yield
    }) : () -> ()
    %mul3A_35 = arith.constant 640 : i32
    %mul3A_36 = arith.muli %arg1, %mul3A_35 : i32
    %add3A_37 = arith.constant 280 : i32
    %add3A_38 = arith.addi %mul3A_36, %add3A_37 : i32
    "tpu.region"() ({
      %run_scoped3A = tpu.sem_alloc : memref<!tpu.dma_semaphore, #tpu.memory_space<semaphore_mem>>
      %dma_start3A = arith.constant 0 : i32
      %dma_start3A_79 = tpu.memref_slice %arg23[%add3A_38, %dma_start3A] : memref<10240x128xf32, #tpu.memory_space<vmem_shared>> -> memref<40x128xf32, #tpu.memory_space<vmem_shared>>
      %dma_start3A_80 = arith.constant 0 : i32
      %dma_start3A_81 = tpu.memref_slice %arg23[%add3A_38, %dma_start3A_80] : memref<10240x128xf32, #tpu.memory_space<vmem_shared>> -> memref<40x128xf32, #tpu.memory_space<vmem_shared>>
      tpu.enqueue_dma source(%arg21 : memref<40x128xf32, #tpu.memory_space<vmem>>) target(%dma_start3A_81 : memref<40x128xf32, #tpu.memory_space<vmem_shared>>) target_semaphore(%run_scoped3A : memref<!tpu.dma_semaphore, #tpu.memory_space<semaphore_mem>>)
      %dma_wait3A = arith.constant 0 : i32
      %dma_wait3A_82 = tpu.memref_slice %arg23[%add3A_38, %dma_wait3A] : memref<10240x128xf32, #tpu.memory_space<vmem_shared>> -> memref<40x128xf32, #tpu.memory_space<vmem_shared>>
      %dma_wait3A_83 = arith.constant 0 : i32
      %dma_wait3A_84 = tpu.memref_slice %arg23[%add3A_38, %dma_wait3A_83] : memref<10240x128xf32, #tpu.memory_space<vmem_shared>> -> memref<40x128xf32, #tpu.memory_space<vmem_shared>>
      tpu.wait_dma2 semaphore(%run_scoped3A : memref<!tpu.dma_semaphore, #tpu.memory_space<semaphore_mem>>) src(%arg21 : memref<40x128xf32, #tpu.memory_space<vmem>>) dst(%dma_wait3A_84 : memref<40x128xf32, #tpu.memory_space<vmem_shared>>)
      tpu.yield
    }) : () -> ()
    %mul3A_39 = arith.constant 640 : i32
    %mul3A_40 = arith.muli %arg1, %mul3A_39 : i32
    %add3A_41 = arith.constant 320 : i32
    %add3A_42 = arith.addi %mul3A_40, %add3A_41 : i32
    "tpu.region"() ({
      %run_scoped3A = tpu.sem_alloc : memref<!tpu.dma_semaphore, #tpu.memory_space<semaphore_mem>>
      %dma_start3A = arith.constant 0 : i32
      %dma_start3A_79 = tpu.memref_slice %arg23[%add3A_42, %dma_start3A] : memref<10240x128xf32, #tpu.memory_space<vmem_shared>> -> memref<40x128xf32, #tpu.memory_space<vmem_shared>>
      %dma_start3A_80 = arith.constant 0 : i32
      %dma_start3A_81 = tpu.memref_slice %arg23[%add3A_42, %dma_start3A_80] : memref<10240x128xf32, #tpu.memory_space<vmem_shared>> -> memref<40x128xf32, #tpu.memory_space<vmem_shared>>
      tpu.enqueue_dma source(%arg21 : memref<40x128xf32, #tpu.memory_space<vmem>>) target(%dma_start3A_81 : memref<40x128xf32, #tpu.memory_space<vmem_shared>>) target_semaphore(%run_scoped3A : memref<!tpu.dma_semaphore, #tpu.memory_space<semaphore_mem>>)
      %dma_wait3A = arith.constant 0 : i32
      %dma_wait3A_82 = tpu.memref_slice %arg23[%add3A_42, %dma_wait3A] : memref<10240x128xf32, #tpu.memory_space<vmem_shared>> -> memref<40x128xf32, #tpu.memory_space<vmem_shared>>
      %dma_wait3A_83 = arith.constant 0 : i32
      %dma_wait3A_84 = tpu.memref_slice %arg23[%add3A_42, %dma_wait3A_83] : memref<10240x128xf32, #tpu.memory_space<vmem_shared>> -> memref<40x128xf32, #tpu.memory_space<vmem_shared>>
      tpu.wait_dma2 semaphore(%run_scoped3A : memref<!tpu.dma_semaphore, #tpu.memory_space<semaphore_mem>>) src(%arg21 : memref<40x128xf32, #tpu.memory_space<vmem>>) dst(%dma_wait3A_84 : memref<40x128xf32, #tpu.memory_space<vmem_shared>>)
      tpu.yield
    }) : () -> ()
    %mul3A_43 = arith.constant 640 : i32
    %mul3A_44 = arith.muli %arg1, %mul3A_43 : i32
    %add3A_45 = arith.constant 360 : i32
    %add3A_46 = arith.addi %mul3A_44, %add3A_45 : i32
    "tpu.region"() ({
      %run_scoped3A = tpu.sem_alloc : memref<!tpu.dma_semaphore, #tpu.memory_space<semaphore_mem>>
      %dma_start3A = arith.constant 0 : i32
      %dma_start3A_79 = tpu.memref_slice %arg23[%add3A_46, %dma_start3A] : memref<10240x128xf32, #tpu.memory_space<vmem_shared>> -> memref<40x128xf32, #tpu.memory_space<vmem_shared>>
      %dma_start3A_80 = arith.constant 0 : i32
      %dma_start3A_81 = tpu.memref_slice %arg23[%add3A_46, %dma_start3A_80] : memref<10240x128xf32, #tpu.memory_space<vmem_shared>> -> memref<40x128xf32, #tpu.memory_space<vmem_shared>>
      tpu.enqueue_dma source(%arg21 : memref<40x128xf32, #tpu.memory_space<vmem>>) target(%dma_start3A_81 : memref<40x128xf32, #tpu.memory_space<vmem_shared>>) target_semaphore(%run_scoped3A : memref<!tpu.dma_semaphore, #tpu.memory_space<semaphore_mem>>)
      %dma_wait3A = arith.constant 0 : i32
      %dma_wait3A_82 = tpu.memref_slice %arg23[%add3A_46, %dma_wait3A] : memref<10240x128xf32, #tpu.memory_space<vmem_shared>> -> memref<40x128xf32, #tpu.memory_space<vmem_shared>>
      %dma_wait3A_83 = arith.constant 0 : i32
      %dma_wait3A_84 = tpu.memref_slice %arg23[%add3A_46, %dma_wait3A_83] : memref<10240x128xf32, #tpu.memory_space<vmem_shared>> -> memref<40x128xf32, #tpu.memory_space<vmem_shared>>
      tpu.wait_dma2 semaphore(%run_scoped3A : memref<!tpu.dma_semaphore, #tpu.memory_space<semaphore_mem>>) src(%arg21 : memref<40x128xf32, #tpu.memory_space<vmem>>) dst(%dma_wait3A_84 : memref<40x128xf32, #tpu.memory_space<vmem_shared>>)
      tpu.yield
    }) : () -> ()
    %mul3A_47 = arith.constant 640 : i32
    %mul3A_48 = arith.muli %arg1, %mul3A_47 : i32
    %add3A_49 = arith.constant 400 : i32
    %add3A_50 = arith.addi %mul3A_48, %add3A_49 : i32
    "tpu.region"() ({
      %run_scoped3A = tpu.sem_alloc : memref<!tpu.dma_semaphore, #tpu.memory_space<semaphore_mem>>
      %dma_start3A = arith.constant 0 : i32
      %dma_start3A_79 = tpu.memref_slice %arg23[%add3A_50, %dma_start3A] : memref<10240x128xf32, #tpu.memory_space<vmem_shared>> -> memref<40x128xf32, #tpu.memory_space<vmem_shared>>
      %dma_start3A_80 = arith.constant 0 : i32
      %dma_start3A_81 = tpu.memref_slice %arg23[%add3A_50, %dma_start3A_80] : memref<10240x128xf32, #tpu.memory_space<vmem_shared>> -> memref<40x128xf32, #tpu.memory_space<vmem_shared>>
      tpu.enqueue_dma source(%arg21 : memref<40x128xf32, #tpu.memory_space<vmem>>) target(%dma_start3A_81 : memref<40x128xf32, #tpu.memory_space<vmem_shared>>) target_semaphore(%run_scoped3A : memref<!tpu.dma_semaphore, #tpu.memory_space<semaphore_mem>>)
      %dma_wait3A = arith.constant 0 : i32
      %dma_wait3A_82 = tpu.memref_slice %arg23[%add3A_50, %dma_wait3A] : memref<10240x128xf32, #tpu.memory_space<vmem_shared>> -> memref<40x128xf32, #tpu.memory_space<vmem_shared>>
      %dma_wait3A_83 = arith.constant 0 : i32
      %dma_wait3A_84 = tpu.memref_slice %arg23[%add3A_50, %dma_wait3A_83] : memref<10240x128xf32, #tpu.memory_space<vmem_shared>> -> memref<40x128xf32, #tpu.memory_space<vmem_shared>>
      tpu.wait_dma2 semaphore(%run_scoped3A : memref<!tpu.dma_semaphore, #tpu.memory_space<semaphore_mem>>) src(%arg21 : memref<40x128xf32, #tpu.memory_space<vmem>>) dst(%dma_wait3A_84 : memref<40x128xf32, #tpu.memory_space<vmem_shared>>)
      tpu.yield
    }) : () -> ()
    %mul3A_51 = arith.constant 640 : i32
    %mul3A_52 = arith.muli %arg1, %mul3A_51 : i32
    %add3A_53 = arith.constant 440 : i32
    %add3A_54 = arith.addi %mul3A_52, %add3A_53 : i32
    "tpu.region"() ({
      %run_scoped3A = tpu.sem_alloc : memref<!tpu.dma_semaphore, #tpu.memory_space<semaphore_mem>>
      %dma_start3A = arith.constant 0 : i32
      %dma_start3A_79 = tpu.memref_slice %arg23[%add3A_54, %dma_start3A] : memref<10240x128xf32, #tpu.memory_space<vmem_shared>> -> memref<40x128xf32, #tpu.memory_space<vmem_shared>>
      %dma_start3A_80 = arith.constant 0 : i32
      %dma_start3A_81 = tpu.memref_slice %arg23[%add3A_54, %dma_start3A_80] : memref<10240x128xf32, #tpu.memory_space<vmem_shared>> -> memref<40x128xf32, #tpu.memory_space<vmem_shared>>
      tpu.enqueue_dma source(%arg21 : memref<40x128xf32, #tpu.memory_space<vmem>>) target(%dma_start3A_81 : memref<40x128xf32, #tpu.memory_space<vmem_shared>>) target_semaphore(%run_scoped3A : memref<!tpu.dma_semaphore, #tpu.memory_space<semaphore_mem>>)
      %dma_wait3A = arith.constant 0 : i32
      %dma_wait3A_82 = tpu.memref_slice %arg23[%add3A_54, %dma_wait3A] : memref<10240x128xf32, #tpu.memory_space<vmem_shared>> -> memref<40x128xf32, #tpu.memory_space<vmem_shared>>
      %dma_wait3A_83 = arith.constant 0 : i32
      %dma_wait3A_84 = tpu.memref_slice %arg23[%add3A_54, %dma_wait3A_83] : memref<10240x128xf32, #tpu.memory_space<vmem_shared>> -> memref<40x128xf32, #tpu.memory_space<vmem_shared>>
      tpu.wait_dma2 semaphore(%run_scoped3A : memref<!tpu.dma_semaphore, #tpu.memory_space<semaphore_mem>>) src(%arg21 : memref<40x128xf32, #tpu.memory_space<vmem>>) dst(%dma_wait3A_84 : memref<40x128xf32, #tpu.memory_space<vmem_shared>>)
      tpu.yield
    }) : () -> ()
    %mul3A_55 = arith.constant 640 : i32
    %mul3A_56 = arith.muli %arg1, %mul3A_55 : i32
    %add3A_57 = arith.constant 480 : i32
    %add3A_58 = arith.addi %mul3A_56, %add3A_57 : i32
    "tpu.region"() ({
      %run_scoped3A = tpu.sem_alloc : memref<!tpu.dma_semaphore, #tpu.memory_space<semaphore_mem>>
      %dma_start3A = arith.constant 0 : i32
      %dma_start3A_79 = tpu.memref_slice %arg23[%add3A_58, %dma_start3A] : memref<10240x128xf32, #tpu.memory_space<vmem_shared>> -> memref<40x128xf32, #tpu.memory_space<vmem_shared>>
      %dma_start3A_80 = arith.constant 0 : i32
      %dma_start3A_81 = tpu.memref_slice %arg23[%add3A_58, %dma_start3A_80] : memref<10240x128xf32, #tpu.memory_space<vmem_shared>> -> memref<40x128xf32, #tpu.memory_space<vmem_shared>>
      tpu.enqueue_dma source(%arg21 : memref<40x128xf32, #tpu.memory_space<vmem>>) target(%dma_start3A_81 : memref<40x128xf32, #tpu.memory_space<vmem_shared>>) target_semaphore(%run_scoped3A : memref<!tpu.dma_semaphore, #tpu.memory_space<semaphore_mem>>)
      %dma_wait3A = arith.constant 0 : i32
      %dma_wait3A_82 = tpu.memref_slice %arg23[%add3A_58, %dma_wait3A] : memref<10240x128xf32, #tpu.memory_space<vmem_shared>> -> memref<40x128xf32, #tpu.memory_space<vmem_shared>>
      %dma_wait3A_83 = arith.constant 0 : i32
      %dma_wait3A_84 = tpu.memref_slice %arg23[%add3A_58, %dma_wait3A_83] : memref<10240x128xf32, #tpu.memory_space<vmem_shared>> -> memref<40x128xf32, #tpu.memory_space<vmem_shared>>
      tpu.wait_dma2 semaphore(%run_scoped3A : memref<!tpu.dma_semaphore, #tpu.memory_space<semaphore_mem>>) src(%arg21 : memref<40x128xf32, #tpu.memory_space<vmem>>) dst(%dma_wait3A_84 : memref<40x128xf32, #tpu.memory_space<vmem_shared>>)
      tpu.yield
    }) : () -> ()
    %mul3A_59 = arith.constant 640 : i32
    %mul3A_60 = arith.muli %arg1, %mul3A_59 : i32
    %add3A_61 = arith.constant 520 : i32
    %add3A_62 = arith.addi %mul3A_60, %add3A_61 : i32
    "tpu.region"() ({
      %run_scoped3A = tpu.sem_alloc : memref<!tpu.dma_semaphore, #tpu.memory_space<semaphore_mem>>
      %dma_start3A = arith.constant 0 : i32
      %dma_start3A_79 = tpu.memref_slice %arg23[%add3A_62, %dma_start3A] : memref<10240x128xf32, #tpu.memory_space<vmem_shared>> -> memref<40x128xf32, #tpu.memory_space<vmem_shared>>
      %dma_start3A_80 = arith.constant 0 : i32
      %dma_start3A_81 = tpu.memref_slice %arg23[%add3A_62, %dma_start3A_80] : memref<10240x128xf32, #tpu.memory_space<vmem_shared>> -> memref<40x128xf32, #tpu.memory_space<vmem_shared>>
      tpu.enqueue_dma source(%arg21 : memref<40x128xf32, #tpu.memory_space<vmem>>) target(%dma_start3A_81 : memref<40x128xf32, #tpu.memory_space<vmem_shared>>) target_semaphore(%run_scoped3A : memref<!tpu.dma_semaphore, #tpu.memory_space<semaphore_mem>>)
      %dma_wait3A = arith.constant 0 : i32
      %dma_wait3A_82 = tpu.memref_slice %arg23[%add3A_62, %dma_wait3A] : memref<10240x128xf32, #tpu.memory_space<vmem_shared>> -> memref<40x128xf32, #tpu.memory_space<vmem_shared>>
      %dma_wait3A_83 = arith.constant 0 : i32
      %dma_wait3A_84 = tpu.memref_slice %arg23[%add3A_62, %dma_wait3A_83] : memref<10240x128xf32, #tpu.memory_space<vmem_shared>> -> memref<40x128xf32, #tpu.memory_space<vmem_shared>>
      tpu.wait_dma2 semaphore(%run_scoped3A : memref<!tpu.dma_semaphore, #tpu.memory_space<semaphore_mem>>) src(%arg21 : memref<40x128xf32, #tpu.memory_space<vmem>>) dst(%dma_wait3A_84 : memref<40x128xf32, #tpu.memory_space<vmem_shared>>)
      tpu.yield
    }) : () -> ()
    %mul3A_63 = arith.constant 640 : i32
    %mul3A_64 = arith.muli %arg1, %mul3A_63 : i32
    %add3A_65 = arith.constant 560 : i32
    %add3A_66 = arith.addi %mul3A_64, %add3A_65 : i32
    "tpu.region"() ({
      %run_scoped3A = tpu.sem_alloc : memref<!tpu.dma_semaphore, #tpu.memory_space<semaphore_mem>>
      %dma_start3A = arith.constant 0 : i32
      %dma_start3A_79 = tpu.memref_slice %arg23[%add3A_66, %dma_start3A] : memref<10240x128xf32, #tpu.memory_space<vmem_shared>> -> memref<40x128xf32, #tpu.memory_space<vmem_shared>>
      %dma_start3A_80 = arith.constant 0 : i32
      %dma_start3A_81 = tpu.memref_slice %arg23[%add3A_66, %dma_start3A_80] : memref<10240x128xf32, #tpu.memory_space<vmem_shared>> -> memref<40x128xf32, #tpu.memory_space<vmem_shared>>
      tpu.enqueue_dma source(%arg21 : memref<40x128xf32, #tpu.memory_space<vmem>>) target(%dma_start3A_81 : memref<40x128xf32, #tpu.memory_space<vmem_shared>>) target_semaphore(%run_scoped3A : memref<!tpu.dma_semaphore, #tpu.memory_space<semaphore_mem>>)
      %dma_wait3A = arith.constant 0 : i32
      %dma_wait3A_82 = tpu.memref_slice %arg23[%add3A_66, %dma_wait3A] : memref<10240x128xf32, #tpu.memory_space<vmem_shared>> -> memref<40x128xf32, #tpu.memory_space<vmem_shared>>
      %dma_wait3A_83 = arith.constant 0 : i32
      %dma_wait3A_84 = tpu.memref_slice %arg23[%add3A_66, %dma_wait3A_83] : memref<10240x128xf32, #tpu.memory_space<vmem_shared>> -> memref<40x128xf32, #tpu.memory_space<vmem_shared>>
      tpu.wait_dma2 semaphore(%run_scoped3A : memref<!tpu.dma_semaphore, #tpu.memory_space<semaphore_mem>>) src(%arg21 : memref<40x128xf32, #tpu.memory_space<vmem>>) dst(%dma_wait3A_84 : memref<40x128xf32, #tpu.memory_space<vmem_shared>>)
      tpu.yield
    }) : () -> ()
    %mul3A_67 = arith.constant 640 : i32
    %mul3A_68 = arith.muli %arg1, %mul3A_67 : i32
    %add3A_69 = arith.constant 600 : i32
    %add3A_70 = arith.addi %mul3A_68, %add3A_69 : i32
    "tpu.region"() ({
      %run_scoped3A = tpu.sem_alloc : memref<!tpu.dma_semaphore, #tpu.memory_space<semaphore_mem>>
      %dma_start3A = arith.constant 0 : i32
      %dma_start3A_79 = tpu.memref_slice %arg23[%add3A_70, %dma_start3A] : memref<10240x128xf32, #tpu.memory_space<vmem_shared>> -> memref<40x128xf32, #tpu.memory_space<vmem_shared>>
      %dma_start3A_80 = arith.constant 0 : i32
      %dma_start3A_81 = tpu.memref_slice %arg23[%add3A_70, %dma_start3A_80] : memref<10240x128xf32, #tpu.memory_space<vmem_shared>> -> memref<40x128xf32, #tpu.memory_space<vmem_shared>>
      tpu.enqueue_dma source(%arg21 : memref<40x128xf32, #tpu.memory_space<vmem>>) target(%dma_start3A_81 : memref<40x128xf32, #tpu.memory_space<vmem_shared>>) target_semaphore(%run_scoped3A : memref<!tpu.dma_semaphore, #tpu.memory_space<semaphore_mem>>)
      %dma_wait3A = arith.constant 0 : i32
      %dma_wait3A_82 = tpu.memref_slice %arg23[%add3A_70, %dma_wait3A] : memref<10240x128xf32, #tpu.memory_space<vmem_shared>> -> memref<40x128xf32, #tpu.memory_space<vmem_shared>>
      %dma_wait3A_83 = arith.constant 0 : i32
      %dma_wait3A_84 = tpu.memref_slice %arg23[%add3A_70, %dma_wait3A_83] : memref<10240x128xf32, #tpu.memory_space<vmem_shared>> -> memref<40x128xf32, #tpu.memory_space<vmem_shared>>
      tpu.wait_dma2 semaphore(%run_scoped3A : memref<!tpu.dma_semaphore, #tpu.memory_space<semaphore_mem>>) src(%arg21 : memref<40x128xf32, #tpu.memory_space<vmem>>) dst(%dma_wait3A_84 : memref<40x128xf32, #tpu.memory_space<vmem_shared>>)
      tpu.yield
    }) : () -> ()
    %barrier3A = arith.constant 0 : index
    tpu.barrier barrier_id(%barrier3A)
    %scan3A_71 = arith.constant 0 : i32
    %scan3A_72 = arith.constant 25 : i32
    %scan3A_73 = arith.addi %scan3A_71, %scan3A_72 : i32
    %scan3A_74 = arith.constant 1 : i32
    scf.for %scan3A_79 = %scan3A_71 to %scan3A_73 step %scan3A_74  : i32 {
      %mul3A_80 = arith.constant 400 : i32
      %mul3A_81 = arith.muli %scan3A_79, %mul3A_80 : i32
      %add3A_82 = arith.addi %mul3A_2, %mul3A_81 : i32
      "tpu.region"() ({
        %run_scoped3A = tpu.sem_alloc : memref<!tpu.dma_semaphore, #tpu.memory_space<semaphore_mem>>
        %dma_start3A_134 = tpu.memref_slice %arg4[%add3A_82] : memref<320000xi32, #tpu.memory_space<hbm>> -> memref<400xi32, #tpu.memory_space<hbm>>
        %dma_start3A_135 = tpu.memref_slice %arg4[%add3A_82] : memref<320000xi32, #tpu.memory_space<hbm>> -> memref<400xi32, #tpu.memory_space<hbm>>
        tpu.enqueue_dma source(%dma_start3A_135 : memref<400xi32, #tpu.memory_space<hbm>>) target(%arg10 : memref<400xi32, #tpu.memory_space<vmem>>) target_semaphore(%run_scoped3A : memref<!tpu.dma_semaphore, #tpu.memory_space<semaphore_mem>>)
        %dma_wait3A_136 = tpu.memref_slice %arg4[%add3A_82] : memref<320000xi32, #tpu.memory_space<hbm>> -> memref<400xi32, #tpu.memory_space<hbm>>
        %dma_wait3A_137 = tpu.memref_slice %arg4[%add3A_82] : memref<320000xi32, #tpu.memory_space<hbm>> -> memref<400xi32, #tpu.memory_space<hbm>>
        tpu.wait_dma2 semaphore(%run_scoped3A : memref<!tpu.dma_semaphore, #tpu.memory_space<semaphore_mem>>) src(%dma_wait3A_137 : memref<400xi32, #tpu.memory_space<hbm>>) dst(%arg10 : memref<400xi32, #tpu.memory_space<vmem>>)
        tpu.yield
      }) : () -> ()
      "tpu.region"() ({
        %run_scoped3A = tpu.sem_alloc : memref<!tpu.dma_semaphore, #tpu.memory_space<semaphore_mem>>
        %dma_start3A_134 = tpu.memref_slice %arg6[%add3A_82] : memref<320000xi32, #tpu.memory_space<hbm>> -> memref<400xi32, #tpu.memory_space<hbm>>
        %dma_start3A_135 = tpu.memref_slice %arg6[%add3A_82] : memref<320000xi32, #tpu.memory_space<hbm>> -> memref<400xi32, #tpu.memory_space<hbm>>
        tpu.enqueue_dma source(%dma_start3A_135 : memref<400xi32, #tpu.memory_space<hbm>>) target(%arg11 : memref<400xi32, #tpu.memory_space<vmem>>) target_semaphore(%run_scoped3A : memref<!tpu.dma_semaphore, #tpu.memory_space<semaphore_mem>>)
        %dma_wait3A_136 = tpu.memref_slice %arg6[%add3A_82] : memref<320000xi32, #tpu.memory_space<hbm>> -> memref<400xi32, #tpu.memory_space<hbm>>
        %dma_wait3A_137 = tpu.memref_slice %arg6[%add3A_82] : memref<320000xi32, #tpu.memory_space<hbm>> -> memref<400xi32, #tpu.memory_space<hbm>>
        tpu.wait_dma2 semaphore(%run_scoped3A : memref<!tpu.dma_semaphore, #tpu.memory_space<semaphore_mem>>) src(%dma_wait3A_137 : memref<400xi32, #tpu.memory_space<hbm>>) dst(%arg11 : memref<400xi32, #tpu.memory_space<vmem>>)
        tpu.yield
      }) : () -> ()
      "tpu.region"() ({
        %run_scoped3A = tpu.sem_alloc : memref<!tpu.dma_semaphore, #tpu.memory_space<semaphore_mem>>
        %dma_start3A_134 = tpu.memref_slice %arg5[%add3A_82] : memref<320000xi32, #tpu.memory_space<hbm>> -> memref<400xi32, #tpu.memory_space<hbm>>
        %dma_start3A_135 = tpu.memref_slice %arg5[%add3A_82] : memref<320000xi32, #tpu.memory_space<hbm>> -> memref<400xi32, #tpu.memory_space<hbm>>
        tpu.enqueue_dma source(%dma_start3A_135 : memref<400xi32, #tpu.memory_space<hbm>>) target(%arg12 : memref<400xi32, #tpu.memory_space<vmem>>) target_semaphore(%run_scoped3A : memref<!tpu.dma_semaphore, #tpu.memory_space<semaphore_mem>>)
        %dma_wait3A_136 = tpu.memref_slice %arg5[%add3A_82] : memref<320000xi32, #tpu.memory_space<hbm>> -> memref<400xi32, #tpu.memory_space<hbm>>
        %dma_wait3A_137 = tpu.memref_slice %arg5[%add3A_82] : memref<320000xi32, #tpu.memory_space<hbm>> -> memref<400xi32, #tpu.memory_space<hbm>>
        tpu.wait_dma2 semaphore(%run_scoped3A : memref<!tpu.dma_semaphore, #tpu.memory_space<semaphore_mem>>) src(%dma_wait3A_137 : memref<400xi32, #tpu.memory_space<hbm>>) dst(%arg12 : memref<400xi32, #tpu.memory_space<vmem>>)
        tpu.yield
      }) : () -> ()
      "tpu.region"() ({
        %run_scoped3A = tpu.sem_alloc : memref<!tpu.dma_semaphore, #tpu.memory_space<semaphore_mem>>
        %dma_start3A_134 = tpu.memref_slice %arg7[%add3A_82] : memref<320000xf32, #tpu.memory_space<hbm>> -> memref<400xf32, #tpu.memory_space<hbm>>
        %dma_start3A_135 = tpu.memref_slice %arg7[%add3A_82] : memref<320000xf32, #tpu.memory_space<hbm>> -> memref<400xf32, #tpu.memory_space<hbm>>
        tpu.enqueue_dma source(%dma_start3A_135 : memref<400xf32, #tpu.memory_space<hbm>>) target(%arg13 : memref<400xf32, #tpu.memory_space<vmem>>) target_semaphore(%run_scoped3A : memref<!tpu.dma_semaphore, #tpu.memory_space<semaphore_mem>>)
        %dma_wait3A_136 = tpu.memref_slice %arg7[%add3A_82] : memref<320000xf32, #tpu.memory_space<hbm>> -> memref<400xf32, #tpu.memory_space<hbm>>
        %dma_wait3A_137 = tpu.memref_slice %arg7[%add3A_82] : memref<320000xf32, #tpu.memory_space<hbm>> -> memref<400xf32, #tpu.memory_space<hbm>>
        tpu.wait_dma2 semaphore(%run_scoped3A : memref<!tpu.dma_semaphore, #tpu.memory_space<semaphore_mem>>) src(%dma_wait3A_137 : memref<400xf32, #tpu.memory_space<hbm>>) dst(%arg13 : memref<400xf32, #tpu.memory_space<vmem>>)
        tpu.yield
      }) : () -> ()
      %scan3A_83 = arith.constant 0 : i32
      %scan3A_84 = arith.constant 24 : i32
      %scan3A_85 = arith.addi %scan3A_83, %scan3A_84 : i32
      %scan3A_86 = arith.constant 2 : i32
      scf.for %scan3A_134 = %scan3A_83 to %scan3A_85 step %scan3A_86  : i32 {
        %mul3A_135 = arith.constant 16 : i32
        %mul3A_136 = arith.muli %scan3A_134, %mul3A_135 : i32
        %get3A_137 = arith.index_cast %mul3A_136 : i32 to index
        %get3A_138 = tpu.vector_load %arg12[%get3A_137] {strides = array<i32>} : memref<400xi32, #tpu.memory_space<vmem>>, vector<16xi32>,
        %gather3A_139 = tpu.vector_load_idx %arg14[%get3A_138] : memref<10240xf32, #tpu.memory_space<vmem>>[vector<16xi32>], vector<16xf32>,
        %get3A_140 = arith.index_cast %mul3A_136 : i32 to index
        %get3A_141 = tpu.vector_load %arg13[%get3A_140] {strides = array<i32>} : memref<400xf32, #tpu.memory_space<vmem>>, vector<16xf32>,
        %add3A_142 = arith.constant 1.000000e-16 : f32
        %add3A_143 = vector.broadcast %add3A_142 : f32 to vector<16xf32>
        %add3A_144 = arith.addf %gather3A_139, %add3A_143 : vector<16xf32>
        %div3A_145 = arith.divf %get3A_141, %add3A_144 : vector<16xf32>
        %swap3A_146 = arith.index_cast %mul3A_136 : i32 to index
        %swap3A_147 = tpu.vector_load %arg13[%swap3A_146] {strides = array<i32>} : memref<400xf32, #tpu.memory_space<vmem>>, vector<16xf32>,
        tpu.vector_store %arg13[%swap3A_146], %div3A_145 {strides = array<i32>} : memref<400xf32, #tpu.memory_space<vmem>>, vector<16xf32>,
        %scan3A_148 = arith.constant 1 : i32
        %scan3A_149 = arith.addi %scan3A_134, %scan3A_148 : i32
        %mul3A_150 = arith.constant 16 : i32
        %mul3A_151 = arith.muli %scan3A_149, %mul3A_150 : i32
        %get3A_152 = arith.index_cast %mul3A_151 : i32 to index
        %get3A_153 = tpu.vector_load %arg12[%get3A_152] {strides = array<i32>} : memref<400xi32, #tpu.memory_space<vmem>>, vector<16xi32>,
        %gather3A_154 = tpu.vector_load_idx %arg14[%get3A_153] : memref<10240xf32, #tpu.memory_space<vmem>>[vector<16xi32>], vector<16xf32>,
        %get3A_155 = arith.index_cast %mul3A_151 : i32 to index
        %get3A_156 = tpu.vector_load %arg13[%get3A_155] {strides = array<i32>} : memref<400xf32, #tpu.memory_space<vmem>>, vector<16xf32>,
        %add3A_157 = arith.constant 1.000000e-16 : f32
        %add3A_158 = vector.broadcast %add3A_157 : f32 to vector<16xf32>
        %add3A_159 = arith.addf %gather3A_154, %add3A_158 : vector<16xf32>
        %div3A_160 = arith.divf %get3A_156, %add3A_159 : vector<16xf32>
        %swap3A_161 = arith.index_cast %mul3A_151 : i32 to index
        %swap3A_162 = tpu.vector_load %arg13[%swap3A_161] {strides = array<i32>} : memref<400xf32, #tpu.memory_space<vmem>>, vector<16xf32>,
        tpu.vector_store %arg13[%swap3A_161], %div3A_160 {strides = array<i32>} : memref<400xf32, #tpu.memory_space<vmem>>, vector<16xf32>,
      }
      %scan3A_87 = arith.constant 24 : i32
      %scan3A_88 = arith.addi %scan3A_83, %scan3A_87 : i32
      %mul3A_89 = arith.constant 16 : i32
      %mul3A_90 = arith.muli %scan3A_88, %mul3A_89 : i32
      %get3A = arith.index_cast %mul3A_90 : i32 to index
      %get3A_91 = tpu.vector_load %arg12[%get3A] {strides = array<i32>} : memref<400xi32, #tpu.memory_space<vmem>>, vector<16xi32>,
      %gather3A = tpu.vector_load_idx %arg14[%get3A_91] : memref<10240xf32, #tpu.memory_space<vmem>>[vector<16xi32>], vector<16xf32>,
      %get3A_92 = arith.index_cast %mul3A_90 : i32 to index
      %get3A_93 = tpu.vector_load %arg13[%get3A_92] {strides = array<i32>} : memref<400xf32, #tpu.memory_space<vmem>>, vector<16xf32>,
      %add3A_94 = arith.constant 1.000000e-16 : f32
      %add3A_95 = vector.broadcast %add3A_94 : f32 to vector<16xf32>
      %add3A_96 = arith.addf %gather3A, %add3A_95 : vector<16xf32>
      %div3A = arith.divf %get3A_93, %add3A_96 : vector<16xf32>
      %swap3A = arith.index_cast %mul3A_90 : i32 to index
      %swap3A_97 = tpu.vector_load %arg13[%swap3A] {strides = array<i32>} : memref<400xf32, #tpu.memory_space<vmem>>, vector<16xf32>,
      tpu.vector_store %arg13[%swap3A], %div3A {strides = array<i32>} : memref<400xf32, #tpu.memory_space<vmem>>, vector<16xf32>,
      %scan3A_98 = arith.constant 25 : i32
      %dma_start3A = arith.constant 0 : i32
      %dma_start3A_99 = tpu.memref_slice %arg10[%dma_start3A] : memref<400xi32, #tpu.memory_space<vmem>> -> memref<40xi32, #tpu.memory_space<vmem>>
      %dma_start3A_100 = arith.constant 0 : i32
      %dma_start3A_101 = arith.constant 0 : i32
      %dma_start3A_102 = tpu.memref_slice %arg2[%dma_start3A_100, %dma_start3A_101] : memref<10000x128xf32, #tpu.memory_space<hbm>> -> memref<10000x128xf32, #tpu.memory_space<hbm>>
      tpu.enqueue_indirect_dma source(%dma_start3A_102 : memref<10000x128xf32, #tpu.memory_space<hbm>>) target(%arg15 : memref<40x128xf32, #tpu.memory_space<vmem>>) offsets(%dma_start3A_99 : memref<40xi32, #tpu.memory_space<vmem>>) semaphore(%arg24 : memref<!tpu.dma_semaphore, #tpu.memory_space<semaphore_mem>>)
      %dma_start3A_103 = arith.constant 0 : i32
      %dma_start3A_104 = tpu.memref_slice %arg11[%dma_start3A_103] : memref<400xi32, #tpu.memory_space<vmem>> -> memref<40xi32, #tpu.memory_space<vmem>>
      %dma_start3A_105 = arith.constant 0 : i32
      %dma_start3A_106 = arith.constant 0 : i32
      %dma_start3A_107 = tpu.memref_slice %arg3[%dma_start3A_105, %dma_start3A_106] : memref<474x128xf32, #tpu.memory_space<hbm>> -> memref<474x128xf32, #tpu.memory_space<hbm>>
      tpu.enqueue_indirect_dma source(%dma_start3A_107 : memref<474x128xf32, #tpu.memory_space<hbm>>) target(%arg16 : memref<40x128xf32, #tpu.memory_space<vmem>>) offsets(%dma_start3A_104 : memref<40xi32, #tpu.memory_space<vmem>>) semaphore(%arg24 : memref<!tpu.dma_semaphore, #tpu.memory_space<semaphore_mem>>)
      %add3A_108 = arith.constant 0 : i32
      %add3A_109 = arith.addi %add3A_82, %add3A_108 : i32
      %dma_start3A_110 = tpu.memref_slice %arg5[%add3A_109] : memref<320000xi32, #tpu.memory_space<hbm>> -> memref<40xi32, #tpu.memory_space<hbm>>
      %dma_start3A_111 = tpu.memref_slice %arg5[%add3A_109] : memref<320000xi32, #tpu.memory_space<hbm>> -> memref<40xi32, #tpu.memory_space<hbm>>
      tpu.enqueue_dma source(%dma_start3A_111 : memref<40xi32, #tpu.memory_space<hbm>>) target(%arg17 : memref<40xi32, #tpu.memory_space<vmem>>) target_semaphore(%arg24 : memref<!tpu.dma_semaphore, #tpu.memory_space<semaphore_mem>>)
      %scan3A_112 = arith.constant 0 : i32
      %scan3A_113 = arith.constant 5 : i32
      %scan3A_114 = arith.addi %scan3A_112, %scan3A_113 : i32
      %scan3A_115 = arith.constant 1 : i32
      scf.for %scan3A_134 = %scan3A_112 to %scan3A_114 step %scan3A_115  : i32 {
        %mul3A_135 = arith.constant 2 : i32
        %mul3A_136 = arith.muli %mul3A_135, %scan3A_134 : i32
        %dma_wait3A_137 = arith.constant 0 : i32
        %dma_wait3A_138 = arith.constant 0 : i32
        %dma_wait3A_139 = tpu.memref_slice %arg2[%dma_wait3A_137, %dma_wait3A_138] : memref<10000x128xf32, #tpu.memory_space<hbm>> -> memref<40x128xf32, #tpu.memory_space<hbm>>
        %dma_wait3A_140 = arith.constant 0 : i32
        %dma_wait3A_141 = arith.constant 0 : i32
        %dma_wait3A_142 = tpu.memref_slice %arg2[%dma_wait3A_140, %dma_wait3A_141] : memref<10000x128xf32, #tpu.memory_space<hbm>> -> memref<40x128xf32, #tpu.memory_space<hbm>>
        tpu.wait_dma2 semaphore(%arg24 : memref<!tpu.dma_semaphore, #tpu.memory_space<semaphore_mem>>) src(%dma_wait3A_142 : memref<40x128xf32, #tpu.memory_space<hbm>>) dst(%arg15 : memref<40x128xf32, #tpu.memory_space<vmem>>)
        %dma_wait3A_143 = arith.constant 0 : i32
        %dma_wait3A_144 = arith.constant 0 : i32
        %dma_wait3A_145 = tpu.memref_slice %arg2[%dma_wait3A_143, %dma_wait3A_144] : memref<10000x128xf32, #tpu.memory_space<hbm>> -> memref<40x128xf32, #tpu.memory_space<hbm>>
        %dma_wait3A_146 = arith.constant 0 : i32
        %dma_wait3A_147 = arith.constant 0 : i32
        %dma_wait3A_148 = tpu.memref_slice %arg2[%dma_wait3A_146, %dma_wait3A_147] : memref<10000x128xf32, #tpu.memory_space<hbm>> -> memref<40x128xf32, #tpu.memory_space<hbm>>
        tpu.wait_dma2 semaphore(%arg24 : memref<!tpu.dma_semaphore, #tpu.memory_space<semaphore_mem>>) src(%dma_wait3A_148 : memref<40x128xf32, #tpu.memory_space<hbm>>) dst(%arg16 : memref<40x128xf32, #tpu.memory_space<vmem>>)
        %dma_wait3A_149 = arith.constant 0 : i32
        %dma_wait3A_150 = tpu.memref_slice %arg5[%dma_wait3A_149] : memref<320000xi32, #tpu.memory_space<hbm>> -> memref<40xi32, #tpu.memory_space<hbm>>
        %dma_wait3A_151 = arith.constant 0 : i32
        %dma_wait3A_152 = tpu.memref_slice %arg5[%dma_wait3A_151] : memref<320000xi32, #tpu.memory_space<hbm>> -> memref<40xi32, #tpu.memory_space<hbm>>
        tpu.wait_dma2 semaphore(%arg24 : memref<!tpu.dma_semaphore, #tpu.memory_space<semaphore_mem>>) src(%dma_wait3A_152 : memref<40xi32, #tpu.memory_space<hbm>>) dst(%arg17 : memref<40xi32, #tpu.memory_space<vmem>>)
        %add3A_153 = arith.constant 1 : i32
        %add3A_154 = arith.addi %mul3A_136, %add3A_153 : i32
        %mul3A_155 = arith.constant 40 : i32
        %mul3A_156 = arith.muli %add3A_154, %mul3A_155 : i32
        %dma_start3A_157 = tpu.memref_slice %arg10[%mul3A_156] : memref<400xi32, #tpu.memory_space<vmem>> -> memref<40xi32, #tpu.memory_space<vmem>>
        %dma_start3A_158 = arith.constant 0 : i32
        %dma_start3A_159 = arith.constant 0 : i32
        %dma_start3A_160 = tpu.memref_slice %arg2[%dma_start3A_158, %dma_start3A_159] : memref<10000x128xf32, #tpu.memory_space<hbm>> -> memref<10000x128xf32, #tpu.memory_space<hbm>>
        tpu.enqueue_indirect_dma source(%dma_start3A_160 : memref<10000x128xf32, #tpu.memory_space<hbm>>) target(%arg18 : memref<40x128xf32, #tpu.memory_space<vmem>>) offsets(%dma_start3A_157 : memref<40xi32, #tpu.memory_space<vmem>>) semaphore(%arg25 : memref<!tpu.dma_semaphore, #tpu.memory_space<semaphore_mem>>)
        %dma_start3A_161 = tpu.memref_slice %arg11[%mul3A_156] : memref<400xi32, #tpu.memory_space<vmem>> -> memref<40xi32, #tpu.memory_space<vmem>>
        %dma_start3A_162 = arith.constant 0 : i32
        %dma_start3A_163 = arith.constant 0 : i32
        %dma_start3A_164 = tpu.memref_slice %arg3[%dma_start3A_162, %dma_start3A_163] : memref<474x128xf32, #tpu.memory_space<hbm>> -> memref<474x128xf32, #tpu.memory_space<hbm>>
        tpu.enqueue_indirect_dma source(%dma_start3A_164 : memref<474x128xf32, #tpu.memory_space<hbm>>) target(%arg19 : memref<40x128xf32, #tpu.memory_space<vmem>>) offsets(%dma_start3A_161 : memref<40xi32, #tpu.memory_space<vmem>>) semaphore(%arg25 : memref<!tpu.dma_semaphore, #tpu.memory_space<semaphore_mem>>)
        %add3A_165 = arith.addi %add3A_82, %mul3A_156 : i32
        %dma_start3A_166 = tpu.memref_slice %arg5[%add3A_165] : memref<320000xi32, #tpu.memory_space<hbm>> -> memref<40xi32, #tpu.memory_space<hbm>>
        %dma_start3A_167 = tpu.memref_slice %arg5[%add3A_165] : memref<320000xi32, #tpu.memory_space<hbm>> -> memref<40xi32, #tpu.memory_space<hbm>>
        tpu.enqueue_dma source(%dma_start3A_167 : memref<40xi32, #tpu.memory_space<hbm>>) target(%arg20 : memref<40xi32, #tpu.memory_space<vmem>>) target_semaphore(%arg25 : memref<!tpu.dma_semaphore, #tpu.memory_space<semaphore_mem>>)
        %eq3A = arith.constant 0 : i32
        %eq3A_168 = arith.cmpi eq, %scan3A_134, %eq3A : i32
        %mul3A_169 = arith.constant 40 : i32
        %mul3A_170 = arith.muli %mul3A_136, %mul3A_169 : i32
        %not3A = arith.constant true
        %not3A_171 = arith.xori %eq3A_168, %not3A : i1
        %convert_element_type3A = arith.extui %not3A_171 : i1 to i32
        %cond3A = arith.constant 0 : i32
        %cond3A_172 = arith.cmpi ne, %convert_element_type3A, %cond3A : i32
        scf.if %cond3A_172 {
          %dma_wait3A_222 = arith.constant 0 : i32
          %dma_wait3A_223 = arith.constant 0 : i32
          %dma_wait3A_224 = arith.constant 0 : i32
          %dma_wait3A_225 = tpu.memref_slice %arg9[%dma_wait3A_222, %dma_wait3A_223, %dma_wait3A_224] : memref<2x10240x128xf32, #tpu.memory_space<hbm>> -> memref<1x40x128xf32, #tpu.memory_space<hbm>>
          %dma_wait3A_226 = tpu.memref_squeeze %dma_wait3A_225 : memref<1x40x128xf32, #tpu.memory_space<hbm>> -> memref<40x128xf32, #tpu.memory_space<hbm>>
          %dma_wait3A_227 = arith.constant 0 : i32
          %dma_wait3A_228 = arith.constant 0 : i32
          %dma_wait3A_229 = tpu.memref_slice %arg9[%dma_wait3A_222, %dma_wait3A_227, %dma_wait3A_228] : memref<2x10240x128xf32, #tpu.memory_space<hbm>> -> memref<1x40x128xf32, #tpu.memory_space<hbm>>
          %dma_wait3A_230 = tpu.memref_squeeze %dma_wait3A_229 : memref<1x40x128xf32, #tpu.memory_space<hbm>> -> memref<40x128xf32, #tpu.memory_space<hbm>>
          tpu.wait_dma2 semaphore(%arg26 : memref<!tpu.dma_semaphore, #tpu.memory_space<semaphore_mem>>) src(%dma_wait3A_230 : memref<40x128xf32, #tpu.memory_space<hbm>>) dst(%arg21 : memref<40x128xf32, #tpu.memory_space<vmem>>)
        } else {
        }
        %scan3A_173 = arith.constant 0 : i32
        %scan3A_174 = arith.constant 10 : i32
        %scan3A_175 = arith.addi %scan3A_173, %scan3A_174 : i32
        %scan3A_176 = arith.constant 1 : i32
        scf.for %scan3A_222 = %scan3A_173 to %scan3A_175 step %scan3A_176  : i32 {
          %mul3A_223 = arith.constant 4 : i32
          %mul3A_224 = arith.muli %scan3A_222, %mul3A_223 : i32
          %add3A_225 = arith.addi %mul3A_170, %mul3A_224 : i32
          %add3A_226 = arith.constant 0 : i32
          %add3A_227 = arith.addi %add3A_225, %add3A_226 : i32
          %broadcast_in_dim3A = vector.broadcast %add3A_227 : i32 to vector<16xi32>
          %gather3A_228 = tpu.vector_load_idx %arg13[%broadcast_in_dim3A] : memref<400xf32, #tpu.memory_space<vmem>>[vector<16xi32>], vector<16xf32>,
          %add3A_229 = arith.constant 0 : i32
          %add3A_230 = arith.addi %mul3A_224, %add3A_229 : i32
          %get3A_231 = arith.index_cast %add3A_230 : i32 to index
          %get3A_232 = arith.constant 0 : index
          %get3A_233 = tpu.vector_load %arg15[%get3A_231, %get3A_232] {strides = array<i32>} : memref<40x128xf32, #tpu.memory_space<vmem>>, vector<16xf32>,
          %add3A_234 = arith.constant 0 : i32
          %add3A_235 = arith.addi %mul3A_224, %add3A_234 : i32
          %get3A_236 = arith.index_cast %add3A_235 : i32 to index
          %get3A_237 = arith.constant 0 : index
          %get3A_238 = tpu.vector_load %arg16[%get3A_236, %get3A_237] {strides = array<i32>} : memref<40x128xf32, #tpu.memory_space<vmem>>, vector<16xf32>,
          %add3A_239 = arith.addf %get3A_233, %get3A_238 : vector<16xf32>
          %mul3A_240 = arith.mulf %add3A_239, %gather3A_228 : vector<16xf32>
          %add3A_241 = arith.constant 0 : i32
          %add3A_242 = arith.addi %mul3A_224, %add3A_241 : i32
          %swap3A_243 = arith.index_cast %add3A_242 : i32 to index
          %swap3A_244 = arith.constant 0 : index
          %swap3A_245 = tpu.vector_load %arg21[%swap3A_243, %swap3A_244] {strides = array<i32>} : memref<40x128xf32, #tpu.memory_space<vmem>>, vector<16xf32>,
          tpu.vector_store %arg21[%swap3A_243, %swap3A_244], %mul3A_240 {strides = array<i32>} : memref<40x128xf32, #tpu.memory_space<vmem>>, vector<16xf32>,
          %add3A_246 = arith.constant 0 : i32
          %add3A_247 = arith.addi %mul3A_224, %add3A_246 : i32
          %get3A_248 = arith.index_cast %add3A_247 : i32 to index
          %get3A_249 = arith.constant 16 : index
          %get3A_250 = tpu.vector_load %arg15[%get3A_248, %get3A_249] {strides = array<i32>} : memref<40x128xf32, #tpu.memory_space<vmem>>, vector<16xf32>,
          %add3A_251 = arith.constant 0 : i32
          %add3A_252 = arith.addi %mul3A_224, %add3A_251 : i32
          %get3A_253 = arith.index_cast %add3A_252 : i32 to index
          %get3A_254 = arith.constant 16 : index
          %get3A_255 = tpu.vector_load %arg16[%get3A_253, %get3A_254] {strides = array<i32>} : memref<40x128xf32, #tpu.memory_space<vmem>>, vector<16xf32>,
          %add3A_256 = arith.addf %get3A_250, %get3A_255 : vector<16xf32>
          %mul3A_257 = arith.mulf %add3A_256, %gather3A_228 : vector<16xf32>
          %add3A_258 = arith.constant 0 : i32
          %add3A_259 = arith.addi %mul3A_224, %add3A_258 : i32
          %swap3A_260 = arith.index_cast %add3A_259 : i32 to index
          %swap3A_261 = arith.constant 16 : index
          %swap3A_262 = tpu.vector_load %arg21[%swap3A_260, %swap3A_261] {strides = array<i32>} : memref<40x128xf32, #tpu.memory_space<vmem>>, vector<16xf32>,
          tpu.vector_store %arg21[%swap3A_260, %swap3A_261], %mul3A_257 {strides = array<i32>} : memref<40x128xf32, #tpu.memory_space<vmem>>, vector<16xf32>,
          %add3A_263 = arith.constant 0 : i32
          %add3A_264 = arith.addi %mul3A_224, %add3A_263 : i32
          %get3A_265 = arith.index_cast %add3A_264 : i32 to index
          %get3A_266 = arith.constant 32 : index
          %get3A_267 = tpu.vector_load %arg15[%get3A_265, %get3A_266] {strides = array<i32>} : memref<40x128xf32, #tpu.memory_space<vmem>>, vector<16xf32>,
          %add3A_268 = arith.constant 0 : i32
          %add3A_269 = arith.addi %mul3A_224, %add3A_268 : i32
          %get3A_270 = arith.index_cast %add3A_269 : i32 to index
          %get3A_271 = arith.constant 32 : index
          %get3A_272 = tpu.vector_load %arg16[%get3A_270, %get3A_271] {strides = array<i32>} : memref<40x128xf32, #tpu.memory_space<vmem>>, vector<16xf32>,
          %add3A_273 = arith.addf %get3A_267, %get3A_272 : vector<16xf32>
          %mul3A_274 = arith.mulf %add3A_273, %gather3A_228 : vector<16xf32>
          %add3A_275 = arith.constant 0 : i32
          %add3A_276 = arith.addi %mul3A_224, %add3A_275 : i32
          %swap3A_277 = arith.index_cast %add3A_276 : i32 to index
          %swap3A_278 = arith.constant 32 : index
          %swap3A_279 = tpu.vector_load %arg21[%swap3A_277, %swap3A_278] {strides = array<i32>} : memref<40x128xf32, #tpu.memory_space<vmem>>, vector<16xf32>,
          tpu.vector_store %arg21[%swap3A_277, %swap3A_278], %mul3A_274 {strides = array<i32>} : memref<40x128xf32, #tpu.memory_space<vmem>>, vector<16xf32>,
          %add3A_280 = arith.constant 0 : i32
          %add3A_281 = arith.addi %mul3A_224, %add3A_280 : i32
          %get3A_282 = arith.index_cast %add3A_281 : i32 to index
          %get3A_283 = arith.constant 48 : index
          %get3A_284 = tpu.vector_load %arg15[%get3A_282, %get3A_283] {strides = array<i32>} : memref<40x128xf32, #tpu.memory_space<vmem>>, vector<16xf32>,
          %add3A_285 = arith.constant 0 : i32
          %add3A_286 = arith.addi %mul3A_224, %add3A_285 : i32
          %get3A_287 = arith.index_cast %add3A_286 : i32 to index
          %get3A_288 = arith.constant 48 : index
          %get3A_289 = tpu.vector_load %arg16[%get3A_287, %get3A_288] {strides = array<i32>} : memref<40x128xf32, #tpu.memory_space<vmem>>, vector<16xf32>,
          %add3A_290 = arith.addf %get3A_284, %get3A_289 : vector<16xf32>
          %mul3A_291 = arith.mulf %add3A_290, %gather3A_228 : vector<16xf32>
          %add3A_292 = arith.constant 0 : i32
          %add3A_293 = arith.addi %mul3A_224, %add3A_292 : i32
          %swap3A_294 = arith.index_cast %add3A_293 : i32 to index
          %swap3A_295 = arith.constant 48 : index
          %swap3A_296 = tpu.vector_load %arg21[%swap3A_294, %swap3A_295] {strides = array<i32>} : memref<40x128xf32, #tpu.memory_space<vmem>>, vector<16xf32>,
          tpu.vector_store %arg21[%swap3A_294, %swap3A_295], %mul3A_291 {strides = array<i32>} : memref<40x128xf32, #tpu.memory_space<vmem>>, vector<16xf32>,
          %add3A_297 = arith.constant 0 : i32
          %add3A_298 = arith.addi %mul3A_224, %add3A_297 : i32
          %get3A_299 = arith.index_cast %add3A_298 : i32 to index
          %get3A_300 = arith.constant 64 : index
          %get3A_301 = tpu.vector_load %arg15[%get3A_299, %get3A_300] {strides = array<i32>} : memref<40x128xf32, #tpu.memory_space<vmem>>, vector<16xf32>,
          %add3A_302 = arith.constant 0 : i32
          %add3A_303 = arith.addi %mul3A_224, %add3A_302 : i32
          %get3A_304 = arith.index_cast %add3A_303 : i32 to index
          %get3A_305 = arith.constant 64 : index
          %get3A_306 = tpu.vector_load %arg16[%get3A_304, %get3A_305] {strides = array<i32>} : memref<40x128xf32, #tpu.memory_space<vmem>>, vector<16xf32>,
          %add3A_307 = arith.addf %get3A_301, %get3A_306 : vector<16xf32>
          %mul3A_308 = arith.mulf %add3A_307, %gather3A_228 : vector<16xf32>
          %add3A_309 = arith.constant 0 : i32
          %add3A_310 = arith.addi %mul3A_224, %add3A_309 : i32
          %swap3A_311 = arith.index_cast %add3A_310 : i32 to index
          %swap3A_312 = arith.constant 64 : index
          %swap3A_313 = tpu.vector_load %arg21[%swap3A_311, %swap3A_312] {strides = array<i32>} : memref<40x128xf32, #tpu.memory_space<vmem>>, vector<16xf32>,
          tpu.vector_store %arg21[%swap3A_311, %swap3A_312], %mul3A_308 {strides = array<i32>} : memref<40x128xf32, #tpu.memory_space<vmem>>, vector<16xf32>,
          %add3A_314 = arith.constant 0 : i32
          %add3A_315 = arith.addi %mul3A_224, %add3A_314 : i32
          %get3A_316 = arith.index_cast %add3A_315 : i32 to index
          %get3A_317 = arith.constant 80 : index
          %get3A_318 = tpu.vector_load %arg15[%get3A_316, %get3A_317] {strides = array<i32>} : memref<40x128xf32, #tpu.memory_space<vmem>>, vector<16xf32>,
          %add3A_319 = arith.constant 0 : i32
          %add3A_320 = arith.addi %mul3A_224, %add3A_319 : i32
          %get3A_321 = arith.index_cast %add3A_320 : i32 to index
          %get3A_322 = arith.constant 80 : index
          %get3A_323 = tpu.vector_load %arg16[%get3A_321, %get3A_322] {strides = array<i32>} : memref<40x128xf32, #tpu.memory_space<vmem>>, vector<16xf32>,
          %add3A_324 = arith.addf %get3A_318, %get3A_323 : vector<16xf32>
          %mul3A_325 = arith.mulf %add3A_324, %gather3A_228 : vector<16xf32>
          %add3A_326 = arith.constant 0 : i32
          %add3A_327 = arith.addi %mul3A_224, %add3A_326 : i32
          %swap3A_328 = arith.index_cast %add3A_327 : i32 to index
          %swap3A_329 = arith.constant 80 : index
          %swap3A_330 = tpu.vector_load %arg21[%swap3A_328, %swap3A_329] {strides = array<i32>} : memref<40x128xf32, #tpu.memory_space<vmem>>, vector<16xf32>,
          tpu.vector_store %arg21[%swap3A_328, %swap3A_329], %mul3A_325 {strides = array<i32>} : memref<40x128xf32, #tpu.memory_space<vmem>>, vector<16xf32>,
          %add3A_331 = arith.constant 0 : i32
          %add3A_332 = arith.addi %mul3A_224, %add3A_331 : i32
          %get3A_333 = arith.index_cast %add3A_332 : i32 to index
          %get3A_334 = arith.constant 96 : index
          %get3A_335 = tpu.vector_load %arg15[%get3A_333, %get3A_334] {strides = array<i32>} : memref<40x128xf32, #tpu.memory_space<vmem>>, vector<16xf32>,
          %add3A_336 = arith.constant 0 : i32
          %add3A_337 = arith.addi %mul3A_224, %add3A_336 : i32
          %get3A_338 = arith.index_cast %add3A_337 : i32 to index
          %get3A_339 = arith.constant 96 : index
          %get3A_340 = tpu.vector_load %arg16[%get3A_338, %get3A_339] {strides = array<i32>} : memref<40x128xf32, #tpu.memory_space<vmem>>, vector<16xf32>,
          %add3A_341 = arith.addf %get3A_335, %get3A_340 : vector<16xf32>
          %mul3A_342 = arith.mulf %add3A_341, %gather3A_228 : vector<16xf32>
          %add3A_343 = arith.constant 0 : i32
          %add3A_344 = arith.addi %mul3A_224, %add3A_343 : i32
          %swap3A_345 = arith.index_cast %add3A_344 : i32 to index
          %swap3A_346 = arith.constant 96 : index
          %swap3A_347 = tpu.vector_load %arg21[%swap3A_345, %swap3A_346] {strides = array<i32>} : memref<40x128xf32, #tpu.memory_space<vmem>>, vector<16xf32>,
          tpu.vector_store %arg21[%swap3A_345, %swap3A_346], %mul3A_342 {strides = array<i32>} : memref<40x128xf32, #tpu.memory_space<vmem>>, vector<16xf32>,
          %add3A_348 = arith.constant 0 : i32
          %add3A_349 = arith.addi %mul3A_224, %add3A_348 : i32
          %get3A_350 = arith.index_cast %add3A_349 : i32 to index
          %get3A_351 = arith.constant 112 : index
          %get3A_352 = tpu.vector_load %arg15[%get3A_350, %get3A_351] {strides = array<i32>} : memref<40x128xf32, #tpu.memory_space<vmem>>, vector<16xf32>,
          %add3A_353 = arith.constant 0 : i32
          %add3A_354 = arith.addi %mul3A_224, %add3A_353 : i32
          %get3A_355 = arith.index_cast %add3A_354 : i32 to index
          %get3A_356 = arith.constant 112 : index
          %get3A_357 = tpu.vector_load %arg16[%get3A_355, %get3A_356] {strides = array<i32>} : memref<40x128xf32, #tpu.memory_space<vmem>>, vector<16xf32>,
          %add3A_358 = arith.addf %get3A_352, %get3A_357 : vector<16xf32>
          %mul3A_359 = arith.mulf %add3A_358, %gather3A_228 : vector<16xf32>
          %add3A_360 = arith.constant 0 : i32
          %add3A_361 = arith.addi %mul3A_224, %add3A_360 : i32
          %swap3A_362 = arith.index_cast %add3A_361 : i32 to index
          %swap3A_363 = arith.constant 112 : index
          %swap3A_364 = tpu.vector_load %arg21[%swap3A_362, %swap3A_363] {strides = array<i32>} : memref<40x128xf32, #tpu.memory_space<vmem>>, vector<16xf32>,
          tpu.vector_store %arg21[%swap3A_362, %swap3A_363], %mul3A_359 {strides = array<i32>} : memref<40x128xf32, #tpu.memory_space<vmem>>, vector<16xf32>,
          %add3A_365 = arith.addi %mul3A_170, %mul3A_224 : i32
          %add3A_366 = arith.constant 1 : i32
          %add3A_367 = arith.addi %add3A_365, %add3A_366 : i32
          %broadcast_in_dim3A_368 = vector.broadcast %add3A_367 : i32 to vector<16xi32>
          %gather3A_369 = tpu.vector_load_idx %arg13[%broadcast_in_dim3A_368] : memref<400xf32, #tpu.memory_space<vmem>>[vector<16xi32>], vector<16xf32>,
          %add3A_370 = arith.constant 1 : i32
          %add3A_371 = arith.addi %mul3A_224, %add3A_370 : i32
          %get3A_372 = arith.index_cast %add3A_371 : i32 to index
          %get3A_373 = arith.constant 0 : index
          %get3A_374 = tpu.vector_load %arg15[%get3A_372, %get3A_373] {strides = array<i32>} : memref<40x128xf32, #tpu.memory_space<vmem>>, vector<16xf32>,
          %add3A_375 = arith.constant 1 : i32
          %add3A_376 = arith.addi %mul3A_224, %add3A_375 : i32
          %get3A_377 = arith.index_cast %add3A_376 : i32 to index
          %get3A_378 = arith.constant 0 : index
          %get3A_379 = tpu.vector_load %arg16[%get3A_377, %get3A_378] {strides = array<i32>} : memref<40x128xf32, #tpu.memory_space<vmem>>, vector<16xf32>,
          %add3A_380 = arith.addf %get3A_374, %get3A_379 : vector<16xf32>
          %mul3A_381 = arith.mulf %add3A_380, %gather3A_369 : vector<16xf32>
          %add3A_382 = arith.constant 1 : i32
          %add3A_383 = arith.addi %mul3A_224, %add3A_382 : i32
          %swap3A_384 = arith.index_cast %add3A_383 : i32 to index
          %swap3A_385 = arith.constant 0 : index
          %swap3A_386 = tpu.vector_load %arg21[%swap3A_384, %swap3A_385] {strides = array<i32>} : memref<40x128xf32, #tpu.memory_space<vmem>>, vector<16xf32>,
          tpu.vector_store %arg21[%swap3A_384, %swap3A_385], %mul3A_381 {strides = array<i32>} : memref<40x128xf32, #tpu.memory_space<vmem>>, vector<16xf32>,
          %add3A_387 = arith.constant 1 : i32
          %add3A_388 = arith.addi %mul3A_224, %add3A_387 : i32
          %get3A_389 = arith.index_cast %add3A_388 : i32 to index
          %get3A_390 = arith.constant 16 : index
          %get3A_391 = tpu.vector_load %arg15[%get3A_389, %get3A_390] {strides = array<i32>} : memref<40x128xf32, #tpu.memory_space<vmem>>, vector<16xf32>,
          %add3A_392 = arith.constant 1 : i32
          %add3A_393 = arith.addi %mul3A_224, %add3A_392 : i32
          %get3A_394 = arith.index_cast %add3A_393 : i32 to index
          %get3A_395 = arith.constant 16 : index
          %get3A_396 = tpu.vector_load %arg16[%get3A_394, %get3A_395] {strides = array<i32>} : memref<40x128xf32, #tpu.memory_space<vmem>>, vector<16xf32>,
          %add3A_397 = arith.addf %get3A_391, %get3A_396 : vector<16xf32>
          %mul3A_398 = arith.mulf %add3A_397, %gather3A_369 : vector<16xf32>
          %add3A_399 = arith.constant 1 : i32
          %add3A_400 = arith.addi %mul3A_224, %add3A_399 : i32
          %swap3A_401 = arith.index_cast %add3A_400 : i32 to index
          %swap3A_402 = arith.constant 16 : index
          %swap3A_403 = tpu.vector_load %arg21[%swap3A_401, %swap3A_402] {strides = array<i32>} : memref<40x128xf32, #tpu.memory_space<vmem>>, vector<16xf32>,
          tpu.vector_store %arg21[%swap3A_401, %swap3A_402], %mul3A_398 {strides = array<i32>} : memref<40x128xf32, #tpu.memory_space<vmem>>, vector<16xf32>,
          %add3A_404 = arith.constant 1 : i32
          %add3A_405 = arith.addi %mul3A_224, %add3A_404 : i32
          %get3A_406 = arith.index_cast %add3A_405 : i32 to index
          %get3A_407 = arith.constant 32 : index
          %get3A_408 = tpu.vector_load %arg15[%get3A_406, %get3A_407] {strides = array<i32>} : memref<40x128xf32, #tpu.memory_space<vmem>>, vector<16xf32>,
          %add3A_409 = arith.constant 1 : i32
          %add3A_410 = arith.addi %mul3A_224, %add3A_409 : i32
          %get3A_411 = arith.index_cast %add3A_410 : i32 to index
          %get3A_412 = arith.constant 32 : index
          %get3A_413 = tpu.vector_load %arg16[%get3A_411, %get3A_412] {strides = array<i32>} : memref<40x128xf32, #tpu.memory_space<vmem>>, vector<16xf32>,
          %add3A_414 = arith.addf %get3A_408, %get3A_413 : vector<16xf32>
          %mul3A_415 = arith.mulf %add3A_414, %gather3A_369 : vector<16xf32>
          %add3A_416 = arith.constant 1 : i32
          %add3A_417 = arith.addi %mul3A_224, %add3A_416 : i32
          %swap3A_418 = arith.index_cast %add3A_417 : i32 to index
          %swap3A_419 = arith.constant 32 : index
          %swap3A_420 = tpu.vector_load %arg21[%swap3A_418, %swap3A_419] {strides = array<i32>} : memref<40x128xf32, #tpu.memory_space<vmem>>, vector<16xf32>,
          tpu.vector_store %arg21[%swap3A_418, %swap3A_419], %mul3A_415 {strides = array<i32>} : memref<40x128xf32, #tpu.memory_space<vmem>>, vector<16xf32>,
          %add3A_421 = arith.constant 1 : i32
          %add3A_422 = arith.addi %mul3A_224, %add3A_421 : i32
          %get3A_423 = arith.index_cast %add3A_422 : i32 to index
          %get3A_424 = arith.constant 48 : index
          %get3A_425 = tpu.vector_load %arg15[%get3A_423, %get3A_424] {strides = array<i32>} : memref<40x128xf32, #tpu.memory_space<vmem>>, vector<16xf32>,
          %add3A_426 = arith.constant 1 : i32
          %add3A_427 = arith.addi %mul3A_224, %add3A_426 : i32
          %get3A_428 = arith.index_cast %add3A_427 : i32 to index
          %get3A_429 = arith.constant 48 : index
          %get3A_430 = tpu.vector_load %arg16[%get3A_428, %get3A_429] {strides = array<i32>} : memref<40x128xf32, #tpu.memory_space<vmem>>, vector<16xf32>,
          %add3A_431 = arith.addf %get3A_425, %get3A_430 : vector<16xf32>
          %mul3A_432 = arith.mulf %add3A_431, %gather3A_369 : vector<16xf32>
          %add3A_433 = arith.constant 1 : i32
          %add3A_434 = arith.addi %mul3A_224, %add3A_433 : i32
          %swap3A_435 = arith.index_cast %add3A_434 : i32 to index
          %swap3A_436 = arith.constant 48 : index
          %swap3A_437 = tpu.vector_load %arg21[%swap3A_435, %swap3A_436] {strides = array<i32>} : memref<40x128xf32, #tpu.memory_space<vmem>>, vector<16xf32>,
          tpu.vector_store %arg21[%swap3A_435, %swap3A_436], %mul3A_432 {strides = array<i32>} : memref<40x128xf32, #tpu.memory_space<vmem>>, vector<16xf32>,
          %add3A_438 = arith.constant 1 : i32
          %add3A_439 = arith.addi %mul3A_224, %add3A_438 : i32
          %get3A_440 = arith.index_cast %add3A_439 : i32 to index
          %get3A_441 = arith.constant 64 : index
          %get3A_442 = tpu.vector_load %arg15[%get3A_440, %get3A_441] {strides = array<i32>} : memref<40x128xf32, #tpu.memory_space<vmem>>, vector<16xf32>,
          %add3A_443 = arith.constant 1 : i32
          %add3A_444 = arith.addi %mul3A_224, %add3A_443 : i32
          %get3A_445 = arith.index_cast %add3A_444 : i32 to index
          %get3A_446 = arith.constant 64 : index
          %get3A_447 = tpu.vector_load %arg16[%get3A_445, %get3A_446] {strides = array<i32>} : memref<40x128xf32, #tpu.memory_space<vmem>>, vector<16xf32>,
          %add3A_448 = arith.addf %get3A_442, %get3A_447 : vector<16xf32>
          %mul3A_449 = arith.mulf %add3A_448, %gather3A_369 : vector<16xf32>
          %add3A_450 = arith.constant 1 : i32
          %add3A_451 = arith.addi %mul3A_224, %add3A_450 : i32
          %swap3A_452 = arith.index_cast %add3A_451 : i32 to index
          %swap3A_453 = arith.constant 64 : index
          %swap3A_454 = tpu.vector_load %arg21[%swap3A_452, %swap3A_453] {strides = array<i32>} : memref<40x128xf32, #tpu.memory_space<vmem>>, vector<16xf32>,
          tpu.vector_store %arg21[%swap3A_452, %swap3A_453], %mul3A_449 {strides = array<i32>} : memref<40x128xf32, #tpu.memory_space<vmem>>, vector<16xf32>,
          %add3A_455 = arith.constant 1 : i32
          %add3A_456 = arith.addi %mul3A_224, %add3A_455 : i32
          %get3A_457 = arith.index_cast %add3A_456 : i32 to index
          %get3A_458 = arith.constant 80 : index
          %get3A_459 = tpu.vector_load %arg15[%get3A_457, %get3A_458] {strides = array<i32>} : memref<40x128xf32, #tpu.memory_space<vmem>>, vector<16xf32>,
          %add3A_460 = arith.constant 1 : i32
          %add3A_461 = arith.addi %mul3A_224, %add3A_460 : i32
          %get3A_462 = arith.index_cast %add3A_461 : i32 to index
          %get3A_463 = arith.constant 80 : index
          %get3A_464 = tpu.vector_load %arg16[%get3A_462, %get3A_463] {strides = array<i32>} : memref<40x128xf32, #tpu.memory_space<vmem>>, vector<16xf32>,
          %add3A_465 = arith.addf %get3A_459, %get3A_464 : vector<16xf32>
          %mul3A_466 = arith.mulf %add3A_465, %gather3A_369 : vector<16xf32>
          %add3A_467 = arith.constant 1 : i32
          %add3A_468 = arith.addi %mul3A_224, %add3A_467 : i32
          %swap3A_469 = arith.index_cast %add3A_468 : i32 to index
          %swap3A_470 = arith.constant 80 : index
          %swap3A_471 = tpu.vector_load %arg21[%swap3A_469, %swap3A_470] {strides = array<i32>} : memref<40x128xf32, #tpu.memory_space<vmem>>, vector<16xf32>,
          tpu.vector_store %arg21[%swap3A_469, %swap3A_470], %mul3A_466 {strides = array<i32>} : memref<40x128xf32, #tpu.memory_space<vmem>>, vector<16xf32>,
          %add3A_472 = arith.constant 1 : i32
          %add3A_473 = arith.addi %mul3A_224, %add3A_472 : i32
          %get3A_474 = arith.index_cast %add3A_473 : i32 to index
          %get3A_475 = arith.constant 96 : index
          %get3A_476 = tpu.vector_load %arg15[%get3A_474, %get3A_475] {strides = array<i32>} : memref<40x128xf32, #tpu.memory_space<vmem>>, vector<16xf32>,
          %add3A_477 = arith.constant 1 : i32
          %add3A_478 = arith.addi %mul3A_224, %add3A_477 : i32
          %get3A_479 = arith.index_cast %add3A_478 : i32 to index
          %get3A_480 = arith.constant 96 : index
          %get3A_481 = tpu.vector_load %arg16[%get3A_479, %get3A_480] {strides = array<i32>} : memref<40x128xf32, #tpu.memory_space<vmem>>, vector<16xf32>,
          %add3A_482 = arith.addf %get3A_476, %get3A_481 : vector<16xf32>
          %mul3A_483 = arith.mulf %add3A_482, %gather3A_369 : vector<16xf32>
          %add3A_484 = arith.constant 1 : i32
          %add3A_485 = arith.addi %mul3A_224, %add3A_484 : i32
          %swap3A_486 = arith.index_cast %add3A_485 : i32 to index
          %swap3A_487 = arith.constant 96 : index
          %swap3A_488 = tpu.vector_load %arg21[%swap3A_486, %swap3A_487] {strides = array<i32>} : memref<40x128xf32, #tpu.memory_space<vmem>>, vector<16xf32>,
          tpu.vector_store %arg21[%swap3A_486, %swap3A_487], %mul3A_483 {strides = array<i32>} : memref<40x128xf32, #tpu.memory_space<vmem>>, vector<16xf32>,
          %add3A_489 = arith.constant 1 : i32
          %add3A_490 = arith.addi %mul3A_224, %add3A_489 : i32
          %get3A_491 = arith.index_cast %add3A_490 : i32 to index
          %get3A_492 = arith.constant 112 : index
          %get3A_493 = tpu.vector_load %arg15[%get3A_491, %get3A_492] {strides = array<i32>} : memref<40x128xf32, #tpu.memory_space<vmem>>, vector<16xf32>,
          %add3A_494 = arith.constant 1 : i32
          %add3A_495 = arith.addi %mul3A_224, %add3A_494 : i32
          %get3A_496 = arith.index_cast %add3A_495 : i32 to index
          %get3A_497 = arith.constant 112 : index
          %get3A_498 = tpu.vector_load %arg16[%get3A_496, %get3A_497] {strides = array<i32>} : memref<40x128xf32, #tpu.memory_space<vmem>>, vector<16xf32>,
          %add3A_499 = arith.addf %get3A_493, %get3A_498 : vector<16xf32>
          %mul3A_500 = arith.mulf %add3A_499, %gather3A_369 : vector<16xf32>
          %add3A_501 = arith.constant 1 : i32
          %add3A_502 = arith.addi %mul3A_224, %add3A_501 : i32
          %swap3A_503 = arith.index_cast %add3A_502 : i32 to index
          %swap3A_504 = arith.constant 112 : index
          %swap3A_505 = tpu.vector_load %arg21[%swap3A_503, %swap3A_504] {strides = array<i32>} : memref<40x128xf32, #tpu.memory_space<vmem>>, vector<16xf32>,
          tpu.vector_store %arg21[%swap3A_503, %swap3A_504], %mul3A_500 {strides = array<i32>} : memref<40x128xf32, #tpu.memory_space<vmem>>, vector<16xf32>,
          %add3A_506 = arith.addi %mul3A_170, %mul3A_224 : i32
          %add3A_507 = arith.constant 2 : i32
          %add3A_508 = arith.addi %add3A_506, %add3A_507 : i32
          %broadcast_in_dim3A_509 = vector.broadcast %add3A_508 : i32 to vector<16xi32>
          %gather3A_510 = tpu.vector_load_idx %arg13[%broadcast_in_dim3A_509] : memref<400xf32, #tpu.memory_space<vmem>>[vector<16xi32>], vector<16xf32>,
          %add3A_511 = arith.constant 2 : i32
          %add3A_512 = arith.addi %mul3A_224, %add3A_511 : i32
          %get3A_513 = arith.index_cast %add3A_512 : i32 to index
          %get3A_514 = arith.constant 0 : index
          %get3A_515 = tpu.vector_load %arg15[%get3A_513, %get3A_514] {strides = array<i32>} : memref<40x128xf32, #tpu.memory_space<vmem>>, vector<16xf32>,
          %add3A_516 = arith.constant 2 : i32
          %add3A_517 = arith.addi %mul3A_224, %add3A_516 : i32
          %get3A_518 = arith.index_cast %add3A_517 : i32 to index
          %get3A_519 = arith.constant 0 : index
          %get3A_520 = tpu.vector_load %arg16[%get3A_518, %get3A_519] {strides = array<i32>} : memref<40x128xf32, #tpu.memory_space<vmem>>, vector<16xf32>,
          %add3A_521 = arith.addf %get3A_515, %get3A_520 : vector<16xf32>
          %mul3A_522 = arith.mulf %add3A_521, %gather3A_510 : vector<16xf32>
          %add3A_523 = arith.constant 2 : i32
          %add3A_524 = arith.addi %mul3A_224, %add3A_523 : i32
          %swap3A_525 = arith.index_cast %add3A_524 : i32 to index
          %swap3A_526 = arith.constant 0 : index
          %swap3A_527 = tpu.vector_load %arg21[%swap3A_525, %swap3A_526] {strides = array<i32>} : memref<40x128xf32, #tpu.memory_space<vmem>>, vector<16xf32>,
          tpu.vector_store %arg21[%swap3A_525, %swap3A_526], %mul3A_522 {strides = array<i32>} : memref<40x128xf32, #tpu.memory_space<vmem>>, vector<16xf32>,
          %add3A_528 = arith.constant 2 : i32
          %add3A_529 = arith.addi %mul3A_224, %add3A_528 : i32
          %get3A_530 = arith.index_cast %add3A_529 : i32 to index
          %get3A_531 = arith.constant 16 : index
          %get3A_532 = tpu.vector_load %arg15[%get3A_530, %get3A_531] {strides = array<i32>} : memref<40x128xf32, #tpu.memory_space<vmem>>, vector<16xf32>,
          %add3A_533 = arith.constant 2 : i32
          %add3A_534 = arith.addi %mul3A_224, %add3A_533 : i32
          %get3A_535 = arith.index_cast %add3A_534 : i32 to index
          %get3A_536 = arith.constant 16 : index
          %get3A_537 = tpu.vector_load %arg16[%get3A_535, %get3A_536] {strides = array<i32>} : memref<40x128xf32, #tpu.memory_space<vmem>>, vector<16xf32>,
          %add3A_538 = arith.addf %get3A_532, %get3A_537 : vector<16xf32>
          %mul3A_539 = arith.mulf %add3A_538, %gather3A_510 : vector<16xf32>
          %add3A_540 = arith.constant 2 : i32
          %add3A_541 = arith.addi %mul3A_224, %add3A_540 : i32
          %swap3A_542 = arith.index_cast %add3A_541 : i32 to index
          %swap3A_543 = arith.constant 16 : index
          %swap3A_544 = tpu.vector_load %arg21[%swap3A_542, %swap3A_543] {strides = array<i32>} : memref<40x128xf32, #tpu.memory_space<vmem>>, vector<16xf32>,
          tpu.vector_store %arg21[%swap3A_542, %swap3A_543], %mul3A_539 {strides = array<i32>} : memref<40x128xf32, #tpu.memory_space<vmem>>, vector<16xf32>,
          %add3A_545 = arith.constant 2 : i32
          %add3A_546 = arith.addi %mul3A_224, %add3A_545 : i32
          %get3A_547 = arith.index_cast %add3A_546 : i32 to index
          %get3A_548 = arith.constant 32 : index
          %get3A_549 = tpu.vector_load %arg15[%get3A_547, %get3A_548] {strides = array<i32>} : memref<40x128xf32, #tpu.memory_space<vmem>>, vector<16xf32>,
          %add3A_550 = arith.constant 2 : i32
          %add3A_551 = arith.addi %mul3A_224, %add3A_550 : i32
          %get3A_552 = arith.index_cast %add3A_551 : i32 to index
          %get3A_553 = arith.constant 32 : index
          %get3A_554 = tpu.vector_load %arg16[%get3A_552, %get3A_553] {strides = array<i32>} : memref<40x128xf32, #tpu.memory_space<vmem>>, vector<16xf32>,
          %add3A_555 = arith.addf %get3A_549, %get3A_554 : vector<16xf32>
          %mul3A_556 = arith.mulf %add3A_555, %gather3A_510 : vector<16xf32>
          %add3A_557 = arith.constant 2 : i32
          %add3A_558 = arith.addi %mul3A_224, %add3A_557 : i32
          %swap3A_559 = arith.index_cast %add3A_558 : i32 to index
          %swap3A_560 = arith.constant 32 : index
          %swap3A_561 = tpu.vector_load %arg21[%swap3A_559, %swap3A_560] {strides = array<i32>} : memref<40x128xf32, #tpu.memory_space<vmem>>, vector<16xf32>,
          tpu.vector_store %arg21[%swap3A_559, %swap3A_560], %mul3A_556 {strides = array<i32>} : memref<40x128xf32, #tpu.memory_space<vmem>>, vector<16xf32>,
          %add3A_562 = arith.constant 2 : i32
          %add3A_563 = arith.addi %mul3A_224, %add3A_562 : i32
          %get3A_564 = arith.index_cast %add3A_563 : i32 to index
          %get3A_565 = arith.constant 48 : index
          %get3A_566 = tpu.vector_load %arg15[%get3A_564, %get3A_565] {strides = array<i32>} : memref<40x128xf32, #tpu.memory_space<vmem>>, vector<16xf32>,
          %add3A_567 = arith.constant 2 : i32
          %add3A_568 = arith.addi %mul3A_224, %add3A_567 : i32
          %get3A_569 = arith.index_cast %add3A_568 : i32 to index
          %get3A_570 = arith.constant 48 : index
          %get3A_571 = tpu.vector_load %arg16[%get3A_569, %get3A_570] {strides = array<i32>} : memref<40x128xf32, #tpu.memory_space<vmem>>, vector<16xf32>,
          %add3A_572 = arith.addf %get3A_566, %get3A_571 : vector<16xf32>
          %mul3A_573 = arith.mulf %add3A_572, %gather3A_510 : vector<16xf32>
          %add3A_574 = arith.constant 2 : i32
          %add3A_575 = arith.addi %mul3A_224, %add3A_574 : i32
          %swap3A_576 = arith.index_cast %add3A_575 : i32 to index
          %swap3A_577 = arith.constant 48 : index
          %swap3A_578 = tpu.vector_load %arg21[%swap3A_576, %swap3A_577] {strides = array<i32>} : memref<40x128xf32, #tpu.memory_space<vmem>>, vector<16xf32>,
          tpu.vector_store %arg21[%swap3A_576, %swap3A_577], %mul3A_573 {strides = array<i32>} : memref<40x128xf32, #tpu.memory_space<vmem>>, vector<16xf32>,
          %add3A_579 = arith.constant 2 : i32
          %add3A_580 = arith.addi %mul3A_224, %add3A_579 : i32
          %get3A_581 = arith.index_cast %add3A_580 : i32 to index
          %get3A_582 = arith.constant 64 : index
          %get3A_583 = tpu.vector_load %arg15[%get3A_581, %get3A_582] {strides = array<i32>} : memref<40x128xf32, #tpu.memory_space<vmem>>, vector<16xf32>,
          %add3A_584 = arith.constant 2 : i32
          %add3A_585 = arith.addi %mul3A_224, %add3A_584 : i32
          %get3A_586 = arith.index_cast %add3A_585 : i32 to index
          %get3A_587 = arith.constant 64 : index
          %get3A_588 = tpu.vector_load %arg16[%get3A_586, %get3A_587] {strides = array<i32>} : memref<40x128xf32, #tpu.memory_space<vmem>>, vector<16xf32>,
          %add3A_589 = arith.addf %get3A_583, %get3A_588 : vector<16xf32>
          %mul3A_590 = arith.mulf %add3A_589, %gather3A_510 : vector<16xf32>
          %add3A_591 = arith.constant 2 : i32
          %add3A_592 = arith.addi %mul3A_224, %add3A_591 : i32
          %swap3A_593 = arith.index_cast %add3A_592 : i32 to index
          %swap3A_594 = arith.constant 64 : index
          %swap3A_595 = tpu.vector_load %arg21[%swap3A_593, %swap3A_594] {strides = array<i32>} : memref<40x128xf32, #tpu.memory_space<vmem>>, vector<16xf32>,
          tpu.vector_store %arg21[%swap3A_593, %swap3A_594], %mul3A_590 {strides = array<i32>} : memref<40x128xf32, #tpu.memory_space<vmem>>, vector<16xf32>,
          %add3A_596 = arith.constant 2 : i32
          %add3A_597 = arith.addi %mul3A_224, %add3A_596 : i32
          %get3A_598 = arith.index_cast %add3A_597 : i32 to index
          %get3A_599 = arith.constant 80 : index
          %get3A_600 = tpu.vector_load %arg15[%get3A_598, %get3A_599] {strides = array<i32>} : memref<40x128xf32, #tpu.memory_space<vmem>>, vector<16xf32>,
          %add3A_601 = arith.constant 2 : i32
          %add3A_602 = arith.addi %mul3A_224, %add3A_601 : i32
          %get3A_603 = arith.index_cast %add3A_602 : i32 to index
          %get3A_604 = arith.constant 80 : index
          %get3A_605 = tpu.vector_load %arg16[%get3A_603, %get3A_604] {strides = array<i32>} : memref<40x128xf32, #tpu.memory_space<vmem>>, vector<16xf32>,
          %add3A_606 = arith.addf %get3A_600, %get3A_605 : vector<16xf32>
          %mul3A_607 = arith.mulf %add3A_606, %gather3A_510 : vector<16xf32>
          %add3A_608 = arith.constant 2 : i32
          %add3A_609 = arith.addi %mul3A_224, %add3A_608 : i32
          %swap3A_610 = arith.index_cast %add3A_609 : i32 to index
          %swap3A_611 = arith.constant 80 : index
          %swap3A_612 = tpu.vector_load %arg21[%swap3A_610, %swap3A_611] {strides = array<i32>} : memref<40x128xf32, #tpu.memory_space<vmem>>, vector<16xf32>,
          tpu.vector_store %arg21[%swap3A_610, %swap3A_611], %mul3A_607 {strides = array<i32>} : memref<40x128xf32, #tpu.memory_space<vmem>>, vector<16xf32>,
          %add3A_613 = arith.constant 2 : i32
          %add3A_614 = arith.addi %mul3A_224, %add3A_613 : i32
          %get3A_615 = arith.index_cast %add3A_614 : i32 to index
          %get3A_616 = arith.constant 96 : index
          %get3A_617 = tpu.vector_load %arg15[%get3A_615, %get3A_616] {strides = array<i32>} : memref<40x128xf32, #tpu.memory_space<vmem>>, vector<16xf32>,
          %add3A_618 = arith.constant 2 : i32
          %add3A_619 = arith.addi %mul3A_224, %add3A_618 : i32
          %get3A_620 = arith.index_cast %add3A_619 : i32 to index
          %get3A_621 = arith.constant 96 : index
          %get3A_622 = tpu.vector_load %arg16[%get3A_620, %get3A_621] {strides = array<i32>} : memref<40x128xf32, #tpu.memory_space<vmem>>, vector<16xf32>,
          %add3A_623 = arith.addf %get3A_617, %get3A_622 : vector<16xf32>
          %mul3A_624 = arith.mulf %add3A_623, %gather3A_510 : vector<16xf32>
          %add3A_625 = arith.constant 2 : i32
          %add3A_626 = arith.addi %mul3A_224, %add3A_625 : i32
          %swap3A_627 = arith.index_cast %add3A_626 : i32 to index
          %swap3A_628 = arith.constant 96 : index
          %swap3A_629 = tpu.vector_load %arg21[%swap3A_627, %swap3A_628] {strides = array<i32>} : memref<40x128xf32, #tpu.memory_space<vmem>>, vector<16xf32>,
          tpu.vector_store %arg21[%swap3A_627, %swap3A_628], %mul3A_624 {strides = array<i32>} : memref<40x128xf32, #tpu.memory_space<vmem>>, vector<16xf32>,
          %add3A_630 = arith.constant 2 : i32
          %add3A_631 = arith.addi %mul3A_224, %add3A_630 : i32
          %get3A_632 = arith.index_cast %add3A_631 : i32 to index
          %get3A_633 = arith.constant 112 : index
          %get3A_634 = tpu.vector_load %arg15[%get3A_632, %get3A_633] {strides = array<i32>} : memref<40x128xf32, #tpu.memory_space<vmem>>, vector<16xf32>,
          %add3A_635 = arith.constant 2 : i32
          %add3A_636 = arith.addi %mul3A_224, %add3A_635 : i32
          %get3A_637 = arith.index_cast %add3A_636 : i32 to index
          %get3A_638 = arith.constant 112 : index
          %get3A_639 = tpu.vector_load %arg16[%get3A_637, %get3A_638] {strides = array<i32>} : memref<40x128xf32, #tpu.memory_space<vmem>>, vector<16xf32>,
          %add3A_640 = arith.addf %get3A_634, %get3A_639 : vector<16xf32>
          %mul3A_641 = arith.mulf %add3A_640, %gather3A_510 : vector<16xf32>
          %add3A_642 = arith.constant 2 : i32
          %add3A_643 = arith.addi %mul3A_224, %add3A_642 : i32
          %swap3A_644 = arith.index_cast %add3A_643 : i32 to index
          %swap3A_645 = arith.constant 112 : index
          %swap3A_646 = tpu.vector_load %arg21[%swap3A_644, %swap3A_645] {strides = array<i32>} : memref<40x128xf32, #tpu.memory_space<vmem>>, vector<16xf32>,
          tpu.vector_store %arg21[%swap3A_644, %swap3A_645], %mul3A_641 {strides = array<i32>} : memref<40x128xf32, #tpu.memory_space<vmem>>, vector<16xf32>,
          %add3A_647 = arith.addi %mul3A_170, %mul3A_224 : i32
          %add3A_648 = arith.constant 3 : i32
          %add3A_649 = arith.addi %add3A_647, %add3A_648 : i32
          %broadcast_in_dim3A_650 = vector.broadcast %add3A_649 : i32 to vector<16xi32>
          %gather3A_651 = tpu.vector_load_idx %arg13[%broadcast_in_dim3A_650] : memref<400xf32, #tpu.memory_space<vmem>>[vector<16xi32>], vector<16xf32>,
          %add3A_652 = arith.constant 3 : i32
          %add3A_653 = arith.addi %mul3A_224, %add3A_652 : i32
          %get3A_654 = arith.index_cast %add3A_653 : i32 to index
          %get3A_655 = arith.constant 0 : index
          %get3A_656 = tpu.vector_load %arg15[%get3A_654, %get3A_655] {strides = array<i32>} : memref<40x128xf32, #tpu.memory_space<vmem>>, vector<16xf32>,
          %add3A_657 = arith.constant 3 : i32
          %add3A_658 = arith.addi %mul3A_224, %add3A_657 : i32
          %get3A_659 = arith.index_cast %add3A_658 : i32 to index
          %get3A_660 = arith.constant 0 : index
          %get3A_661 = tpu.vector_load %arg16[%get3A_659, %get3A_660] {strides = array<i32>} : memref<40x128xf32, #tpu.memory_space<vmem>>, vector<16xf32>,
          %add3A_662 = arith.addf %get3A_656, %get3A_661 : vector<16xf32>
          %mul3A_663 = arith.mulf %add3A_662, %gather3A_651 : vector<16xf32>
          %add3A_664 = arith.constant 3 : i32
          %add3A_665 = arith.addi %mul3A_224, %add3A_664 : i32
          %swap3A_666 = arith.index_cast %add3A_665 : i32 to index
          %swap3A_667 = arith.constant 0 : index
          %swap3A_668 = tpu.vector_load %arg21[%swap3A_666, %swap3A_667] {strides = array<i32>} : memref<40x128xf32, #tpu.memory_space<vmem>>, vector<16xf32>,
          tpu.vector_store %arg21[%swap3A_666, %swap3A_667], %mul3A_663 {strides = array<i32>} : memref<40x128xf32, #tpu.memory_space<vmem>>, vector<16xf32>,
          %add3A_669 = arith.constant 3 : i32
          %add3A_670 = arith.addi %mul3A_224, %add3A_669 : i32
          %get3A_671 = arith.index_cast %add3A_670 : i32 to index
          %get3A_672 = arith.constant 16 : index
          %get3A_673 = tpu.vector_load %arg15[%get3A_671, %get3A_672] {strides = array<i32>} : memref<40x128xf32, #tpu.memory_space<vmem>>, vector<16xf32>,
          %add3A_674 = arith.constant 3 : i32
          %add3A_675 = arith.addi %mul3A_224, %add3A_674 : i32
          %get3A_676 = arith.index_cast %add3A_675 : i32 to index
          %get3A_677 = arith.constant 16 : index
          %get3A_678 = tpu.vector_load %arg16[%get3A_676, %get3A_677] {strides = array<i32>} : memref<40x128xf32, #tpu.memory_space<vmem>>, vector<16xf32>,
          %add3A_679 = arith.addf %get3A_673, %get3A_678 : vector<16xf32>
          %mul3A_680 = arith.mulf %add3A_679, %gather3A_651 : vector<16xf32>
          %add3A_681 = arith.constant 3 : i32
          %add3A_682 = arith.addi %mul3A_224, %add3A_681 : i32
          %swap3A_683 = arith.index_cast %add3A_682 : i32 to index
          %swap3A_684 = arith.constant 16 : index
          %swap3A_685 = tpu.vector_load %arg21[%swap3A_683, %swap3A_684] {strides = array<i32>} : memref<40x128xf32, #tpu.memory_space<vmem>>, vector<16xf32>,
          tpu.vector_store %arg21[%swap3A_683, %swap3A_684], %mul3A_680 {strides = array<i32>} : memref<40x128xf32, #tpu.memory_space<vmem>>, vector<16xf32>,
          %add3A_686 = arith.constant 3 : i32
          %add3A_687 = arith.addi %mul3A_224, %add3A_686 : i32
          %get3A_688 = arith.index_cast %add3A_687 : i32 to index
          %get3A_689 = arith.constant 32 : index
          %get3A_690 = tpu.vector_load %arg15[%get3A_688, %get3A_689] {strides = array<i32>} : memref<40x128xf32, #tpu.memory_space<vmem>>, vector<16xf32>,
          %add3A_691 = arith.constant 3 : i32
          %add3A_692 = arith.addi %mul3A_224, %add3A_691 : i32
          %get3A_693 = arith.index_cast %add3A_692 : i32 to index
          %get3A_694 = arith.constant 32 : index
          %get3A_695 = tpu.vector_load %arg16[%get3A_693, %get3A_694] {strides = array<i32>} : memref<40x128xf32, #tpu.memory_space<vmem>>, vector<16xf32>,
          %add3A_696 = arith.addf %get3A_690, %get3A_695 : vector<16xf32>
          %mul3A_697 = arith.mulf %add3A_696, %gather3A_651 : vector<16xf32>
          %add3A_698 = arith.constant 3 : i32
          %add3A_699 = arith.addi %mul3A_224, %add3A_698 : i32
          %swap3A_700 = arith.index_cast %add3A_699 : i32 to index
          %swap3A_701 = arith.constant 32 : index
          %swap3A_702 = tpu.vector_load %arg21[%swap3A_700, %swap3A_701] {strides = array<i32>} : memref<40x128xf32, #tpu.memory_space<vmem>>, vector<16xf32>,
          tpu.vector_store %arg21[%swap3A_700, %swap3A_701], %mul3A_697 {strides = array<i32>} : memref<40x128xf32, #tpu.memory_space<vmem>>, vector<16xf32>,
          %add3A_703 = arith.constant 3 : i32
          %add3A_704 = arith.addi %mul3A_224, %add3A_703 : i32
          %get3A_705 = arith.index_cast %add3A_704 : i32 to index
          %get3A_706 = arith.constant 48 : index
          %get3A_707 = tpu.vector_load %arg15[%get3A_705, %get3A_706] {strides = array<i32>} : memref<40x128xf32, #tpu.memory_space<vmem>>, vector<16xf32>,
          %add3A_708 = arith.constant 3 : i32
          %add3A_709 = arith.addi %mul3A_224, %add3A_708 : i32
          %get3A_710 = arith.index_cast %add3A_709 : i32 to index
          %get3A_711 = arith.constant 48 : index
          %get3A_712 = tpu.vector_load %arg16[%get3A_710, %get3A_711] {strides = array<i32>} : memref<40x128xf32, #tpu.memory_space<vmem>>, vector<16xf32>,
          %add3A_713 = arith.addf %get3A_707, %get3A_712 : vector<16xf32>
          %mul3A_714 = arith.mulf %add3A_713, %gather3A_651 : vector<16xf32>
          %add3A_715 = arith.constant 3 : i32
          %add3A_716 = arith.addi %mul3A_224, %add3A_715 : i32
          %swap3A_717 = arith.index_cast %add3A_716 : i32 to index
          %swap3A_718 = arith.constant 48 : index
          %swap3A_719 = tpu.vector_load %arg21[%swap3A_717, %swap3A_718] {strides = array<i32>} : memref<40x128xf32, #tpu.memory_space<vmem>>, vector<16xf32>,
          tpu.vector_store %arg21[%swap3A_717, %swap3A_718], %mul3A_714 {strides = array<i32>} : memref<40x128xf32, #tpu.memory_space<vmem>>, vector<16xf32>,
          %add3A_720 = arith.constant 3 : i32
          %add3A_721 = arith.addi %mul3A_224, %add3A_720 : i32
          %get3A_722 = arith.index_cast %add3A_721 : i32 to index
          %get3A_723 = arith.constant 64 : index
          %get3A_724 = tpu.vector_load %arg15[%get3A_722, %get3A_723] {strides = array<i32>} : memref<40x128xf32, #tpu.memory_space<vmem>>, vector<16xf32>,
          %add3A_725 = arith.constant 3 : i32
          %add3A_726 = arith.addi %mul3A_224, %add3A_725 : i32
          %get3A_727 = arith.index_cast %add3A_726 : i32 to index
          %get3A_728 = arith.constant 64 : index
          %get3A_729 = tpu.vector_load %arg16[%get3A_727, %get3A_728] {strides = array<i32>} : memref<40x128xf32, #tpu.memory_space<vmem>>, vector<16xf32>,
          %add3A_730 = arith.addf %get3A_724, %get3A_729 : vector<16xf32>
          %mul3A_731 = arith.mulf %add3A_730, %gather3A_651 : vector<16xf32>
          %add3A_732 = arith.constant 3 : i32
          %add3A_733 = arith.addi %mul3A_224, %add3A_732 : i32
          %swap3A_734 = arith.index_cast %add3A_733 : i32 to index
          %swap3A_735 = arith.constant 64 : index
          %swap3A_736 = tpu.vector_load %arg21[%swap3A_734, %swap3A_735] {strides = array<i32>} : memref<40x128xf32, #tpu.memory_space<vmem>>, vector<16xf32>,
          tpu.vector_store %arg21[%swap3A_734, %swap3A_735], %mul3A_731 {strides = array<i32>} : memref<40x128xf32, #tpu.memory_space<vmem>>, vector<16xf32>,
          %add3A_737 = arith.constant 3 : i32
          %add3A_738 = arith.addi %mul3A_224, %add3A_737 : i32
          %get3A_739 = arith.index_cast %add3A_738 : i32 to index
          %get3A_740 = arith.constant 80 : index
          %get3A_741 = tpu.vector_load %arg15[%get3A_739, %get3A_740] {strides = array<i32>} : memref<40x128xf32, #tpu.memory_space<vmem>>, vector<16xf32>,
          %add3A_742 = arith.constant 3 : i32
          %add3A_743 = arith.addi %mul3A_224, %add3A_742 : i32
          %get3A_744 = arith.index_cast %add3A_743 : i32 to index
          %get3A_745 = arith.constant 80 : index
          %get3A_746 = tpu.vector_load %arg16[%get3A_744, %get3A_745] {strides = array<i32>} : memref<40x128xf32, #tpu.memory_space<vmem>>, vector<16xf32>,
          %add3A_747 = arith.addf %get3A_741, %get3A_746 : vector<16xf32>
          %mul3A_748 = arith.mulf %add3A_747, %gather3A_651 : vector<16xf32>
          %add3A_749 = arith.constant 3 : i32
          %add3A_750 = arith.addi %mul3A_224, %add3A_749 : i32
          %swap3A_751 = arith.index_cast %add3A_750 : i32 to index
          %swap3A_752 = arith.constant 80 : index
          %swap3A_753 = tpu.vector_load %arg21[%swap3A_751, %swap3A_752] {strides = array<i32>} : memref<40x128xf32, #tpu.memory_space<vmem>>, vector<16xf32>,
          tpu.vector_store %arg21[%swap3A_751, %swap3A_752], %mul3A_748 {strides = array<i32>} : memref<40x128xf32, #tpu.memory_space<vmem>>, vector<16xf32>,
          %add3A_754 = arith.constant 3 : i32
          %add3A_755 = arith.addi %mul3A_224, %add3A_754 : i32
          %get3A_756 = arith.index_cast %add3A_755 : i32 to index
          %get3A_757 = arith.constant 96 : index
          %get3A_758 = tpu.vector_load %arg15[%get3A_756, %get3A_757] {strides = array<i32>} : memref<40x128xf32, #tpu.memory_space<vmem>>, vector<16xf32>,
          %add3A_759 = arith.constant 3 : i32
          %add3A_760 = arith.addi %mul3A_224, %add3A_759 : i32
          %get3A_761 = arith.index_cast %add3A_760 : i32 to index
          %get3A_762 = arith.constant 96 : index
          %get3A_763 = tpu.vector_load %arg16[%get3A_761, %get3A_762] {strides = array<i32>} : memref<40x128xf32, #tpu.memory_space<vmem>>, vector<16xf32>,
          %add3A_764 = arith.addf %get3A_758, %get3A_763 : vector<16xf32>
          %mul3A_765 = arith.mulf %add3A_764, %gather3A_651 : vector<16xf32>
          %add3A_766 = arith.constant 3 : i32
          %add3A_767 = arith.addi %mul3A_224, %add3A_766 : i32
          %swap3A_768 = arith.index_cast %add3A_767 : i32 to index
          %swap3A_769 = arith.constant 96 : index
          %swap3A_770 = tpu.vector_load %arg21[%swap3A_768, %swap3A_769] {strides = array<i32>} : memref<40x128xf32, #tpu.memory_space<vmem>>, vector<16xf32>,
          tpu.vector_store %arg21[%swap3A_768, %swap3A_769], %mul3A_765 {strides = array<i32>} : memref<40x128xf32, #tpu.memory_space<vmem>>, vector<16xf32>,
          %add3A_771 = arith.constant 3 : i32
          %add3A_772 = arith.addi %mul3A_224, %add3A_771 : i32
          %get3A_773 = arith.index_cast %add3A_772 : i32 to index
          %get3A_774 = arith.constant 112 : index
          %get3A_775 = tpu.vector_load %arg15[%get3A_773, %get3A_774] {strides = array<i32>} : memref<40x128xf32, #tpu.memory_space<vmem>>, vector<16xf32>,
          %add3A_776 = arith.constant 3 : i32
          %add3A_777 = arith.addi %mul3A_224, %add3A_776 : i32
          %get3A_778 = arith.index_cast %add3A_777 : i32 to index
          %get3A_779 = arith.constant 112 : index
          %get3A_780 = tpu.vector_load %arg16[%get3A_778, %get3A_779] {strides = array<i32>} : memref<40x128xf32, #tpu.memory_space<vmem>>, vector<16xf32>,
          %add3A_781 = arith.addf %get3A_775, %get3A_780 : vector<16xf32>
          %mul3A_782 = arith.mulf %add3A_781, %gather3A_651 : vector<16xf32>
          %add3A_783 = arith.constant 3 : i32
          %add3A_784 = arith.addi %mul3A_224, %add3A_783 : i32
          %swap3A_785 = arith.index_cast %add3A_784 : i32 to index
          %swap3A_786 = arith.constant 112 : index
          %swap3A_787 = tpu.vector_load %arg21[%swap3A_785, %swap3A_786] {strides = array<i32>} : memref<40x128xf32, #tpu.memory_space<vmem>>, vector<16xf32>,
          tpu.vector_store %arg21[%swap3A_785, %swap3A_786], %mul3A_782 {strides = array<i32>} : memref<40x128xf32, #tpu.memory_space<vmem>>, vector<16xf32>,
        }
        %scan3A_177 = arith.constant 10 : i32
        %dma_start3A_178 = arith.constant 0 : i32
        %dma_start3A_179 = arith.constant 0 : i32
        %dma_start3A_180 = tpu.memref_slice %arg23[%dma_start3A_178, %dma_start3A_179] : memref<10240x128xf32, #tpu.memory_space<vmem_shared>> -> memref<10240x128xf32, #tpu.memory_space<vmem_shared>>
        tpu.enqueue_indirect_dma source(%arg21 : memref<40x128xf32, #tpu.memory_space<vmem>>) target(%dma_start3A_180 : memref<10240x128xf32, #tpu.memory_space<vmem_shared>>) offsets(%arg17 : memref<40xi32, #tpu.memory_space<vmem>>) semaphore(%arg26 : memref<!tpu.dma_semaphore, #tpu.memory_space<semaphore_mem>>) {add = true}
        %dma_wait3A_181 = arith.constant 0 : i32
        %dma_wait3A_182 = arith.constant 0 : i32
        %dma_wait3A_183 = tpu.memref_slice %arg2[%dma_wait3A_181, %dma_wait3A_182] : memref<10000x128xf32, #tpu.memory_space<hbm>> -> memref<40x128xf32, #tpu.memory_space<hbm>>
        %dma_wait3A_184 = arith.constant 0 : i32
        %dma_wait3A_185 = arith.constant 0 : i32
        %dma_wait3A_186 = tpu.memref_slice %arg2[%dma_wait3A_184, %dma_wait3A_185] : memref<10000x128xf32, #tpu.memory_space<hbm>> -> memref<40x128xf32, #tpu.memory_space<hbm>>
        tpu.wait_dma2 semaphore(%arg25 : memref<!tpu.dma_semaphore, #tpu.memory_space<semaphore_mem>>) src(%dma_wait3A_186 : memref<40x128xf32, #tpu.memory_space<hbm>>) dst(%arg18 : memref<40x128xf32, #tpu.memory_space<vmem>>)
        %dma_wait3A_187 = arith.constant 0 : i32
        %dma_wait3A_188 = arith.constant 0 : i32
        %dma_wait3A_189 = tpu.memref_slice %arg2[%dma_wait3A_187, %dma_wait3A_188] : memref<10000x128xf32, #tpu.memory_space<hbm>> -> memref<40x128xf32, #tpu.memory_space<hbm>>
        %dma_wait3A_190 = arith.constant 0 : i32
        %dma_wait3A_191 = arith.constant 0 : i32
        %dma_wait3A_192 = tpu.memref_slice %arg2[%dma_wait3A_190, %dma_wait3A_191] : memref<10000x128xf32, #tpu.memory_space<hbm>> -> memref<40x128xf32, #tpu.memory_space<hbm>>
        tpu.wait_dma2 semaphore(%arg25 : memref<!tpu.dma_semaphore, #tpu.memory_space<semaphore_mem>>) src(%dma_wait3A_192 : memref<40x128xf32, #tpu.memory_space<hbm>>) dst(%arg19 : memref<40x128xf32, #tpu.memory_space<vmem>>)
        %dma_wait3A_193 = arith.constant 0 : i32
        %dma_wait3A_194 = tpu.memref_slice %arg5[%dma_wait3A_193] : memref<320000xi32, #tpu.memory_space<hbm>> -> memref<40xi32, #tpu.memory_space<hbm>>
        %dma_wait3A_195 = arith.constant 0 : i32
        %dma_wait3A_196 = tpu.memref_slice %arg5[%dma_wait3A_195] : memref<320000xi32, #tpu.memory_space<hbm>> -> memref<40xi32, #tpu.memory_space<hbm>>
        tpu.wait_dma2 semaphore(%arg25 : memref<!tpu.dma_semaphore, #tpu.memory_space<semaphore_mem>>) src(%dma_wait3A_196 : memref<40xi32, #tpu.memory_space<hbm>>) dst(%arg20 : memref<40xi32, #tpu.memory_space<vmem>>)
        %add3A_197 = arith.constant 2 : i32
        %add3A_198 = arith.addi %mul3A_136, %add3A_197 : i32
        %lt3A = arith.constant 10 : i32
        %lt3A_199 = arith.cmpi slt, %add3A_198, %lt3A : i32
        %convert_element_type3A_200 = arith.extui %lt3A_199 : i1 to i32
        %cond3A_201 = arith.constant 0 : i32
        %cond3A_202 = arith.cmpi ne, %convert_element_type3A_200, %cond3A_201 : i32
        scf.if %cond3A_202 {
          %add3A_222 = arith.constant 2 : i32
          %add3A_223 = arith.addi %mul3A_136, %add3A_222 : i32
          %mul3A_224 = arith.constant 40 : i32
          %mul3A_225 = arith.muli %add3A_223, %mul3A_224 : i32
          %dma_start3A_226 = tpu.memref_slice %arg10[%mul3A_225] : memref<400xi32, #tpu.memory_space<vmem>> -> memref<40xi32, #tpu.memory_space<vmem>>
          %dma_start3A_227 = arith.constant 0 : i32
          %dma_start3A_228 = arith.constant 0 : i32
          %dma_start3A_229 = tpu.memref_slice %arg2[%dma_start3A_227, %dma_start3A_228] : memref<10000x128xf32, #tpu.memory_space<hbm>> -> memref<10000x128xf32, #tpu.memory_space<hbm>>
          tpu.enqueue_indirect_dma source(%dma_start3A_229 : memref<10000x128xf32, #tpu.memory_space<hbm>>) target(%arg15 : memref<40x128xf32, #tpu.memory_space<vmem>>) offsets(%dma_start3A_226 : memref<40xi32, #tpu.memory_space<vmem>>) semaphore(%arg24 : memref<!tpu.dma_semaphore, #tpu.memory_space<semaphore_mem>>)
          %dma_start3A_230 = tpu.memref_slice %arg11[%mul3A_225] : memref<400xi32, #tpu.memory_space<vmem>> -> memref<40xi32, #tpu.memory_space<vmem>>
          %dma_start3A_231 = arith.constant 0 : i32
          %dma_start3A_232 = arith.constant 0 : i32
          %dma_start3A_233 = tpu.memref_slice %arg3[%dma_start3A_231, %dma_start3A_232] : memref<474x128xf32, #tpu.memory_space<hbm>> -> memref<474x128xf32, #tpu.memory_space<hbm>>
          tpu.enqueue_indirect_dma source(%dma_start3A_233 : memref<474x128xf32, #tpu.memory_space<hbm>>) target(%arg16 : memref<40x128xf32, #tpu.memory_space<vmem>>) offsets(%dma_start3A_230 : memref<40xi32, #tpu.memory_space<vmem>>) semaphore(%arg24 : memref<!tpu.dma_semaphore, #tpu.memory_space<semaphore_mem>>)
          %add3A_234 = arith.addi %add3A_82, %mul3A_225 : i32
          %dma_start3A_235 = tpu.memref_slice %arg5[%add3A_234] : memref<320000xi32, #tpu.memory_space<hbm>> -> memref<40xi32, #tpu.memory_space<hbm>>
          %dma_start3A_236 = tpu.memref_slice %arg5[%add3A_234] : memref<320000xi32, #tpu.memory_space<hbm>> -> memref<40xi32, #tpu.memory_space<hbm>>
          tpu.enqueue_dma source(%dma_start3A_236 : memref<40xi32, #tpu.memory_space<hbm>>) target(%arg17 : memref<40xi32, #tpu.memory_space<vmem>>) target_semaphore(%arg24 : memref<!tpu.dma_semaphore, #tpu.memory_space<semaphore_mem>>)
        } else {
        }
        %add3A_203 = arith.constant 1 : i32
        %add3A_204 = arith.addi %mul3A_136, %add3A_203 : i32
        %eq3A_205 = arith.constant 0 : i32
        %eq3A_206 = arith.cmpi eq, %scan3A_134, %eq3A_205 : i32
        %mul3A_207 = arith.constant 40 : i32
        %mul3A_208 = arith.muli %add3A_204, %mul3A_207 : i32
        %not3A_209 = arith.constant true
        %not3A_210 = arith.xori %eq3A_206, %not3A_209 : i1
        %convert_element_type3A_211 = arith.extui %not3A_210 : i1 to i32
        %cond3A_212 = arith.constant 0 : i32
        %cond3A_213 = arith.cmpi ne, %convert_element_type3A_211, %cond3A_212 : i32
        scf.if %cond3A_213 {
          %dma_wait3A_222 = arith.constant 0 : i32
          %dma_wait3A_223 = arith.constant 0 : i32
          %dma_wait3A_224 = arith.constant 0 : i32
          %dma_wait3A_225 = tpu.memref_slice %arg9[%dma_wait3A_222, %dma_wait3A_223, %dma_wait3A_224] : memref<2x10240x128xf32, #tpu.memory_space<hbm>> -> memref<1x40x128xf32, #tpu.memory_space<hbm>>
          %dma_wait3A_226 = tpu.memref_squeeze %dma_wait3A_225 : memref<1x40x128xf32, #tpu.memory_space<hbm>> -> memref<40x128xf32, #tpu.memory_space<hbm>>
          %dma_wait3A_227 = arith.constant 0 : i32
          %dma_wait3A_228 = arith.constant 0 : i32
          %dma_wait3A_229 = tpu.memref_slice %arg9[%dma_wait3A_222, %dma_wait3A_227, %dma_wait3A_228] : memref<2x10240x128xf32, #tpu.memory_space<hbm>> -> memref<1x40x128xf32, #tpu.memory_space<hbm>>
          %dma_wait3A_230 = tpu.memref_squeeze %dma_wait3A_229 : memref<1x40x128xf32, #tpu.memory_space<hbm>> -> memref<40x128xf32, #tpu.memory_space<hbm>>
          tpu.wait_dma2 semaphore(%arg27 : memref<!tpu.dma_semaphore, #tpu.memory_space<semaphore_mem>>) src(%dma_wait3A_230 : memref<40x128xf32, #tpu.memory_space<hbm>>) dst(%arg22 : memref<40x128xf32, #tpu.memory_space<vmem>>)
        } else {
        }
        %scan3A_214 = arith.constant 0 : i32
        %scan3A_215 = arith.constant 10 : i32
        %scan3A_216 = arith.addi %scan3A_214, %scan3A_215 : i32
        %scan3A_217 = arith.constant 1 : i32
        scf.for %scan3A_222 = %scan3A_214 to %scan3A_216 step %scan3A_217  : i32 {
          %mul3A_223 = arith.constant 4 : i32
          %mul3A_224 = arith.muli %scan3A_222, %mul3A_223 : i32
          %add3A_225 = arith.addi %mul3A_208, %mul3A_224 : i32
          %add3A_226 = arith.constant 0 : i32
          %add3A_227 = arith.addi %add3A_225, %add3A_226 : i32
          %broadcast_in_dim3A = vector.broadcast %add3A_227 : i32 to vector<16xi32>
          %gather3A_228 = tpu.vector_load_idx %arg13[%broadcast_in_dim3A] : memref<400xf32, #tpu.memory_space<vmem>>[vector<16xi32>], vector<16xf32>,
          %add3A_229 = arith.constant 0 : i32
          %add3A_230 = arith.addi %mul3A_224, %add3A_229 : i32
          %get3A_231 = arith.index_cast %add3A_230 : i32 to index
          %get3A_232 = arith.constant 0 : index
          %get3A_233 = tpu.vector_load %arg18[%get3A_231, %get3A_232] {strides = array<i32>} : memref<40x128xf32, #tpu.memory_space<vmem>>, vector<16xf32>,
          %add3A_234 = arith.constant 0 : i32
          %add3A_235 = arith.addi %mul3A_224, %add3A_234 : i32
          %get3A_236 = arith.index_cast %add3A_235 : i32 to index
          %get3A_237 = arith.constant 0 : index
          %get3A_238 = tpu.vector_load %arg19[%get3A_236, %get3A_237] {strides = array<i32>} : memref<40x128xf32, #tpu.memory_space<vmem>>, vector<16xf32>,
          %add3A_239 = arith.addf %get3A_233, %get3A_238 : vector<16xf32>
          %mul3A_240 = arith.mulf %add3A_239, %gather3A_228 : vector<16xf32>
          %add3A_241 = arith.constant 0 : i32
          %add3A_242 = arith.addi %mul3A_224, %add3A_241 : i32
          %swap3A_243 = arith.index_cast %add3A_242 : i32 to index
          %swap3A_244 = arith.constant 0 : index
          %swap3A_245 = tpu.vector_load %arg22[%swap3A_243, %swap3A_244] {strides = array<i32>} : memref<40x128xf32, #tpu.memory_space<vmem>>, vector<16xf32>,
          tpu.vector_store %arg22[%swap3A_243, %swap3A_244], %mul3A_240 {strides = array<i32>} : memref<40x128xf32, #tpu.memory_space<vmem>>, vector<16xf32>,
          %add3A_246 = arith.constant 0 : i32
          %add3A_247 = arith.addi %mul3A_224, %add3A_246 : i32
          %get3A_248 = arith.index_cast %add3A_247 : i32 to index
          %get3A_249 = arith.constant 16 : index
          %get3A_250 = tpu.vector_load %arg18[%get3A_248, %get3A_249] {strides = array<i32>} : memref<40x128xf32, #tpu.memory_space<vmem>>, vector<16xf32>,
          %add3A_251 = arith.constant 0 : i32
          %add3A_252 = arith.addi %mul3A_224, %add3A_251 : i32
          %get3A_253 = arith.index_cast %add3A_252 : i32 to index
          %get3A_254 = arith.constant 16 : index
          %get3A_255 = tpu.vector_load %arg19[%get3A_253, %get3A_254] {strides = array<i32>} : memref<40x128xf32, #tpu.memory_space<vmem>>, vector<16xf32>,
          %add3A_256 = arith.addf %get3A_250, %get3A_255 : vector<16xf32>
          %mul3A_257 = arith.mulf %add3A_256, %gather3A_228 : vector<16xf32>
          %add3A_258 = arith.constant 0 : i32
          %add3A_259 = arith.addi %mul3A_224, %add3A_258 : i32
          %swap3A_260 = arith.index_cast %add3A_259 : i32 to index
          %swap3A_261 = arith.constant 16 : index
          %swap3A_262 = tpu.vector_load %arg22[%swap3A_260, %swap3A_261] {strides = array<i32>} : memref<40x128xf32, #tpu.memory_space<vmem>>, vector<16xf32>,
          tpu.vector_store %arg22[%swap3A_260, %swap3A_261], %mul3A_257 {strides = array<i32>} : memref<40x128xf32, #tpu.memory_space<vmem>>, vector<16xf32>,
          %add3A_263 = arith.constant 0 : i32
          %add3A_264 = arith.addi %mul3A_224, %add3A_263 : i32
          %get3A_265 = arith.index_cast %add3A_264 : i32 to index
          %get3A_266 = arith.constant 32 : index
          %get3A_267 = tpu.vector_load %arg18[%get3A_265, %get3A_266] {strides = array<i32>} : memref<40x128xf32, #tpu.memory_space<vmem>>, vector<16xf32>,
          %add3A_268 = arith.constant 0 : i32
          %add3A_269 = arith.addi %mul3A_224, %add3A_268 : i32
          %get3A_270 = arith.index_cast %add3A_269 : i32 to index
          %get3A_271 = arith.constant 32 : index
          %get3A_272 = tpu.vector_load %arg19[%get3A_270, %get3A_271] {strides = array<i32>} : memref<40x128xf32, #tpu.memory_space<vmem>>, vector<16xf32>,
          %add3A_273 = arith.addf %get3A_267, %get3A_272 : vector<16xf32>
          %mul3A_274 = arith.mulf %add3A_273, %gather3A_228 : vector<16xf32>
          %add3A_275 = arith.constant 0 : i32
          %add3A_276 = arith.addi %mul3A_224, %add3A_275 : i32
          %swap3A_277 = arith.index_cast %add3A_276 : i32 to index
          %swap3A_278 = arith.constant 32 : index
          %swap3A_279 = tpu.vector_load %arg22[%swap3A_277, %swap3A_278] {strides = array<i32>} : memref<40x128xf32, #tpu.memory_space<vmem>>, vector<16xf32>,
          tpu.vector_store %arg22[%swap3A_277, %swap3A_278], %mul3A_274 {strides = array<i32>} : memref<40x128xf32, #tpu.memory_space<vmem>>, vector<16xf32>,
          %add3A_280 = arith.constant 0 : i32
          %add3A_281 = arith.addi %mul3A_224, %add3A_280 : i32
          %get3A_282 = arith.index_cast %add3A_281 : i32 to index
          %get3A_283 = arith.constant 48 : index
          %get3A_284 = tpu.vector_load %arg18[%get3A_282, %get3A_283] {strides = array<i32>} : memref<40x128xf32, #tpu.memory_space<vmem>>, vector<16xf32>,
          %add3A_285 = arith.constant 0 : i32
          %add3A_286 = arith.addi %mul3A_224, %add3A_285 : i32
          %get3A_287 = arith.index_cast %add3A_286 : i32 to index
          %get3A_288 = arith.constant 48 : index
          %get3A_289 = tpu.vector_load %arg19[%get3A_287, %get3A_288] {strides = array<i32>} : memref<40x128xf32, #tpu.memory_space<vmem>>, vector<16xf32>,
          %add3A_290 = arith.addf %get3A_284, %get3A_289 : vector<16xf32>
          %mul3A_291 = arith.mulf %add3A_290, %gather3A_228 : vector<16xf32>
          %add3A_292 = arith.constant 0 : i32
          %add3A_293 = arith.addi %mul3A_224, %add3A_292 : i32
          %swap3A_294 = arith.index_cast %add3A_293 : i32 to index
          %swap3A_295 = arith.constant 48 : index
          %swap3A_296 = tpu.vector_load %arg22[%swap3A_294, %swap3A_295] {strides = array<i32>} : memref<40x128xf32, #tpu.memory_space<vmem>>, vector<16xf32>,
          tpu.vector_store %arg22[%swap3A_294, %swap3A_295], %mul3A_291 {strides = array<i32>} : memref<40x128xf32, #tpu.memory_space<vmem>>, vector<16xf32>,
          %add3A_297 = arith.constant 0 : i32
          %add3A_298 = arith.addi %mul3A_224, %add3A_297 : i32
          %get3A_299 = arith.index_cast %add3A_298 : i32 to index
          %get3A_300 = arith.constant 64 : index
          %get3A_301 = tpu.vector_load %arg18[%get3A_299, %get3A_300] {strides = array<i32>} : memref<40x128xf32, #tpu.memory_space<vmem>>, vector<16xf32>,
          %add3A_302 = arith.constant 0 : i32
          %add3A_303 = arith.addi %mul3A_224, %add3A_302 : i32
          %get3A_304 = arith.index_cast %add3A_303 : i32 to index
          %get3A_305 = arith.constant 64 : index
          %get3A_306 = tpu.vector_load %arg19[%get3A_304, %get3A_305] {strides = array<i32>} : memref<40x128xf32, #tpu.memory_space<vmem>>, vector<16xf32>,
          %add3A_307 = arith.addf %get3A_301, %get3A_306 : vector<16xf32>
          %mul3A_308 = arith.mulf %add3A_307, %gather3A_228 : vector<16xf32>
          %add3A_309 = arith.constant 0 : i32
          %add3A_310 = arith.addi %mul3A_224, %add3A_309 : i32
          %swap3A_311 = arith.index_cast %add3A_310 : i32 to index
          %swap3A_312 = arith.constant 64 : index
          %swap3A_313 = tpu.vector_load %arg22[%swap3A_311, %swap3A_312] {strides = array<i32>} : memref<40x128xf32, #tpu.memory_space<vmem>>, vector<16xf32>,
          tpu.vector_store %arg22[%swap3A_311, %swap3A_312], %mul3A_308 {strides = array<i32>} : memref<40x128xf32, #tpu.memory_space<vmem>>, vector<16xf32>,
          %add3A_314 = arith.constant 0 : i32
          %add3A_315 = arith.addi %mul3A_224, %add3A_314 : i32
          %get3A_316 = arith.index_cast %add3A_315 : i32 to index
          %get3A_317 = arith.constant 80 : index
          %get3A_318 = tpu.vector_load %arg18[%get3A_316, %get3A_317] {strides = array<i32>} : memref<40x128xf32, #tpu.memory_space<vmem>>, vector<16xf32>,
          %add3A_319 = arith.constant 0 : i32
          %add3A_320 = arith.addi %mul3A_224, %add3A_319 : i32
          %get3A_321 = arith.index_cast %add3A_320 : i32 to index
          %get3A_322 = arith.constant 80 : index
          %get3A_323 = tpu.vector_load %arg19[%get3A_321, %get3A_322] {strides = array<i32>} : memref<40x128xf32, #tpu.memory_space<vmem>>, vector<16xf32>,
          %add3A_324 = arith.addf %get3A_318, %get3A_323 : vector<16xf32>
          %mul3A_325 = arith.mulf %add3A_324, %gather3A_228 : vector<16xf32>
          %add3A_326 = arith.constant 0 : i32
          %add3A_327 = arith.addi %mul3A_224, %add3A_326 : i32
          %swap3A_328 = arith.index_cast %add3A_327 : i32 to index
          %swap3A_329 = arith.constant 80 : index
          %swap3A_330 = tpu.vector_load %arg22[%swap3A_328, %swap3A_329] {strides = array<i32>} : memref<40x128xf32, #tpu.memory_space<vmem>>, vector<16xf32>,
          tpu.vector_store %arg22[%swap3A_328, %swap3A_329], %mul3A_325 {strides = array<i32>} : memref<40x128xf32, #tpu.memory_space<vmem>>, vector<16xf32>,
          %add3A_331 = arith.constant 0 : i32
          %add3A_332 = arith.addi %mul3A_224, %add3A_331 : i32
          %get3A_333 = arith.index_cast %add3A_332 : i32 to index
          %get3A_334 = arith.constant 96 : index
          %get3A_335 = tpu.vector_load %arg18[%get3A_333, %get3A_334] {strides = array<i32>} : memref<40x128xf32, #tpu.memory_space<vmem>>, vector<16xf32>,
          %add3A_336 = arith.constant 0 : i32
          %add3A_337 = arith.addi %mul3A_224, %add3A_336 : i32
          %get3A_338 = arith.index_cast %add3A_337 : i32 to index
          %get3A_339 = arith.constant 96 : index
          %get3A_340 = tpu.vector_load %arg19[%get3A_338, %get3A_339] {strides = array<i32>} : memref<40x128xf32, #tpu.memory_space<vmem>>, vector<16xf32>,
          %add3A_341 = arith.addf %get3A_335, %get3A_340 : vector<16xf32>
          %mul3A_342 = arith.mulf %add3A_341, %gather3A_228 : vector<16xf32>
          %add3A_343 = arith.constant 0 : i32
          %add3A_344 = arith.addi %mul3A_224, %add3A_343 : i32
          %swap3A_345 = arith.index_cast %add3A_344 : i32 to index
          %swap3A_346 = arith.constant 96 : index
          %swap3A_347 = tpu.vector_load %arg22[%swap3A_345, %swap3A_346] {strides = array<i32>} : memref<40x128xf32, #tpu.memory_space<vmem>>, vector<16xf32>,
          tpu.vector_store %arg22[%swap3A_345, %swap3A_346], %mul3A_342 {strides = array<i32>} : memref<40x128xf32, #tpu.memory_space<vmem>>, vector<16xf32>,
          %add3A_348 = arith.constant 0 : i32
          %add3A_349 = arith.addi %mul3A_224, %add3A_348 : i32
          %get3A_350 = arith.index_cast %add3A_349 : i32 to index
          %get3A_351 = arith.constant 112 : index
          %get3A_352 = tpu.vector_load %arg18[%get3A_350, %get3A_351] {strides = array<i32>} : memref<40x128xf32, #tpu.memory_space<vmem>>, vector<16xf32>,
          %add3A_353 = arith.constant 0 : i32
          %add3A_354 = arith.addi %mul3A_224, %add3A_353 : i32
          %get3A_355 = arith.index_cast %add3A_354 : i32 to index
          %get3A_356 = arith.constant 112 : index
          %get3A_357 = tpu.vector_load %arg19[%get3A_355, %get3A_356] {strides = array<i32>} : memref<40x128xf32, #tpu.memory_space<vmem>>, vector<16xf32>,
          %add3A_358 = arith.addf %get3A_352, %get3A_357 : vector<16xf32>
          %mul3A_359 = arith.mulf %add3A_358, %gather3A_228 : vector<16xf32>
          %add3A_360 = arith.constant 0 : i32
          %add3A_361 = arith.addi %mul3A_224, %add3A_360 : i32
          %swap3A_362 = arith.index_cast %add3A_361 : i32 to index
          %swap3A_363 = arith.constant 112 : index
          %swap3A_364 = tpu.vector_load %arg22[%swap3A_362, %swap3A_363] {strides = array<i32>} : memref<40x128xf32, #tpu.memory_space<vmem>>, vector<16xf32>,
          tpu.vector_store %arg22[%swap3A_362, %swap3A_363], %mul3A_359 {strides = array<i32>} : memref<40x128xf32, #tpu.memory_space<vmem>>, vector<16xf32>,
          %add3A_365 = arith.addi %mul3A_208, %mul3A_224 : i32
          %add3A_366 = arith.constant 1 : i32
          %add3A_367 = arith.addi %add3A_365, %add3A_366 : i32
          %broadcast_in_dim3A_368 = vector.broadcast %add3A_367 : i32 to vector<16xi32>
          %gather3A_369 = tpu.vector_load_idx %arg13[%broadcast_in_dim3A_368] : memref<400xf32, #tpu.memory_space<vmem>>[vector<16xi32>], vector<16xf32>,
          %add3A_370 = arith.constant 1 : i32
          %add3A_371 = arith.addi %mul3A_224, %add3A_370 : i32
          %get3A_372 = arith.index_cast %add3A_371 : i32 to index
          %get3A_373 = arith.constant 0 : index
          %get3A_374 = tpu.vector_load %arg18[%get3A_372, %get3A_373] {strides = array<i32>} : memref<40x128xf32, #tpu.memory_space<vmem>>, vector<16xf32>,
          %add3A_375 = arith.constant 1 : i32
          %add3A_376 = arith.addi %mul3A_224, %add3A_375 : i32
          %get3A_377 = arith.index_cast %add3A_376 : i32 to index
          %get3A_378 = arith.constant 0 : index
          %get3A_379 = tpu.vector_load %arg19[%get3A_377, %get3A_378] {strides = array<i32>} : memref<40x128xf32, #tpu.memory_space<vmem>>, vector<16xf32>,
          %add3A_380 = arith.addf %get3A_374, %get3A_379 : vector<16xf32>
          %mul3A_381 = arith.mulf %add3A_380, %gather3A_369 : vector<16xf32>
          %add3A_382 = arith.constant 1 : i32
          %add3A_383 = arith.addi %mul3A_224, %add3A_382 : i32
          %swap3A_384 = arith.index_cast %add3A_383 : i32 to index
          %swap3A_385 = arith.constant 0 : index
          %swap3A_386 = tpu.vector_load %arg22[%swap3A_384, %swap3A_385] {strides = array<i32>} : memref<40x128xf32, #tpu.memory_space<vmem>>, vector<16xf32>,
          tpu.vector_store %arg22[%swap3A_384, %swap3A_385], %mul3A_381 {strides = array<i32>} : memref<40x128xf32, #tpu.memory_space<vmem>>, vector<16xf32>,
          %add3A_387 = arith.constant 1 : i32
          %add3A_388 = arith.addi %mul3A_224, %add3A_387 : i32
          %get3A_389 = arith.index_cast %add3A_388 : i32 to index
          %get3A_390 = arith.constant 16 : index
          %get3A_391 = tpu.vector_load %arg18[%get3A_389, %get3A_390] {strides = array<i32>} : memref<40x128xf32, #tpu.memory_space<vmem>>, vector<16xf32>,
          %add3A_392 = arith.constant 1 : i32
          %add3A_393 = arith.addi %mul3A_224, %add3A_392 : i32
          %get3A_394 = arith.index_cast %add3A_393 : i32 to index
          %get3A_395 = arith.constant 16 : index
          %get3A_396 = tpu.vector_load %arg19[%get3A_394, %get3A_395] {strides = array<i32>} : memref<40x128xf32, #tpu.memory_space<vmem>>, vector<16xf32>,
          %add3A_397 = arith.addf %get3A_391, %get3A_396 : vector<16xf32>
          %mul3A_398 = arith.mulf %add3A_397, %gather3A_369 : vector<16xf32>
          %add3A_399 = arith.constant 1 : i32
          %add3A_400 = arith.addi %mul3A_224, %add3A_399 : i32
          %swap3A_401 = arith.index_cast %add3A_400 : i32 to index
          %swap3A_402 = arith.constant 16 : index
          %swap3A_403 = tpu.vector_load %arg22[%swap3A_401, %swap3A_402] {strides = array<i32>} : memref<40x128xf32, #tpu.memory_space<vmem>>, vector<16xf32>,
          tpu.vector_store %arg22[%swap3A_401, %swap3A_402], %mul3A_398 {strides = array<i32>} : memref<40x128xf32, #tpu.memory_space<vmem>>, vector<16xf32>,
          %add3A_404 = arith.constant 1 : i32
          %add3A_405 = arith.addi %mul3A_224, %add3A_404 : i32
          %get3A_406 = arith.index_cast %add3A_405 : i32 to index
          %get3A_407 = arith.constant 32 : index
          %get3A_408 = tpu.vector_load %arg18[%get3A_406, %get3A_407] {strides = array<i32>} : memref<40x128xf32, #tpu.memory_space<vmem>>, vector<16xf32>,
          %add3A_409 = arith.constant 1 : i32
          %add3A_410 = arith.addi %mul3A_224, %add3A_409 : i32
          %get3A_411 = arith.index_cast %add3A_410 : i32 to index
          %get3A_412 = arith.constant 32 : index
          %get3A_413 = tpu.vector_load %arg19[%get3A_411, %get3A_412] {strides = array<i32>} : memref<40x128xf32, #tpu.memory_space<vmem>>, vector<16xf32>,
          %add3A_414 = arith.addf %get3A_408, %get3A_413 : vector<16xf32>
          %mul3A_415 = arith.mulf %add3A_414, %gather3A_369 : vector<16xf32>
          %add3A_416 = arith.constant 1 : i32
          %add3A_417 = arith.addi %mul3A_224, %add3A_416 : i32
          %swap3A_418 = arith.index_cast %add3A_417 : i32 to index
          %swap3A_419 = arith.constant 32 : index
          %swap3A_420 = tpu.vector_load %arg22[%swap3A_418, %swap3A_419] {strides = array<i32>} : memref<40x128xf32, #tpu.memory_space<vmem>>, vector<16xf32>,
          tpu.vector_store %arg22[%swap3A_418, %swap3A_419], %mul3A_415 {strides = array<i32>} : memref<40x128xf32, #tpu.memory_space<vmem>>, vector<16xf32>,
          %add3A_421 = arith.constant 1 : i32
          %add3A_422 = arith.addi %mul3A_224, %add3A_421 : i32
          %get3A_423 = arith.index_cast %add3A_422 : i32 to index
          %get3A_424 = arith.constant 48 : index
          %get3A_425 = tpu.vector_load %arg18[%get3A_423, %get3A_424] {strides = array<i32>} : memref<40x128xf32, #tpu.memory_space<vmem>>, vector<16xf32>,
          %add3A_426 = arith.constant 1 : i32
          %add3A_427 = arith.addi %mul3A_224, %add3A_426 : i32
          %get3A_428 = arith.index_cast %add3A_427 : i32 to index
          %get3A_429 = arith.constant 48 : index
          %get3A_430 = tpu.vector_load %arg19[%get3A_428, %get3A_429] {strides = array<i32>} : memref<40x128xf32, #tpu.memory_space<vmem>>, vector<16xf32>,
          %add3A_431 = arith.addf %get3A_425, %get3A_430 : vector<16xf32>
          %mul3A_432 = arith.mulf %add3A_431, %gather3A_369 : vector<16xf32>
          %add3A_433 = arith.constant 1 : i32
          %add3A_434 = arith.addi %mul3A_224, %add3A_433 : i32
          %swap3A_435 = arith.index_cast %add3A_434 : i32 to index
          %swap3A_436 = arith.constant 48 : index
          %swap3A_437 = tpu.vector_load %arg22[%swap3A_435, %swap3A_436] {strides = array<i32>} : memref<40x128xf32, #tpu.memory_space<vmem>>, vector<16xf32>,
          tpu.vector_store %arg22[%swap3A_435, %swap3A_436], %mul3A_432 {strides = array<i32>} : memref<40x128xf32, #tpu.memory_space<vmem>>, vector<16xf32>,
          %add3A_438 = arith.constant 1 : i32
          %add3A_439 = arith.addi %mul3A_224, %add3A_438 : i32
          %get3A_440 = arith.index_cast %add3A_439 : i32 to index
          %get3A_441 = arith.constant 64 : index
          %get3A_442 = tpu.vector_load %arg18[%get3A_440, %get3A_441] {strides = array<i32>} : memref<40x128xf32, #tpu.memory_space<vmem>>, vector<16xf32>,
          %add3A_443 = arith.constant 1 : i32
          %add3A_444 = arith.addi %mul3A_224, %add3A_443 : i32
          %get3A_445 = arith.index_cast %add3A_444 : i32 to index
          %get3A_446 = arith.constant 64 : index
          %get3A_447 = tpu.vector_load %arg19[%get3A_445, %get3A_446] {strides = array<i32>} : memref<40x128xf32, #tpu.memory_space<vmem>>, vector<16xf32>,
          %add3A_448 = arith.addf %get3A_442, %get3A_447 : vector<16xf32>
          %mul3A_449 = arith.mulf %add3A_448, %gather3A_369 : vector<16xf32>
          %add3A_450 = arith.constant 1 : i32
          %add3A_451 = arith.addi %mul3A_224, %add3A_450 : i32
          %swap3A_452 = arith.index_cast %add3A_451 : i32 to index
          %swap3A_453 = arith.constant 64 : index
          %swap3A_454 = tpu.vector_load %arg22[%swap3A_452, %swap3A_453] {strides = array<i32>} : memref<40x128xf32, #tpu.memory_space<vmem>>, vector<16xf32>,
          tpu.vector_store %arg22[%swap3A_452, %swap3A_453], %mul3A_449 {strides = array<i32>} : memref<40x128xf32, #tpu.memory_space<vmem>>, vector<16xf32>,
          %add3A_455 = arith.constant 1 : i32
          %add3A_456 = arith.addi %mul3A_224, %add3A_455 : i32
          %get3A_457 = arith.index_cast %add3A_456 : i32 to index
          %get3A_458 = arith.constant 80 : index
          %get3A_459 = tpu.vector_load %arg18[%get3A_457, %get3A_458] {strides = array<i32>} : memref<40x128xf32, #tpu.memory_space<vmem>>, vector<16xf32>,
          %add3A_460 = arith.constant 1 : i32
          %add3A_461 = arith.addi %mul3A_224, %add3A_460 : i32
          %get3A_462 = arith.index_cast %add3A_461 : i32 to index
          %get3A_463 = arith.constant 80 : index
          %get3A_464 = tpu.vector_load %arg19[%get3A_462, %get3A_463] {strides = array<i32>} : memref<40x128xf32, #tpu.memory_space<vmem>>, vector<16xf32>,
          %add3A_465 = arith.addf %get3A_459, %get3A_464 : vector<16xf32>
          %mul3A_466 = arith.mulf %add3A_465, %gather3A_369 : vector<16xf32>
          %add3A_467 = arith.constant 1 : i32
          %add3A_468 = arith.addi %mul3A_224, %add3A_467 : i32
          %swap3A_469 = arith.index_cast %add3A_468 : i32 to index
          %swap3A_470 = arith.constant 80 : index
          %swap3A_471 = tpu.vector_load %arg22[%swap3A_469, %swap3A_470] {strides = array<i32>} : memref<40x128xf32, #tpu.memory_space<vmem>>, vector<16xf32>,
          tpu.vector_store %arg22[%swap3A_469, %swap3A_470], %mul3A_466 {strides = array<i32>} : memref<40x128xf32, #tpu.memory_space<vmem>>, vector<16xf32>,
          %add3A_472 = arith.constant 1 : i32
          %add3A_473 = arith.addi %mul3A_224, %add3A_472 : i32
          %get3A_474 = arith.index_cast %add3A_473 : i32 to index
          %get3A_475 = arith.constant 96 : index
          %get3A_476 = tpu.vector_load %arg18[%get3A_474, %get3A_475] {strides = array<i32>} : memref<40x128xf32, #tpu.memory_space<vmem>>, vector<16xf32>,
          %add3A_477 = arith.constant 1 : i32
          %add3A_478 = arith.addi %mul3A_224, %add3A_477 : i32
          %get3A_479 = arith.index_cast %add3A_478 : i32 to index
          %get3A_480 = arith.constant 96 : index
          %get3A_481 = tpu.vector_load %arg19[%get3A_479, %get3A_480] {strides = array<i32>} : memref<40x128xf32, #tpu.memory_space<vmem>>, vector<16xf32>,
          %add3A_482 = arith.addf %get3A_476, %get3A_481 : vector<16xf32>
          %mul3A_483 = arith.mulf %add3A_482, %gather3A_369 : vector<16xf32>
          %add3A_484 = arith.constant 1 : i32
          %add3A_485 = arith.addi %mul3A_224, %add3A_484 : i32
          %swap3A_486 = arith.index_cast %add3A_485 : i32 to index
          %swap3A_487 = arith.constant 96 : index
          %swap3A_488 = tpu.vector_load %arg22[%swap3A_486, %swap3A_487] {strides = array<i32>} : memref<40x128xf32, #tpu.memory_space<vmem>>, vector<16xf32>,
          tpu.vector_store %arg22[%swap3A_486, %swap3A_487], %mul3A_483 {strides = array<i32>} : memref<40x128xf32, #tpu.memory_space<vmem>>, vector<16xf32>,
          %add3A_489 = arith.constant 1 : i32
          %add3A_490 = arith.addi %mul3A_224, %add3A_489 : i32
          %get3A_491 = arith.index_cast %add3A_490 : i32 to index
          %get3A_492 = arith.constant 112 : index
          %get3A_493 = tpu.vector_load %arg18[%get3A_491, %get3A_492] {strides = array<i32>} : memref<40x128xf32, #tpu.memory_space<vmem>>, vector<16xf32>,
          %add3A_494 = arith.constant 1 : i32
          %add3A_495 = arith.addi %mul3A_224, %add3A_494 : i32
          %get3A_496 = arith.index_cast %add3A_495 : i32 to index
          %get3A_497 = arith.constant 112 : index
          %get3A_498 = tpu.vector_load %arg19[%get3A_496, %get3A_497] {strides = array<i32>} : memref<40x128xf32, #tpu.memory_space<vmem>>, vector<16xf32>,
          %add3A_499 = arith.addf %get3A_493, %get3A_498 : vector<16xf32>
          %mul3A_500 = arith.mulf %add3A_499, %gather3A_369 : vector<16xf32>
          %add3A_501 = arith.constant 1 : i32
          %add3A_502 = arith.addi %mul3A_224, %add3A_501 : i32
          %swap3A_503 = arith.index_cast %add3A_502 : i32 to index
          %swap3A_504 = arith.constant 112 : index
          %swap3A_505 = tpu.vector_load %arg22[%swap3A_503, %swap3A_504] {strides = array<i32>} : memref<40x128xf32, #tpu.memory_space<vmem>>, vector<16xf32>,
          tpu.vector_store %arg22[%swap3A_503, %swap3A_504], %mul3A_500 {strides = array<i32>} : memref<40x128xf32, #tpu.memory_space<vmem>>, vector<16xf32>,
          %add3A_506 = arith.addi %mul3A_208, %mul3A_224 : i32
          %add3A_507 = arith.constant 2 : i32
          %add3A_508 = arith.addi %add3A_506, %add3A_507 : i32
          %broadcast_in_dim3A_509 = vector.broadcast %add3A_508 : i32 to vector<16xi32>
          %gather3A_510 = tpu.vector_load_idx %arg13[%broadcast_in_dim3A_509] : memref<400xf32, #tpu.memory_space<vmem>>[vector<16xi32>], vector<16xf32>,
          %add3A_511 = arith.constant 2 : i32
          %add3A_512 = arith.addi %mul3A_224, %add3A_511 : i32
          %get3A_513 = arith.index_cast %add3A_512 : i32 to index
          %get3A_514 = arith.constant 0 : index
          %get3A_515 = tpu.vector_load %arg18[%get3A_513, %get3A_514] {strides = array<i32>} : memref<40x128xf32, #tpu.memory_space<vmem>>, vector<16xf32>,
          %add3A_516 = arith.constant 2 : i32
          %add3A_517 = arith.addi %mul3A_224, %add3A_516 : i32
          %get3A_518 = arith.index_cast %add3A_517 : i32 to index
          %get3A_519 = arith.constant 0 : index
          %get3A_520 = tpu.vector_load %arg19[%get3A_518, %get3A_519] {strides = array<i32>} : memref<40x128xf32, #tpu.memory_space<vmem>>, vector<16xf32>,
          %add3A_521 = arith.addf %get3A_515, %get3A_520 : vector<16xf32>
          %mul3A_522 = arith.mulf %add3A_521, %gather3A_510 : vector<16xf32>
          %add3A_523 = arith.constant 2 : i32
          %add3A_524 = arith.addi %mul3A_224, %add3A_523 : i32
          %swap3A_525 = arith.index_cast %add3A_524 : i32 to index
          %swap3A_526 = arith.constant 0 : index
          %swap3A_527 = tpu.vector_load %arg22[%swap3A_525, %swap3A_526] {strides = array<i32>} : memref<40x128xf32, #tpu.memory_space<vmem>>, vector<16xf32>,
          tpu.vector_store %arg22[%swap3A_525, %swap3A_526], %mul3A_522 {strides = array<i32>} : memref<40x128xf32, #tpu.memory_space<vmem>>, vector<16xf32>,
          %add3A_528 = arith.constant 2 : i32
          %add3A_529 = arith.addi %mul3A_224, %add3A_528 : i32
          %get3A_530 = arith.index_cast %add3A_529 : i32 to index
          %get3A_531 = arith.constant 16 : index
          %get3A_532 = tpu.vector_load %arg18[%get3A_530, %get3A_531] {strides = array<i32>} : memref<40x128xf32, #tpu.memory_space<vmem>>, vector<16xf32>,
          %add3A_533 = arith.constant 2 : i32
          %add3A_534 = arith.addi %mul3A_224, %add3A_533 : i32
          %get3A_535 = arith.index_cast %add3A_534 : i32 to index
          %get3A_536 = arith.constant 16 : index
          %get3A_537 = tpu.vector_load %arg19[%get3A_535, %get3A_536] {strides = array<i32>} : memref<40x128xf32, #tpu.memory_space<vmem>>, vector<16xf32>,
          %add3A_538 = arith.addf %get3A_532, %get3A_537 : vector<16xf32>
          %mul3A_539 = arith.mulf %add3A_538, %gather3A_510 : vector<16xf32>
          %add3A_540 = arith.constant 2 : i32
          %add3A_541 = arith.addi %mul3A_224, %add3A_540 : i32
          %swap3A_542 = arith.index_cast %add3A_541 : i32 to index
          %swap3A_543 = arith.constant 16 : index
          %swap3A_544 = tpu.vector_load %arg22[%swap3A_542, %swap3A_543] {strides = array<i32>} : memref<40x128xf32, #tpu.memory_space<vmem>>, vector<16xf32>,
          tpu.vector_store %arg22[%swap3A_542, %swap3A_543], %mul3A_539 {strides = array<i32>} : memref<40x128xf32, #tpu.memory_space<vmem>>, vector<16xf32>,
          %add3A_545 = arith.constant 2 : i32
          %add3A_546 = arith.addi %mul3A_224, %add3A_545 : i32
          %get3A_547 = arith.index_cast %add3A_546 : i32 to index
          %get3A_548 = arith.constant 32 : index
          %get3A_549 = tpu.vector_load %arg18[%get3A_547, %get3A_548] {strides = array<i32>} : memref<40x128xf32, #tpu.memory_space<vmem>>, vector<16xf32>,
          %add3A_550 = arith.constant 2 : i32
          %add3A_551 = arith.addi %mul3A_224, %add3A_550 : i32
          %get3A_552 = arith.index_cast %add3A_551 : i32 to index
          %get3A_553 = arith.constant 32 : index
          %get3A_554 = tpu.vector_load %arg19[%get3A_552, %get3A_553] {strides = array<i32>} : memref<40x128xf32, #tpu.memory_space<vmem>>, vector<16xf32>,
          %add3A_555 = arith.addf %get3A_549, %get3A_554 : vector<16xf32>
          %mul3A_556 = arith.mulf %add3A_555, %gather3A_510 : vector<16xf32>
          %add3A_557 = arith.constant 2 : i32
          %add3A_558 = arith.addi %mul3A_224, %add3A_557 : i32
          %swap3A_559 = arith.index_cast %add3A_558 : i32 to index
          %swap3A_560 = arith.constant 32 : index
          %swap3A_561 = tpu.vector_load %arg22[%swap3A_559, %swap3A_560] {strides = array<i32>} : memref<40x128xf32, #tpu.memory_space<vmem>>, vector<16xf32>,
          tpu.vector_store %arg22[%swap3A_559, %swap3A_560], %mul3A_556 {strides = array<i32>} : memref<40x128xf32, #tpu.memory_space<vmem>>, vector<16xf32>,
          %add3A_562 = arith.constant 2 : i32
          %add3A_563 = arith.addi %mul3A_224, %add3A_562 : i32
          %get3A_564 = arith.index_cast %add3A_563 : i32 to index
          %get3A_565 = arith.constant 48 : index
          %get3A_566 = tpu.vector_load %arg18[%get3A_564, %get3A_565] {strides = array<i32>} : memref<40x128xf32, #tpu.memory_space<vmem>>, vector<16xf32>,
          %add3A_567 = arith.constant 2 : i32
          %add3A_568 = arith.addi %mul3A_224, %add3A_567 : i32
          %get3A_569 = arith.index_cast %add3A_568 : i32 to index
          %get3A_570 = arith.constant 48 : index
          %get3A_571 = tpu.vector_load %arg19[%get3A_569, %get3A_570] {strides = array<i32>} : memref<40x128xf32, #tpu.memory_space<vmem>>, vector<16xf32>,
          %add3A_572 = arith.addf %get3A_566, %get3A_571 : vector<16xf32>
          %mul3A_573 = arith.mulf %add3A_572, %gather3A_510 : vector<16xf32>
          %add3A_574 = arith.constant 2 : i32
          %add3A_575 = arith.addi %mul3A_224, %add3A_574 : i32
          %swap3A_576 = arith.index_cast %add3A_575 : i32 to index
          %swap3A_577 = arith.constant 48 : index
          %swap3A_578 = tpu.vector_load %arg22[%swap3A_576, %swap3A_577] {strides = array<i32>} : memref<40x128xf32, #tpu.memory_space<vmem>>, vector<16xf32>,
          tpu.vector_store %arg22[%swap3A_576, %swap3A_577], %mul3A_573 {strides = array<i32>} : memref<40x128xf32, #tpu.memory_space<vmem>>, vector<16xf32>,
          %add3A_579 = arith.constant 2 : i32
          %add3A_580 = arith.addi %mul3A_224, %add3A_579 : i32
          %get3A_581 = arith.index_cast %add3A_580 : i32 to index
          %get3A_582 = arith.constant 64 : index
          %get3A_583 = tpu.vector_load %arg18[%get3A_581, %get3A_582] {strides = array<i32>} : memref<40x128xf32, #tpu.memory_space<vmem>>, vector<16xf32>,
          %add3A_584 = arith.constant 2 : i32
          %add3A_585 = arith.addi %mul3A_224, %add3A_584 : i32
          %get3A_586 = arith.index_cast %add3A_585 : i32 to index
          %get3A_587 = arith.constant 64 : index
          %get3A_588 = tpu.vector_load %arg19[%get3A_586, %get3A_587] {strides = array<i32>} : memref<40x128xf32, #tpu.memory_space<vmem>>, vector<16xf32>,
          %add3A_589 = arith.addf %get3A_583, %get3A_588 : vector<16xf32>
          %mul3A_590 = arith.mulf %add3A_589, %gather3A_510 : vector<16xf32>
          %add3A_591 = arith.constant 2 : i32
          %add3A_592 = arith.addi %mul3A_224, %add3A_591 : i32
          %swap3A_593 = arith.index_cast %add3A_592 : i32 to index
          %swap3A_594 = arith.constant 64 : index
          %swap3A_595 = tpu.vector_load %arg22[%swap3A_593, %swap3A_594] {strides = array<i32>} : memref<40x128xf32, #tpu.memory_space<vmem>>, vector<16xf32>,
          tpu.vector_store %arg22[%swap3A_593, %swap3A_594], %mul3A_590 {strides = array<i32>} : memref<40x128xf32, #tpu.memory_space<vmem>>, vector<16xf32>,
          %add3A_596 = arith.constant 2 : i32
          %add3A_597 = arith.addi %mul3A_224, %add3A_596 : i32
          %get3A_598 = arith.index_cast %add3A_597 : i32 to index
          %get3A_599 = arith.constant 80 : index
          %get3A_600 = tpu.vector_load %arg18[%get3A_598, %get3A_599] {strides = array<i32>} : memref<40x128xf32, #tpu.memory_space<vmem>>, vector<16xf32>,
          %add3A_601 = arith.constant 2 : i32
          %add3A_602 = arith.addi %mul3A_224, %add3A_601 : i32
          %get3A_603 = arith.index_cast %add3A_602 : i32 to index
          %get3A_604 = arith.constant 80 : index
          %get3A_605 = tpu.vector_load %arg19[%get3A_603, %get3A_604] {strides = array<i32>} : memref<40x128xf32, #tpu.memory_space<vmem>>, vector<16xf32>,
          %add3A_606 = arith.addf %get3A_600, %get3A_605 : vector<16xf32>
          %mul3A_607 = arith.mulf %add3A_606, %gather3A_510 : vector<16xf32>
          %add3A_608 = arith.constant 2 : i32
          %add3A_609 = arith.addi %mul3A_224, %add3A_608 : i32
          %swap3A_610 = arith.index_cast %add3A_609 : i32 to index
          %swap3A_611 = arith.constant 80 : index
          %swap3A_612 = tpu.vector_load %arg22[%swap3A_610, %swap3A_611] {strides = array<i32>} : memref<40x128xf32, #tpu.memory_space<vmem>>, vector<16xf32>,
          tpu.vector_store %arg22[%swap3A_610, %swap3A_611], %mul3A_607 {strides = array<i32>} : memref<40x128xf32, #tpu.memory_space<vmem>>, vector<16xf32>,
          %add3A_613 = arith.constant 2 : i32
          %add3A_614 = arith.addi %mul3A_224, %add3A_613 : i32
          %get3A_615 = arith.index_cast %add3A_614 : i32 to index
          %get3A_616 = arith.constant 96 : index
          %get3A_617 = tpu.vector_load %arg18[%get3A_615, %get3A_616] {strides = array<i32>} : memref<40x128xf32, #tpu.memory_space<vmem>>, vector<16xf32>,
          %add3A_618 = arith.constant 2 : i32
          %add3A_619 = arith.addi %mul3A_224, %add3A_618 : i32
          %get3A_620 = arith.index_cast %add3A_619 : i32 to index
          %get3A_621 = arith.constant 96 : index
          %get3A_622 = tpu.vector_load %arg19[%get3A_620, %get3A_621] {strides = array<i32>} : memref<40x128xf32, #tpu.memory_space<vmem>>, vector<16xf32>,
          %add3A_623 = arith.addf %get3A_617, %get3A_622 : vector<16xf32>
          %mul3A_624 = arith.mulf %add3A_623, %gather3A_510 : vector<16xf32>
          %add3A_625 = arith.constant 2 : i32
          %add3A_626 = arith.addi %mul3A_224, %add3A_625 : i32
          %swap3A_627 = arith.index_cast %add3A_626 : i32 to index
          %swap3A_628 = arith.constant 96 : index
          %swap3A_629 = tpu.vector_load %arg22[%swap3A_627, %swap3A_628] {strides = array<i32>} : memref<40x128xf32, #tpu.memory_space<vmem>>, vector<16xf32>,
          tpu.vector_store %arg22[%swap3A_627, %swap3A_628], %mul3A_624 {strides = array<i32>} : memref<40x128xf32, #tpu.memory_space<vmem>>, vector<16xf32>,
          %add3A_630 = arith.constant 2 : i32
          %add3A_631 = arith.addi %mul3A_224, %add3A_630 : i32
          %get3A_632 = arith.index_cast %add3A_631 : i32 to index
          %get3A_633 = arith.constant 112 : index
          %get3A_634 = tpu.vector_load %arg18[%get3A_632, %get3A_633] {strides = array<i32>} : memref<40x128xf32, #tpu.memory_space<vmem>>, vector<16xf32>,
          %add3A_635 = arith.constant 2 : i32
          %add3A_636 = arith.addi %mul3A_224, %add3A_635 : i32
          %get3A_637 = arith.index_cast %add3A_636 : i32 to index
          %get3A_638 = arith.constant 112 : index
          %get3A_639 = tpu.vector_load %arg19[%get3A_637, %get3A_638] {strides = array<i32>} : memref<40x128xf32, #tpu.memory_space<vmem>>, vector<16xf32>,
          %add3A_640 = arith.addf %get3A_634, %get3A_639 : vector<16xf32>
          %mul3A_641 = arith.mulf %add3A_640, %gather3A_510 : vector<16xf32>
          %add3A_642 = arith.constant 2 : i32
          %add3A_643 = arith.addi %mul3A_224, %add3A_642 : i32
          %swap3A_644 = arith.index_cast %add3A_643 : i32 to index
          %swap3A_645 = arith.constant 112 : index
          %swap3A_646 = tpu.vector_load %arg22[%swap3A_644, %swap3A_645] {strides = array<i32>} : memref<40x128xf32, #tpu.memory_space<vmem>>, vector<16xf32>,
          tpu.vector_store %arg22[%swap3A_644, %swap3A_645], %mul3A_641 {strides = array<i32>} : memref<40x128xf32, #tpu.memory_space<vmem>>, vector<16xf32>,
          %add3A_647 = arith.addi %mul3A_208, %mul3A_224 : i32
          %add3A_648 = arith.constant 3 : i32
          %add3A_649 = arith.addi %add3A_647, %add3A_648 : i32
          %broadcast_in_dim3A_650 = vector.broadcast %add3A_649 : i32 to vector<16xi32>
          %gather3A_651 = tpu.vector_load_idx %arg13[%broadcast_in_dim3A_650] : memref<400xf32, #tpu.memory_space<vmem>>[vector<16xi32>], vector<16xf32>,
          %add3A_652 = arith.constant 3 : i32
          %add3A_653 = arith.addi %mul3A_224, %add3A_652 : i32
          %get3A_654 = arith.index_cast %add3A_653 : i32 to index
          %get3A_655 = arith.constant 0 : index
          %get3A_656 = tpu.vector_load %arg18[%get3A_654, %get3A_655] {strides = array<i32>} : memref<40x128xf32, #tpu.memory_space<vmem>>, vector<16xf32>,
          %add3A_657 = arith.constant 3 : i32
          %add3A_658 = arith.addi %mul3A_224, %add3A_657 : i32
          %get3A_659 = arith.index_cast %add3A_658 : i32 to index
          %get3A_660 = arith.constant 0 : index
          %get3A_661 = tpu.vector_load %arg19[%get3A_659, %get3A_660] {strides = array<i32>} : memref<40x128xf32, #tpu.memory_space<vmem>>, vector<16xf32>,
          %add3A_662 = arith.addf %get3A_656, %get3A_661 : vector<16xf32>
          %mul3A_663 = arith.mulf %add3A_662, %gather3A_651 : vector<16xf32>
          %add3A_664 = arith.constant 3 : i32
          %add3A_665 = arith.addi %mul3A_224, %add3A_664 : i32
          %swap3A_666 = arith.index_cast %add3A_665 : i32 to index
          %swap3A_667 = arith.constant 0 : index
          %swap3A_668 = tpu.vector_load %arg22[%swap3A_666, %swap3A_667] {strides = array<i32>} : memref<40x128xf32, #tpu.memory_space<vmem>>, vector<16xf32>,
          tpu.vector_store %arg22[%swap3A_666, %swap3A_667], %mul3A_663 {strides = array<i32>} : memref<40x128xf32, #tpu.memory_space<vmem>>, vector<16xf32>,
          %add3A_669 = arith.constant 3 : i32
          %add3A_670 = arith.addi %mul3A_224, %add3A_669 : i32
          %get3A_671 = arith.index_cast %add3A_670 : i32 to index
          %get3A_672 = arith.constant 16 : index
          %get3A_673 = tpu.vector_load %arg18[%get3A_671, %get3A_672] {strides = array<i32>} : memref<40x128xf32, #tpu.memory_space<vmem>>, vector<16xf32>,
          %add3A_674 = arith.constant 3 : i32
          %add3A_675 = arith.addi %mul3A_224, %add3A_674 : i32
          %get3A_676 = arith.index_cast %add3A_675 : i32 to index
          %get3A_677 = arith.constant 16 : index
          %get3A_678 = tpu.vector_load %arg19[%get3A_676, %get3A_677] {strides = array<i32>} : memref<40x128xf32, #tpu.memory_space<vmem>>, vector<16xf32>,
          %add3A_679 = arith.addf %get3A_673, %get3A_678 : vector<16xf32>
          %mul3A_680 = arith.mulf %add3A_679, %gather3A_651 : vector<16xf32>
          %add3A_681 = arith.constant 3 : i32
          %add3A_682 = arith.addi %mul3A_224, %add3A_681 : i32
          %swap3A_683 = arith.index_cast %add3A_682 : i32 to index
          %swap3A_684 = arith.constant 16 : index
          %swap3A_685 = tpu.vector_load %arg22[%swap3A_683, %swap3A_684] {strides = array<i32>} : memref<40x128xf32, #tpu.memory_space<vmem>>, vector<16xf32>,
          tpu.vector_store %arg22[%swap3A_683, %swap3A_684], %mul3A_680 {strides = array<i32>} : memref<40x128xf32, #tpu.memory_space<vmem>>, vector<16xf32>,
          %add3A_686 = arith.constant 3 : i32
          %add3A_687 = arith.addi %mul3A_224, %add3A_686 : i32
          %get3A_688 = arith.index_cast %add3A_687 : i32 to index
          %get3A_689 = arith.constant 32 : index
          %get3A_690 = tpu.vector_load %arg18[%get3A_688, %get3A_689] {strides = array<i32>} : memref<40x128xf32, #tpu.memory_space<vmem>>, vector<16xf32>,
          %add3A_691 = arith.constant 3 : i32
          %add3A_692 = arith.addi %mul3A_224, %add3A_691 : i32
          %get3A_693 = arith.index_cast %add3A_692 : i32 to index
          %get3A_694 = arith.constant 32 : index
          %get3A_695 = tpu.vector_load %arg19[%get3A_693, %get3A_694] {strides = array<i32>} : memref<40x128xf32, #tpu.memory_space<vmem>>, vector<16xf32>,
          %add3A_696 = arith.addf %get3A_690, %get3A_695 : vector<16xf32>
          %mul3A_697 = arith.mulf %add3A_696, %gather3A_651 : vector<16xf32>
          %add3A_698 = arith.constant 3 : i32
          %add3A_699 = arith.addi %mul3A_224, %add3A_698 : i32
          %swap3A_700 = arith.index_cast %add3A_699 : i32 to index
          %swap3A_701 = arith.constant 32 : index
          %swap3A_702 = tpu.vector_load %arg22[%swap3A_700, %swap3A_701] {strides = array<i32>} : memref<40x128xf32, #tpu.memory_space<vmem>>, vector<16xf32>,
          tpu.vector_store %arg22[%swap3A_700, %swap3A_701], %mul3A_697 {strides = array<i32>} : memref<40x128xf32, #tpu.memory_space<vmem>>, vector<16xf32>,
          %add3A_703 = arith.constant 3 : i32
          %add3A_704 = arith.addi %mul3A_224, %add3A_703 : i32
          %get3A_705 = arith.index_cast %add3A_704 : i32 to index
          %get3A_706 = arith.constant 48 : index
          %get3A_707 = tpu.vector_load %arg18[%get3A_705, %get3A_706] {strides = array<i32>} : memref<40x128xf32, #tpu.memory_space<vmem>>, vector<16xf32>,
          %add3A_708 = arith.constant 3 : i32
          %add3A_709 = arith.addi %mul3A_224, %add3A_708 : i32
          %get3A_710 = arith.index_cast %add3A_709 : i32 to index
          %get3A_711 = arith.constant 48 : index
          %get3A_712 = tpu.vector_load %arg19[%get3A_710, %get3A_711] {strides = array<i32>} : memref<40x128xf32, #tpu.memory_space<vmem>>, vector<16xf32>,
          %add3A_713 = arith.addf %get3A_707, %get3A_712 : vector<16xf32>
          %mul3A_714 = arith.mulf %add3A_713, %gather3A_651 : vector<16xf32>
          %add3A_715 = arith.constant 3 : i32
          %add3A_716 = arith.addi %mul3A_224, %add3A_715 : i32
          %swap3A_717 = arith.index_cast %add3A_716 : i32 to index
          %swap3A_718 = arith.constant 48 : index
          %swap3A_719 = tpu.vector_load %arg22[%swap3A_717, %swap3A_718] {strides = array<i32>} : memref<40x128xf32, #tpu.memory_space<vmem>>, vector<16xf32>,
          tpu.vector_store %arg22[%swap3A_717, %swap3A_718], %mul3A_714 {strides = array<i32>} : memref<40x128xf32, #tpu.memory_space<vmem>>, vector<16xf32>,
          %add3A_720 = arith.constant 3 : i32
          %add3A_721 = arith.addi %mul3A_224, %add3A_720 : i32
          %get3A_722 = arith.index_cast %add3A_721 : i32 to index
          %get3A_723 = arith.constant 64 : index
          %get3A_724 = tpu.vector_load %arg18[%get3A_722, %get3A_723] {strides = array<i32>} : memref<40x128xf32, #tpu.memory_space<vmem>>, vector<16xf32>,
          %add3A_725 = arith.constant 3 : i32
          %add3A_726 = arith.addi %mul3A_224, %add3A_725 : i32
          %get3A_727 = arith.index_cast %add3A_726 : i32 to index
          %get3A_728 = arith.constant 64 : index
          %get3A_729 = tpu.vector_load %arg19[%get3A_727, %get3A_728] {strides = array<i32>} : memref<40x128xf32, #tpu.memory_space<vmem>>, vector<16xf32>,
          %add3A_730 = arith.addf %get3A_724, %get3A_729 : vector<16xf32>
          %mul3A_731 = arith.mulf %add3A_730, %gather3A_651 : vector<16xf32>
          %add3A_732 = arith.constant 3 : i32
          %add3A_733 = arith.addi %mul3A_224, %add3A_732 : i32
          %swap3A_734 = arith.index_cast %add3A_733 : i32 to index
          %swap3A_735 = arith.constant 64 : index
          %swap3A_736 = tpu.vector_load %arg22[%swap3A_734, %swap3A_735] {strides = array<i32>} : memref<40x128xf32, #tpu.memory_space<vmem>>, vector<16xf32>,
          tpu.vector_store %arg22[%swap3A_734, %swap3A_735], %mul3A_731 {strides = array<i32>} : memref<40x128xf32, #tpu.memory_space<vmem>>, vector<16xf32>,
          %add3A_737 = arith.constant 3 : i32
          %add3A_738 = arith.addi %mul3A_224, %add3A_737 : i32
          %get3A_739 = arith.index_cast %add3A_738 : i32 to index
          %get3A_740 = arith.constant 80 : index
          %get3A_741 = tpu.vector_load %arg18[%get3A_739, %get3A_740] {strides = array<i32>} : memref<40x128xf32, #tpu.memory_space<vmem>>, vector<16xf32>,
          %add3A_742 = arith.constant 3 : i32
          %add3A_743 = arith.addi %mul3A_224, %add3A_742 : i32
          %get3A_744 = arith.index_cast %add3A_743 : i32 to index
          %get3A_745 = arith.constant 80 : index
          %get3A_746 = tpu.vector_load %arg19[%get3A_744, %get3A_745] {strides = array<i32>} : memref<40x128xf32, #tpu.memory_space<vmem>>, vector<16xf32>,
          %add3A_747 = arith.addf %get3A_741, %get3A_746 : vector<16xf32>
          %mul3A_748 = arith.mulf %add3A_747, %gather3A_651 : vector<16xf32>
          %add3A_749 = arith.constant 3 : i32
          %add3A_750 = arith.addi %mul3A_224, %add3A_749 : i32
          %swap3A_751 = arith.index_cast %add3A_750 : i32 to index
          %swap3A_752 = arith.constant 80 : index
          %swap3A_753 = tpu.vector_load %arg22[%swap3A_751, %swap3A_752] {strides = array<i32>} : memref<40x128xf32, #tpu.memory_space<vmem>>, vector<16xf32>,
          tpu.vector_store %arg22[%swap3A_751, %swap3A_752], %mul3A_748 {strides = array<i32>} : memref<40x128xf32, #tpu.memory_space<vmem>>, vector<16xf32>,
          %add3A_754 = arith.constant 3 : i32
          %add3A_755 = arith.addi %mul3A_224, %add3A_754 : i32
          %get3A_756 = arith.index_cast %add3A_755 : i32 to index
          %get3A_757 = arith.constant 96 : index
          %get3A_758 = tpu.vector_load %arg18[%get3A_756, %get3A_757] {strides = array<i32>} : memref<40x128xf32, #tpu.memory_space<vmem>>, vector<16xf32>,
          %add3A_759 = arith.constant 3 : i32
          %add3A_760 = arith.addi %mul3A_224, %add3A_759 : i32
          %get3A_761 = arith.index_cast %add3A_760 : i32 to index
          %get3A_762 = arith.constant 96 : index
          %get3A_763 = tpu.vector_load %arg19[%get3A_761, %get3A_762] {strides = array<i32>} : memref<40x128xf32, #tpu.memory_space<vmem>>, vector<16xf32>,
          %add3A_764 = arith.addf %get3A_758, %get3A_763 : vector<16xf32>
          %mul3A_765 = arith.mulf %add3A_764, %gather3A_651 : vector<16xf32>
          %add3A_766 = arith.constant 3 : i32
          %add3A_767 = arith.addi %mul3A_224, %add3A_766 : i32
          %swap3A_768 = arith.index_cast %add3A_767 : i32 to index
          %swap3A_769 = arith.constant 96 : index
          %swap3A_770 = tpu.vector_load %arg22[%swap3A_768, %swap3A_769] {strides = array<i32>} : memref<40x128xf32, #tpu.memory_space<vmem>>, vector<16xf32>,
          tpu.vector_store %arg22[%swap3A_768, %swap3A_769], %mul3A_765 {strides = array<i32>} : memref<40x128xf32, #tpu.memory_space<vmem>>, vector<16xf32>,
          %add3A_771 = arith.constant 3 : i32
          %add3A_772 = arith.addi %mul3A_224, %add3A_771 : i32
          %get3A_773 = arith.index_cast %add3A_772 : i32 to index
          %get3A_774 = arith.constant 112 : index
          %get3A_775 = tpu.vector_load %arg18[%get3A_773, %get3A_774] {strides = array<i32>} : memref<40x128xf32, #tpu.memory_space<vmem>>, vector<16xf32>,
          %add3A_776 = arith.constant 3 : i32
          %add3A_777 = arith.addi %mul3A_224, %add3A_776 : i32
          %get3A_778 = arith.index_cast %add3A_777 : i32 to index
          %get3A_779 = arith.constant 112 : index
          %get3A_780 = tpu.vector_load %arg19[%get3A_778, %get3A_779] {strides = array<i32>} : memref<40x128xf32, #tpu.memory_space<vmem>>, vector<16xf32>,
          %add3A_781 = arith.addf %get3A_775, %get3A_780 : vector<16xf32>
          %mul3A_782 = arith.mulf %add3A_781, %gather3A_651 : vector<16xf32>
          %add3A_783 = arith.constant 3 : i32
          %add3A_784 = arith.addi %mul3A_224, %add3A_783 : i32
          %swap3A_785 = arith.index_cast %add3A_784 : i32 to index
          %swap3A_786 = arith.constant 112 : index
          %swap3A_787 = tpu.vector_load %arg22[%swap3A_785, %swap3A_786] {strides = array<i32>} : memref<40x128xf32, #tpu.memory_space<vmem>>, vector<16xf32>,
          tpu.vector_store %arg22[%swap3A_785, %swap3A_786], %mul3A_782 {strides = array<i32>} : memref<40x128xf32, #tpu.memory_space<vmem>>, vector<16xf32>,
        }
        %scan3A_218 = arith.constant 10 : i32
        %dma_start3A_219 = arith.constant 0 : i32
        %dma_start3A_220 = arith.constant 0 : i32
        %dma_start3A_221 = tpu.memref_slice %arg23[%dma_start3A_219, %dma_start3A_220] : memref<10240x128xf32, #tpu.memory_space<vmem_shared>> -> memref<10240x128xf32, #tpu.memory_space<vmem_shared>>
        tpu.enqueue_indirect_dma source(%arg22 : memref<40x128xf32, #tpu.memory_space<vmem>>) target(%dma_start3A_221 : memref<10240x128xf32, #tpu.memory_space<vmem_shared>>) offsets(%arg20 : memref<40xi32, #tpu.memory_space<vmem>>) semaphore(%arg27 : memref<!tpu.dma_semaphore, #tpu.memory_space<semaphore_mem>>) {add = true}
      }
      %scan3A_116 = arith.constant 5 : i32
      %dma_wait3A = arith.constant 0 : i32
      %dma_wait3A_117 = arith.constant 0 : i32
      %dma_wait3A_118 = arith.constant 0 : i32
      %dma_wait3A_119 = tpu.memref_slice %arg9[%dma_wait3A, %dma_wait3A_117, %dma_wait3A_118] : memref<2x10240x128xf32, #tpu.memory_space<hbm>> -> memref<1x40x128xf32, #tpu.memory_space<hbm>>
      %dma_wait3A_120 = tpu.memref_squeeze %dma_wait3A_119 : memref<1x40x128xf32, #tpu.memory_space<hbm>> -> memref<40x128xf32, #tpu.memory_space<hbm>>
      %dma_wait3A_121 = arith.constant 0 : i32
      %dma_wait3A_122 = arith.constant 0 : i32
      %dma_wait3A_123 = tpu.memref_slice %arg9[%dma_wait3A, %dma_wait3A_121, %dma_wait3A_122] : memref<2x10240x128xf32, #tpu.memory_space<hbm>> -> memref<1x40x128xf32, #tpu.memory_space<hbm>>
      %dma_wait3A_124 = tpu.memref_squeeze %dma_wait3A_123 : memref<1x40x128xf32, #tpu.memory_space<hbm>> -> memref<40x128xf32, #tpu.memory_space<hbm>>
      tpu.wait_dma2 semaphore(%arg26 : memref<!tpu.dma_semaphore, #tpu.memory_space<semaphore_mem>>) src(%dma_wait3A_124 : memref<40x128xf32, #tpu.memory_space<hbm>>) dst(%arg21 : memref<40x128xf32, #tpu.memory_space<vmem>>)
      %dma_wait3A_125 = arith.constant 0 : i32
      %dma_wait3A_126 = arith.constant 0 : i32
      %dma_wait3A_127 = arith.constant 0 : i32
      %dma_wait3A_128 = tpu.memref_slice %arg9[%dma_wait3A_125, %dma_wait3A_126, %dma_wait3A_127] : memref<2x10240x128xf32, #tpu.memory_space<hbm>> -> memref<1x40x128xf32, #tpu.memory_space<hbm>>
      %dma_wait3A_129 = tpu.memref_squeeze %dma_wait3A_128 : memref<1x40x128xf32, #tpu.memory_space<hbm>> -> memref<40x128xf32, #tpu.memory_space<hbm>>
      %dma_wait3A_130 = arith.constant 0 : i32
      %dma_wait3A_131 = arith.constant 0 : i32
      %dma_wait3A_132 = tpu.memref_slice %arg9[%dma_wait3A_125, %dma_wait3A_130, %dma_wait3A_131] : memref<2x10240x128xf32, #tpu.memory_space<hbm>> -> memref<1x40x128xf32, #tpu.memory_space<hbm>>
      %dma_wait3A_133 = tpu.memref_squeeze %dma_wait3A_132 : memref<1x40x128xf32, #tpu.memory_space<hbm>> -> memref<40x128xf32, #tpu.memory_space<hbm>>
      tpu.wait_dma2 semaphore(%arg27 : memref<!tpu.dma_semaphore, #tpu.memory_space<semaphore_mem>>) src(%dma_wait3A_133 : memref<40x128xf32, #tpu.memory_space<hbm>>) dst(%arg22 : memref<40x128xf32, #tpu.memory_space<vmem>>)
    }
    %scan3A_75 = arith.constant 25 : i32
    %barrier3A_76 = arith.constant 0 : index
    tpu.barrier barrier_id(%barrier3A_76)
    %mul3A_77 = arith.constant 640 : i32
    %mul3A_78 = arith.muli %arg1, %mul3A_77 : i32
    "tpu.region"() ({
      %run_scoped3A = tpu.sem_alloc : memref<!tpu.dma_semaphore, #tpu.memory_space<semaphore_mem>>
      %dma_start3A = arith.constant 0 : i32
      %dma_start3A_79 = tpu.memref_slice %arg9[%arg0, %mul3A_78, %dma_start3A] : memref<2x10240x128xf32, #tpu.memory_space<hbm>> -> memref<1x640x128xf32, #tpu.memory_space<hbm>>
      %dma_start3A_80 = tpu.memref_squeeze %dma_start3A_79 : memref<1x640x128xf32, #tpu.memory_space<hbm>> -> memref<640x128xf32, #tpu.memory_space<hbm>>
      %dma_start3A_81 = arith.constant 0 : i32
      %dma_start3A_82 = tpu.memref_slice %arg23[%mul3A_78, %dma_start3A_81] : memref<10240x128xf32, #tpu.memory_space<vmem_shared>> -> memref<640x128xf32, #tpu.memory_space<vmem_shared>>
      tpu.enqueue_dma source(%dma_start3A_82 : memref<640x128xf32, #tpu.memory_space<vmem_shared>>) target(%dma_start3A_80 : memref<640x128xf32, #tpu.memory_space<hbm>>) target_semaphore(%run_scoped3A : memref<!tpu.dma_semaphore, #tpu.memory_space<semaphore_mem>>)
      %dma_wait3A = arith.constant 0 : i32
      %dma_wait3A_83 = tpu.memref_slice %arg9[%arg0, %mul3A_78, %dma_wait3A] : memref<2x10240x128xf32, #tpu.memory_space<hbm>> -> memref<1x640x128xf32, #tpu.memory_space<hbm>>
      %dma_wait3A_84 = tpu.memref_squeeze %dma_wait3A_83 : memref<1x640x128xf32, #tpu.memory_space<hbm>> -> memref<640x128xf32, #tpu.memory_space<hbm>>
      %dma_wait3A_85 = arith.constant 0 : i32
      %dma_wait3A_86 = tpu.memref_slice %arg23[%mul3A_78, %dma_wait3A_85] : memref<10240x128xf32, #tpu.memory_space<vmem_shared>> -> memref<640x128xf32, #tpu.memory_space<vmem_shared>>
      tpu.wait_dma2 semaphore(%run_scoped3A : memref<!tpu.dma_semaphore, #tpu.memory_space<semaphore_mem>>) src(%dma_wait3A_86 : memref<640x128xf32, #tpu.memory_space<vmem_shared>>) dst(%dma_wait3A_84 : memref<640x128xf32, #tpu.memory_space<hbm>>)
      tpu.yield
    }) : () -> ()
    return
  }
}

#map = affine_map<(d0, d1) -> (0, 0)>
#map1 = affine_map<(d0, d1) -> (0)>
module attributes {stable_mosaic.version = 14 : i64} {
  func.func @_k1_body(%arg0: i32, %arg1: i32, %arg2: memref<10000x128xf32, #tpu.memory_space<hbm>>, %arg3: memref<474x128xf32, #tpu.memory_space<hbm>>, %arg4: memref<320000xi32, #tpu.memory_space<hbm>>, %arg5: memref<320000xi32, #tpu.memory_space<hbm>>, %arg6: memref<320000xi32, #tpu.memory_space<hbm>>, %arg7: memref<320000xf32, #tpu.memory_space<hbm>>, %arg8: memref<32x10240xf32, #tpu.memory_space<hbm>>, %arg9: memref<10000xi32, #tpu.memory_space<vmem>>, %arg10: memref<10000xi32, #tpu.memory_space<vmem>>, %arg11: memref<10000xi32, #tpu.memory_space<vmem>>, %arg12: memref<10000xf32, #tpu.memory_space<vmem>>, %arg13: memref<10240xf32, #tpu.memory_space<vmem>>, %arg14: memref<80x128xf32, #tpu.memory_space<vmem>>, %arg15: memref<80x128xf32, #tpu.memory_space<vmem>>, %arg16: memref<80x128xf32, #tpu.memory_space<vmem>>, %arg17: memref<80x128xf32, #tpu.memory_space<vmem>>, %arg18: memref<80x128xf32, #tpu.memory_space<vmem>>, %arg19: memref<80x128xf32, #tpu.memory_space<vmem>>, %arg20: memref<!tpu.dma_semaphore, #tpu.memory_space<semaphore_mem>>, %arg21: memref<!tpu.dma_semaphore, #tpu.memory_space<semaphore_mem>>) attributes {dimension_semantics = [#tpu.dimension_semantics<core_parallel>, #tpu.dimension_semantics<subcore_parallel>], iteration_bounds = array<i64: 2, 16>, scalar_prefetch = 0 : i64, scratch_operands = 13 : i64, tpu.core_type = #tpu.core_type<sc_vector_subcore>, window_params = [{transform_indices = #map}, {transform_indices = #map}, {transform_indices = #map1}, {transform_indices = #map1}, {transform_indices = #map1}, {transform_indices = #map1}, {transform_indices = #map}]} {
    %mul3A = arith.constant 2 : i32
    %mul3A_0 = arith.muli %arg1, %mul3A : i32
    %add3A = arith.addi %mul3A_0, %arg0 : i32
    %mul3A_1 = arith.constant 10000 : i32
    %mul3A_2 = arith.muli %add3A, %mul3A_1 : i32
    "tpu.region"() ({
      %run_scoped3A = tpu.sem_alloc : memref<!tpu.dma_semaphore, #tpu.memory_space<semaphore_mem>>
      %dma_start3A_55 = tpu.memref_slice %arg4[%mul3A_2] : memref<320000xi32, #tpu.memory_space<hbm>> -> memref<10000xi32, #tpu.memory_space<hbm>>
      %dma_start3A_56 = tpu.memref_slice %arg4[%mul3A_2] : memref<320000xi32, #tpu.memory_space<hbm>> -> memref<10000xi32, #tpu.memory_space<hbm>>
      tpu.enqueue_dma source(%dma_start3A_56 : memref<10000xi32, #tpu.memory_space<hbm>>) target(%arg9 : memref<10000xi32, #tpu.memory_space<vmem>>) target_semaphore(%run_scoped3A : memref<!tpu.dma_semaphore, #tpu.memory_space<semaphore_mem>>)
      %dma_wait3A_57 = tpu.memref_slice %arg4[%mul3A_2] : memref<320000xi32, #tpu.memory_space<hbm>> -> memref<10000xi32, #tpu.memory_space<hbm>>
      %dma_wait3A_58 = tpu.memref_slice %arg4[%mul3A_2] : memref<320000xi32, #tpu.memory_space<hbm>> -> memref<10000xi32, #tpu.memory_space<hbm>>
      tpu.wait_dma2 semaphore(%run_scoped3A : memref<!tpu.dma_semaphore, #tpu.memory_space<semaphore_mem>>) src(%dma_wait3A_58 : memref<10000xi32, #tpu.memory_space<hbm>>) dst(%arg9 : memref<10000xi32, #tpu.memory_space<vmem>>)
      tpu.yield
    }) : () -> ()
    "tpu.region"() ({
      %run_scoped3A = tpu.sem_alloc : memref<!tpu.dma_semaphore, #tpu.memory_space<semaphore_mem>>
      %dma_start3A_55 = tpu.memref_slice %arg5[%mul3A_2] : memref<320000xi32, #tpu.memory_space<hbm>> -> memref<10000xi32, #tpu.memory_space<hbm>>
      %dma_start3A_56 = tpu.memref_slice %arg5[%mul3A_2] : memref<320000xi32, #tpu.memory_space<hbm>> -> memref<10000xi32, #tpu.memory_space<hbm>>
      tpu.enqueue_dma source(%dma_start3A_56 : memref<10000xi32, #tpu.memory_space<hbm>>) target(%arg10 : memref<10000xi32, #tpu.memory_space<vmem>>) target_semaphore(%run_scoped3A : memref<!tpu.dma_semaphore, #tpu.memory_space<semaphore_mem>>)
      %dma_wait3A_57 = tpu.memref_slice %arg5[%mul3A_2] : memref<320000xi32, #tpu.memory_space<hbm>> -> memref<10000xi32, #tpu.memory_space<hbm>>
      %dma_wait3A_58 = tpu.memref_slice %arg5[%mul3A_2] : memref<320000xi32, #tpu.memory_space<hbm>> -> memref<10000xi32, #tpu.memory_space<hbm>>
      tpu.wait_dma2 semaphore(%run_scoped3A : memref<!tpu.dma_semaphore, #tpu.memory_space<semaphore_mem>>) src(%dma_wait3A_58 : memref<10000xi32, #tpu.memory_space<hbm>>) dst(%arg10 : memref<10000xi32, #tpu.memory_space<vmem>>)
      tpu.yield
    }) : () -> ()
    "tpu.region"() ({
      %run_scoped3A = tpu.sem_alloc : memref<!tpu.dma_semaphore, #tpu.memory_space<semaphore_mem>>
      %dma_start3A_55 = tpu.memref_slice %arg6[%mul3A_2] : memref<320000xi32, #tpu.memory_space<hbm>> -> memref<10000xi32, #tpu.memory_space<hbm>>
      %dma_start3A_56 = tpu.memref_slice %arg6[%mul3A_2] : memref<320000xi32, #tpu.memory_space<hbm>> -> memref<10000xi32, #tpu.memory_space<hbm>>
      tpu.enqueue_dma source(%dma_start3A_56 : memref<10000xi32, #tpu.memory_space<hbm>>) target(%arg11 : memref<10000xi32, #tpu.memory_space<vmem>>) target_semaphore(%run_scoped3A : memref<!tpu.dma_semaphore, #tpu.memory_space<semaphore_mem>>)
      %dma_wait3A_57 = tpu.memref_slice %arg6[%mul3A_2] : memref<320000xi32, #tpu.memory_space<hbm>> -> memref<10000xi32, #tpu.memory_space<hbm>>
      %dma_wait3A_58 = tpu.memref_slice %arg6[%mul3A_2] : memref<320000xi32, #tpu.memory_space<hbm>> -> memref<10000xi32, #tpu.memory_space<hbm>>
      tpu.wait_dma2 semaphore(%run_scoped3A : memref<!tpu.dma_semaphore, #tpu.memory_space<semaphore_mem>>) src(%dma_wait3A_58 : memref<10000xi32, #tpu.memory_space<hbm>>) dst(%arg11 : memref<10000xi32, #tpu.memory_space<vmem>>)
      tpu.yield
    }) : () -> ()
    %scan3A = arith.constant 0 : i32
    %scan3A_3 = arith.constant 640 : i32
    %scan3A_4 = arith.addi %scan3A, %scan3A_3 : i32
    %scan3A_5 = arith.constant 8 : i32
    scf.for %scan3A_55 = %scan3A to %scan3A_4 step %scan3A_5  : i32 {
      %broadcast_in_dim3A_56 = arith.constant 0xFF800000 : f32
      %broadcast_in_dim3A_57 = vector.broadcast %broadcast_in_dim3A_56 : f32 to vector<16xf32>
      %mul3A_58 = arith.constant 16 : i32
      %mul3A_59 = arith.muli %scan3A_55, %mul3A_58 : i32
      %swap3A = arith.index_cast %mul3A_59 : i32 to index
      %swap3A_60 = tpu.vector_load %arg13[%swap3A] {strides = array<i32>} : memref<10240xf32, #tpu.memory_space<vmem>>, vector<16xf32>,
      tpu.vector_store %arg13[%swap3A], %broadcast_in_dim3A_57 {strides = array<i32>} : memref<10240xf32, #tpu.memory_space<vmem>>, vector<16xf32>,
      %scan3A_61 = arith.constant 1 : i32
      %scan3A_62 = arith.addi %scan3A_55, %scan3A_61 : i32
      %broadcast_in_dim3A_63 = arith.constant 0xFF800000 : f32
      %broadcast_in_dim3A_64 = vector.broadcast %broadcast_in_dim3A_63 : f32 to vector<16xf32>
      %mul3A_65 = arith.constant 16 : i32
      %mul3A_66 = arith.muli %scan3A_62, %mul3A_65 : i32
      %swap3A_67 = arith.index_cast %mul3A_66 : i32 to index
      %swap3A_68 = tpu.vector_load %arg13[%swap3A_67] {strides = array<i32>} : memref<10240xf32, #tpu.memory_space<vmem>>, vector<16xf32>,
      tpu.vector_store %arg13[%swap3A_67], %broadcast_in_dim3A_64 {strides = array<i32>} : memref<10240xf32, #tpu.memory_space<vmem>>, vector<16xf32>,
      %scan3A_69 = arith.constant 2 : i32
      %scan3A_70 = arith.addi %scan3A_55, %scan3A_69 : i32
      %broadcast_in_dim3A_71 = arith.constant 0xFF800000 : f32
      %broadcast_in_dim3A_72 = vector.broadcast %broadcast_in_dim3A_71 : f32 to vector<16xf32>
      %mul3A_73 = arith.constant 16 : i32
      %mul3A_74 = arith.muli %scan3A_70, %mul3A_73 : i32
      %swap3A_75 = arith.index_cast %mul3A_74 : i32 to index
      %swap3A_76 = tpu.vector_load %arg13[%swap3A_75] {strides = array<i32>} : memref<10240xf32, #tpu.memory_space<vmem>>, vector<16xf32>,
      tpu.vector_store %arg13[%swap3A_75], %broadcast_in_dim3A_72 {strides = array<i32>} : memref<10240xf32, #tpu.memory_space<vmem>>, vector<16xf32>,
      %scan3A_77 = arith.constant 3 : i32
      %scan3A_78 = arith.addi %scan3A_55, %scan3A_77 : i32
      %broadcast_in_dim3A_79 = arith.constant 0xFF800000 : f32
      %broadcast_in_dim3A_80 = vector.broadcast %broadcast_in_dim3A_79 : f32 to vector<16xf32>
      %mul3A_81 = arith.constant 16 : i32
      %mul3A_82 = arith.muli %scan3A_78, %mul3A_81 : i32
      %swap3A_83 = arith.index_cast %mul3A_82 : i32 to index
      %swap3A_84 = tpu.vector_load %arg13[%swap3A_83] {strides = array<i32>} : memref<10240xf32, #tpu.memory_space<vmem>>, vector<16xf32>,
      tpu.vector_store %arg13[%swap3A_83], %broadcast_in_dim3A_80 {strides = array<i32>} : memref<10240xf32, #tpu.memory_space<vmem>>, vector<16xf32>,
      %scan3A_85 = arith.constant 4 : i32
      %scan3A_86 = arith.addi %scan3A_55, %scan3A_85 : i32
      %broadcast_in_dim3A_87 = arith.constant 0xFF800000 : f32
      %broadcast_in_dim3A_88 = vector.broadcast %broadcast_in_dim3A_87 : f32 to vector<16xf32>
      %mul3A_89 = arith.constant 16 : i32
      %mul3A_90 = arith.muli %scan3A_86, %mul3A_89 : i32
      %swap3A_91 = arith.index_cast %mul3A_90 : i32 to index
      %swap3A_92 = tpu.vector_load %arg13[%swap3A_91] {strides = array<i32>} : memref<10240xf32, #tpu.memory_space<vmem>>, vector<16xf32>,
      tpu.vector_store %arg13[%swap3A_91], %broadcast_in_dim3A_88 {strides = array<i32>} : memref<10240xf32, #tpu.memory_space<vmem>>, vector<16xf32>,
      %scan3A_93 = arith.constant 5 : i32
      %scan3A_94 = arith.addi %scan3A_55, %scan3A_93 : i32
      %broadcast_in_dim3A_95 = arith.constant 0xFF800000 : f32
      %broadcast_in_dim3A_96 = vector.broadcast %broadcast_in_dim3A_95 : f32 to vector<16xf32>
      %mul3A_97 = arith.constant 16 : i32
      %mul3A_98 = arith.muli %scan3A_94, %mul3A_97 : i32
      %swap3A_99 = arith.index_cast %mul3A_98 : i32 to index
      %swap3A_100 = tpu.vector_load %arg13[%swap3A_99] {strides = array<i32>} : memref<10240xf32, #tpu.memory_space<vmem>>, vector<16xf32>,
      tpu.vector_store %arg13[%swap3A_99], %broadcast_in_dim3A_96 {strides = array<i32>} : memref<10240xf32, #tpu.memory_space<vmem>>, vector<16xf32>,
      %scan3A_101 = arith.constant 6 : i32
      %scan3A_102 = arith.addi %scan3A_55, %scan3A_101 : i32
      %broadcast_in_dim3A_103 = arith.constant 0xFF800000 : f32
      %broadcast_in_dim3A_104 = vector.broadcast %broadcast_in_dim3A_103 : f32 to vector<16xf32>
      %mul3A_105 = arith.constant 16 : i32
      %mul3A_106 = arith.muli %scan3A_102, %mul3A_105 : i32
      %swap3A_107 = arith.index_cast %mul3A_106 : i32 to index
      %swap3A_108 = tpu.vector_load %arg13[%swap3A_107] {strides = array<i32>} : memref<10240xf32, #tpu.memory_space<vmem>>, vector<16xf32>,
      tpu.vector_store %arg13[%swap3A_107], %broadcast_in_dim3A_104 {strides = array<i32>} : memref<10240xf32, #tpu.memory_space<vmem>>, vector<16xf32>,
      %scan3A_109 = arith.constant 7 : i32
      %scan3A_110 = arith.addi %scan3A_55, %scan3A_109 : i32
      %broadcast_in_dim3A_111 = arith.constant 0xFF800000 : f32
      %broadcast_in_dim3A_112 = vector.broadcast %broadcast_in_dim3A_111 : f32 to vector<16xf32>
      %mul3A_113 = arith.constant 16 : i32
      %mul3A_114 = arith.muli %scan3A_110, %mul3A_113 : i32
      %swap3A_115 = arith.index_cast %mul3A_114 : i32 to index
      %swap3A_116 = tpu.vector_load %arg13[%swap3A_115] {strides = array<i32>} : memref<10240xf32, #tpu.memory_space<vmem>>, vector<16xf32>,
      tpu.vector_store %arg13[%swap3A_115], %broadcast_in_dim3A_112 {strides = array<i32>} : memref<10240xf32, #tpu.memory_space<vmem>>, vector<16xf32>,
    }
    %scan3A_6 = arith.constant 640 : i32
    %dma_start3A = arith.constant 0 : i32
    %dma_start3A_7 = tpu.memref_slice %arg9[%dma_start3A] : memref<10000xi32, #tpu.memory_space<vmem>> -> memref<80xi32, #tpu.memory_space<vmem>>
    %dma_start3A_8 = arith.constant 0 : i32
    %dma_start3A_9 = arith.constant 0 : i32
    %dma_start3A_10 = tpu.memref_slice %arg2[%dma_start3A_8, %dma_start3A_9] : memref<10000x128xf32, #tpu.memory_space<hbm>> -> memref<10000x128xf32, #tpu.memory_space<hbm>>
    tpu.enqueue_indirect_dma source(%dma_start3A_10 : memref<10000x128xf32, #tpu.memory_space<hbm>>) target(%arg14 : memref<80x128xf32, #tpu.memory_space<vmem>>) offsets(%dma_start3A_7 : memref<80xi32, #tpu.memory_space<vmem>>) semaphore(%arg20 : memref<!tpu.dma_semaphore, #tpu.memory_space<semaphore_mem>>)
    %dma_start3A_11 = arith.constant 0 : i32
    %dma_start3A_12 = tpu.memref_slice %arg11[%dma_start3A_11] : memref<10000xi32, #tpu.memory_space<vmem>> -> memref<80xi32, #tpu.memory_space<vmem>>
    %dma_start3A_13 = arith.constant 0 : i32
    %dma_start3A_14 = arith.constant 0 : i32
    %dma_start3A_15 = tpu.memref_slice %arg3[%dma_start3A_13, %dma_start3A_14] : memref<474x128xf32, #tpu.memory_space<hbm>> -> memref<474x128xf32, #tpu.memory_space<hbm>>
    tpu.enqueue_indirect_dma source(%dma_start3A_15 : memref<474x128xf32, #tpu.memory_space<hbm>>) target(%arg15 : memref<80x128xf32, #tpu.memory_space<vmem>>) offsets(%dma_start3A_12 : memref<80xi32, #tpu.memory_space<vmem>>) semaphore(%arg20 : memref<!tpu.dma_semaphore, #tpu.memory_space<semaphore_mem>>)
    %dma_start3A_16 = arith.constant 0 : i32
    %dma_start3A_17 = tpu.memref_slice %arg10[%dma_start3A_16] : memref<10000xi32, #tpu.memory_space<vmem>> -> memref<80xi32, #tpu.memory_space<vmem>>
    %dma_start3A_18 = arith.constant 0 : i32
    %dma_start3A_19 = arith.constant 0 : i32
    %dma_start3A_20 = tpu.memref_slice %arg2[%dma_start3A_18, %dma_start3A_19] : memref<10000x128xf32, #tpu.memory_space<hbm>> -> memref<10000x128xf32, #tpu.memory_space<hbm>>
    tpu.enqueue_indirect_dma source(%dma_start3A_20 : memref<10000x128xf32, #tpu.memory_space<hbm>>) target(%arg16 : memref<80x128xf32, #tpu.memory_space<vmem>>) offsets(%dma_start3A_17 : memref<80xi32, #tpu.memory_space<vmem>>) semaphore(%arg20 : memref<!tpu.dma_semaphore, #tpu.memory_space<semaphore_mem>>)
    %scan3A_21 = arith.constant 0 : i32
    %scan3A_22 = arith.constant 62 : i32
    %scan3A_23 = arith.addi %scan3A_21, %scan3A_22 : i32
    %scan3A_24 = arith.constant 1 : i32
    scf.for %scan3A_55 = %scan3A_21 to %scan3A_23 step %scan3A_24  : i32 {
      %mul3A_56 = arith.constant 2 : i32
      %mul3A_57 = arith.muli %mul3A_56, %scan3A_55 : i32
      %dma_wait3A_58 = arith.constant 0 : i32
      %dma_wait3A_59 = arith.constant 0 : i32
      %dma_wait3A_60 = tpu.memref_slice %arg2[%dma_wait3A_58, %dma_wait3A_59] : memref<10000x128xf32, #tpu.memory_space<hbm>> -> memref<80x128xf32, #tpu.memory_space<hbm>>
      %dma_wait3A_61 = arith.constant 0 : i32
      %dma_wait3A_62 = arith.constant 0 : i32
      %dma_wait3A_63 = tpu.memref_slice %arg2[%dma_wait3A_61, %dma_wait3A_62] : memref<10000x128xf32, #tpu.memory_space<hbm>> -> memref<80x128xf32, #tpu.memory_space<hbm>>
      tpu.wait_dma2 semaphore(%arg20 : memref<!tpu.dma_semaphore, #tpu.memory_space<semaphore_mem>>) src(%dma_wait3A_63 : memref<80x128xf32, #tpu.memory_space<hbm>>) dst(%arg14 : memref<80x128xf32, #tpu.memory_space<vmem>>)
      %dma_wait3A_64 = arith.constant 0 : i32
      %dma_wait3A_65 = arith.constant 0 : i32
      %dma_wait3A_66 = tpu.memref_slice %arg2[%dma_wait3A_64, %dma_wait3A_65] : memref<10000x128xf32, #tpu.memory_space<hbm>> -> memref<80x128xf32, #tpu.memory_space<hbm>>
      %dma_wait3A_67 = arith.constant 0 : i32
      %dma_wait3A_68 = arith.constant 0 : i32
      %dma_wait3A_69 = tpu.memref_slice %arg2[%dma_wait3A_67, %dma_wait3A_68] : memref<10000x128xf32, #tpu.memory_space<hbm>> -> memref<80x128xf32, #tpu.memory_space<hbm>>
      tpu.wait_dma2 semaphore(%arg20 : memref<!tpu.dma_semaphore, #tpu.memory_space<semaphore_mem>>) src(%dma_wait3A_69 : memref<80x128xf32, #tpu.memory_space<hbm>>) dst(%arg15 : memref<80x128xf32, #tpu.memory_space<vmem>>)
      %dma_wait3A_70 = arith.constant 0 : i32
      %dma_wait3A_71 = arith.constant 0 : i32
      %dma_wait3A_72 = tpu.memref_slice %arg2[%dma_wait3A_70, %dma_wait3A_71] : memref<10000x128xf32, #tpu.memory_space<hbm>> -> memref<80x128xf32, #tpu.memory_space<hbm>>
      %dma_wait3A_73 = arith.constant 0 : i32
      %dma_wait3A_74 = arith.constant 0 : i32
      %dma_wait3A_75 = tpu.memref_slice %arg2[%dma_wait3A_73, %dma_wait3A_74] : memref<10000x128xf32, #tpu.memory_space<hbm>> -> memref<80x128xf32, #tpu.memory_space<hbm>>
      tpu.wait_dma2 semaphore(%arg20 : memref<!tpu.dma_semaphore, #tpu.memory_space<semaphore_mem>>) src(%dma_wait3A_75 : memref<80x128xf32, #tpu.memory_space<hbm>>) dst(%arg16 : memref<80x128xf32, #tpu.memory_space<vmem>>)
      %add3A_76 = arith.constant 1 : i32
      %add3A_77 = arith.addi %mul3A_57, %add3A_76 : i32
      %mul3A_78 = arith.constant 80 : i32
      %mul3A_79 = arith.muli %add3A_77, %mul3A_78 : i32
      %dma_start3A_80 = tpu.memref_slice %arg9[%mul3A_79] : memref<10000xi32, #tpu.memory_space<vmem>> -> memref<80xi32, #tpu.memory_space<vmem>>
      %dma_start3A_81 = arith.constant 0 : i32
      %dma_start3A_82 = arith.constant 0 : i32
      %dma_start3A_83 = tpu.memref_slice %arg2[%dma_start3A_81, %dma_start3A_82] : memref<10000x128xf32, #tpu.memory_space<hbm>> -> memref<10000x128xf32, #tpu.memory_space<hbm>>
      tpu.enqueue_indirect_dma source(%dma_start3A_83 : memref<10000x128xf32, #tpu.memory_space<hbm>>) target(%arg17 : memref<80x128xf32, #tpu.memory_space<vmem>>) offsets(%dma_start3A_80 : memref<80xi32, #tpu.memory_space<vmem>>) semaphore(%arg21 : memref<!tpu.dma_semaphore, #tpu.memory_space<semaphore_mem>>)
      %dma_start3A_84 = tpu.memref_slice %arg11[%mul3A_79] : memref<10000xi32, #tpu.memory_space<vmem>> -> memref<80xi32, #tpu.memory_space<vmem>>
      %dma_start3A_85 = arith.constant 0 : i32
      %dma_start3A_86 = arith.constant 0 : i32
      %dma_start3A_87 = tpu.memref_slice %arg3[%dma_start3A_85, %dma_start3A_86] : memref<474x128xf32, #tpu.memory_space<hbm>> -> memref<474x128xf32, #tpu.memory_space<hbm>>
      tpu.enqueue_indirect_dma source(%dma_start3A_87 : memref<474x128xf32, #tpu.memory_space<hbm>>) target(%arg18 : memref<80x128xf32, #tpu.memory_space<vmem>>) offsets(%dma_start3A_84 : memref<80xi32, #tpu.memory_space<vmem>>) semaphore(%arg21 : memref<!tpu.dma_semaphore, #tpu.memory_space<semaphore_mem>>)
      %dma_start3A_88 = tpu.memref_slice %arg10[%mul3A_79] : memref<10000xi32, #tpu.memory_space<vmem>> -> memref<80xi32, #tpu.memory_space<vmem>>
      %dma_start3A_89 = arith.constant 0 : i32
      %dma_start3A_90 = arith.constant 0 : i32
      %dma_start3A_91 = tpu.memref_slice %arg2[%dma_start3A_89, %dma_start3A_90] : memref<10000x128xf32, #tpu.memory_space<hbm>> -> memref<10000x128xf32, #tpu.memory_space<hbm>>
      tpu.enqueue_indirect_dma source(%dma_start3A_91 : memref<10000x128xf32, #tpu.memory_space<hbm>>) target(%arg19 : memref<80x128xf32, #tpu.memory_space<vmem>>) offsets(%dma_start3A_88 : memref<80xi32, #tpu.memory_space<vmem>>) semaphore(%arg21 : memref<!tpu.dma_semaphore, #tpu.memory_space<semaphore_mem>>)
      %mul3A_92 = arith.constant 80 : i32
      %mul3A_93 = arith.muli %mul3A_57, %mul3A_92 : i32
      %broadcast_in_dim3A_94 = arith.constant 0.000000e+00 : f32
      %broadcast_in_dim3A_95 = vector.broadcast %broadcast_in_dim3A_94 : f32 to vector<16xf32>
      %scan3A_96 = arith.constant 0 : i32
      %scan3A_97 = arith.constant 20 : i32
      %scan3A_98 = arith.addi %scan3A_96, %scan3A_97 : i32
      %scan3A_99 = arith.constant 1 : i32
      %scan3A_100 = scf.for %scan3A_148 = %scan3A_96 to %scan3A_98 step %scan3A_99 iter_args(%scan3A_149 = %broadcast_in_dim3A_95) -> (vector<16xf32>)  : i32 {
        %mul3A_150 = arith.constant 4 : i32
        %mul3A_151 = arith.muli %scan3A_148, %mul3A_150 : i32
        %rem3A = arith.constant 16 : i32
        %rem3A_152 = arith.remsi %mul3A_151, %rem3A : i32
        %iota3A = tpu.iota {dimensions = array<i32: 0>} : vector<16xi32>
        %add3A_153 = arith.constant 0 : i32
        %add3A_154 = arith.addi %rem3A_152, %add3A_153 : i32
        %eq3A = vector.broadcast %add3A_154 : i32 to vector<16xi32>
        %eq3A_155 = arith.cmpi eq, %iota3A, %eq3A : vector<16xi32>
        %add3A_156 = arith.constant 0 : i32
        %add3A_157 = arith.addi %mul3A_151, %add3A_156 : i32
        %get3A = arith.index_cast %add3A_157 : i32 to index
        %get3A_158 = arith.constant 0 : index
        %get3A_159 = tpu.vector_load %arg14[%get3A, %get3A_158] {strides = array<i32>} : memref<80x128xf32, #tpu.memory_space<vmem>>, vector<16xf32>,
        %get3A_160 = arith.index_cast %add3A_157 : i32 to index
        %get3A_161 = arith.constant 0 : index
        %get3A_162 = tpu.vector_load %arg15[%get3A_160, %get3A_161] {strides = array<i32>} : memref<80x128xf32, #tpu.memory_space<vmem>>, vector<16xf32>,
        %add3A_163 = arith.addf %get3A_159, %get3A_162 : vector<16xf32>
        %get3A_164 = arith.index_cast %add3A_157 : i32 to index
        %get3A_165 = arith.constant 0 : index
        %get3A_166 = tpu.vector_load %arg16[%get3A_164, %get3A_165] {strides = array<i32>} : memref<80x128xf32, #tpu.memory_space<vmem>>, vector<16xf32>,
        %mul3A_167 = arith.mulf %add3A_163, %get3A_166 : vector<16xf32>
        %get3A_168 = arith.index_cast %add3A_157 : i32 to index
        %get3A_169 = arith.constant 16 : index
        %get3A_170 = tpu.vector_load %arg14[%get3A_168, %get3A_169] {strides = array<i32>} : memref<80x128xf32, #tpu.memory_space<vmem>>, vector<16xf32>,
        %get3A_171 = arith.index_cast %add3A_157 : i32 to index
        %get3A_172 = arith.constant 16 : index
        %get3A_173 = tpu.vector_load %arg15[%get3A_171, %get3A_172] {strides = array<i32>} : memref<80x128xf32, #tpu.memory_space<vmem>>, vector<16xf32>,
        %add3A_174 = arith.addf %get3A_170, %get3A_173 : vector<16xf32>
        %get3A_175 = arith.index_cast %add3A_157 : i32 to index
        %get3A_176 = arith.constant 16 : index
        %get3A_177 = tpu.vector_load %arg16[%get3A_175, %get3A_176] {strides = array<i32>} : memref<80x128xf32, #tpu.memory_space<vmem>>, vector<16xf32>,
        %mul3A_178 = arith.mulf %add3A_174, %get3A_177 : vector<16xf32>
        %get3A_179 = arith.index_cast %add3A_157 : i32 to index
        %get3A_180 = arith.constant 32 : index
        %get3A_181 = tpu.vector_load %arg14[%get3A_179, %get3A_180] {strides = array<i32>} : memref<80x128xf32, #tpu.memory_space<vmem>>, vector<16xf32>,
        %get3A_182 = arith.index_cast %add3A_157 : i32 to index
        %get3A_183 = arith.constant 32 : index
        %get3A_184 = tpu.vector_load %arg15[%get3A_182, %get3A_183] {strides = array<i32>} : memref<80x128xf32, #tpu.memory_space<vmem>>, vector<16xf32>,
        %add3A_185 = arith.addf %get3A_181, %get3A_184 : vector<16xf32>
        %get3A_186 = arith.index_cast %add3A_157 : i32 to index
        %get3A_187 = arith.constant 32 : index
        %get3A_188 = tpu.vector_load %arg16[%get3A_186, %get3A_187] {strides = array<i32>} : memref<80x128xf32, #tpu.memory_space<vmem>>, vector<16xf32>,
        %mul3A_189 = arith.mulf %add3A_185, %get3A_188 : vector<16xf32>
        %get3A_190 = arith.index_cast %add3A_157 : i32 to index
        %get3A_191 = arith.constant 48 : index
        %get3A_192 = tpu.vector_load %arg14[%get3A_190, %get3A_191] {strides = array<i32>} : memref<80x128xf32, #tpu.memory_space<vmem>>, vector<16xf32>,
        %get3A_193 = arith.index_cast %add3A_157 : i32 to index
        %get3A_194 = arith.constant 48 : index
        %get3A_195 = tpu.vector_load %arg15[%get3A_193, %get3A_194] {strides = array<i32>} : memref<80x128xf32, #tpu.memory_space<vmem>>, vector<16xf32>,
        %add3A_196 = arith.addf %get3A_192, %get3A_195 : vector<16xf32>
        %get3A_197 = arith.index_cast %add3A_157 : i32 to index
        %get3A_198 = arith.constant 48 : index
        %get3A_199 = tpu.vector_load %arg16[%get3A_197, %get3A_198] {strides = array<i32>} : memref<80x128xf32, #tpu.memory_space<vmem>>, vector<16xf32>,
        %mul3A_200 = arith.mulf %add3A_196, %get3A_199 : vector<16xf32>
        %get3A_201 = arith.index_cast %add3A_157 : i32 to index
        %get3A_202 = arith.constant 64 : index
        %get3A_203 = tpu.vector_load %arg14[%get3A_201, %get3A_202] {strides = array<i32>} : memref<80x128xf32, #tpu.memory_space<vmem>>, vector<16xf32>,
        %get3A_204 = arith.index_cast %add3A_157 : i32 to index
        %get3A_205 = arith.constant 64 : index
        %get3A_206 = tpu.vector_load %arg15[%get3A_204, %get3A_205] {strides = array<i32>} : memref<80x128xf32, #tpu.memory_space<vmem>>, vector<16xf32>,
        %add3A_207 = arith.addf %get3A_203, %get3A_206 : vector<16xf32>
        %get3A_208 = arith.index_cast %add3A_157 : i32 to index
        %get3A_209 = arith.constant 64 : index
        %get3A_210 = tpu.vector_load %arg16[%get3A_208, %get3A_209] {strides = array<i32>} : memref<80x128xf32, #tpu.memory_space<vmem>>, vector<16xf32>,
        %mul3A_211 = arith.mulf %add3A_207, %get3A_210 : vector<16xf32>
        %get3A_212 = arith.index_cast %add3A_157 : i32 to index
        %get3A_213 = arith.constant 80 : index
        %get3A_214 = tpu.vector_load %arg14[%get3A_212, %get3A_213] {strides = array<i32>} : memref<80x128xf32, #tpu.memory_space<vmem>>, vector<16xf32>,
        %get3A_215 = arith.index_cast %add3A_157 : i32 to index
        %get3A_216 = arith.constant 80 : index
        %get3A_217 = tpu.vector_load %arg15[%get3A_215, %get3A_216] {strides = array<i32>} : memref<80x128xf32, #tpu.memory_space<vmem>>, vector<16xf32>,
        %add3A_218 = arith.addf %get3A_214, %get3A_217 : vector<16xf32>
        %get3A_219 = arith.index_cast %add3A_157 : i32 to index
        %get3A_220 = arith.constant 80 : index
        %get3A_221 = tpu.vector_load %arg16[%get3A_219, %get3A_220] {strides = array<i32>} : memref<80x128xf32, #tpu.memory_space<vmem>>, vector<16xf32>,
        %mul3A_222 = arith.mulf %add3A_218, %get3A_221 : vector<16xf32>
        %get3A_223 = arith.index_cast %add3A_157 : i32 to index
        %get3A_224 = arith.constant 96 : index
        %get3A_225 = tpu.vector_load %arg14[%get3A_223, %get3A_224] {strides = array<i32>} : memref<80x128xf32, #tpu.memory_space<vmem>>, vector<16xf32>,
        %get3A_226 = arith.index_cast %add3A_157 : i32 to index
        %get3A_227 = arith.constant 96 : index
        %get3A_228 = tpu.vector_load %arg15[%get3A_226, %get3A_227] {strides = array<i32>} : memref<80x128xf32, #tpu.memory_space<vmem>>, vector<16xf32>,
        %add3A_229 = arith.addf %get3A_225, %get3A_228 : vector<16xf32>
        %get3A_230 = arith.index_cast %add3A_157 : i32 to index
        %get3A_231 = arith.constant 96 : index
        %get3A_232 = tpu.vector_load %arg16[%get3A_230, %get3A_231] {strides = array<i32>} : memref<80x128xf32, #tpu.memory_space<vmem>>, vector<16xf32>,
        %mul3A_233 = arith.mulf %add3A_229, %get3A_232 : vector<16xf32>
        %get3A_234 = arith.index_cast %add3A_157 : i32 to index
        %get3A_235 = arith.constant 112 : index
        %get3A_236 = tpu.vector_load %arg14[%get3A_234, %get3A_235] {strides = array<i32>} : memref<80x128xf32, #tpu.memory_space<vmem>>, vector<16xf32>,
        %get3A_237 = arith.index_cast %add3A_157 : i32 to index
        %get3A_238 = arith.constant 112 : index
        %get3A_239 = tpu.vector_load %arg15[%get3A_237, %get3A_238] {strides = array<i32>} : memref<80x128xf32, #tpu.memory_space<vmem>>, vector<16xf32>,
        %add3A_240 = arith.addf %get3A_236, %get3A_239 : vector<16xf32>
        %get3A_241 = arith.index_cast %add3A_157 : i32 to index
        %get3A_242 = arith.constant 112 : index
        %get3A_243 = tpu.vector_load %arg16[%get3A_241, %get3A_242] {strides = array<i32>} : memref<80x128xf32, #tpu.memory_space<vmem>>, vector<16xf32>,
        %mul3A_244 = arith.mulf %add3A_240, %get3A_243 : vector<16xf32>
        %add3A_245 = arith.addf %mul3A_167, %mul3A_178 : vector<16xf32>
        %add3A_246 = arith.addf %mul3A_189, %mul3A_200 : vector<16xf32>
        %add3A_247 = arith.addf %mul3A_211, %mul3A_222 : vector<16xf32>
        %add3A_248 = arith.addf %mul3A_233, %mul3A_244 : vector<16xf32>
        %add3A_249 = arith.addf %add3A_245, %add3A_246 : vector<16xf32>
        %add3A_250 = arith.addf %add3A_247, %add3A_248 : vector<16xf32>
        %add3A_251 = arith.addf %add3A_249, %add3A_250 : vector<16xf32>
        %reduce_sum3A = arith.constant true
        %reduce_sum3A_252 = vector.broadcast %reduce_sum3A : i1 to vector<16xi1>
        %reduce_sum3A_253 = tpu.scan <sum>, %add3A_251 masked %reduce_sum3A_252 : vector<16xf32>, vector<16xi1> -> vector<16xf32>
        %reduce_sum3A_254 = vector.extract %reduce_sum3A_253[15] : f32 from vector<16xf32>
        %broadcast_in_dim3A_255 = vector.broadcast %reduce_sum3A_254 : f32 to vector<16xf32>
        %select_n3A = arith.select %eq3A_155, %broadcast_in_dim3A_255, %scan3A_149 : vector<16xi1>, vector<16xf32>
        %add3A_256 = arith.constant 1 : i32
        %add3A_257 = arith.addi %rem3A_152, %add3A_256 : i32
        %eq3A_258 = vector.broadcast %add3A_257 : i32 to vector<16xi32>
        %eq3A_259 = arith.cmpi eq, %iota3A, %eq3A_258 : vector<16xi32>
        %add3A_260 = arith.constant 1 : i32
        %add3A_261 = arith.addi %mul3A_151, %add3A_260 : i32
        %get3A_262 = arith.index_cast %add3A_261 : i32 to index
        %get3A_263 = arith.constant 0 : index
        %get3A_264 = tpu.vector_load %arg14[%get3A_262, %get3A_263] {strides = array<i32>} : memref<80x128xf32, #tpu.memory_space<vmem>>, vector<16xf32>,
        %get3A_265 = arith.index_cast %add3A_261 : i32 to index
        %get3A_266 = arith.constant 0 : index
        %get3A_267 = tpu.vector_load %arg15[%get3A_265, %get3A_266] {strides = array<i32>} : memref<80x128xf32, #tpu.memory_space<vmem>>, vector<16xf32>,
        %add3A_268 = arith.addf %get3A_264, %get3A_267 : vector<16xf32>
        %get3A_269 = arith.index_cast %add3A_261 : i32 to index
        %get3A_270 = arith.constant 0 : index
        %get3A_271 = tpu.vector_load %arg16[%get3A_269, %get3A_270] {strides = array<i32>} : memref<80x128xf32, #tpu.memory_space<vmem>>, vector<16xf32>,
        %mul3A_272 = arith.mulf %add3A_268, %get3A_271 : vector<16xf32>
        %get3A_273 = arith.index_cast %add3A_261 : i32 to index
        %get3A_274 = arith.constant 16 : index
        %get3A_275 = tpu.vector_load %arg14[%get3A_273, %get3A_274] {strides = array<i32>} : memref<80x128xf32, #tpu.memory_space<vmem>>, vector<16xf32>,
        %get3A_276 = arith.index_cast %add3A_261 : i32 to index
        %get3A_277 = arith.constant 16 : index
        %get3A_278 = tpu.vector_load %arg15[%get3A_276, %get3A_277] {strides = array<i32>} : memref<80x128xf32, #tpu.memory_space<vmem>>, vector<16xf32>,
        %add3A_279 = arith.addf %get3A_275, %get3A_278 : vector<16xf32>
        %get3A_280 = arith.index_cast %add3A_261 : i32 to index
        %get3A_281 = arith.constant 16 : index
        %get3A_282 = tpu.vector_load %arg16[%get3A_280, %get3A_281] {strides = array<i32>} : memref<80x128xf32, #tpu.memory_space<vmem>>, vector<16xf32>,
        %mul3A_283 = arith.mulf %add3A_279, %get3A_282 : vector<16xf32>
        %get3A_284 = arith.index_cast %add3A_261 : i32 to index
        %get3A_285 = arith.constant 32 : index
        %get3A_286 = tpu.vector_load %arg14[%get3A_284, %get3A_285] {strides = array<i32>} : memref<80x128xf32, #tpu.memory_space<vmem>>, vector<16xf32>,
        %get3A_287 = arith.index_cast %add3A_261 : i32 to index
        %get3A_288 = arith.constant 32 : index
        %get3A_289 = tpu.vector_load %arg15[%get3A_287, %get3A_288] {strides = array<i32>} : memref<80x128xf32, #tpu.memory_space<vmem>>, vector<16xf32>,
        %add3A_290 = arith.addf %get3A_286, %get3A_289 : vector<16xf32>
        %get3A_291 = arith.index_cast %add3A_261 : i32 to index
        %get3A_292 = arith.constant 32 : index
        %get3A_293 = tpu.vector_load %arg16[%get3A_291, %get3A_292] {strides = array<i32>} : memref<80x128xf32, #tpu.memory_space<vmem>>, vector<16xf32>,
        %mul3A_294 = arith.mulf %add3A_290, %get3A_293 : vector<16xf32>
        %get3A_295 = arith.index_cast %add3A_261 : i32 to index
        %get3A_296 = arith.constant 48 : index
        %get3A_297 = tpu.vector_load %arg14[%get3A_295, %get3A_296] {strides = array<i32>} : memref<80x128xf32, #tpu.memory_space<vmem>>, vector<16xf32>,
        %get3A_298 = arith.index_cast %add3A_261 : i32 to index
        %get3A_299 = arith.constant 48 : index
        %get3A_300 = tpu.vector_load %arg15[%get3A_298, %get3A_299] {strides = array<i32>} : memref<80x128xf32, #tpu.memory_space<vmem>>, vector<16xf32>,
        %add3A_301 = arith.addf %get3A_297, %get3A_300 : vector<16xf32>
        %get3A_302 = arith.index_cast %add3A_261 : i32 to index
        %get3A_303 = arith.constant 48 : index
        %get3A_304 = tpu.vector_load %arg16[%get3A_302, %get3A_303] {strides = array<i32>} : memref<80x128xf32, #tpu.memory_space<vmem>>, vector<16xf32>,
        %mul3A_305 = arith.mulf %add3A_301, %get3A_304 : vector<16xf32>
        %get3A_306 = arith.index_cast %add3A_261 : i32 to index
        %get3A_307 = arith.constant 64 : index
        %get3A_308 = tpu.vector_load %arg14[%get3A_306, %get3A_307] {strides = array<i32>} : memref<80x128xf32, #tpu.memory_space<vmem>>, vector<16xf32>,
        %get3A_309 = arith.index_cast %add3A_261 : i32 to index
        %get3A_310 = arith.constant 64 : index
        %get3A_311 = tpu.vector_load %arg15[%get3A_309, %get3A_310] {strides = array<i32>} : memref<80x128xf32, #tpu.memory_space<vmem>>, vector<16xf32>,
        %add3A_312 = arith.addf %get3A_308, %get3A_311 : vector<16xf32>
        %get3A_313 = arith.index_cast %add3A_261 : i32 to index
        %get3A_314 = arith.constant 64 : index
        %get3A_315 = tpu.vector_load %arg16[%get3A_313, %get3A_314] {strides = array<i32>} : memref<80x128xf32, #tpu.memory_space<vmem>>, vector<16xf32>,
        %mul3A_316 = arith.mulf %add3A_312, %get3A_315 : vector<16xf32>
        %get3A_317 = arith.index_cast %add3A_261 : i32 to index
        %get3A_318 = arith.constant 80 : index
        %get3A_319 = tpu.vector_load %arg14[%get3A_317, %get3A_318] {strides = array<i32>} : memref<80x128xf32, #tpu.memory_space<vmem>>, vector<16xf32>,
        %get3A_320 = arith.index_cast %add3A_261 : i32 to index
        %get3A_321 = arith.constant 80 : index
        %get3A_322 = tpu.vector_load %arg15[%get3A_320, %get3A_321] {strides = array<i32>} : memref<80x128xf32, #tpu.memory_space<vmem>>, vector<16xf32>,
        %add3A_323 = arith.addf %get3A_319, %get3A_322 : vector<16xf32>
        %get3A_324 = arith.index_cast %add3A_261 : i32 to index
        %get3A_325 = arith.constant 80 : index
        %get3A_326 = tpu.vector_load %arg16[%get3A_324, %get3A_325] {strides = array<i32>} : memref<80x128xf32, #tpu.memory_space<vmem>>, vector<16xf32>,
        %mul3A_327 = arith.mulf %add3A_323, %get3A_326 : vector<16xf32>
        %get3A_328 = arith.index_cast %add3A_261 : i32 to index
        %get3A_329 = arith.constant 96 : index
        %get3A_330 = tpu.vector_load %arg14[%get3A_328, %get3A_329] {strides = array<i32>} : memref<80x128xf32, #tpu.memory_space<vmem>>, vector<16xf32>,
        %get3A_331 = arith.index_cast %add3A_261 : i32 to index
        %get3A_332 = arith.constant 96 : index
        %get3A_333 = tpu.vector_load %arg15[%get3A_331, %get3A_332] {strides = array<i32>} : memref<80x128xf32, #tpu.memory_space<vmem>>, vector<16xf32>,
        %add3A_334 = arith.addf %get3A_330, %get3A_333 : vector<16xf32>
        %get3A_335 = arith.index_cast %add3A_261 : i32 to index
        %get3A_336 = arith.constant 96 : index
        %get3A_337 = tpu.vector_load %arg16[%get3A_335, %get3A_336] {strides = array<i32>} : memref<80x128xf32, #tpu.memory_space<vmem>>, vector<16xf32>,
        %mul3A_338 = arith.mulf %add3A_334, %get3A_337 : vector<16xf32>
        %get3A_339 = arith.index_cast %add3A_261 : i32 to index
        %get3A_340 = arith.constant 112 : index
        %get3A_341 = tpu.vector_load %arg14[%get3A_339, %get3A_340] {strides = array<i32>} : memref<80x128xf32, #tpu.memory_space<vmem>>, vector<16xf32>,
        %get3A_342 = arith.index_cast %add3A_261 : i32 to index
        %get3A_343 = arith.constant 112 : index
        %get3A_344 = tpu.vector_load %arg15[%get3A_342, %get3A_343] {strides = array<i32>} : memref<80x128xf32, #tpu.memory_space<vmem>>, vector<16xf32>,
        %add3A_345 = arith.addf %get3A_341, %get3A_344 : vector<16xf32>
        %get3A_346 = arith.index_cast %add3A_261 : i32 to index
        %get3A_347 = arith.constant 112 : index
        %get3A_348 = tpu.vector_load %arg16[%get3A_346, %get3A_347] {strides = array<i32>} : memref<80x128xf32, #tpu.memory_space<vmem>>, vector<16xf32>,
        %mul3A_349 = arith.mulf %add3A_345, %get3A_348 : vector<16xf32>
        %add3A_350 = arith.addf %mul3A_272, %mul3A_283 : vector<16xf32>
        %add3A_351 = arith.addf %mul3A_294, %mul3A_305 : vector<16xf32>
        %add3A_352 = arith.addf %mul3A_316, %mul3A_327 : vector<16xf32>
        %add3A_353 = arith.addf %mul3A_338, %mul3A_349 : vector<16xf32>
        %add3A_354 = arith.addf %add3A_350, %add3A_351 : vector<16xf32>
        %add3A_355 = arith.addf %add3A_352, %add3A_353 : vector<16xf32>
        %add3A_356 = arith.addf %add3A_354, %add3A_355 : vector<16xf32>
        %reduce_sum3A_357 = arith.constant true
        %reduce_sum3A_358 = vector.broadcast %reduce_sum3A_357 : i1 to vector<16xi1>
        %reduce_sum3A_359 = tpu.scan <sum>, %add3A_356 masked %reduce_sum3A_358 : vector<16xf32>, vector<16xi1> -> vector<16xf32>
        %reduce_sum3A_360 = vector.extract %reduce_sum3A_359[15] : f32 from vector<16xf32>
        %broadcast_in_dim3A_361 = vector.broadcast %reduce_sum3A_360 : f32 to vector<16xf32>
        %select_n3A_362 = arith.select %eq3A_259, %broadcast_in_dim3A_361, %select_n3A : vector<16xi1>, vector<16xf32>
        %add3A_363 = arith.constant 2 : i32
        %add3A_364 = arith.addi %rem3A_152, %add3A_363 : i32
        %eq3A_365 = vector.broadcast %add3A_364 : i32 to vector<16xi32>
        %eq3A_366 = arith.cmpi eq, %iota3A, %eq3A_365 : vector<16xi32>
        %add3A_367 = arith.constant 2 : i32
        %add3A_368 = arith.addi %mul3A_151, %add3A_367 : i32
        %get3A_369 = arith.index_cast %add3A_368 : i32 to index
        %get3A_370 = arith.constant 0 : index
        %get3A_371 = tpu.vector_load %arg14[%get3A_369, %get3A_370] {strides = array<i32>} : memref<80x128xf32, #tpu.memory_space<vmem>>, vector<16xf32>,
        %get3A_372 = arith.index_cast %add3A_368 : i32 to index
        %get3A_373 = arith.constant 0 : index
        %get3A_374 = tpu.vector_load %arg15[%get3A_372, %get3A_373] {strides = array<i32>} : memref<80x128xf32, #tpu.memory_space<vmem>>, vector<16xf32>,
        %add3A_375 = arith.addf %get3A_371, %get3A_374 : vector<16xf32>
        %get3A_376 = arith.index_cast %add3A_368 : i32 to index
        %get3A_377 = arith.constant 0 : index
        %get3A_378 = tpu.vector_load %arg16[%get3A_376, %get3A_377] {strides = array<i32>} : memref<80x128xf32, #tpu.memory_space<vmem>>, vector<16xf32>,
        %mul3A_379 = arith.mulf %add3A_375, %get3A_378 : vector<16xf32>
        %get3A_380 = arith.index_cast %add3A_368 : i32 to index
        %get3A_381 = arith.constant 16 : index
        %get3A_382 = tpu.vector_load %arg14[%get3A_380, %get3A_381] {strides = array<i32>} : memref<80x128xf32, #tpu.memory_space<vmem>>, vector<16xf32>,
        %get3A_383 = arith.index_cast %add3A_368 : i32 to index
        %get3A_384 = arith.constant 16 : index
        %get3A_385 = tpu.vector_load %arg15[%get3A_383, %get3A_384] {strides = array<i32>} : memref<80x128xf32, #tpu.memory_space<vmem>>, vector<16xf32>,
        %add3A_386 = arith.addf %get3A_382, %get3A_385 : vector<16xf32>
        %get3A_387 = arith.index_cast %add3A_368 : i32 to index
        %get3A_388 = arith.constant 16 : index
        %get3A_389 = tpu.vector_load %arg16[%get3A_387, %get3A_388] {strides = array<i32>} : memref<80x128xf32, #tpu.memory_space<vmem>>, vector<16xf32>,
        %mul3A_390 = arith.mulf %add3A_386, %get3A_389 : vector<16xf32>
        %get3A_391 = arith.index_cast %add3A_368 : i32 to index
        %get3A_392 = arith.constant 32 : index
        %get3A_393 = tpu.vector_load %arg14[%get3A_391, %get3A_392] {strides = array<i32>} : memref<80x128xf32, #tpu.memory_space<vmem>>, vector<16xf32>,
        %get3A_394 = arith.index_cast %add3A_368 : i32 to index
        %get3A_395 = arith.constant 32 : index
        %get3A_396 = tpu.vector_load %arg15[%get3A_394, %get3A_395] {strides = array<i32>} : memref<80x128xf32, #tpu.memory_space<vmem>>, vector<16xf32>,
        %add3A_397 = arith.addf %get3A_393, %get3A_396 : vector<16xf32>
        %get3A_398 = arith.index_cast %add3A_368 : i32 to index
        %get3A_399 = arith.constant 32 : index
        %get3A_400 = tpu.vector_load %arg16[%get3A_398, %get3A_399] {strides = array<i32>} : memref<80x128xf32, #tpu.memory_space<vmem>>, vector<16xf32>,
        %mul3A_401 = arith.mulf %add3A_397, %get3A_400 : vector<16xf32>
        %get3A_402 = arith.index_cast %add3A_368 : i32 to index
        %get3A_403 = arith.constant 48 : index
        %get3A_404 = tpu.vector_load %arg14[%get3A_402, %get3A_403] {strides = array<i32>} : memref<80x128xf32, #tpu.memory_space<vmem>>, vector<16xf32>,
        %get3A_405 = arith.index_cast %add3A_368 : i32 to index
        %get3A_406 = arith.constant 48 : index
        %get3A_407 = tpu.vector_load %arg15[%get3A_405, %get3A_406] {strides = array<i32>} : memref<80x128xf32, #tpu.memory_space<vmem>>, vector<16xf32>,
        %add3A_408 = arith.addf %get3A_404, %get3A_407 : vector<16xf32>
        %get3A_409 = arith.index_cast %add3A_368 : i32 to index
        %get3A_410 = arith.constant 48 : index
        %get3A_411 = tpu.vector_load %arg16[%get3A_409, %get3A_410] {strides = array<i32>} : memref<80x128xf32, #tpu.memory_space<vmem>>, vector<16xf32>,
        %mul3A_412 = arith.mulf %add3A_408, %get3A_411 : vector<16xf32>
        %get3A_413 = arith.index_cast %add3A_368 : i32 to index
        %get3A_414 = arith.constant 64 : index
        %get3A_415 = tpu.vector_load %arg14[%get3A_413, %get3A_414] {strides = array<i32>} : memref<80x128xf32, #tpu.memory_space<vmem>>, vector<16xf32>,
        %get3A_416 = arith.index_cast %add3A_368 : i32 to index
        %get3A_417 = arith.constant 64 : index
        %get3A_418 = tpu.vector_load %arg15[%get3A_416, %get3A_417] {strides = array<i32>} : memref<80x128xf32, #tpu.memory_space<vmem>>, vector<16xf32>,
        %add3A_419 = arith.addf %get3A_415, %get3A_418 : vector<16xf32>
        %get3A_420 = arith.index_cast %add3A_368 : i32 to index
        %get3A_421 = arith.constant 64 : index
        %get3A_422 = tpu.vector_load %arg16[%get3A_420, %get3A_421] {strides = array<i32>} : memref<80x128xf32, #tpu.memory_space<vmem>>, vector<16xf32>,
        %mul3A_423 = arith.mulf %add3A_419, %get3A_422 : vector<16xf32>
        %get3A_424 = arith.index_cast %add3A_368 : i32 to index
        %get3A_425 = arith.constant 80 : index
        %get3A_426 = tpu.vector_load %arg14[%get3A_424, %get3A_425] {strides = array<i32>} : memref<80x128xf32, #tpu.memory_space<vmem>>, vector<16xf32>,
        %get3A_427 = arith.index_cast %add3A_368 : i32 to index
        %get3A_428 = arith.constant 80 : index
        %get3A_429 = tpu.vector_load %arg15[%get3A_427, %get3A_428] {strides = array<i32>} : memref<80x128xf32, #tpu.memory_space<vmem>>, vector<16xf32>,
        %add3A_430 = arith.addf %get3A_426, %get3A_429 : vector<16xf32>
        %get3A_431 = arith.index_cast %add3A_368 : i32 to index
        %get3A_432 = arith.constant 80 : index
        %get3A_433 = tpu.vector_load %arg16[%get3A_431, %get3A_432] {strides = array<i32>} : memref<80x128xf32, #tpu.memory_space<vmem>>, vector<16xf32>,
        %mul3A_434 = arith.mulf %add3A_430, %get3A_433 : vector<16xf32>
        %get3A_435 = arith.index_cast %add3A_368 : i32 to index
        %get3A_436 = arith.constant 96 : index
        %get3A_437 = tpu.vector_load %arg14[%get3A_435, %get3A_436] {strides = array<i32>} : memref<80x128xf32, #tpu.memory_space<vmem>>, vector<16xf32>,
        %get3A_438 = arith.index_cast %add3A_368 : i32 to index
        %get3A_439 = arith.constant 96 : index
        %get3A_440 = tpu.vector_load %arg15[%get3A_438, %get3A_439] {strides = array<i32>} : memref<80x128xf32, #tpu.memory_space<vmem>>, vector<16xf32>,
        %add3A_441 = arith.addf %get3A_437, %get3A_440 : vector<16xf32>
        %get3A_442 = arith.index_cast %add3A_368 : i32 to index
        %get3A_443 = arith.constant 96 : index
        %get3A_444 = tpu.vector_load %arg16[%get3A_442, %get3A_443] {strides = array<i32>} : memref<80x128xf32, #tpu.memory_space<vmem>>, vector<16xf32>,
        %mul3A_445 = arith.mulf %add3A_441, %get3A_444 : vector<16xf32>
        %get3A_446 = arith.index_cast %add3A_368 : i32 to index
        %get3A_447 = arith.constant 112 : index
        %get3A_448 = tpu.vector_load %arg14[%get3A_446, %get3A_447] {strides = array<i32>} : memref<80x128xf32, #tpu.memory_space<vmem>>, vector<16xf32>,
        %get3A_449 = arith.index_cast %add3A_368 : i32 to index
        %get3A_450 = arith.constant 112 : index
        %get3A_451 = tpu.vector_load %arg15[%get3A_449, %get3A_450] {strides = array<i32>} : memref<80x128xf32, #tpu.memory_space<vmem>>, vector<16xf32>,
        %add3A_452 = arith.addf %get3A_448, %get3A_451 : vector<16xf32>
        %get3A_453 = arith.index_cast %add3A_368 : i32 to index
        %get3A_454 = arith.constant 112 : index
        %get3A_455 = tpu.vector_load %arg16[%get3A_453, %get3A_454] {strides = array<i32>} : memref<80x128xf32, #tpu.memory_space<vmem>>, vector<16xf32>,
        %mul3A_456 = arith.mulf %add3A_452, %get3A_455 : vector<16xf32>
        %add3A_457 = arith.addf %mul3A_379, %mul3A_390 : vector<16xf32>
        %add3A_458 = arith.addf %mul3A_401, %mul3A_412 : vector<16xf32>
        %add3A_459 = arith.addf %mul3A_423, %mul3A_434 : vector<16xf32>
        %add3A_460 = arith.addf %mul3A_445, %mul3A_456 : vector<16xf32>
        %add3A_461 = arith.addf %add3A_457, %add3A_458 : vector<16xf32>
        %add3A_462 = arith.addf %add3A_459, %add3A_460 : vector<16xf32>
        %add3A_463 = arith.addf %add3A_461, %add3A_462 : vector<16xf32>
        %reduce_sum3A_464 = arith.constant true
        %reduce_sum3A_465 = vector.broadcast %reduce_sum3A_464 : i1 to vector<16xi1>
        %reduce_sum3A_466 = tpu.scan <sum>, %add3A_463 masked %reduce_sum3A_465 : vector<16xf32>, vector<16xi1> -> vector<16xf32>
        %reduce_sum3A_467 = vector.extract %reduce_sum3A_466[15] : f32 from vector<16xf32>
        %broadcast_in_dim3A_468 = vector.broadcast %reduce_sum3A_467 : f32 to vector<16xf32>
        %select_n3A_469 = arith.select %eq3A_366, %broadcast_in_dim3A_468, %select_n3A_362 : vector<16xi1>, vector<16xf32>
        %add3A_470 = arith.constant 3 : i32
        %add3A_471 = arith.addi %rem3A_152, %add3A_470 : i32
        %eq3A_472 = vector.broadcast %add3A_471 : i32 to vector<16xi32>
        %eq3A_473 = arith.cmpi eq, %iota3A, %eq3A_472 : vector<16xi32>
        %add3A_474 = arith.constant 3 : i32
        %add3A_475 = arith.addi %mul3A_151, %add3A_474 : i32
        %get3A_476 = arith.index_cast %add3A_475 : i32 to index
        %get3A_477 = arith.constant 0 : index
        %get3A_478 = tpu.vector_load %arg14[%get3A_476, %get3A_477] {strides = array<i32>} : memref<80x128xf32, #tpu.memory_space<vmem>>, vector<16xf32>,
        %get3A_479 = arith.index_cast %add3A_475 : i32 to index
        %get3A_480 = arith.constant 0 : index
        %get3A_481 = tpu.vector_load %arg15[%get3A_479, %get3A_480] {strides = array<i32>} : memref<80x128xf32, #tpu.memory_space<vmem>>, vector<16xf32>,
        %add3A_482 = arith.addf %get3A_478, %get3A_481 : vector<16xf32>
        %get3A_483 = arith.index_cast %add3A_475 : i32 to index
        %get3A_484 = arith.constant 0 : index
        %get3A_485 = tpu.vector_load %arg16[%get3A_483, %get3A_484] {strides = array<i32>} : memref<80x128xf32, #tpu.memory_space<vmem>>, vector<16xf32>,
        %mul3A_486 = arith.mulf %add3A_482, %get3A_485 : vector<16xf32>
        %get3A_487 = arith.index_cast %add3A_475 : i32 to index
        %get3A_488 = arith.constant 16 : index
        %get3A_489 = tpu.vector_load %arg14[%get3A_487, %get3A_488] {strides = array<i32>} : memref<80x128xf32, #tpu.memory_space<vmem>>, vector<16xf32>,
        %get3A_490 = arith.index_cast %add3A_475 : i32 to index
        %get3A_491 = arith.constant 16 : index
        %get3A_492 = tpu.vector_load %arg15[%get3A_490, %get3A_491] {strides = array<i32>} : memref<80x128xf32, #tpu.memory_space<vmem>>, vector<16xf32>,
        %add3A_493 = arith.addf %get3A_489, %get3A_492 : vector<16xf32>
        %get3A_494 = arith.index_cast %add3A_475 : i32 to index
        %get3A_495 = arith.constant 16 : index
        %get3A_496 = tpu.vector_load %arg16[%get3A_494, %get3A_495] {strides = array<i32>} : memref<80x128xf32, #tpu.memory_space<vmem>>, vector<16xf32>,
        %mul3A_497 = arith.mulf %add3A_493, %get3A_496 : vector<16xf32>
        %get3A_498 = arith.index_cast %add3A_475 : i32 to index
        %get3A_499 = arith.constant 32 : index
        %get3A_500 = tpu.vector_load %arg14[%get3A_498, %get3A_499] {strides = array<i32>} : memref<80x128xf32, #tpu.memory_space<vmem>>, vector<16xf32>,
        %get3A_501 = arith.index_cast %add3A_475 : i32 to index
        %get3A_502 = arith.constant 32 : index
        %get3A_503 = tpu.vector_load %arg15[%get3A_501, %get3A_502] {strides = array<i32>} : memref<80x128xf32, #tpu.memory_space<vmem>>, vector<16xf32>,
        %add3A_504 = arith.addf %get3A_500, %get3A_503 : vector<16xf32>
        %get3A_505 = arith.index_cast %add3A_475 : i32 to index
        %get3A_506 = arith.constant 32 : index
        %get3A_507 = tpu.vector_load %arg16[%get3A_505, %get3A_506] {strides = array<i32>} : memref<80x128xf32, #tpu.memory_space<vmem>>, vector<16xf32>,
        %mul3A_508 = arith.mulf %add3A_504, %get3A_507 : vector<16xf32>
        %get3A_509 = arith.index_cast %add3A_475 : i32 to index
        %get3A_510 = arith.constant 48 : index
        %get3A_511 = tpu.vector_load %arg14[%get3A_509, %get3A_510] {strides = array<i32>} : memref<80x128xf32, #tpu.memory_space<vmem>>, vector<16xf32>,
        %get3A_512 = arith.index_cast %add3A_475 : i32 to index
        %get3A_513 = arith.constant 48 : index
        %get3A_514 = tpu.vector_load %arg15[%get3A_512, %get3A_513] {strides = array<i32>} : memref<80x128xf32, #tpu.memory_space<vmem>>, vector<16xf32>,
        %add3A_515 = arith.addf %get3A_511, %get3A_514 : vector<16xf32>
        %get3A_516 = arith.index_cast %add3A_475 : i32 to index
        %get3A_517 = arith.constant 48 : index
        %get3A_518 = tpu.vector_load %arg16[%get3A_516, %get3A_517] {strides = array<i32>} : memref<80x128xf32, #tpu.memory_space<vmem>>, vector<16xf32>,
        %mul3A_519 = arith.mulf %add3A_515, %get3A_518 : vector<16xf32>
        %get3A_520 = arith.index_cast %add3A_475 : i32 to index
        %get3A_521 = arith.constant 64 : index
        %get3A_522 = tpu.vector_load %arg14[%get3A_520, %get3A_521] {strides = array<i32>} : memref<80x128xf32, #tpu.memory_space<vmem>>, vector<16xf32>,
        %get3A_523 = arith.index_cast %add3A_475 : i32 to index
        %get3A_524 = arith.constant 64 : index
        %get3A_525 = tpu.vector_load %arg15[%get3A_523, %get3A_524] {strides = array<i32>} : memref<80x128xf32, #tpu.memory_space<vmem>>, vector<16xf32>,
        %add3A_526 = arith.addf %get3A_522, %get3A_525 : vector<16xf32>
        %get3A_527 = arith.index_cast %add3A_475 : i32 to index
        %get3A_528 = arith.constant 64 : index
        %get3A_529 = tpu.vector_load %arg16[%get3A_527, %get3A_528] {strides = array<i32>} : memref<80x128xf32, #tpu.memory_space<vmem>>, vector<16xf32>,
        %mul3A_530 = arith.mulf %add3A_526, %get3A_529 : vector<16xf32>
        %get3A_531 = arith.index_cast %add3A_475 : i32 to index
        %get3A_532 = arith.constant 80 : index
        %get3A_533 = tpu.vector_load %arg14[%get3A_531, %get3A_532] {strides = array<i32>} : memref<80x128xf32, #tpu.memory_space<vmem>>, vector<16xf32>,
        %get3A_534 = arith.index_cast %add3A_475 : i32 to index
        %get3A_535 = arith.constant 80 : index
        %get3A_536 = tpu.vector_load %arg15[%get3A_534, %get3A_535] {strides = array<i32>} : memref<80x128xf32, #tpu.memory_space<vmem>>, vector<16xf32>,
        %add3A_537 = arith.addf %get3A_533, %get3A_536 : vector<16xf32>
        %get3A_538 = arith.index_cast %add3A_475 : i32 to index
        %get3A_539 = arith.constant 80 : index
        %get3A_540 = tpu.vector_load %arg16[%get3A_538, %get3A_539] {strides = array<i32>} : memref<80x128xf32, #tpu.memory_space<vmem>>, vector<16xf32>,
        %mul3A_541 = arith.mulf %add3A_537, %get3A_540 : vector<16xf32>
        %get3A_542 = arith.index_cast %add3A_475 : i32 to index
        %get3A_543 = arith.constant 96 : index
        %get3A_544 = tpu.vector_load %arg14[%get3A_542, %get3A_543] {strides = array<i32>} : memref<80x128xf32, #tpu.memory_space<vmem>>, vector<16xf32>,
        %get3A_545 = arith.index_cast %add3A_475 : i32 to index
        %get3A_546 = arith.constant 96 : index
        %get3A_547 = tpu.vector_load %arg15[%get3A_545, %get3A_546] {strides = array<i32>} : memref<80x128xf32, #tpu.memory_space<vmem>>, vector<16xf32>,
        %add3A_548 = arith.addf %get3A_544, %get3A_547 : vector<16xf32>
        %get3A_549 = arith.index_cast %add3A_475 : i32 to index
        %get3A_550 = arith.constant 96 : index
        %get3A_551 = tpu.vector_load %arg16[%get3A_549, %get3A_550] {strides = array<i32>} : memref<80x128xf32, #tpu.memory_space<vmem>>, vector<16xf32>,
        %mul3A_552 = arith.mulf %add3A_548, %get3A_551 : vector<16xf32>
        %get3A_553 = arith.index_cast %add3A_475 : i32 to index
        %get3A_554 = arith.constant 112 : index
        %get3A_555 = tpu.vector_load %arg14[%get3A_553, %get3A_554] {strides = array<i32>} : memref<80x128xf32, #tpu.memory_space<vmem>>, vector<16xf32>,
        %get3A_556 = arith.index_cast %add3A_475 : i32 to index
        %get3A_557 = arith.constant 112 : index
        %get3A_558 = tpu.vector_load %arg15[%get3A_556, %get3A_557] {strides = array<i32>} : memref<80x128xf32, #tpu.memory_space<vmem>>, vector<16xf32>,
        %add3A_559 = arith.addf %get3A_555, %get3A_558 : vector<16xf32>
        %get3A_560 = arith.index_cast %add3A_475 : i32 to index
        %get3A_561 = arith.constant 112 : index
        %get3A_562 = tpu.vector_load %arg16[%get3A_560, %get3A_561] {strides = array<i32>} : memref<80x128xf32, #tpu.memory_space<vmem>>, vector<16xf32>,
        %mul3A_563 = arith.mulf %add3A_559, %get3A_562 : vector<16xf32>
        %add3A_564 = arith.addf %mul3A_486, %mul3A_497 : vector<16xf32>
        %add3A_565 = arith.addf %mul3A_508, %mul3A_519 : vector<16xf32>
        %add3A_566 = arith.addf %mul3A_530, %mul3A_541 : vector<16xf32>
        %add3A_567 = arith.addf %mul3A_552, %mul3A_563 : vector<16xf32>
        %add3A_568 = arith.addf %add3A_564, %add3A_565 : vector<16xf32>
        %add3A_569 = arith.addf %add3A_566, %add3A_567 : vector<16xf32>
        %add3A_570 = arith.addf %add3A_568, %add3A_569 : vector<16xf32>
        %reduce_sum3A_571 = arith.constant true
        %reduce_sum3A_572 = vector.broadcast %reduce_sum3A_571 : i1 to vector<16xi1>
        %reduce_sum3A_573 = tpu.scan <sum>, %add3A_570 masked %reduce_sum3A_572 : vector<16xf32>, vector<16xi1> -> vector<16xf32>
        %reduce_sum3A_574 = vector.extract %reduce_sum3A_573[15] : f32 from vector<16xf32>
        %broadcast_in_dim3A_575 = vector.broadcast %reduce_sum3A_574 : f32 to vector<16xf32>
        %select_n3A_576 = arith.select %eq3A_473, %broadcast_in_dim3A_575, %select_n3A_469 : vector<16xi1>, vector<16xf32>
        %eq3A_577 = arith.constant 12 : i32
        %eq3A_578 = arith.cmpi eq, %rem3A_152, %eq3A_577 : i32
        %convert_element_type3A = arith.extui %eq3A_578 : i1 to i32
        %cond3A = arith.constant 0 : i32
        %cond3A_579 = arith.cmpi ne, %convert_element_type3A, %cond3A : i32
        scf.if %cond3A_579 {
          %add3A_580 = arith.addi %mul3A_93, %mul3A_151 : i32
          %sub3A = arith.constant 12 : i32
          %sub3A_581 = arith.subi %add3A_580, %sub3A : i32
          %swap3A = arith.index_cast %sub3A_581 : i32 to index
          %swap3A_582 = tpu.vector_load %arg12[%swap3A] {strides = array<i32>} : memref<10000xf32, #tpu.memory_space<vmem>>, vector<16xf32>,
          tpu.vector_store %arg12[%swap3A], %select_n3A_576 {strides = array<i32>} : memref<10000xf32, #tpu.memory_space<vmem>>, vector<16xf32>,
        } else {
        }
        scf.yield %select_n3A_576 : vector<16xf32>
      }
      %scan3A_101 = arith.constant 20 : i32
      %dma_wait3A_102 = arith.constant 0 : i32
      %dma_wait3A_103 = arith.constant 0 : i32
      %dma_wait3A_104 = tpu.memref_slice %arg2[%dma_wait3A_102, %dma_wait3A_103] : memref<10000x128xf32, #tpu.memory_space<hbm>> -> memref<80x128xf32, #tpu.memory_space<hbm>>
      %dma_wait3A_105 = arith.constant 0 : i32
      %dma_wait3A_106 = arith.constant 0 : i32
      %dma_wait3A_107 = tpu.memref_slice %arg2[%dma_wait3A_105, %dma_wait3A_106] : memref<10000x128xf32, #tpu.memory_space<hbm>> -> memref<80x128xf32, #tpu.memory_space<hbm>>
      tpu.wait_dma2 semaphore(%arg21 : memref<!tpu.dma_semaphore, #tpu.memory_space<semaphore_mem>>) src(%dma_wait3A_107 : memref<80x128xf32, #tpu.memory_space<hbm>>) dst(%arg17 : memref<80x128xf32, #tpu.memory_space<vmem>>)
      %dma_wait3A_108 = arith.constant 0 : i32
      %dma_wait3A_109 = arith.constant 0 : i32
      %dma_wait3A_110 = tpu.memref_slice %arg2[%dma_wait3A_108, %dma_wait3A_109] : memref<10000x128xf32, #tpu.memory_space<hbm>> -> memref<80x128xf32, #tpu.memory_space<hbm>>
      %dma_wait3A_111 = arith.constant 0 : i32
      %dma_wait3A_112 = arith.constant 0 : i32
      %dma_wait3A_113 = tpu.memref_slice %arg2[%dma_wait3A_111, %dma_wait3A_112] : memref<10000x128xf32, #tpu.memory_space<hbm>> -> memref<80x128xf32, #tpu.memory_space<hbm>>
      tpu.wait_dma2 semaphore(%arg21 : memref<!tpu.dma_semaphore, #tpu.memory_space<semaphore_mem>>) src(%dma_wait3A_113 : memref<80x128xf32, #tpu.memory_space<hbm>>) dst(%arg18 : memref<80x128xf32, #tpu.memory_space<vmem>>)
      %dma_wait3A_114 = arith.constant 0 : i32
      %dma_wait3A_115 = arith.constant 0 : i32
      %dma_wait3A_116 = tpu.memref_slice %arg2[%dma_wait3A_114, %dma_wait3A_115] : memref<10000x128xf32, #tpu.memory_space<hbm>> -> memref<80x128xf32, #tpu.memory_space<hbm>>
      %dma_wait3A_117 = arith.constant 0 : i32
      %dma_wait3A_118 = arith.constant 0 : i32
      %dma_wait3A_119 = tpu.memref_slice %arg2[%dma_wait3A_117, %dma_wait3A_118] : memref<10000x128xf32, #tpu.memory_space<hbm>> -> memref<80x128xf32, #tpu.memory_space<hbm>>
      tpu.wait_dma2 semaphore(%arg21 : memref<!tpu.dma_semaphore, #tpu.memory_space<semaphore_mem>>) src(%dma_wait3A_119 : memref<80x128xf32, #tpu.memory_space<hbm>>) dst(%arg19 : memref<80x128xf32, #tpu.memory_space<vmem>>)
      %add3A_120 = arith.constant 2 : i32
      %add3A_121 = arith.addi %mul3A_57, %add3A_120 : i32
      %mul3A_122 = arith.constant 80 : i32
      %mul3A_123 = arith.muli %add3A_121, %mul3A_122 : i32
      %dma_start3A_124 = tpu.memref_slice %arg9[%mul3A_123] : memref<10000xi32, #tpu.memory_space<vmem>> -> memref<80xi32, #tpu.memory_space<vmem>>
      %dma_start3A_125 = arith.constant 0 : i32
      %dma_start3A_126 = arith.constant 0 : i32
      %dma_start3A_127 = tpu.memref_slice %arg2[%dma_start3A_125, %dma_start3A_126] : memref<10000x128xf32, #tpu.memory_space<hbm>> -> memref<10000x128xf32, #tpu.memory_space<hbm>>
      tpu.enqueue_indirect_dma source(%dma_start3A_127 : memref<10000x128xf32, #tpu.memory_space<hbm>>) target(%arg14 : memref<80x128xf32, #tpu.memory_space<vmem>>) offsets(%dma_start3A_124 : memref<80xi32, #tpu.memory_space<vmem>>) semaphore(%arg20 : memref<!tpu.dma_semaphore, #tpu.memory_space<semaphore_mem>>)
      %dma_start3A_128 = tpu.memref_slice %arg11[%mul3A_123] : memref<10000xi32, #tpu.memory_space<vmem>> -> memref<80xi32, #tpu.memory_space<vmem>>
      %dma_start3A_129 = arith.constant 0 : i32
      %dma_start3A_130 = arith.constant 0 : i32
      %dma_start3A_131 = tpu.memref_slice %arg3[%dma_start3A_129, %dma_start3A_130] : memref<474x128xf32, #tpu.memory_space<hbm>> -> memref<474x128xf32, #tpu.memory_space<hbm>>
      tpu.enqueue_indirect_dma source(%dma_start3A_131 : memref<474x128xf32, #tpu.memory_space<hbm>>) target(%arg15 : memref<80x128xf32, #tpu.memory_space<vmem>>) offsets(%dma_start3A_128 : memref<80xi32, #tpu.memory_space<vmem>>) semaphore(%arg20 : memref<!tpu.dma_semaphore, #tpu.memory_space<semaphore_mem>>)
      %dma_start3A_132 = tpu.memref_slice %arg10[%mul3A_123] : memref<10000xi32, #tpu.memory_space<vmem>> -> memref<80xi32, #tpu.memory_space<vmem>>
      %dma_start3A_133 = arith.constant 0 : i32
      %dma_start3A_134 = arith.constant 0 : i32
      %dma_start3A_135 = tpu.memref_slice %arg2[%dma_start3A_133, %dma_start3A_134] : memref<10000x128xf32, #tpu.memory_space<hbm>> -> memref<10000x128xf32, #tpu.memory_space<hbm>>
      tpu.enqueue_indirect_dma source(%dma_start3A_135 : memref<10000x128xf32, #tpu.memory_space<hbm>>) target(%arg16 : memref<80x128xf32, #tpu.memory_space<vmem>>) offsets(%dma_start3A_132 : memref<80xi32, #tpu.memory_space<vmem>>) semaphore(%arg20 : memref<!tpu.dma_semaphore, #tpu.memory_space<semaphore_mem>>)
      %add3A_136 = arith.constant 1 : i32
      %add3A_137 = arith.addi %mul3A_57, %add3A_136 : i32
      %mul3A_138 = arith.constant 80 : i32
      %mul3A_139 = arith.muli %add3A_137, %mul3A_138 : i32
      %broadcast_in_dim3A_140 = arith.constant 0.000000e+00 : f32
      %broadcast_in_dim3A_141 = vector.broadcast %broadcast_in_dim3A_140 : f32 to vector<16xf32>
      %scan3A_142 = arith.constant 0 : i32
      %scan3A_143 = arith.constant 20 : i32
      %scan3A_144 = arith.addi %scan3A_142, %scan3A_143 : i32
      %scan3A_145 = arith.constant 1 : i32
      %scan3A_146 = scf.for %scan3A_148 = %scan3A_142 to %scan3A_144 step %scan3A_145 iter_args(%scan3A_149 = %broadcast_in_dim3A_141) -> (vector<16xf32>)  : i32 {
        %mul3A_150 = arith.constant 4 : i32
        %mul3A_151 = arith.muli %scan3A_148, %mul3A_150 : i32
        %rem3A = arith.constant 16 : i32
        %rem3A_152 = arith.remsi %mul3A_151, %rem3A : i32
        %iota3A = tpu.iota {dimensions = array<i32: 0>} : vector<16xi32>
        %add3A_153 = arith.constant 0 : i32
        %add3A_154 = arith.addi %rem3A_152, %add3A_153 : i32
        %eq3A = vector.broadcast %add3A_154 : i32 to vector<16xi32>
        %eq3A_155 = arith.cmpi eq, %iota3A, %eq3A : vector<16xi32>
        %add3A_156 = arith.constant 0 : i32
        %add3A_157 = arith.addi %mul3A_151, %add3A_156 : i32
        %get3A = arith.index_cast %add3A_157 : i32 to index
        %get3A_158 = arith.constant 0 : index
        %get3A_159 = tpu.vector_load %arg17[%get3A, %get3A_158] {strides = array<i32>} : memref<80x128xf32, #tpu.memory_space<vmem>>, vector<16xf32>,
        %get3A_160 = arith.index_cast %add3A_157 : i32 to index
        %get3A_161 = arith.constant 0 : index
        %get3A_162 = tpu.vector_load %arg18[%get3A_160, %get3A_161] {strides = array<i32>} : memref<80x128xf32, #tpu.memory_space<vmem>>, vector<16xf32>,
        %add3A_163 = arith.addf %get3A_159, %get3A_162 : vector<16xf32>
        %get3A_164 = arith.index_cast %add3A_157 : i32 to index
        %get3A_165 = arith.constant 0 : index
        %get3A_166 = tpu.vector_load %arg19[%get3A_164, %get3A_165] {strides = array<i32>} : memref<80x128xf32, #tpu.memory_space<vmem>>, vector<16xf32>,
        %mul3A_167 = arith.mulf %add3A_163, %get3A_166 : vector<16xf32>
        %get3A_168 = arith.index_cast %add3A_157 : i32 to index
        %get3A_169 = arith.constant 16 : index
        %get3A_170 = tpu.vector_load %arg17[%get3A_168, %get3A_169] {strides = array<i32>} : memref<80x128xf32, #tpu.memory_space<vmem>>, vector<16xf32>,
        %get3A_171 = arith.index_cast %add3A_157 : i32 to index
        %get3A_172 = arith.constant 16 : index
        %get3A_173 = tpu.vector_load %arg18[%get3A_171, %get3A_172] {strides = array<i32>} : memref<80x128xf32, #tpu.memory_space<vmem>>, vector<16xf32>,
        %add3A_174 = arith.addf %get3A_170, %get3A_173 : vector<16xf32>
        %get3A_175 = arith.index_cast %add3A_157 : i32 to index
        %get3A_176 = arith.constant 16 : index
        %get3A_177 = tpu.vector_load %arg19[%get3A_175, %get3A_176] {strides = array<i32>} : memref<80x128xf32, #tpu.memory_space<vmem>>, vector<16xf32>,
        %mul3A_178 = arith.mulf %add3A_174, %get3A_177 : vector<16xf32>
        %get3A_179 = arith.index_cast %add3A_157 : i32 to index
        %get3A_180 = arith.constant 32 : index
        %get3A_181 = tpu.vector_load %arg17[%get3A_179, %get3A_180] {strides = array<i32>} : memref<80x128xf32, #tpu.memory_space<vmem>>, vector<16xf32>,
        %get3A_182 = arith.index_cast %add3A_157 : i32 to index
        %get3A_183 = arith.constant 32 : index
        %get3A_184 = tpu.vector_load %arg18[%get3A_182, %get3A_183] {strides = array<i32>} : memref<80x128xf32, #tpu.memory_space<vmem>>, vector<16xf32>,
        %add3A_185 = arith.addf %get3A_181, %get3A_184 : vector<16xf32>
        %get3A_186 = arith.index_cast %add3A_157 : i32 to index
        %get3A_187 = arith.constant 32 : index
        %get3A_188 = tpu.vector_load %arg19[%get3A_186, %get3A_187] {strides = array<i32>} : memref<80x128xf32, #tpu.memory_space<vmem>>, vector<16xf32>,
        %mul3A_189 = arith.mulf %add3A_185, %get3A_188 : vector<16xf32>
        %get3A_190 = arith.index_cast %add3A_157 : i32 to index
        %get3A_191 = arith.constant 48 : index
        %get3A_192 = tpu.vector_load %arg17[%get3A_190, %get3A_191] {strides = array<i32>} : memref<80x128xf32, #tpu.memory_space<vmem>>, vector<16xf32>,
        %get3A_193 = arith.index_cast %add3A_157 : i32 to index
        %get3A_194 = arith.constant 48 : index
        %get3A_195 = tpu.vector_load %arg18[%get3A_193, %get3A_194] {strides = array<i32>} : memref<80x128xf32, #tpu.memory_space<vmem>>, vector<16xf32>,
        %add3A_196 = arith.addf %get3A_192, %get3A_195 : vector<16xf32>
        %get3A_197 = arith.index_cast %add3A_157 : i32 to index
        %get3A_198 = arith.constant 48 : index
        %get3A_199 = tpu.vector_load %arg19[%get3A_197, %get3A_198] {strides = array<i32>} : memref<80x128xf32, #tpu.memory_space<vmem>>, vector<16xf32>,
        %mul3A_200 = arith.mulf %add3A_196, %get3A_199 : vector<16xf32>
        %get3A_201 = arith.index_cast %add3A_157 : i32 to index
        %get3A_202 = arith.constant 64 : index
        %get3A_203 = tpu.vector_load %arg17[%get3A_201, %get3A_202] {strides = array<i32>} : memref<80x128xf32, #tpu.memory_space<vmem>>, vector<16xf32>,
        %get3A_204 = arith.index_cast %add3A_157 : i32 to index
        %get3A_205 = arith.constant 64 : index
        %get3A_206 = tpu.vector_load %arg18[%get3A_204, %get3A_205] {strides = array<i32>} : memref<80x128xf32, #tpu.memory_space<vmem>>, vector<16xf32>,
        %add3A_207 = arith.addf %get3A_203, %get3A_206 : vector<16xf32>
        %get3A_208 = arith.index_cast %add3A_157 : i32 to index
        %get3A_209 = arith.constant 64 : index
        %get3A_210 = tpu.vector_load %arg19[%get3A_208, %get3A_209] {strides = array<i32>} : memref<80x128xf32, #tpu.memory_space<vmem>>, vector<16xf32>,
        %mul3A_211 = arith.mulf %add3A_207, %get3A_210 : vector<16xf32>
        %get3A_212 = arith.index_cast %add3A_157 : i32 to index
        %get3A_213 = arith.constant 80 : index
        %get3A_214 = tpu.vector_load %arg17[%get3A_212, %get3A_213] {strides = array<i32>} : memref<80x128xf32, #tpu.memory_space<vmem>>, vector<16xf32>,
        %get3A_215 = arith.index_cast %add3A_157 : i32 to index
        %get3A_216 = arith.constant 80 : index
        %get3A_217 = tpu.vector_load %arg18[%get3A_215, %get3A_216] {strides = array<i32>} : memref<80x128xf32, #tpu.memory_space<vmem>>, vector<16xf32>,
        %add3A_218 = arith.addf %get3A_214, %get3A_217 : vector<16xf32>
        %get3A_219 = arith.index_cast %add3A_157 : i32 to index
        %get3A_220 = arith.constant 80 : index
        %get3A_221 = tpu.vector_load %arg19[%get3A_219, %get3A_220] {strides = array<i32>} : memref<80x128xf32, #tpu.memory_space<vmem>>, vector<16xf32>,
        %mul3A_222 = arith.mulf %add3A_218, %get3A_221 : vector<16xf32>
        %get3A_223 = arith.index_cast %add3A_157 : i32 to index
        %get3A_224 = arith.constant 96 : index
        %get3A_225 = tpu.vector_load %arg17[%get3A_223, %get3A_224] {strides = array<i32>} : memref<80x128xf32, #tpu.memory_space<vmem>>, vector<16xf32>,
        %get3A_226 = arith.index_cast %add3A_157 : i32 to index
        %get3A_227 = arith.constant 96 : index
        %get3A_228 = tpu.vector_load %arg18[%get3A_226, %get3A_227] {strides = array<i32>} : memref<80x128xf32, #tpu.memory_space<vmem>>, vector<16xf32>,
        %add3A_229 = arith.addf %get3A_225, %get3A_228 : vector<16xf32>
        %get3A_230 = arith.index_cast %add3A_157 : i32 to index
        %get3A_231 = arith.constant 96 : index
        %get3A_232 = tpu.vector_load %arg19[%get3A_230, %get3A_231] {strides = array<i32>} : memref<80x128xf32, #tpu.memory_space<vmem>>, vector<16xf32>,
        %mul3A_233 = arith.mulf %add3A_229, %get3A_232 : vector<16xf32>
        %get3A_234 = arith.index_cast %add3A_157 : i32 to index
        %get3A_235 = arith.constant 112 : index
        %get3A_236 = tpu.vector_load %arg17[%get3A_234, %get3A_235] {strides = array<i32>} : memref<80x128xf32, #tpu.memory_space<vmem>>, vector<16xf32>,
        %get3A_237 = arith.index_cast %add3A_157 : i32 to index
        %get3A_238 = arith.constant 112 : index
        %get3A_239 = tpu.vector_load %arg18[%get3A_237, %get3A_238] {strides = array<i32>} : memref<80x128xf32, #tpu.memory_space<vmem>>, vector<16xf32>,
        %add3A_240 = arith.addf %get3A_236, %get3A_239 : vector<16xf32>
        %get3A_241 = arith.index_cast %add3A_157 : i32 to index
        %get3A_242 = arith.constant 112 : index
        %get3A_243 = tpu.vector_load %arg19[%get3A_241, %get3A_242] {strides = array<i32>} : memref<80x128xf32, #tpu.memory_space<vmem>>, vector<16xf32>,
        %mul3A_244 = arith.mulf %add3A_240, %get3A_243 : vector<16xf32>
        %add3A_245 = arith.addf %mul3A_167, %mul3A_178 : vector<16xf32>
        %add3A_246 = arith.addf %mul3A_189, %mul3A_200 : vector<16xf32>
        %add3A_247 = arith.addf %mul3A_211, %mul3A_222 : vector<16xf32>
        %add3A_248 = arith.addf %mul3A_233, %mul3A_244 : vector<16xf32>
        %add3A_249 = arith.addf %add3A_245, %add3A_246 : vector<16xf32>
        %add3A_250 = arith.addf %add3A_247, %add3A_248 : vector<16xf32>
        %add3A_251 = arith.addf %add3A_249, %add3A_250 : vector<16xf32>
        %reduce_sum3A = arith.constant true
        %reduce_sum3A_252 = vector.broadcast %reduce_sum3A : i1 to vector<16xi1>
        %reduce_sum3A_253 = tpu.scan <sum>, %add3A_251 masked %reduce_sum3A_252 : vector<16xf32>, vector<16xi1> -> vector<16xf32>
        %reduce_sum3A_254 = vector.extract %reduce_sum3A_253[15] : f32 from vector<16xf32>
        %broadcast_in_dim3A_255 = vector.broadcast %reduce_sum3A_254 : f32 to vector<16xf32>
        %select_n3A = arith.select %eq3A_155, %broadcast_in_dim3A_255, %scan3A_149 : vector<16xi1>, vector<16xf32>
        %add3A_256 = arith.constant 1 : i32
        %add3A_257 = arith.addi %rem3A_152, %add3A_256 : i32
        %eq3A_258 = vector.broadcast %add3A_257 : i32 to vector<16xi32>
        %eq3A_259 = arith.cmpi eq, %iota3A, %eq3A_258 : vector<16xi32>
        %add3A_260 = arith.constant 1 : i32
        %add3A_261 = arith.addi %mul3A_151, %add3A_260 : i32
        %get3A_262 = arith.index_cast %add3A_261 : i32 to index
        %get3A_263 = arith.constant 0 : index
        %get3A_264 = tpu.vector_load %arg17[%get3A_262, %get3A_263] {strides = array<i32>} : memref<80x128xf32, #tpu.memory_space<vmem>>, vector<16xf32>,
        %get3A_265 = arith.index_cast %add3A_261 : i32 to index
        %get3A_266 = arith.constant 0 : index
        %get3A_267 = tpu.vector_load %arg18[%get3A_265, %get3A_266] {strides = array<i32>} : memref<80x128xf32, #tpu.memory_space<vmem>>, vector<16xf32>,
        %add3A_268 = arith.addf %get3A_264, %get3A_267 : vector<16xf32>
        %get3A_269 = arith.index_cast %add3A_261 : i32 to index
        %get3A_270 = arith.constant 0 : index
        %get3A_271 = tpu.vector_load %arg19[%get3A_269, %get3A_270] {strides = array<i32>} : memref<80x128xf32, #tpu.memory_space<vmem>>, vector<16xf32>,
        %mul3A_272 = arith.mulf %add3A_268, %get3A_271 : vector<16xf32>
        %get3A_273 = arith.index_cast %add3A_261 : i32 to index
        %get3A_274 = arith.constant 16 : index
        %get3A_275 = tpu.vector_load %arg17[%get3A_273, %get3A_274] {strides = array<i32>} : memref<80x128xf32, #tpu.memory_space<vmem>>, vector<16xf32>,
        %get3A_276 = arith.index_cast %add3A_261 : i32 to index
        %get3A_277 = arith.constant 16 : index
        %get3A_278 = tpu.vector_load %arg18[%get3A_276, %get3A_277] {strides = array<i32>} : memref<80x128xf32, #tpu.memory_space<vmem>>, vector<16xf32>,
        %add3A_279 = arith.addf %get3A_275, %get3A_278 : vector<16xf32>
        %get3A_280 = arith.index_cast %add3A_261 : i32 to index
        %get3A_281 = arith.constant 16 : index
        %get3A_282 = tpu.vector_load %arg19[%get3A_280, %get3A_281] {strides = array<i32>} : memref<80x128xf32, #tpu.memory_space<vmem>>, vector<16xf32>,
        %mul3A_283 = arith.mulf %add3A_279, %get3A_282 : vector<16xf32>
        %get3A_284 = arith.index_cast %add3A_261 : i32 to index
        %get3A_285 = arith.constant 32 : index
        %get3A_286 = tpu.vector_load %arg17[%get3A_284, %get3A_285] {strides = array<i32>} : memref<80x128xf32, #tpu.memory_space<vmem>>, vector<16xf32>,
        %get3A_287 = arith.index_cast %add3A_261 : i32 to index
        %get3A_288 = arith.constant 32 : index
        %get3A_289 = tpu.vector_load %arg18[%get3A_287, %get3A_288] {strides = array<i32>} : memref<80x128xf32, #tpu.memory_space<vmem>>, vector<16xf32>,
        %add3A_290 = arith.addf %get3A_286, %get3A_289 : vector<16xf32>
        %get3A_291 = arith.index_cast %add3A_261 : i32 to index
        %get3A_292 = arith.constant 32 : index
        %get3A_293 = tpu.vector_load %arg19[%get3A_291, %get3A_292] {strides = array<i32>} : memref<80x128xf32, #tpu.memory_space<vmem>>, vector<16xf32>,
        %mul3A_294 = arith.mulf %add3A_290, %get3A_293 : vector<16xf32>
        %get3A_295 = arith.index_cast %add3A_261 : i32 to index
        %get3A_296 = arith.constant 48 : index
        %get3A_297 = tpu.vector_load %arg17[%get3A_295, %get3A_296] {strides = array<i32>} : memref<80x128xf32, #tpu.memory_space<vmem>>, vector<16xf32>,
        %get3A_298 = arith.index_cast %add3A_261 : i32 to index
        %get3A_299 = arith.constant 48 : index
        %get3A_300 = tpu.vector_load %arg18[%get3A_298, %get3A_299] {strides = array<i32>} : memref<80x128xf32, #tpu.memory_space<vmem>>, vector<16xf32>,
        %add3A_301 = arith.addf %get3A_297, %get3A_300 : vector<16xf32>
        %get3A_302 = arith.index_cast %add3A_261 : i32 to index
        %get3A_303 = arith.constant 48 : index
        %get3A_304 = tpu.vector_load %arg19[%get3A_302, %get3A_303] {strides = array<i32>} : memref<80x128xf32, #tpu.memory_space<vmem>>, vector<16xf32>,
        %mul3A_305 = arith.mulf %add3A_301, %get3A_304 : vector<16xf32>
        %get3A_306 = arith.index_cast %add3A_261 : i32 to index
        %get3A_307 = arith.constant 64 : index
        %get3A_308 = tpu.vector_load %arg17[%get3A_306, %get3A_307] {strides = array<i32>} : memref<80x128xf32, #tpu.memory_space<vmem>>, vector<16xf32>,
        %get3A_309 = arith.index_cast %add3A_261 : i32 to index
        %get3A_310 = arith.constant 64 : index
        %get3A_311 = tpu.vector_load %arg18[%get3A_309, %get3A_310] {strides = array<i32>} : memref<80x128xf32, #tpu.memory_space<vmem>>, vector<16xf32>,
        %add3A_312 = arith.addf %get3A_308, %get3A_311 : vector<16xf32>
        %get3A_313 = arith.index_cast %add3A_261 : i32 to index
        %get3A_314 = arith.constant 64 : index
        %get3A_315 = tpu.vector_load %arg19[%get3A_313, %get3A_314] {strides = array<i32>} : memref<80x128xf32, #tpu.memory_space<vmem>>, vector<16xf32>,
        %mul3A_316 = arith.mulf %add3A_312, %get3A_315 : vector<16xf32>
        %get3A_317 = arith.index_cast %add3A_261 : i32 to index
        %get3A_318 = arith.constant 80 : index
        %get3A_319 = tpu.vector_load %arg17[%get3A_317, %get3A_318] {strides = array<i32>} : memref<80x128xf32, #tpu.memory_space<vmem>>, vector<16xf32>,
        %get3A_320 = arith.index_cast %add3A_261 : i32 to index
        %get3A_321 = arith.constant 80 : index
        %get3A_322 = tpu.vector_load %arg18[%get3A_320, %get3A_321] {strides = array<i32>} : memref<80x128xf32, #tpu.memory_space<vmem>>, vector<16xf32>,
        %add3A_323 = arith.addf %get3A_319, %get3A_322 : vector<16xf32>
        %get3A_324 = arith.index_cast %add3A_261 : i32 to index
        %get3A_325 = arith.constant 80 : index
        %get3A_326 = tpu.vector_load %arg19[%get3A_324, %get3A_325] {strides = array<i32>} : memref<80x128xf32, #tpu.memory_space<vmem>>, vector<16xf32>,
        %mul3A_327 = arith.mulf %add3A_323, %get3A_326 : vector<16xf32>
        %get3A_328 = arith.index_cast %add3A_261 : i32 to index
        %get3A_329 = arith.constant 96 : index
        %get3A_330 = tpu.vector_load %arg17[%get3A_328, %get3A_329] {strides = array<i32>} : memref<80x128xf32, #tpu.memory_space<vmem>>, vector<16xf32>,
        %get3A_331 = arith.index_cast %add3A_261 : i32 to index
        %get3A_332 = arith.constant 96 : index
        %get3A_333 = tpu.vector_load %arg18[%get3A_331, %get3A_332] {strides = array<i32>} : memref<80x128xf32, #tpu.memory_space<vmem>>, vector<16xf32>,
        %add3A_334 = arith.addf %get3A_330, %get3A_333 : vector<16xf32>
        %get3A_335 = arith.index_cast %add3A_261 : i32 to index
        %get3A_336 = arith.constant 96 : index
        %get3A_337 = tpu.vector_load %arg19[%get3A_335, %get3A_336] {strides = array<i32>} : memref<80x128xf32, #tpu.memory_space<vmem>>, vector<16xf32>,
        %mul3A_338 = arith.mulf %add3A_334, %get3A_337 : vector<16xf32>
        %get3A_339 = arith.index_cast %add3A_261 : i32 to index
        %get3A_340 = arith.constant 112 : index
        %get3A_341 = tpu.vector_load %arg17[%get3A_339, %get3A_340] {strides = array<i32>} : memref<80x128xf32, #tpu.memory_space<vmem>>, vector<16xf32>,
        %get3A_342 = arith.index_cast %add3A_261 : i32 to index
        %get3A_343 = arith.constant 112 : index
        %get3A_344 = tpu.vector_load %arg18[%get3A_342, %get3A_343] {strides = array<i32>} : memref<80x128xf32, #tpu.memory_space<vmem>>, vector<16xf32>,
        %add3A_345 = arith.addf %get3A_341, %get3A_344 : vector<16xf32>
        %get3A_346 = arith.index_cast %add3A_261 : i32 to index
        %get3A_347 = arith.constant 112 : index
        %get3A_348 = tpu.vector_load %arg19[%get3A_346, %get3A_347] {strides = array<i32>} : memref<80x128xf32, #tpu.memory_space<vmem>>, vector<16xf32>,
        %mul3A_349 = arith.mulf %add3A_345, %get3A_348 : vector<16xf32>
        %add3A_350 = arith.addf %mul3A_272, %mul3A_283 : vector<16xf32>
        %add3A_351 = arith.addf %mul3A_294, %mul3A_305 : vector<16xf32>
        %add3A_352 = arith.addf %mul3A_316, %mul3A_327 : vector<16xf32>
        %add3A_353 = arith.addf %mul3A_338, %mul3A_349 : vector<16xf32>
        %add3A_354 = arith.addf %add3A_350, %add3A_351 : vector<16xf32>
        %add3A_355 = arith.addf %add3A_352, %add3A_353 : vector<16xf32>
        %add3A_356 = arith.addf %add3A_354, %add3A_355 : vector<16xf32>
        %reduce_sum3A_357 = arith.constant true
        %reduce_sum3A_358 = vector.broadcast %reduce_sum3A_357 : i1 to vector<16xi1>
        %reduce_sum3A_359 = tpu.scan <sum>, %add3A_356 masked %reduce_sum3A_358 : vector<16xf32>, vector<16xi1> -> vector<16xf32>
        %reduce_sum3A_360 = vector.extract %reduce_sum3A_359[15] : f32 from vector<16xf32>
        %broadcast_in_dim3A_361 = vector.broadcast %reduce_sum3A_360 : f32 to vector<16xf32>
        %select_n3A_362 = arith.select %eq3A_259, %broadcast_in_dim3A_361, %select_n3A : vector<16xi1>, vector<16xf32>
        %add3A_363 = arith.constant 2 : i32
        %add3A_364 = arith.addi %rem3A_152, %add3A_363 : i32
        %eq3A_365 = vector.broadcast %add3A_364 : i32 to vector<16xi32>
        %eq3A_366 = arith.cmpi eq, %iota3A, %eq3A_365 : vector<16xi32>
        %add3A_367 = arith.constant 2 : i32
        %add3A_368 = arith.addi %mul3A_151, %add3A_367 : i32
        %get3A_369 = arith.index_cast %add3A_368 : i32 to index
        %get3A_370 = arith.constant 0 : index
        %get3A_371 = tpu.vector_load %arg17[%get3A_369, %get3A_370] {strides = array<i32>} : memref<80x128xf32, #tpu.memory_space<vmem>>, vector<16xf32>,
        %get3A_372 = arith.index_cast %add3A_368 : i32 to index
        %get3A_373 = arith.constant 0 : index
        %get3A_374 = tpu.vector_load %arg18[%get3A_372, %get3A_373] {strides = array<i32>} : memref<80x128xf32, #tpu.memory_space<vmem>>, vector<16xf32>,
        %add3A_375 = arith.addf %get3A_371, %get3A_374 : vector<16xf32>
        %get3A_376 = arith.index_cast %add3A_368 : i32 to index
        %get3A_377 = arith.constant 0 : index
        %get3A_378 = tpu.vector_load %arg19[%get3A_376, %get3A_377] {strides = array<i32>} : memref<80x128xf32, #tpu.memory_space<vmem>>, vector<16xf32>,
        %mul3A_379 = arith.mulf %add3A_375, %get3A_378 : vector<16xf32>
        %get3A_380 = arith.index_cast %add3A_368 : i32 to index
        %get3A_381 = arith.constant 16 : index
        %get3A_382 = tpu.vector_load %arg17[%get3A_380, %get3A_381] {strides = array<i32>} : memref<80x128xf32, #tpu.memory_space<vmem>>, vector<16xf32>,
        %get3A_383 = arith.index_cast %add3A_368 : i32 to index
        %get3A_384 = arith.constant 16 : index
        %get3A_385 = tpu.vector_load %arg18[%get3A_383, %get3A_384] {strides = array<i32>} : memref<80x128xf32, #tpu.memory_space<vmem>>, vector<16xf32>,
        %add3A_386 = arith.addf %get3A_382, %get3A_385 : vector<16xf32>
        %get3A_387 = arith.index_cast %add3A_368 : i32 to index
        %get3A_388 = arith.constant 16 : index
        %get3A_389 = tpu.vector_load %arg19[%get3A_387, %get3A_388] {strides = array<i32>} : memref<80x128xf32, #tpu.memory_space<vmem>>, vector<16xf32>,
        %mul3A_390 = arith.mulf %add3A_386, %get3A_389 : vector<16xf32>
        %get3A_391 = arith.index_cast %add3A_368 : i32 to index
        %get3A_392 = arith.constant 32 : index
        %get3A_393 = tpu.vector_load %arg17[%get3A_391, %get3A_392] {strides = array<i32>} : memref<80x128xf32, #tpu.memory_space<vmem>>, vector<16xf32>,
        %get3A_394 = arith.index_cast %add3A_368 : i32 to index
        %get3A_395 = arith.constant 32 : index
        %get3A_396 = tpu.vector_load %arg18[%get3A_394, %get3A_395] {strides = array<i32>} : memref<80x128xf32, #tpu.memory_space<vmem>>, vector<16xf32>,
        %add3A_397 = arith.addf %get3A_393, %get3A_396 : vector<16xf32>
        %get3A_398 = arith.index_cast %add3A_368 : i32 to index
        %get3A_399 = arith.constant 32 : index
        %get3A_400 = tpu.vector_load %arg19[%get3A_398, %get3A_399] {strides = array<i32>} : memref<80x128xf32, #tpu.memory_space<vmem>>, vector<16xf32>,
        %mul3A_401 = arith.mulf %add3A_397, %get3A_400 : vector<16xf32>
        %get3A_402 = arith.index_cast %add3A_368 : i32 to index
        %get3A_403 = arith.constant 48 : index
        %get3A_404 = tpu.vector_load %arg17[%get3A_402, %get3A_403] {strides = array<i32>} : memref<80x128xf32, #tpu.memory_space<vmem>>, vector<16xf32>,
        %get3A_405 = arith.index_cast %add3A_368 : i32 to index
        %get3A_406 = arith.constant 48 : index
        %get3A_407 = tpu.vector_load %arg18[%get3A_405, %get3A_406] {strides = array<i32>} : memref<80x128xf32, #tpu.memory_space<vmem>>, vector<16xf32>,
        %add3A_408 = arith.addf %get3A_404, %get3A_407 : vector<16xf32>
        %get3A_409 = arith.index_cast %add3A_368 : i32 to index
        %get3A_410 = arith.constant 48 : index
        %get3A_411 = tpu.vector_load %arg19[%get3A_409, %get3A_410] {strides = array<i32>} : memref<80x128xf32, #tpu.memory_space<vmem>>, vector<16xf32>,
        %mul3A_412 = arith.mulf %add3A_408, %get3A_411 : vector<16xf32>
        %get3A_413 = arith.index_cast %add3A_368 : i32 to index
        %get3A_414 = arith.constant 64 : index
        %get3A_415 = tpu.vector_load %arg17[%get3A_413, %get3A_414] {strides = array<i32>} : memref<80x128xf32, #tpu.memory_space<vmem>>, vector<16xf32>,
        %get3A_416 = arith.index_cast %add3A_368 : i32 to index
        %get3A_417 = arith.constant 64 : index
        %get3A_418 = tpu.vector_load %arg18[%get3A_416, %get3A_417] {strides = array<i32>} : memref<80x128xf32, #tpu.memory_space<vmem>>, vector<16xf32>,
        %add3A_419 = arith.addf %get3A_415, %get3A_418 : vector<16xf32>
        %get3A_420 = arith.index_cast %add3A_368 : i32 to index
        %get3A_421 = arith.constant 64 : index
        %get3A_422 = tpu.vector_load %arg19[%get3A_420, %get3A_421] {strides = array<i32>} : memref<80x128xf32, #tpu.memory_space<vmem>>, vector<16xf32>,
        %mul3A_423 = arith.mulf %add3A_419, %get3A_422 : vector<16xf32>
        %get3A_424 = arith.index_cast %add3A_368 : i32 to index
        %get3A_425 = arith.constant 80 : index
        %get3A_426 = tpu.vector_load %arg17[%get3A_424, %get3A_425] {strides = array<i32>} : memref<80x128xf32, #tpu.memory_space<vmem>>, vector<16xf32>,
        %get3A_427 = arith.index_cast %add3A_368 : i32 to index
        %get3A_428 = arith.constant 80 : index
        %get3A_429 = tpu.vector_load %arg18[%get3A_427, %get3A_428] {strides = array<i32>} : memref<80x128xf32, #tpu.memory_space<vmem>>, vector<16xf32>,
        %add3A_430 = arith.addf %get3A_426, %get3A_429 : vector<16xf32>
        %get3A_431 = arith.index_cast %add3A_368 : i32 to index
        %get3A_432 = arith.constant 80 : index
        %get3A_433 = tpu.vector_load %arg19[%get3A_431, %get3A_432] {strides = array<i32>} : memref<80x128xf32, #tpu.memory_space<vmem>>, vector<16xf32>,
        %mul3A_434 = arith.mulf %add3A_430, %get3A_433 : vector<16xf32>
        %get3A_435 = arith.index_cast %add3A_368 : i32 to index
        %get3A_436 = arith.constant 96 : index
        %get3A_437 = tpu.vector_load %arg17[%get3A_435, %get3A_436] {strides = array<i32>} : memref<80x128xf32, #tpu.memory_space<vmem>>, vector<16xf32>,
        %get3A_438 = arith.index_cast %add3A_368 : i32 to index
        %get3A_439 = arith.constant 96 : index
        %get3A_440 = tpu.vector_load %arg18[%get3A_438, %get3A_439] {strides = array<i32>} : memref<80x128xf32, #tpu.memory_space<vmem>>, vector<16xf32>,
        %add3A_441 = arith.addf %get3A_437, %get3A_440 : vector<16xf32>
        %get3A_442 = arith.index_cast %add3A_368 : i32 to index
        %get3A_443 = arith.constant 96 : index
        %get3A_444 = tpu.vector_load %arg19[%get3A_442, %get3A_443] {strides = array<i32>} : memref<80x128xf32, #tpu.memory_space<vmem>>, vector<16xf32>,
        %mul3A_445 = arith.mulf %add3A_441, %get3A_444 : vector<16xf32>
        %get3A_446 = arith.index_cast %add3A_368 : i32 to index
        %get3A_447 = arith.constant 112 : index
        %get3A_448 = tpu.vector_load %arg17[%get3A_446, %get3A_447] {strides = array<i32>} : memref<80x128xf32, #tpu.memory_space<vmem>>, vector<16xf32>,
        %get3A_449 = arith.index_cast %add3A_368 : i32 to index
        %get3A_450 = arith.constant 112 : index
        %get3A_451 = tpu.vector_load %arg18[%get3A_449, %get3A_450] {strides = array<i32>} : memref<80x128xf32, #tpu.memory_space<vmem>>, vector<16xf32>,
        %add3A_452 = arith.addf %get3A_448, %get3A_451 : vector<16xf32>
        %get3A_453 = arith.index_cast %add3A_368 : i32 to index
        %get3A_454 = arith.constant 112 : index
        %get3A_455 = tpu.vector_load %arg19[%get3A_453, %get3A_454] {strides = array<i32>} : memref<80x128xf32, #tpu.memory_space<vmem>>, vector<16xf32>,
        %mul3A_456 = arith.mulf %add3A_452, %get3A_455 : vector<16xf32>
        %add3A_457 = arith.addf %mul3A_379, %mul3A_390 : vector<16xf32>
        %add3A_458 = arith.addf %mul3A_401, %mul3A_412 : vector<16xf32>
        %add3A_459 = arith.addf %mul3A_423, %mul3A_434 : vector<16xf32>
        %add3A_460 = arith.addf %mul3A_445, %mul3A_456 : vector<16xf32>
        %add3A_461 = arith.addf %add3A_457, %add3A_458 : vector<16xf32>
        %add3A_462 = arith.addf %add3A_459, %add3A_460 : vector<16xf32>
        %add3A_463 = arith.addf %add3A_461, %add3A_462 : vector<16xf32>
        %reduce_sum3A_464 = arith.constant true
        %reduce_sum3A_465 = vector.broadcast %reduce_sum3A_464 : i1 to vector<16xi1>
        %reduce_sum3A_466 = tpu.scan <sum>, %add3A_463 masked %reduce_sum3A_465 : vector<16xf32>, vector<16xi1> -> vector<16xf32>
        %reduce_sum3A_467 = vector.extract %reduce_sum3A_466[15] : f32 from vector<16xf32>
        %broadcast_in_dim3A_468 = vector.broadcast %reduce_sum3A_467 : f32 to vector<16xf32>
        %select_n3A_469 = arith.select %eq3A_366, %broadcast_in_dim3A_468, %select_n3A_362 : vector<16xi1>, vector<16xf32>
        %add3A_470 = arith.constant 3 : i32
        %add3A_471 = arith.addi %rem3A_152, %add3A_470 : i32
        %eq3A_472 = vector.broadcast %add3A_471 : i32 to vector<16xi32>
        %eq3A_473 = arith.cmpi eq, %iota3A, %eq3A_472 : vector<16xi32>
        %add3A_474 = arith.constant 3 : i32
        %add3A_475 = arith.addi %mul3A_151, %add3A_474 : i32
        %get3A_476 = arith.index_cast %add3A_475 : i32 to index
        %get3A_477 = arith.constant 0 : index
        %get3A_478 = tpu.vector_load %arg17[%get3A_476, %get3A_477] {strides = array<i32>} : memref<80x128xf32, #tpu.memory_space<vmem>>, vector<16xf32>,
        %get3A_479 = arith.index_cast %add3A_475 : i32 to index
        %get3A_480 = arith.constant 0 : index
        %get3A_481 = tpu.vector_load %arg18[%get3A_479, %get3A_480] {strides = array<i32>} : memref<80x128xf32, #tpu.memory_space<vmem>>, vector<16xf32>,
        %add3A_482 = arith.addf %get3A_478, %get3A_481 : vector<16xf32>
        %get3A_483 = arith.index_cast %add3A_475 : i32 to index
        %get3A_484 = arith.constant 0 : index
        %get3A_485 = tpu.vector_load %arg19[%get3A_483, %get3A_484] {strides = array<i32>} : memref<80x128xf32, #tpu.memory_space<vmem>>, vector<16xf32>,
        %mul3A_486 = arith.mulf %add3A_482, %get3A_485 : vector<16xf32>
        %get3A_487 = arith.index_cast %add3A_475 : i32 to index
        %get3A_488 = arith.constant 16 : index
        %get3A_489 = tpu.vector_load %arg17[%get3A_487, %get3A_488] {strides = array<i32>} : memref<80x128xf32, #tpu.memory_space<vmem>>, vector<16xf32>,
        %get3A_490 = arith.index_cast %add3A_475 : i32 to index
        %get3A_491 = arith.constant 16 : index
        %get3A_492 = tpu.vector_load %arg18[%get3A_490, %get3A_491] {strides = array<i32>} : memref<80x128xf32, #tpu.memory_space<vmem>>, vector<16xf32>,
        %add3A_493 = arith.addf %get3A_489, %get3A_492 : vector<16xf32>
        %get3A_494 = arith.index_cast %add3A_475 : i32 to index
        %get3A_495 = arith.constant 16 : index
        %get3A_496 = tpu.vector_load %arg19[%get3A_494, %get3A_495] {strides = array<i32>} : memref<80x128xf32, #tpu.memory_space<vmem>>, vector<16xf32>,
        %mul3A_497 = arith.mulf %add3A_493, %get3A_496 : vector<16xf32>
        %get3A_498 = arith.index_cast %add3A_475 : i32 to index
        %get3A_499 = arith.constant 32 : index
        %get3A_500 = tpu.vector_load %arg17[%get3A_498, %get3A_499] {strides = array<i32>} : memref<80x128xf32, #tpu.memory_space<vmem>>, vector<16xf32>,
        %get3A_501 = arith.index_cast %add3A_475 : i32 to index
        %get3A_502 = arith.constant 32 : index
        %get3A_503 = tpu.vector_load %arg18[%get3A_501, %get3A_502] {strides = array<i32>} : memref<80x128xf32, #tpu.memory_space<vmem>>, vector<16xf32>,
        %add3A_504 = arith.addf %get3A_500, %get3A_503 : vector<16xf32>
        %get3A_505 = arith.index_cast %add3A_475 : i32 to index
        %get3A_506 = arith.constant 32 : index
        %get3A_507 = tpu.vector_load %arg19[%get3A_505, %get3A_506] {strides = array<i32>} : memref<80x128xf32, #tpu.memory_space<vmem>>, vector<16xf32>,
        %mul3A_508 = arith.mulf %add3A_504, %get3A_507 : vector<16xf32>
        %get3A_509 = arith.index_cast %add3A_475 : i32 to index
        %get3A_510 = arith.constant 48 : index
        %get3A_511 = tpu.vector_load %arg17[%get3A_509, %get3A_510] {strides = array<i32>} : memref<80x128xf32, #tpu.memory_space<vmem>>, vector<16xf32>,
        %get3A_512 = arith.index_cast %add3A_475 : i32 to index
        %get3A_513 = arith.constant 48 : index
        %get3A_514 = tpu.vector_load %arg18[%get3A_512, %get3A_513] {strides = array<i32>} : memref<80x128xf32, #tpu.memory_space<vmem>>, vector<16xf32>,
        %add3A_515 = arith.addf %get3A_511, %get3A_514 : vector<16xf32>
        %get3A_516 = arith.index_cast %add3A_475 : i32 to index
        %get3A_517 = arith.constant 48 : index
        %get3A_518 = tpu.vector_load %arg19[%get3A_516, %get3A_517] {strides = array<i32>} : memref<80x128xf32, #tpu.memory_space<vmem>>, vector<16xf32>,
        %mul3A_519 = arith.mulf %add3A_515, %get3A_518 : vector<16xf32>
        %get3A_520 = arith.index_cast %add3A_475 : i32 to index
        %get3A_521 = arith.constant 64 : index
        %get3A_522 = tpu.vector_load %arg17[%get3A_520, %get3A_521] {strides = array<i32>} : memref<80x128xf32, #tpu.memory_space<vmem>>, vector<16xf32>,
        %get3A_523 = arith.index_cast %add3A_475 : i32 to index
        %get3A_524 = arith.constant 64 : index
        %get3A_525 = tpu.vector_load %arg18[%get3A_523, %get3A_524] {strides = array<i32>} : memref<80x128xf32, #tpu.memory_space<vmem>>, vector<16xf32>,
        %add3A_526 = arith.addf %get3A_522, %get3A_525 : vector<16xf32>
        %get3A_527 = arith.index_cast %add3A_475 : i32 to index
        %get3A_528 = arith.constant 64 : index
        %get3A_529 = tpu.vector_load %arg19[%get3A_527, %get3A_528] {strides = array<i32>} : memref<80x128xf32, #tpu.memory_space<vmem>>, vector<16xf32>,
        %mul3A_530 = arith.mulf %add3A_526, %get3A_529 : vector<16xf32>
        %get3A_531 = arith.index_cast %add3A_475 : i32 to index
        %get3A_532 = arith.constant 80 : index
        %get3A_533 = tpu.vector_load %arg17[%get3A_531, %get3A_532] {strides = array<i32>} : memref<80x128xf32, #tpu.memory_space<vmem>>, vector<16xf32>,
        %get3A_534 = arith.index_cast %add3A_475 : i32 to index
        %get3A_535 = arith.constant 80 : index
        %get3A_536 = tpu.vector_load %arg18[%get3A_534, %get3A_535] {strides = array<i32>} : memref<80x128xf32, #tpu.memory_space<vmem>>, vector<16xf32>,
        %add3A_537 = arith.addf %get3A_533, %get3A_536 : vector<16xf32>
        %get3A_538 = arith.index_cast %add3A_475 : i32 to index
        %get3A_539 = arith.constant 80 : index
        %get3A_540 = tpu.vector_load %arg19[%get3A_538, %get3A_539] {strides = array<i32>} : memref<80x128xf32, #tpu.memory_space<vmem>>, vector<16xf32>,
        %mul3A_541 = arith.mulf %add3A_537, %get3A_540 : vector<16xf32>
        %get3A_542 = arith.index_cast %add3A_475 : i32 to index
        %get3A_543 = arith.constant 96 : index
        %get3A_544 = tpu.vector_load %arg17[%get3A_542, %get3A_543] {strides = array<i32>} : memref<80x128xf32, #tpu.memory_space<vmem>>, vector<16xf32>,
        %get3A_545 = arith.index_cast %add3A_475 : i32 to index
        %get3A_546 = arith.constant 96 : index
        %get3A_547 = tpu.vector_load %arg18[%get3A_545, %get3A_546] {strides = array<i32>} : memref<80x128xf32, #tpu.memory_space<vmem>>, vector<16xf32>,
        %add3A_548 = arith.addf %get3A_544, %get3A_547 : vector<16xf32>
        %get3A_549 = arith.index_cast %add3A_475 : i32 to index
        %get3A_550 = arith.constant 96 : index
        %get3A_551 = tpu.vector_load %arg19[%get3A_549, %get3A_550] {strides = array<i32>} : memref<80x128xf32, #tpu.memory_space<vmem>>, vector<16xf32>,
        %mul3A_552 = arith.mulf %add3A_548, %get3A_551 : vector<16xf32>
        %get3A_553 = arith.index_cast %add3A_475 : i32 to index
        %get3A_554 = arith.constant 112 : index
        %get3A_555 = tpu.vector_load %arg17[%get3A_553, %get3A_554] {strides = array<i32>} : memref<80x128xf32, #tpu.memory_space<vmem>>, vector<16xf32>,
        %get3A_556 = arith.index_cast %add3A_475 : i32 to index
        %get3A_557 = arith.constant 112 : index
        %get3A_558 = tpu.vector_load %arg18[%get3A_556, %get3A_557] {strides = array<i32>} : memref<80x128xf32, #tpu.memory_space<vmem>>, vector<16xf32>,
        %add3A_559 = arith.addf %get3A_555, %get3A_558 : vector<16xf32>
        %get3A_560 = arith.index_cast %add3A_475 : i32 to index
        %get3A_561 = arith.constant 112 : index
        %get3A_562 = tpu.vector_load %arg19[%get3A_560, %get3A_561] {strides = array<i32>} : memref<80x128xf32, #tpu.memory_space<vmem>>, vector<16xf32>,
        %mul3A_563 = arith.mulf %add3A_559, %get3A_562 : vector<16xf32>
        %add3A_564 = arith.addf %mul3A_486, %mul3A_497 : vector<16xf32>
        %add3A_565 = arith.addf %mul3A_508, %mul3A_519 : vector<16xf32>
        %add3A_566 = arith.addf %mul3A_530, %mul3A_541 : vector<16xf32>
        %add3A_567 = arith.addf %mul3A_552, %mul3A_563 : vector<16xf32>
        %add3A_568 = arith.addf %add3A_564, %add3A_565 : vector<16xf32>
        %add3A_569 = arith.addf %add3A_566, %add3A_567 : vector<16xf32>
        %add3A_570 = arith.addf %add3A_568, %add3A_569 : vector<16xf32>
        %reduce_sum3A_571 = arith.constant true
        %reduce_sum3A_572 = vector.broadcast %reduce_sum3A_571 : i1 to vector<16xi1>
        %reduce_sum3A_573 = tpu.scan <sum>, %add3A_570 masked %reduce_sum3A_572 : vector<16xf32>, vector<16xi1> -> vector<16xf32>
        %reduce_sum3A_574 = vector.extract %reduce_sum3A_573[15] : f32 from vector<16xf32>
        %broadcast_in_dim3A_575 = vector.broadcast %reduce_sum3A_574 : f32 to vector<16xf32>
        %select_n3A_576 = arith.select %eq3A_473, %broadcast_in_dim3A_575, %select_n3A_469 : vector<16xi1>, vector<16xf32>
        %eq3A_577 = arith.constant 12 : i32
        %eq3A_578 = arith.cmpi eq, %rem3A_152, %eq3A_577 : i32
        %convert_element_type3A = arith.extui %eq3A_578 : i1 to i32
        %cond3A = arith.constant 0 : i32
        %cond3A_579 = arith.cmpi ne, %convert_element_type3A, %cond3A : i32
        scf.if %cond3A_579 {
          %add3A_580 = arith.addi %mul3A_139, %mul3A_151 : i32
          %sub3A = arith.constant 12 : i32
          %sub3A_581 = arith.subi %add3A_580, %sub3A : i32
          %swap3A = arith.index_cast %sub3A_581 : i32 to index
          %swap3A_582 = tpu.vector_load %arg12[%swap3A] {strides = array<i32>} : memref<10000xf32, #tpu.memory_space<vmem>>, vector<16xf32>,
          tpu.vector_store %arg12[%swap3A], %select_n3A_576 {strides = array<i32>} : memref<10000xf32, #tpu.memory_space<vmem>>, vector<16xf32>,
        } else {
        }
        scf.yield %select_n3A_576 : vector<16xf32>
      }
      %scan3A_147 = arith.constant 20 : i32
    }
    %scan3A_25 = arith.constant 62 : i32
    %dma_wait3A = arith.constant 0 : i32
    %dma_wait3A_26 = arith.constant 0 : i32
    %dma_wait3A_27 = tpu.memref_slice %arg2[%dma_wait3A, %dma_wait3A_26] : memref<10000x128xf32, #tpu.memory_space<hbm>> -> memref<80x128xf32, #tpu.memory_space<hbm>>
    %dma_wait3A_28 = arith.constant 0 : i32
    %dma_wait3A_29 = arith.constant 0 : i32
    %dma_wait3A_30 = tpu.memref_slice %arg2[%dma_wait3A_28, %dma_wait3A_29] : memref<10000x128xf32, #tpu.memory_space<hbm>> -> memref<80x128xf32, #tpu.memory_space<hbm>>
    tpu.wait_dma2 semaphore(%arg20 : memref<!tpu.dma_semaphore, #tpu.memory_space<semaphore_mem>>) src(%dma_wait3A_30 : memref<80x128xf32, #tpu.memory_space<hbm>>) dst(%arg14 : memref<80x128xf32, #tpu.memory_space<vmem>>)
    %dma_wait3A_31 = arith.constant 0 : i32
    %dma_wait3A_32 = arith.constant 0 : i32
    %dma_wait3A_33 = tpu.memref_slice %arg2[%dma_wait3A_31, %dma_wait3A_32] : memref<10000x128xf32, #tpu.memory_space<hbm>> -> memref<80x128xf32, #tpu.memory_space<hbm>>
    %dma_wait3A_34 = arith.constant 0 : i32
    %dma_wait3A_35 = arith.constant 0 : i32
    %dma_wait3A_36 = tpu.memref_slice %arg2[%dma_wait3A_34, %dma_wait3A_35] : memref<10000x128xf32, #tpu.memory_space<hbm>> -> memref<80x128xf32, #tpu.memory_space<hbm>>
    tpu.wait_dma2 semaphore(%arg20 : memref<!tpu.dma_semaphore, #tpu.memory_space<semaphore_mem>>) src(%dma_wait3A_36 : memref<80x128xf32, #tpu.memory_space<hbm>>) dst(%arg15 : memref<80x128xf32, #tpu.memory_space<vmem>>)
    %dma_wait3A_37 = arith.constant 0 : i32
    %dma_wait3A_38 = arith.constant 0 : i32
    %dma_wait3A_39 = tpu.memref_slice %arg2[%dma_wait3A_37, %dma_wait3A_38] : memref<10000x128xf32, #tpu.memory_space<hbm>> -> memref<80x128xf32, #tpu.memory_space<hbm>>
    %dma_wait3A_40 = arith.constant 0 : i32
    %dma_wait3A_41 = arith.constant 0 : i32
    %dma_wait3A_42 = tpu.memref_slice %arg2[%dma_wait3A_40, %dma_wait3A_41] : memref<10000x128xf32, #tpu.memory_space<hbm>> -> memref<80x128xf32, #tpu.memory_space<hbm>>
    tpu.wait_dma2 semaphore(%arg20 : memref<!tpu.dma_semaphore, #tpu.memory_space<semaphore_mem>>) src(%dma_wait3A_42 : memref<80x128xf32, #tpu.memory_space<hbm>>) dst(%arg16 : memref<80x128xf32, #tpu.memory_space<vmem>>)
    %broadcast_in_dim3A = arith.constant 0.000000e+00 : f32
    %broadcast_in_dim3A_43 = vector.broadcast %broadcast_in_dim3A : f32 to vector<16xf32>
    %scan3A_44 = arith.constant 0 : i32
    %scan3A_45 = arith.constant 20 : i32
    %scan3A_46 = arith.addi %scan3A_44, %scan3A_45 : i32
    %scan3A_47 = arith.constant 1 : i32
    %scan3A_48 = scf.for %scan3A_55 = %scan3A_44 to %scan3A_46 step %scan3A_47 iter_args(%scan3A_56 = %broadcast_in_dim3A_43) -> (vector<16xf32>)  : i32 {
      %mul3A_57 = arith.constant 4 : i32
      %mul3A_58 = arith.muli %scan3A_55, %mul3A_57 : i32
      %rem3A = arith.constant 16 : i32
      %rem3A_59 = arith.remsi %mul3A_58, %rem3A : i32
      %iota3A = tpu.iota {dimensions = array<i32: 0>} : vector<16xi32>
      %add3A_60 = arith.constant 0 : i32
      %add3A_61 = arith.addi %rem3A_59, %add3A_60 : i32
      %eq3A = vector.broadcast %add3A_61 : i32 to vector<16xi32>
      %eq3A_62 = arith.cmpi eq, %iota3A, %eq3A : vector<16xi32>
      %add3A_63 = arith.constant 0 : i32
      %add3A_64 = arith.addi %mul3A_58, %add3A_63 : i32
      %get3A = arith.index_cast %add3A_64 : i32 to index
      %get3A_65 = arith.constant 0 : index
      %get3A_66 = tpu.vector_load %arg14[%get3A, %get3A_65] {strides = array<i32>} : memref<80x128xf32, #tpu.memory_space<vmem>>, vector<16xf32>,
      %get3A_67 = arith.index_cast %add3A_64 : i32 to index
      %get3A_68 = arith.constant 0 : index
      %get3A_69 = tpu.vector_load %arg15[%get3A_67, %get3A_68] {strides = array<i32>} : memref<80x128xf32, #tpu.memory_space<vmem>>, vector<16xf32>,
      %add3A_70 = arith.addf %get3A_66, %get3A_69 : vector<16xf32>
      %get3A_71 = arith.index_cast %add3A_64 : i32 to index
      %get3A_72 = arith.constant 0 : index
      %get3A_73 = tpu.vector_load %arg16[%get3A_71, %get3A_72] {strides = array<i32>} : memref<80x128xf32, #tpu.memory_space<vmem>>, vector<16xf32>,
      %mul3A_74 = arith.mulf %add3A_70, %get3A_73 : vector<16xf32>
      %get3A_75 = arith.index_cast %add3A_64 : i32 to index
      %get3A_76 = arith.constant 16 : index
      %get3A_77 = tpu.vector_load %arg14[%get3A_75, %get3A_76] {strides = array<i32>} : memref<80x128xf32, #tpu.memory_space<vmem>>, vector<16xf32>,
      %get3A_78 = arith.index_cast %add3A_64 : i32 to index
      %get3A_79 = arith.constant 16 : index
      %get3A_80 = tpu.vector_load %arg15[%get3A_78, %get3A_79] {strides = array<i32>} : memref<80x128xf32, #tpu.memory_space<vmem>>, vector<16xf32>,
      %add3A_81 = arith.addf %get3A_77, %get3A_80 : vector<16xf32>
      %get3A_82 = arith.index_cast %add3A_64 : i32 to index
      %get3A_83 = arith.constant 16 : index
      %get3A_84 = tpu.vector_load %arg16[%get3A_82, %get3A_83] {strides = array<i32>} : memref<80x128xf32, #tpu.memory_space<vmem>>, vector<16xf32>,
      %mul3A_85 = arith.mulf %add3A_81, %get3A_84 : vector<16xf32>
      %get3A_86 = arith.index_cast %add3A_64 : i32 to index
      %get3A_87 = arith.constant 32 : index
      %get3A_88 = tpu.vector_load %arg14[%get3A_86, %get3A_87] {strides = array<i32>} : memref<80x128xf32, #tpu.memory_space<vmem>>, vector<16xf32>,
      %get3A_89 = arith.index_cast %add3A_64 : i32 to index
      %get3A_90 = arith.constant 32 : index
      %get3A_91 = tpu.vector_load %arg15[%get3A_89, %get3A_90] {strides = array<i32>} : memref<80x128xf32, #tpu.memory_space<vmem>>, vector<16xf32>,
      %add3A_92 = arith.addf %get3A_88, %get3A_91 : vector<16xf32>
      %get3A_93 = arith.index_cast %add3A_64 : i32 to index
      %get3A_94 = arith.constant 32 : index
      %get3A_95 = tpu.vector_load %arg16[%get3A_93, %get3A_94] {strides = array<i32>} : memref<80x128xf32, #tpu.memory_space<vmem>>, vector<16xf32>,
      %mul3A_96 = arith.mulf %add3A_92, %get3A_95 : vector<16xf32>
      %get3A_97 = arith.index_cast %add3A_64 : i32 to index
      %get3A_98 = arith.constant 48 : index
      %get3A_99 = tpu.vector_load %arg14[%get3A_97, %get3A_98] {strides = array<i32>} : memref<80x128xf32, #tpu.memory_space<vmem>>, vector<16xf32>,
      %get3A_100 = arith.index_cast %add3A_64 : i32 to index
      %get3A_101 = arith.constant 48 : index
      %get3A_102 = tpu.vector_load %arg15[%get3A_100, %get3A_101] {strides = array<i32>} : memref<80x128xf32, #tpu.memory_space<vmem>>, vector<16xf32>,
      %add3A_103 = arith.addf %get3A_99, %get3A_102 : vector<16xf32>
      %get3A_104 = arith.index_cast %add3A_64 : i32 to index
      %get3A_105 = arith.constant 48 : index
      %get3A_106 = tpu.vector_load %arg16[%get3A_104, %get3A_105] {strides = array<i32>} : memref<80x128xf32, #tpu.memory_space<vmem>>, vector<16xf32>,
      %mul3A_107 = arith.mulf %add3A_103, %get3A_106 : vector<16xf32>
      %get3A_108 = arith.index_cast %add3A_64 : i32 to index
      %get3A_109 = arith.constant 64 : index
      %get3A_110 = tpu.vector_load %arg14[%get3A_108, %get3A_109] {strides = array<i32>} : memref<80x128xf32, #tpu.memory_space<vmem>>, vector<16xf32>,
      %get3A_111 = arith.index_cast %add3A_64 : i32 to index
      %get3A_112 = arith.constant 64 : index
      %get3A_113 = tpu.vector_load %arg15[%get3A_111, %get3A_112] {strides = array<i32>} : memref<80x128xf32, #tpu.memory_space<vmem>>, vector<16xf32>,
      %add3A_114 = arith.addf %get3A_110, %get3A_113 : vector<16xf32>
      %get3A_115 = arith.index_cast %add3A_64 : i32 to index
      %get3A_116 = arith.constant 64 : index
      %get3A_117 = tpu.vector_load %arg16[%get3A_115, %get3A_116] {strides = array<i32>} : memref<80x128xf32, #tpu.memory_space<vmem>>, vector<16xf32>,
      %mul3A_118 = arith.mulf %add3A_114, %get3A_117 : vector<16xf32>
      %get3A_119 = arith.index_cast %add3A_64 : i32 to index
      %get3A_120 = arith.constant 80 : index
      %get3A_121 = tpu.vector_load %arg14[%get3A_119, %get3A_120] {strides = array<i32>} : memref<80x128xf32, #tpu.memory_space<vmem>>, vector<16xf32>,
      %get3A_122 = arith.index_cast %add3A_64 : i32 to index
      %get3A_123 = arith.constant 80 : index
      %get3A_124 = tpu.vector_load %arg15[%get3A_122, %get3A_123] {strides = array<i32>} : memref<80x128xf32, #tpu.memory_space<vmem>>, vector<16xf32>,
      %add3A_125 = arith.addf %get3A_121, %get3A_124 : vector<16xf32>
      %get3A_126 = arith.index_cast %add3A_64 : i32 to index
      %get3A_127 = arith.constant 80 : index
      %get3A_128 = tpu.vector_load %arg16[%get3A_126, %get3A_127] {strides = array<i32>} : memref<80x128xf32, #tpu.memory_space<vmem>>, vector<16xf32>,
      %mul3A_129 = arith.mulf %add3A_125, %get3A_128 : vector<16xf32>
      %get3A_130 = arith.index_cast %add3A_64 : i32 to index
      %get3A_131 = arith.constant 96 : index
      %get3A_132 = tpu.vector_load %arg14[%get3A_130, %get3A_131] {strides = array<i32>} : memref<80x128xf32, #tpu.memory_space<vmem>>, vector<16xf32>,
      %get3A_133 = arith.index_cast %add3A_64 : i32 to index
      %get3A_134 = arith.constant 96 : index
      %get3A_135 = tpu.vector_load %arg15[%get3A_133, %get3A_134] {strides = array<i32>} : memref<80x128xf32, #tpu.memory_space<vmem>>, vector<16xf32>,
      %add3A_136 = arith.addf %get3A_132, %get3A_135 : vector<16xf32>
      %get3A_137 = arith.index_cast %add3A_64 : i32 to index
      %get3A_138 = arith.constant 96 : index
      %get3A_139 = tpu.vector_load %arg16[%get3A_137, %get3A_138] {strides = array<i32>} : memref<80x128xf32, #tpu.memory_space<vmem>>, vector<16xf32>,
      %mul3A_140 = arith.mulf %add3A_136, %get3A_139 : vector<16xf32>
      %get3A_141 = arith.index_cast %add3A_64 : i32 to index
      %get3A_142 = arith.constant 112 : index
      %get3A_143 = tpu.vector_load %arg14[%get3A_141, %get3A_142] {strides = array<i32>} : memref<80x128xf32, #tpu.memory_space<vmem>>, vector<16xf32>,
      %get3A_144 = arith.index_cast %add3A_64 : i32 to index
      %get3A_145 = arith.constant 112 : index
      %get3A_146 = tpu.vector_load %arg15[%get3A_144, %get3A_145] {strides = array<i32>} : memref<80x128xf32, #tpu.memory_space<vmem>>, vector<16xf32>,
      %add3A_147 = arith.addf %get3A_143, %get3A_146 : vector<16xf32>
      %get3A_148 = arith.index_cast %add3A_64 : i32 to index
      %get3A_149 = arith.constant 112 : index
      %get3A_150 = tpu.vector_load %arg16[%get3A_148, %get3A_149] {strides = array<i32>} : memref<80x128xf32, #tpu.memory_space<vmem>>, vector<16xf32>,
      %mul3A_151 = arith.mulf %add3A_147, %get3A_150 : vector<16xf32>
      %add3A_152 = arith.addf %mul3A_74, %mul3A_85 : vector<16xf32>
      %add3A_153 = arith.addf %mul3A_96, %mul3A_107 : vector<16xf32>
      %add3A_154 = arith.addf %mul3A_118, %mul3A_129 : vector<16xf32>
      %add3A_155 = arith.addf %mul3A_140, %mul3A_151 : vector<16xf32>
      %add3A_156 = arith.addf %add3A_152, %add3A_153 : vector<16xf32>
      %add3A_157 = arith.addf %add3A_154, %add3A_155 : vector<16xf32>
      %add3A_158 = arith.addf %add3A_156, %add3A_157 : vector<16xf32>
      %reduce_sum3A = arith.constant true
      %reduce_sum3A_159 = vector.broadcast %reduce_sum3A : i1 to vector<16xi1>
      %reduce_sum3A_160 = tpu.scan <sum>, %add3A_158 masked %reduce_sum3A_159 : vector<16xf32>, vector<16xi1> -> vector<16xf32>
      %reduce_sum3A_161 = vector.extract %reduce_sum3A_160[15] : f32 from vector<16xf32>
      %broadcast_in_dim3A_162 = vector.broadcast %reduce_sum3A_161 : f32 to vector<16xf32>
      %select_n3A = arith.select %eq3A_62, %broadcast_in_dim3A_162, %scan3A_56 : vector<16xi1>, vector<16xf32>
      %add3A_163 = arith.constant 1 : i32
      %add3A_164 = arith.addi %rem3A_59, %add3A_163 : i32
      %eq3A_165 = vector.broadcast %add3A_164 : i32 to vector<16xi32>
      %eq3A_166 = arith.cmpi eq, %iota3A, %eq3A_165 : vector<16xi32>
      %add3A_167 = arith.constant 1 : i32
      %add3A_168 = arith.addi %mul3A_58, %add3A_167 : i32
      %get3A_169 = arith.index_cast %add3A_168 : i32 to index
      %get3A_170 = arith.constant 0 : index
      %get3A_171 = tpu.vector_load %arg14[%get3A_169, %get3A_170] {strides = array<i32>} : memref<80x128xf32, #tpu.memory_space<vmem>>, vector<16xf32>,
      %get3A_172 = arith.index_cast %add3A_168 : i32 to index
      %get3A_173 = arith.constant 0 : index
      %get3A_174 = tpu.vector_load %arg15[%get3A_172, %get3A_173] {strides = array<i32>} : memref<80x128xf32, #tpu.memory_space<vmem>>, vector<16xf32>,
      %add3A_175 = arith.addf %get3A_171, %get3A_174 : vector<16xf32>
      %get3A_176 = arith.index_cast %add3A_168 : i32 to index
      %get3A_177 = arith.constant 0 : index
      %get3A_178 = tpu.vector_load %arg16[%get3A_176, %get3A_177] {strides = array<i32>} : memref<80x128xf32, #tpu.memory_space<vmem>>, vector<16xf32>,
      %mul3A_179 = arith.mulf %add3A_175, %get3A_178 : vector<16xf32>
      %get3A_180 = arith.index_cast %add3A_168 : i32 to index
      %get3A_181 = arith.constant 16 : index
      %get3A_182 = tpu.vector_load %arg14[%get3A_180, %get3A_181] {strides = array<i32>} : memref<80x128xf32, #tpu.memory_space<vmem>>, vector<16xf32>,
      %get3A_183 = arith.index_cast %add3A_168 : i32 to index
      %get3A_184 = arith.constant 16 : index
      %get3A_185 = tpu.vector_load %arg15[%get3A_183, %get3A_184] {strides = array<i32>} : memref<80x128xf32, #tpu.memory_space<vmem>>, vector<16xf32>,
      %add3A_186 = arith.addf %get3A_182, %get3A_185 : vector<16xf32>
      %get3A_187 = arith.index_cast %add3A_168 : i32 to index
      %get3A_188 = arith.constant 16 : index
      %get3A_189 = tpu.vector_load %arg16[%get3A_187, %get3A_188] {strides = array<i32>} : memref<80x128xf32, #tpu.memory_space<vmem>>, vector<16xf32>,
      %mul3A_190 = arith.mulf %add3A_186, %get3A_189 : vector<16xf32>
      %get3A_191 = arith.index_cast %add3A_168 : i32 to index
      %get3A_192 = arith.constant 32 : index
      %get3A_193 = tpu.vector_load %arg14[%get3A_191, %get3A_192] {strides = array<i32>} : memref<80x128xf32, #tpu.memory_space<vmem>>, vector<16xf32>,
      %get3A_194 = arith.index_cast %add3A_168 : i32 to index
      %get3A_195 = arith.constant 32 : index
      %get3A_196 = tpu.vector_load %arg15[%get3A_194, %get3A_195] {strides = array<i32>} : memref<80x128xf32, #tpu.memory_space<vmem>>, vector<16xf32>,
      %add3A_197 = arith.addf %get3A_193, %get3A_196 : vector<16xf32>
      %get3A_198 = arith.index_cast %add3A_168 : i32 to index
      %get3A_199 = arith.constant 32 : index
      %get3A_200 = tpu.vector_load %arg16[%get3A_198, %get3A_199] {strides = array<i32>} : memref<80x128xf32, #tpu.memory_space<vmem>>, vector<16xf32>,
      %mul3A_201 = arith.mulf %add3A_197, %get3A_200 : vector<16xf32>
      %get3A_202 = arith.index_cast %add3A_168 : i32 to index
      %get3A_203 = arith.constant 48 : index
      %get3A_204 = tpu.vector_load %arg14[%get3A_202, %get3A_203] {strides = array<i32>} : memref<80x128xf32, #tpu.memory_space<vmem>>, vector<16xf32>,
      %get3A_205 = arith.index_cast %add3A_168 : i32 to index
      %get3A_206 = arith.constant 48 : index
      %get3A_207 = tpu.vector_load %arg15[%get3A_205, %get3A_206] {strides = array<i32>} : memref<80x128xf32, #tpu.memory_space<vmem>>, vector<16xf32>,
      %add3A_208 = arith.addf %get3A_204, %get3A_207 : vector<16xf32>
      %get3A_209 = arith.index_cast %add3A_168 : i32 to index
      %get3A_210 = arith.constant 48 : index
      %get3A_211 = tpu.vector_load %arg16[%get3A_209, %get3A_210] {strides = array<i32>} : memref<80x128xf32, #tpu.memory_space<vmem>>, vector<16xf32>,
      %mul3A_212 = arith.mulf %add3A_208, %get3A_211 : vector<16xf32>
      %get3A_213 = arith.index_cast %add3A_168 : i32 to index
      %get3A_214 = arith.constant 64 : index
      %get3A_215 = tpu.vector_load %arg14[%get3A_213, %get3A_214] {strides = array<i32>} : memref<80x128xf32, #tpu.memory_space<vmem>>, vector<16xf32>,
      %get3A_216 = arith.index_cast %add3A_168 : i32 to index
      %get3A_217 = arith.constant 64 : index
      %get3A_218 = tpu.vector_load %arg15[%get3A_216, %get3A_217] {strides = array<i32>} : memref<80x128xf32, #tpu.memory_space<vmem>>, vector<16xf32>,
      %add3A_219 = arith.addf %get3A_215, %get3A_218 : vector<16xf32>
      %get3A_220 = arith.index_cast %add3A_168 : i32 to index
      %get3A_221 = arith.constant 64 : index
      %get3A_222 = tpu.vector_load %arg16[%get3A_220, %get3A_221] {strides = array<i32>} : memref<80x128xf32, #tpu.memory_space<vmem>>, vector<16xf32>,
      %mul3A_223 = arith.mulf %add3A_219, %get3A_222 : vector<16xf32>
      %get3A_224 = arith.index_cast %add3A_168 : i32 to index
      %get3A_225 = arith.constant 80 : index
      %get3A_226 = tpu.vector_load %arg14[%get3A_224, %get3A_225] {strides = array<i32>} : memref<80x128xf32, #tpu.memory_space<vmem>>, vector<16xf32>,
      %get3A_227 = arith.index_cast %add3A_168 : i32 to index
      %get3A_228 = arith.constant 80 : index
      %get3A_229 = tpu.vector_load %arg15[%get3A_227, %get3A_228] {strides = array<i32>} : memref<80x128xf32, #tpu.memory_space<vmem>>, vector<16xf32>,
      %add3A_230 = arith.addf %get3A_226, %get3A_229 : vector<16xf32>
      %get3A_231 = arith.index_cast %add3A_168 : i32 to index
      %get3A_232 = arith.constant 80 : index
      %get3A_233 = tpu.vector_load %arg16[%get3A_231, %get3A_232] {strides = array<i32>} : memref<80x128xf32, #tpu.memory_space<vmem>>, vector<16xf32>,
      %mul3A_234 = arith.mulf %add3A_230, %get3A_233 : vector<16xf32>
      %get3A_235 = arith.index_cast %add3A_168 : i32 to index
      %get3A_236 = arith.constant 96 : index
      %get3A_237 = tpu.vector_load %arg14[%get3A_235, %get3A_236] {strides = array<i32>} : memref<80x128xf32, #tpu.memory_space<vmem>>, vector<16xf32>,
      %get3A_238 = arith.index_cast %add3A_168 : i32 to index
      %get3A_239 = arith.constant 96 : index
      %get3A_240 = tpu.vector_load %arg15[%get3A_238, %get3A_239] {strides = array<i32>} : memref<80x128xf32, #tpu.memory_space<vmem>>, vector<16xf32>,
      %add3A_241 = arith.addf %get3A_237, %get3A_240 : vector<16xf32>
      %get3A_242 = arith.index_cast %add3A_168 : i32 to index
      %get3A_243 = arith.constant 96 : index
      %get3A_244 = tpu.vector_load %arg16[%get3A_242, %get3A_243] {strides = array<i32>} : memref<80x128xf32, #tpu.memory_space<vmem>>, vector<16xf32>,
      %mul3A_245 = arith.mulf %add3A_241, %get3A_244 : vector<16xf32>
      %get3A_246 = arith.index_cast %add3A_168 : i32 to index
      %get3A_247 = arith.constant 112 : index
      %get3A_248 = tpu.vector_load %arg14[%get3A_246, %get3A_247] {strides = array<i32>} : memref<80x128xf32, #tpu.memory_space<vmem>>, vector<16xf32>,
      %get3A_249 = arith.index_cast %add3A_168 : i32 to index
      %get3A_250 = arith.constant 112 : index
      %get3A_251 = tpu.vector_load %arg15[%get3A_249, %get3A_250] {strides = array<i32>} : memref<80x128xf32, #tpu.memory_space<vmem>>, vector<16xf32>,
      %add3A_252 = arith.addf %get3A_248, %get3A_251 : vector<16xf32>
      %get3A_253 = arith.index_cast %add3A_168 : i32 to index
      %get3A_254 = arith.constant 112 : index
      %get3A_255 = tpu.vector_load %arg16[%get3A_253, %get3A_254] {strides = array<i32>} : memref<80x128xf32, #tpu.memory_space<vmem>>, vector<16xf32>,
      %mul3A_256 = arith.mulf %add3A_252, %get3A_255 : vector<16xf32>
      %add3A_257 = arith.addf %mul3A_179, %mul3A_190 : vector<16xf32>
      %add3A_258 = arith.addf %mul3A_201, %mul3A_212 : vector<16xf32>
      %add3A_259 = arith.addf %mul3A_223, %mul3A_234 : vector<16xf32>
      %add3A_260 = arith.addf %mul3A_245, %mul3A_256 : vector<16xf32>
      %add3A_261 = arith.addf %add3A_257, %add3A_258 : vector<16xf32>
      %add3A_262 = arith.addf %add3A_259, %add3A_260 : vector<16xf32>
      %add3A_263 = arith.addf %add3A_261, %add3A_262 : vector<16xf32>
      %reduce_sum3A_264 = arith.constant true
      %reduce_sum3A_265 = vector.broadcast %reduce_sum3A_264 : i1 to vector<16xi1>
      %reduce_sum3A_266 = tpu.scan <sum>, %add3A_263 masked %reduce_sum3A_265 : vector<16xf32>, vector<16xi1> -> vector<16xf32>
      %reduce_sum3A_267 = vector.extract %reduce_sum3A_266[15] : f32 from vector<16xf32>
      %broadcast_in_dim3A_268 = vector.broadcast %reduce_sum3A_267 : f32 to vector<16xf32>
      %select_n3A_269 = arith.select %eq3A_166, %broadcast_in_dim3A_268, %select_n3A : vector<16xi1>, vector<16xf32>
      %add3A_270 = arith.constant 2 : i32
      %add3A_271 = arith.addi %rem3A_59, %add3A_270 : i32
      %eq3A_272 = vector.broadcast %add3A_271 : i32 to vector<16xi32>
      %eq3A_273 = arith.cmpi eq, %iota3A, %eq3A_272 : vector<16xi32>
      %add3A_274 = arith.constant 2 : i32
      %add3A_275 = arith.addi %mul3A_58, %add3A_274 : i32
      %get3A_276 = arith.index_cast %add3A_275 : i32 to index
      %get3A_277 = arith.constant 0 : index
      %get3A_278 = tpu.vector_load %arg14[%get3A_276, %get3A_277] {strides = array<i32>} : memref<80x128xf32, #tpu.memory_space<vmem>>, vector<16xf32>,
      %get3A_279 = arith.index_cast %add3A_275 : i32 to index
      %get3A_280 = arith.constant 0 : index
      %get3A_281 = tpu.vector_load %arg15[%get3A_279, %get3A_280] {strides = array<i32>} : memref<80x128xf32, #tpu.memory_space<vmem>>, vector<16xf32>,
      %add3A_282 = arith.addf %get3A_278, %get3A_281 : vector<16xf32>
      %get3A_283 = arith.index_cast %add3A_275 : i32 to index
      %get3A_284 = arith.constant 0 : index
      %get3A_285 = tpu.vector_load %arg16[%get3A_283, %get3A_284] {strides = array<i32>} : memref<80x128xf32, #tpu.memory_space<vmem>>, vector<16xf32>,
      %mul3A_286 = arith.mulf %add3A_282, %get3A_285 : vector<16xf32>
      %get3A_287 = arith.index_cast %add3A_275 : i32 to index
      %get3A_288 = arith.constant 16 : index
      %get3A_289 = tpu.vector_load %arg14[%get3A_287, %get3A_288] {strides = array<i32>} : memref<80x128xf32, #tpu.memory_space<vmem>>, vector<16xf32>,
      %get3A_290 = arith.index_cast %add3A_275 : i32 to index
      %get3A_291 = arith.constant 16 : index
      %get3A_292 = tpu.vector_load %arg15[%get3A_290, %get3A_291] {strides = array<i32>} : memref<80x128xf32, #tpu.memory_space<vmem>>, vector<16xf32>,
      %add3A_293 = arith.addf %get3A_289, %get3A_292 : vector<16xf32>
      %get3A_294 = arith.index_cast %add3A_275 : i32 to index
      %get3A_295 = arith.constant 16 : index
      %get3A_296 = tpu.vector_load %arg16[%get3A_294, %get3A_295] {strides = array<i32>} : memref<80x128xf32, #tpu.memory_space<vmem>>, vector<16xf32>,
      %mul3A_297 = arith.mulf %add3A_293, %get3A_296 : vector<16xf32>
      %get3A_298 = arith.index_cast %add3A_275 : i32 to index
      %get3A_299 = arith.constant 32 : index
      %get3A_300 = tpu.vector_load %arg14[%get3A_298, %get3A_299] {strides = array<i32>} : memref<80x128xf32, #tpu.memory_space<vmem>>, vector<16xf32>,
      %get3A_301 = arith.index_cast %add3A_275 : i32 to index
      %get3A_302 = arith.constant 32 : index
      %get3A_303 = tpu.vector_load %arg15[%get3A_301, %get3A_302] {strides = array<i32>} : memref<80x128xf32, #tpu.memory_space<vmem>>, vector<16xf32>,
      %add3A_304 = arith.addf %get3A_300, %get3A_303 : vector<16xf32>
      %get3A_305 = arith.index_cast %add3A_275 : i32 to index
      %get3A_306 = arith.constant 32 : index
      %get3A_307 = tpu.vector_load %arg16[%get3A_305, %get3A_306] {strides = array<i32>} : memref<80x128xf32, #tpu.memory_space<vmem>>, vector<16xf32>,
      %mul3A_308 = arith.mulf %add3A_304, %get3A_307 : vector<16xf32>
      %get3A_309 = arith.index_cast %add3A_275 : i32 to index
      %get3A_310 = arith.constant 48 : index
      %get3A_311 = tpu.vector_load %arg14[%get3A_309, %get3A_310] {strides = array<i32>} : memref<80x128xf32, #tpu.memory_space<vmem>>, vector<16xf32>,
      %get3A_312 = arith.index_cast %add3A_275 : i32 to index
      %get3A_313 = arith.constant 48 : index
      %get3A_314 = tpu.vector_load %arg15[%get3A_312, %get3A_313] {strides = array<i32>} : memref<80x128xf32, #tpu.memory_space<vmem>>, vector<16xf32>,
      %add3A_315 = arith.addf %get3A_311, %get3A_314 : vector<16xf32>
      %get3A_316 = arith.index_cast %add3A_275 : i32 to index
      %get3A_317 = arith.constant 48 : index
      %get3A_318 = tpu.vector_load %arg16[%get3A_316, %get3A_317] {strides = array<i32>} : memref<80x128xf32, #tpu.memory_space<vmem>>, vector<16xf32>,
      %mul3A_319 = arith.mulf %add3A_315, %get3A_318 : vector<16xf32>
      %get3A_320 = arith.index_cast %add3A_275 : i32 to index
      %get3A_321 = arith.constant 64 : index
      %get3A_322 = tpu.vector_load %arg14[%get3A_320, %get3A_321] {strides = array<i32>} : memref<80x128xf32, #tpu.memory_space<vmem>>, vector<16xf32>,
      %get3A_323 = arith.index_cast %add3A_275 : i32 to index
      %get3A_324 = arith.constant 64 : index
      %get3A_325 = tpu.vector_load %arg15[%get3A_323, %get3A_324] {strides = array<i32>} : memref<80x128xf32, #tpu.memory_space<vmem>>, vector<16xf32>,
      %add3A_326 = arith.addf %get3A_322, %get3A_325 : vector<16xf32>
      %get3A_327 = arith.index_cast %add3A_275 : i32 to index
      %get3A_328 = arith.constant 64 : index
      %get3A_329 = tpu.vector_load %arg16[%get3A_327, %get3A_328] {strides = array<i32>} : memref<80x128xf32, #tpu.memory_space<vmem>>, vector<16xf32>,
      %mul3A_330 = arith.mulf %add3A_326, %get3A_329 : vector<16xf32>
      %get3A_331 = arith.index_cast %add3A_275 : i32 to index
      %get3A_332 = arith.constant 80 : index
      %get3A_333 = tpu.vector_load %arg14[%get3A_331, %get3A_332] {strides = array<i32>} : memref<80x128xf32, #tpu.memory_space<vmem>>, vector<16xf32>,
      %get3A_334 = arith.index_cast %add3A_275 : i32 to index
      %get3A_335 = arith.constant 80 : index
      %get3A_336 = tpu.vector_load %arg15[%get3A_334, %get3A_335] {strides = array<i32>} : memref<80x128xf32, #tpu.memory_space<vmem>>, vector<16xf32>,
      %add3A_337 = arith.addf %get3A_333, %get3A_336 : vector<16xf32>
      %get3A_338 = arith.index_cast %add3A_275 : i32 to index
      %get3A_339 = arith.constant 80 : index
      %get3A_340 = tpu.vector_load %arg16[%get3A_338, %get3A_339] {strides = array<i32>} : memref<80x128xf32, #tpu.memory_space<vmem>>, vector<16xf32>,
      %mul3A_341 = arith.mulf %add3A_337, %get3A_340 : vector<16xf32>
      %get3A_342 = arith.index_cast %add3A_275 : i32 to index
      %get3A_343 = arith.constant 96 : index
      %get3A_344 = tpu.vector_load %arg14[%get3A_342, %get3A_343] {strides = array<i32>} : memref<80x128xf32, #tpu.memory_space<vmem>>, vector<16xf32>,
      %get3A_345 = arith.index_cast %add3A_275 : i32 to index
      %get3A_346 = arith.constant 96 : index
      %get3A_347 = tpu.vector_load %arg15[%get3A_345, %get3A_346] {strides = array<i32>} : memref<80x128xf32, #tpu.memory_space<vmem>>, vector<16xf32>,
      %add3A_348 = arith.addf %get3A_344, %get3A_347 : vector<16xf32>
      %get3A_349 = arith.index_cast %add3A_275 : i32 to index
      %get3A_350 = arith.constant 96 : index
      %get3A_351 = tpu.vector_load %arg16[%get3A_349, %get3A_350] {strides = array<i32>} : memref<80x128xf32, #tpu.memory_space<vmem>>, vector<16xf32>,
      %mul3A_352 = arith.mulf %add3A_348, %get3A_351 : vector<16xf32>
      %get3A_353 = arith.index_cast %add3A_275 : i32 to index
      %get3A_354 = arith.constant 112 : index
      %get3A_355 = tpu.vector_load %arg14[%get3A_353, %get3A_354] {strides = array<i32>} : memref<80x128xf32, #tpu.memory_space<vmem>>, vector<16xf32>,
      %get3A_356 = arith.index_cast %add3A_275 : i32 to index
      %get3A_357 = arith.constant 112 : index
      %get3A_358 = tpu.vector_load %arg15[%get3A_356, %get3A_357] {strides = array<i32>} : memref<80x128xf32, #tpu.memory_space<vmem>>, vector<16xf32>,
      %add3A_359 = arith.addf %get3A_355, %get3A_358 : vector<16xf32>
      %get3A_360 = arith.index_cast %add3A_275 : i32 to index
      %get3A_361 = arith.constant 112 : index
      %get3A_362 = tpu.vector_load %arg16[%get3A_360, %get3A_361] {strides = array<i32>} : memref<80x128xf32, #tpu.memory_space<vmem>>, vector<16xf32>,
      %mul3A_363 = arith.mulf %add3A_359, %get3A_362 : vector<16xf32>
      %add3A_364 = arith.addf %mul3A_286, %mul3A_297 : vector<16xf32>
      %add3A_365 = arith.addf %mul3A_308, %mul3A_319 : vector<16xf32>
      %add3A_366 = arith.addf %mul3A_330, %mul3A_341 : vector<16xf32>
      %add3A_367 = arith.addf %mul3A_352, %mul3A_363 : vector<16xf32>
      %add3A_368 = arith.addf %add3A_364, %add3A_365 : vector<16xf32>
      %add3A_369 = arith.addf %add3A_366, %add3A_367 : vector<16xf32>
      %add3A_370 = arith.addf %add3A_368, %add3A_369 : vector<16xf32>
      %reduce_sum3A_371 = arith.constant true
      %reduce_sum3A_372 = vector.broadcast %reduce_sum3A_371 : i1 to vector<16xi1>
      %reduce_sum3A_373 = tpu.scan <sum>, %add3A_370 masked %reduce_sum3A_372 : vector<16xf32>, vector<16xi1> -> vector<16xf32>
      %reduce_sum3A_374 = vector.extract %reduce_sum3A_373[15] : f32 from vector<16xf32>
      %broadcast_in_dim3A_375 = vector.broadcast %reduce_sum3A_374 : f32 to vector<16xf32>
      %select_n3A_376 = arith.select %eq3A_273, %broadcast_in_dim3A_375, %select_n3A_269 : vector<16xi1>, vector<16xf32>
      %add3A_377 = arith.constant 3 : i32
      %add3A_378 = arith.addi %rem3A_59, %add3A_377 : i32
      %eq3A_379 = vector.broadcast %add3A_378 : i32 to vector<16xi32>
      %eq3A_380 = arith.cmpi eq, %iota3A, %eq3A_379 : vector<16xi32>
      %add3A_381 = arith.constant 3 : i32
      %add3A_382 = arith.addi %mul3A_58, %add3A_381 : i32
      %get3A_383 = arith.index_cast %add3A_382 : i32 to index
      %get3A_384 = arith.constant 0 : index
      %get3A_385 = tpu.vector_load %arg14[%get3A_383, %get3A_384] {strides = array<i32>} : memref<80x128xf32, #tpu.memory_space<vmem>>, vector<16xf32>,
      %get3A_386 = arith.index_cast %add3A_382 : i32 to index
      %get3A_387 = arith.constant 0 : index
      %get3A_388 = tpu.vector_load %arg15[%get3A_386, %get3A_387] {strides = array<i32>} : memref<80x128xf32, #tpu.memory_space<vmem>>, vector<16xf32>,
      %add3A_389 = arith.addf %get3A_385, %get3A_388 : vector<16xf32>
      %get3A_390 = arith.index_cast %add3A_382 : i32 to index
      %get3A_391 = arith.constant 0 : index
      %get3A_392 = tpu.vector_load %arg16[%get3A_390, %get3A_391] {strides = array<i32>} : memref<80x128xf32, #tpu.memory_space<vmem>>, vector<16xf32>,
      %mul3A_393 = arith.mulf %add3A_389, %get3A_392 : vector<16xf32>
      %get3A_394 = arith.index_cast %add3A_382 : i32 to index
      %get3A_395 = arith.constant 16 : index
      %get3A_396 = tpu.vector_load %arg14[%get3A_394, %get3A_395] {strides = array<i32>} : memref<80x128xf32, #tpu.memory_space<vmem>>, vector<16xf32>,
      %get3A_397 = arith.index_cast %add3A_382 : i32 to index
      %get3A_398 = arith.constant 16 : index
      %get3A_399 = tpu.vector_load %arg15[%get3A_397, %get3A_398] {strides = array<i32>} : memref<80x128xf32, #tpu.memory_space<vmem>>, vector<16xf32>,
      %add3A_400 = arith.addf %get3A_396, %get3A_399 : vector<16xf32>
      %get3A_401 = arith.index_cast %add3A_382 : i32 to index
      %get3A_402 = arith.constant 16 : index
      %get3A_403 = tpu.vector_load %arg16[%get3A_401, %get3A_402] {strides = array<i32>} : memref<80x128xf32, #tpu.memory_space<vmem>>, vector<16xf32>,
      %mul3A_404 = arith.mulf %add3A_400, %get3A_403 : vector<16xf32>
      %get3A_405 = arith.index_cast %add3A_382 : i32 to index
      %get3A_406 = arith.constant 32 : index
      %get3A_407 = tpu.vector_load %arg14[%get3A_405, %get3A_406] {strides = array<i32>} : memref<80x128xf32, #tpu.memory_space<vmem>>, vector<16xf32>,
      %get3A_408 = arith.index_cast %add3A_382 : i32 to index
      %get3A_409 = arith.constant 32 : index
      %get3A_410 = tpu.vector_load %arg15[%get3A_408, %get3A_409] {strides = array<i32>} : memref<80x128xf32, #tpu.memory_space<vmem>>, vector<16xf32>,
      %add3A_411 = arith.addf %get3A_407, %get3A_410 : vector<16xf32>
      %get3A_412 = arith.index_cast %add3A_382 : i32 to index
      %get3A_413 = arith.constant 32 : index
      %get3A_414 = tpu.vector_load %arg16[%get3A_412, %get3A_413] {strides = array<i32>} : memref<80x128xf32, #tpu.memory_space<vmem>>, vector<16xf32>,
      %mul3A_415 = arith.mulf %add3A_411, %get3A_414 : vector<16xf32>
      %get3A_416 = arith.index_cast %add3A_382 : i32 to index
      %get3A_417 = arith.constant 48 : index
      %get3A_418 = tpu.vector_load %arg14[%get3A_416, %get3A_417] {strides = array<i32>} : memref<80x128xf32, #tpu.memory_space<vmem>>, vector<16xf32>,
      %get3A_419 = arith.index_cast %add3A_382 : i32 to index
      %get3A_420 = arith.constant 48 : index
      %get3A_421 = tpu.vector_load %arg15[%get3A_419, %get3A_420] {strides = array<i32>} : memref<80x128xf32, #tpu.memory_space<vmem>>, vector<16xf32>,
      %add3A_422 = arith.addf %get3A_418, %get3A_421 : vector<16xf32>
      %get3A_423 = arith.index_cast %add3A_382 : i32 to index
      %get3A_424 = arith.constant 48 : index
      %get3A_425 = tpu.vector_load %arg16[%get3A_423, %get3A_424] {strides = array<i32>} : memref<80x128xf32, #tpu.memory_space<vmem>>, vector<16xf32>,
      %mul3A_426 = arith.mulf %add3A_422, %get3A_425 : vector<16xf32>
      %get3A_427 = arith.index_cast %add3A_382 : i32 to index
      %get3A_428 = arith.constant 64 : index
      %get3A_429 = tpu.vector_load %arg14[%get3A_427, %get3A_428] {strides = array<i32>} : memref<80x128xf32, #tpu.memory_space<vmem>>, vector<16xf32>,
      %get3A_430 = arith.index_cast %add3A_382 : i32 to index
      %get3A_431 = arith.constant 64 : index
      %get3A_432 = tpu.vector_load %arg15[%get3A_430, %get3A_431] {strides = array<i32>} : memref<80x128xf32, #tpu.memory_space<vmem>>, vector<16xf32>,
      %add3A_433 = arith.addf %get3A_429, %get3A_432 : vector<16xf32>
      %get3A_434 = arith.index_cast %add3A_382 : i32 to index
      %get3A_435 = arith.constant 64 : index
      %get3A_436 = tpu.vector_load %arg16[%get3A_434, %get3A_435] {strides = array<i32>} : memref<80x128xf32, #tpu.memory_space<vmem>>, vector<16xf32>,
      %mul3A_437 = arith.mulf %add3A_433, %get3A_436 : vector<16xf32>
      %get3A_438 = arith.index_cast %add3A_382 : i32 to index
      %get3A_439 = arith.constant 80 : index
      %get3A_440 = tpu.vector_load %arg14[%get3A_438, %get3A_439] {strides = array<i32>} : memref<80x128xf32, #tpu.memory_space<vmem>>, vector<16xf32>,
      %get3A_441 = arith.index_cast %add3A_382 : i32 to index
      %get3A_442 = arith.constant 80 : index
      %get3A_443 = tpu.vector_load %arg15[%get3A_441, %get3A_442] {strides = array<i32>} : memref<80x128xf32, #tpu.memory_space<vmem>>, vector<16xf32>,
      %add3A_444 = arith.addf %get3A_440, %get3A_443 : vector<16xf32>
      %get3A_445 = arith.index_cast %add3A_382 : i32 to index
      %get3A_446 = arith.constant 80 : index
      %get3A_447 = tpu.vector_load %arg16[%get3A_445, %get3A_446] {strides = array<i32>} : memref<80x128xf32, #tpu.memory_space<vmem>>, vector<16xf32>,
      %mul3A_448 = arith.mulf %add3A_444, %get3A_447 : vector<16xf32>
      %get3A_449 = arith.index_cast %add3A_382 : i32 to index
      %get3A_450 = arith.constant 96 : index
      %get3A_451 = tpu.vector_load %arg14[%get3A_449, %get3A_450] {strides = array<i32>} : memref<80x128xf32, #tpu.memory_space<vmem>>, vector<16xf32>,
      %get3A_452 = arith.index_cast %add3A_382 : i32 to index
      %get3A_453 = arith.constant 96 : index
      %get3A_454 = tpu.vector_load %arg15[%get3A_452, %get3A_453] {strides = array<i32>} : memref<80x128xf32, #tpu.memory_space<vmem>>, vector<16xf32>,
      %add3A_455 = arith.addf %get3A_451, %get3A_454 : vector<16xf32>
      %get3A_456 = arith.index_cast %add3A_382 : i32 to index
      %get3A_457 = arith.constant 96 : index
      %get3A_458 = tpu.vector_load %arg16[%get3A_456, %get3A_457] {strides = array<i32>} : memref<80x128xf32, #tpu.memory_space<vmem>>, vector<16xf32>,
      %mul3A_459 = arith.mulf %add3A_455, %get3A_458 : vector<16xf32>
      %get3A_460 = arith.index_cast %add3A_382 : i32 to index
      %get3A_461 = arith.constant 112 : index
      %get3A_462 = tpu.vector_load %arg14[%get3A_460, %get3A_461] {strides = array<i32>} : memref<80x128xf32, #tpu.memory_space<vmem>>, vector<16xf32>,
      %get3A_463 = arith.index_cast %add3A_382 : i32 to index
      %get3A_464 = arith.constant 112 : index
      %get3A_465 = tpu.vector_load %arg15[%get3A_463, %get3A_464] {strides = array<i32>} : memref<80x128xf32, #tpu.memory_space<vmem>>, vector<16xf32>,
      %add3A_466 = arith.addf %get3A_462, %get3A_465 : vector<16xf32>
      %get3A_467 = arith.index_cast %add3A_382 : i32 to index
      %get3A_468 = arith.constant 112 : index
      %get3A_469 = tpu.vector_load %arg16[%get3A_467, %get3A_468] {strides = array<i32>} : memref<80x128xf32, #tpu.memory_space<vmem>>, vector<16xf32>,
      %mul3A_470 = arith.mulf %add3A_466, %get3A_469 : vector<16xf32>
      %add3A_471 = arith.addf %mul3A_393, %mul3A_404 : vector<16xf32>
      %add3A_472 = arith.addf %mul3A_415, %mul3A_426 : vector<16xf32>
      %add3A_473 = arith.addf %mul3A_437, %mul3A_448 : vector<16xf32>
      %add3A_474 = arith.addf %mul3A_459, %mul3A_470 : vector<16xf32>
      %add3A_475 = arith.addf %add3A_471, %add3A_472 : vector<16xf32>
      %add3A_476 = arith.addf %add3A_473, %add3A_474 : vector<16xf32>
      %add3A_477 = arith.addf %add3A_475, %add3A_476 : vector<16xf32>
      %reduce_sum3A_478 = arith.constant true
      %reduce_sum3A_479 = vector.broadcast %reduce_sum3A_478 : i1 to vector<16xi1>
      %reduce_sum3A_480 = tpu.scan <sum>, %add3A_477 masked %reduce_sum3A_479 : vector<16xf32>, vector<16xi1> -> vector<16xf32>
      %reduce_sum3A_481 = vector.extract %reduce_sum3A_480[15] : f32 from vector<16xf32>
      %broadcast_in_dim3A_482 = vector.broadcast %reduce_sum3A_481 : f32 to vector<16xf32>
      %select_n3A_483 = arith.select %eq3A_380, %broadcast_in_dim3A_482, %select_n3A_376 : vector<16xi1>, vector<16xf32>
      %eq3A_484 = arith.constant 12 : i32
      %eq3A_485 = arith.cmpi eq, %rem3A_59, %eq3A_484 : i32
      %convert_element_type3A = arith.extui %eq3A_485 : i1 to i32
      %cond3A = arith.constant 0 : i32
      %cond3A_486 = arith.cmpi ne, %convert_element_type3A, %cond3A : i32
      scf.if %cond3A_486 {
        %add3A_487 = arith.constant 9920 : i32
        %add3A_488 = arith.addi %add3A_487, %mul3A_58 : i32
        %sub3A = arith.constant 12 : i32
        %sub3A_489 = arith.subi %add3A_488, %sub3A : i32
        %swap3A = arith.index_cast %sub3A_489 : i32 to index
        %swap3A_490 = tpu.vector_load %arg12[%swap3A] {strides = array<i32>} : memref<10000xf32, #tpu.memory_space<vmem>>, vector<16xf32>,
        tpu.vector_store %arg12[%swap3A], %select_n3A_483 {strides = array<i32>} : memref<10000xf32, #tpu.memory_space<vmem>>, vector<16xf32>,
      } else {
      }
      scf.yield %select_n3A_483 : vector<16xf32>
    }
    %scan3A_49 = arith.constant 20 : i32
    %scan3A_50 = arith.constant 0 : i32
    %scan3A_51 = arith.constant 625 : i32
    %scan3A_52 = arith.addi %scan3A_50, %scan3A_51 : i32
    %scan3A_53 = arith.constant 1 : i32
    scf.for %scan3A_55 = %scan3A_50 to %scan3A_52 step %scan3A_53  : i32 {
      %mul3A_56 = arith.constant 16 : i32
      %mul3A_57 = arith.muli %scan3A_55, %mul3A_56 : i32
      %get3A = arith.index_cast %mul3A_57 : i32 to index
      %get3A_58 = tpu.vector_load %arg10[%get3A] {strides = array<i32>} : memref<10000xi32, #tpu.memory_space<vmem>>, vector<16xi32>,
      %mul3A_59 = arith.constant 16 : i32
      %mul3A_60 = arith.muli %scan3A_55, %mul3A_59 : i32
      %get3A_61 = arith.index_cast %mul3A_60 : i32 to index
      %get3A_62 = tpu.vector_load %arg12[%get3A_61] {strides = array<i32>} : memref<10000xf32, #tpu.memory_space<vmem>>, vector<16xf32>,
      %masked_sort3A = arith.constant dense<true> : vector<16xi1>
      %masked_sort3A_63 = arith.constant -2147483648 : i32
      %masked_sort3A_64 = vector.broadcast %masked_sort3A_63 : i32 to vector<16xi32>
      %masked_sort3A_65 = arith.xori %get3A_58, %masked_sort3A_64 : vector<16xi32>
      %masked_sort3A_66, %masked_sort3A_67, %masked_sort3A_68 = tpu.sort %masked_sort3A_65, %get3A_62 masked %masked_sort3A : (vector<16xi32>, vector<16xf32>, vector<16xi1>) -> (vector<16xi1>, vector<16xi32>, vector<16xf32>)
      %masked_sort3A_69 = arith.xori %masked_sort3A_67, %masked_sort3A_64 : vector<16xi32>
      %iota3A = tpu.iota {dimensions = array<i32: 0>} : vector<16xi32>
      %sub3A = arith.constant 1 : i32
      %sub3A_70 = vector.broadcast %sub3A : i32 to vector<16xi32>
      %sub3A_71 = arith.subi %iota3A, %sub3A_70 : vector<16xi32>
      %max3A = arith.constant 0 : i32
      %max3A_72 = vector.broadcast %max3A : i32 to vector<16xi32>
      %max3A_73 = arith.maxsi %sub3A_71, %max3A_72 : vector<16xi32>
      %broadcast_in_dim3A_74 = vector.shape_cast %max3A_73 : vector<16xi32> to vector<16x1xi32>
      %gather3A = vector.shape_cast %broadcast_in_dim3A_74 : vector<16x1xi32> to vector<16xi32>
      %gather3A_75 = tpu.dynamic_gather %masked_sort3A_69[%gather3A] in [0] : vector<16xi32>, vector<16xi32> -> vector<16xi32>
      %eq3A = arith.constant 0 : i32
      %eq3A_76 = vector.broadcast %eq3A : i32 to vector<16xi32>
      %eq3A_77 = arith.cmpi eq, %iota3A, %eq3A_76 : vector<16xi32>
      %ne3A = arith.cmpi ne, %masked_sort3A_69, %gather3A_75 : vector<16xi32>
      %or3A = arith.ori %eq3A_77, %ne3A : vector<16xi1>
      %convert_element_type3A = arith.extui %or3A : vector<16xi1> to vector<16xi32>
      %broadcast_in_dim3A_78 = arith.constant true
      %broadcast_in_dim3A_79 = vector.broadcast %broadcast_in_dim3A_78 : i1 to vector<16xi1>
      %masked_cumsum3A = tpu.scan <sum>, %convert_element_type3A masked %broadcast_in_dim3A_79 : vector<16xi32>, vector<16xi1> -> vector<16xi32>
      %sub3A_80 = arith.constant 1 : i32
      %sub3A_81 = vector.broadcast %sub3A_80 : i32 to vector<16xi32>
      %sub3A_82 = arith.subi %iota3A, %sub3A_81 : vector<16xi32>
      %max3A_83 = arith.constant 0 : i32
      %max3A_84 = vector.broadcast %max3A_83 : i32 to vector<16xi32>
      %max3A_85 = arith.maxsi %sub3A_82, %max3A_84 : vector<16xi32>
      %ge3A = arith.constant 1 : i32
      %ge3A_86 = vector.broadcast %ge3A : i32 to vector<16xi32>
      %ge3A_87 = arith.cmpi sge, %iota3A, %ge3A_86 : vector<16xi32>
      %broadcast_in_dim3A_88 = vector.shape_cast %max3A_85 : vector<16xi32> to vector<16x1xi32>
      %gather3A_89 = vector.shape_cast %broadcast_in_dim3A_88 : vector<16x1xi32> to vector<16xi32>
      %gather3A_90 = tpu.dynamic_gather %masked_cumsum3A[%gather3A_89] in [0] : vector<16xi32>, vector<16xi32> -> vector<16xi32>
      %eq3A_91 = arith.cmpi eq, %masked_cumsum3A, %gather3A_90 : vector<16xi32>
      %and3A = arith.andi %ge3A_87, %eq3A_91 : vector<16xi1>
      %broadcast_in_dim3A_92 = vector.shape_cast %max3A_85 : vector<16xi32> to vector<16x1xi32>
      %gather3A_93 = vector.shape_cast %broadcast_in_dim3A_92 : vector<16x1xi32> to vector<16xi32>
      %gather3A_94 = tpu.dynamic_gather %masked_sort3A_68[%gather3A_93] in [0] : vector<16xf32>, vector<16xi32> -> vector<16xf32>
      %max3A_95 = arith.maximumf %masked_sort3A_68, %gather3A_94 : vector<16xf32>
      %select_n3A = arith.select %and3A, %max3A_95, %masked_sort3A_68 : vector<16xi1>, vector<16xf32>
      %sub3A_96 = arith.constant 2 : i32
      %sub3A_97 = vector.broadcast %sub3A_96 : i32 to vector<16xi32>
      %sub3A_98 = arith.subi %iota3A, %sub3A_97 : vector<16xi32>
      %max3A_99 = arith.constant 0 : i32
      %max3A_100 = vector.broadcast %max3A_99 : i32 to vector<16xi32>
      %max3A_101 = arith.maxsi %sub3A_98, %max3A_100 : vector<16xi32>
      %ge3A_102 = arith.constant 2 : i32
      %ge3A_103 = vector.broadcast %ge3A_102 : i32 to vector<16xi32>
      %ge3A_104 = arith.cmpi sge, %iota3A, %ge3A_103 : vector<16xi32>
      %broadcast_in_dim3A_105 = vector.shape_cast %max3A_101 : vector<16xi32> to vector<16x1xi32>
      %gather3A_106 = vector.shape_cast %broadcast_in_dim3A_105 : vector<16x1xi32> to vector<16xi32>
      %gather3A_107 = tpu.dynamic_gather %masked_cumsum3A[%gather3A_106] in [0] : vector<16xi32>, vector<16xi32> -> vector<16xi32>
      %eq3A_108 = arith.cmpi eq, %masked_cumsum3A, %gather3A_107 : vector<16xi32>
      %and3A_109 = arith.andi %ge3A_104, %eq3A_108 : vector<16xi1>
      %broadcast_in_dim3A_110 = vector.shape_cast %max3A_101 : vector<16xi32> to vector<16x1xi32>
      %gather3A_111 = vector.shape_cast %broadcast_in_dim3A_110 : vector<16x1xi32> to vector<16xi32>
      %gather3A_112 = tpu.dynamic_gather %select_n3A[%gather3A_111] in [0] : vector<16xf32>, vector<16xi32> -> vector<16xf32>
      %max3A_113 = arith.maximumf %select_n3A, %gather3A_112 : vector<16xf32>
      %select_n3A_114 = arith.select %and3A_109, %max3A_113, %select_n3A : vector<16xi1>, vector<16xf32>
      %sub3A_115 = arith.constant 4 : i32
      %sub3A_116 = vector.broadcast %sub3A_115 : i32 to vector<16xi32>
      %sub3A_117 = arith.subi %iota3A, %sub3A_116 : vector<16xi32>
      %max3A_118 = arith.constant 0 : i32
      %max3A_119 = vector.broadcast %max3A_118 : i32 to vector<16xi32>
      %max3A_120 = arith.maxsi %sub3A_117, %max3A_119 : vector<16xi32>
      %ge3A_121 = arith.constant 4 : i32
      %ge3A_122 = vector.broadcast %ge3A_121 : i32 to vector<16xi32>
      %ge3A_123 = arith.cmpi sge, %iota3A, %ge3A_122 : vector<16xi32>
      %broadcast_in_dim3A_124 = vector.shape_cast %max3A_120 : vector<16xi32> to vector<16x1xi32>
      %gather3A_125 = vector.shape_cast %broadcast_in_dim3A_124 : vector<16x1xi32> to vector<16xi32>
      %gather3A_126 = tpu.dynamic_gather %masked_cumsum3A[%gather3A_125] in [0] : vector<16xi32>, vector<16xi32> -> vector<16xi32>
      %eq3A_127 = arith.cmpi eq, %masked_cumsum3A, %gather3A_126 : vector<16xi32>
      %and3A_128 = arith.andi %ge3A_123, %eq3A_127 : vector<16xi1>
      %broadcast_in_dim3A_129 = vector.shape_cast %max3A_120 : vector<16xi32> to vector<16x1xi32>
      %gather3A_130 = vector.shape_cast %broadcast_in_dim3A_129 : vector<16x1xi32> to vector<16xi32>
      %gather3A_131 = tpu.dynamic_gather %select_n3A_114[%gather3A_130] in [0] : vector<16xf32>, vector<16xi32> -> vector<16xf32>
      %max3A_132 = arith.maximumf %select_n3A_114, %gather3A_131 : vector<16xf32>
      %select_n3A_133 = arith.select %and3A_128, %max3A_132, %select_n3A_114 : vector<16xi1>, vector<16xf32>
      %sub3A_134 = arith.constant 8 : i32
      %sub3A_135 = vector.broadcast %sub3A_134 : i32 to vector<16xi32>
      %sub3A_136 = arith.subi %iota3A, %sub3A_135 : vector<16xi32>
      %max3A_137 = arith.constant 0 : i32
      %max3A_138 = vector.broadcast %max3A_137 : i32 to vector<16xi32>
      %max3A_139 = arith.maxsi %sub3A_136, %max3A_138 : vector<16xi32>
      %ge3A_140 = arith.constant 8 : i32
      %ge3A_141 = vector.broadcast %ge3A_140 : i32 to vector<16xi32>
      %ge3A_142 = arith.cmpi sge, %iota3A, %ge3A_141 : vector<16xi32>
      %broadcast_in_dim3A_143 = vector.shape_cast %max3A_139 : vector<16xi32> to vector<16x1xi32>
      %gather3A_144 = vector.shape_cast %broadcast_in_dim3A_143 : vector<16x1xi32> to vector<16xi32>
      %gather3A_145 = tpu.dynamic_gather %masked_cumsum3A[%gather3A_144] in [0] : vector<16xi32>, vector<16xi32> -> vector<16xi32>
      %eq3A_146 = arith.cmpi eq, %masked_cumsum3A, %gather3A_145 : vector<16xi32>
      %and3A_147 = arith.andi %ge3A_142, %eq3A_146 : vector<16xi1>
      %broadcast_in_dim3A_148 = vector.shape_cast %max3A_139 : vector<16xi32> to vector<16x1xi32>
      %gather3A_149 = vector.shape_cast %broadcast_in_dim3A_148 : vector<16x1xi32> to vector<16xi32>
      %gather3A_150 = tpu.dynamic_gather %select_n3A_133[%gather3A_149] in [0] : vector<16xf32>, vector<16xi32> -> vector<16xf32>
      %max3A_151 = arith.maximumf %select_n3A_133, %gather3A_150 : vector<16xf32>
      %select_n3A_152 = arith.select %and3A_147, %max3A_151, %select_n3A_133 : vector<16xi1>, vector<16xf32>
      %add3A_153 = arith.constant 1 : i32
      %add3A_154 = vector.broadcast %add3A_153 : i32 to vector<16xi32>
      %add3A_155 = arith.addi %iota3A, %add3A_154 : vector<16xi32>
      %min3A = arith.constant 15 : i32
      %min3A_156 = vector.broadcast %min3A : i32 to vector<16xi32>
      %min3A_157 = arith.minsi %add3A_155, %min3A_156 : vector<16xi32>
      %broadcast_in_dim3A_158 = vector.shape_cast %min3A_157 : vector<16xi32> to vector<16x1xi32>
      %gather3A_159 = vector.shape_cast %broadcast_in_dim3A_158 : vector<16x1xi32> to vector<16xi32>
      %gather3A_160 = tpu.dynamic_gather %masked_sort3A_69[%gather3A_159] in [0] : vector<16xi32>, vector<16xi32> -> vector<16xi32>
      %eq3A_161 = arith.constant 15 : i32
      %eq3A_162 = vector.broadcast %eq3A_161 : i32 to vector<16xi32>
      %eq3A_163 = arith.cmpi eq, %iota3A, %eq3A_162 : vector<16xi32>
      %ne3A_164 = arith.cmpi ne, %masked_sort3A_69, %gather3A_160 : vector<16xi32>
      %or3A_165 = arith.ori %eq3A_163, %ne3A_164 : vector<16xi1>
      %gather3A_166 = tpu.vector_load_idx %arg13[%masked_sort3A_69] : memref<10240xf32, #tpu.memory_space<vmem>>[vector<16xi32>], vector<16xf32>,
      %max3A_167 = arith.maximumf %gather3A_166, %select_n3A_152 : vector<16xf32>
      tpu.vector_store_idx %arg13[%masked_sort3A_69], %max3A_167 masked %or3A_165 : memref<10240xf32, #tpu.memory_space<vmem>>[vector<16xi32>], vector<16xf32>, vector<16xi1>
    }
    %scan3A_54 = arith.constant 625 : i32
    "tpu.region"() ({
      %run_scoped3A = tpu.sem_alloc : memref<!tpu.dma_semaphore, #tpu.memory_space<semaphore_mem>>
      %dma_start3A_55 = tpu.memref_slice %arg7[%mul3A_2] : memref<320000xf32, #tpu.memory_space<hbm>> -> memref<10000xf32, #tpu.memory_space<hbm>>
      %dma_start3A_56 = tpu.memref_slice %arg7[%mul3A_2] : memref<320000xf32, #tpu.memory_space<hbm>> -> memref<10000xf32, #tpu.memory_space<hbm>>
      tpu.enqueue_dma source(%arg12 : memref<10000xf32, #tpu.memory_space<vmem>>) target(%dma_start3A_56 : memref<10000xf32, #tpu.memory_space<hbm>>) target_semaphore(%run_scoped3A : memref<!tpu.dma_semaphore, #tpu.memory_space<semaphore_mem>>)
      %dma_wait3A_57 = tpu.memref_slice %arg7[%mul3A_2] : memref<320000xf32, #tpu.memory_space<hbm>> -> memref<10000xf32, #tpu.memory_space<hbm>>
      %dma_wait3A_58 = tpu.memref_slice %arg7[%mul3A_2] : memref<320000xf32, #tpu.memory_space<hbm>> -> memref<10000xf32, #tpu.memory_space<hbm>>
      tpu.wait_dma2 semaphore(%run_scoped3A : memref<!tpu.dma_semaphore, #tpu.memory_space<semaphore_mem>>) src(%arg12 : memref<10000xf32, #tpu.memory_space<vmem>>) dst(%dma_wait3A_58 : memref<10000xf32, #tpu.memory_space<hbm>>)
      tpu.yield
    }) : () -> ()
    "tpu.region"() ({
      %run_scoped3A = tpu.sem_alloc : memref<!tpu.dma_semaphore, #tpu.memory_space<semaphore_mem>>
      %dma_start3A_55 = arith.constant 0 : i32
      %dma_start3A_56 = tpu.memref_slice %arg8[%add3A, %dma_start3A_55] : memref<32x10240xf32, #tpu.memory_space<hbm>> -> memref<1x10240xf32, #tpu.memory_space<hbm>>
      %dma_start3A_57 = tpu.memref_squeeze %dma_start3A_56 : memref<1x10240xf32, #tpu.memory_space<hbm>> -> memref<10240xf32, #tpu.memory_space<hbm>>
      %dma_start3A_58 = arith.constant 0 : i32
      %dma_start3A_59 = tpu.memref_slice %arg8[%add3A, %dma_start3A_58] : memref<32x10240xf32, #tpu.memory_space<hbm>> -> memref<1x10240xf32, #tpu.memory_space<hbm>>
      %dma_start3A_60 = tpu.memref_squeeze %dma_start3A_59 : memref<1x10240xf32, #tpu.memory_space<hbm>> -> memref<10240xf32, #tpu.memory_space<hbm>>
      tpu.enqueue_dma source(%arg13 : memref<10240xf32, #tpu.memory_space<vmem>>) target(%dma_start3A_60 : memref<10240xf32, #tpu.memory_space<hbm>>) target_semaphore(%run_scoped3A : memref<!tpu.dma_semaphore, #tpu.memory_space<semaphore_mem>>)
      %dma_wait3A_61 = arith.constant 0 : i32
      %dma_wait3A_62 = tpu.memref_slice %arg8[%add3A, %dma_wait3A_61] : memref<32x10240xf32, #tpu.memory_space<hbm>> -> memref<1x10240xf32, #tpu.memory_space<hbm>>
      %dma_wait3A_63 = tpu.memref_squeeze %dma_wait3A_62 : memref<1x10240xf32, #tpu.memory_space<hbm>> -> memref<10240xf32, #tpu.memory_space<hbm>>
      %dma_wait3A_64 = arith.constant 0 : i32
      %dma_wait3A_65 = tpu.memref_slice %arg8[%add3A, %dma_wait3A_64] : memref<32x10240xf32, #tpu.memory_space<hbm>> -> memref<1x10240xf32, #tpu.memory_space<hbm>>
      %dma_wait3A_66 = tpu.memref_squeeze %dma_wait3A_65 : memref<1x10240xf32, #tpu.memory_space<hbm>> -> memref<10240xf32, #tpu.memory_space<hbm>>
      tpu.wait_dma2 semaphore(%run_scoped3A : memref<!tpu.dma_semaphore, #tpu.memory_space<semaphore_mem>>) src(%arg13 : memref<10240xf32, #tpu.memory_space<vmem>>) dst(%dma_wait3A_66 : memref<10240xf32, #tpu.memory_space<hbm>>)
      tpu.yield
    }) : () -> ()
    return
  }
}

module attributes {stable_mosaic.version = 14 : i64} {
  func.func @_merge_max_body(%arg0: memref<32x10240xf32, #tpu.memory_space<vmem>>, %arg1: memref<10240xf32, #tpu.memory_space<vmem>>) attributes {dimension_semantics = [], scalar_prefetch = 0 : i64, scratch_operands = 0 : i64, tpu.core_type = #tpu.core_type<tc>} {
    %get3A = arith.constant 0 : index
    %get3A_0 = arith.constant 0 : index
    %get3A_1 = vector.load %arg0[%get3A, %get3A_0] : memref<32x10240xf32, #tpu.memory_space<vmem>>, vector<32x10240xf32>
    %reduce_max3A = arith.constant dense<0xFF800000> : vector<10240xf32>
    %reduce_max3A_2 = vector.multi_reduction <maximumf>, %get3A_1, %reduce_max3A [0] : vector<32x10240xf32> to vector<10240xf32>
    %swap3A = arith.constant 0 : index
    %swap3A_3 = vector.load %arg1[%swap3A] : memref<10240xf32, #tpu.memory_space<vmem>>, vector<10240xf32>
    tpu.vector_store %arg1[%swap3A], %reduce_max3A_2 {strides = array<i32>} : memref<10240xf32, #tpu.memory_space<vmem>>, vector<10240xf32>,
    return
  }
}

module attributes {stable_mosaic.version = 14 : i64} {
  func.func @_merge_sum_body(%arg0: memref<32x10240xf32, #tpu.memory_space<vmem>>, %arg1: memref<10240xf32, #tpu.memory_space<vmem>>) attributes {dimension_semantics = [], scalar_prefetch = 0 : i64, scratch_operands = 0 : i64, tpu.core_type = #tpu.core_type<tc>} {
    %get3A = arith.constant 0 : index
    %get3A_0 = arith.constant 0 : index
    %get3A_1 = vector.load %arg0[%get3A, %get3A_0] : memref<32x10240xf32, #tpu.memory_space<vmem>>, vector<32x10240xf32>
    %reduce_sum3A = arith.constant dense<0.000000e+00> : vector<10240xf32>
    %reduce_sum3A_2 = vector.multi_reduction <add>, %get3A_1, %reduce_sum3A [0] : vector<32x10240xf32> to vector<10240xf32>
    %swap3A = arith.constant 0 : index
    %swap3A_3 = vector.load %arg1[%swap3A] : memref<10240xf32, #tpu.memory_space<vmem>>, vector<10240xf32>
    tpu.vector_store %arg1[%swap3A], %reduce_sum3A_2 {strides = array<i32>} : memref<10240xf32, #tpu.memory_space<vmem>>, vector<10240xf32>,
    return
  }
}

</mosaic_0001>

<sc_bundles>
// kernel: _sc_pipeline.10.cloned.1.call-start
scs
__scs_entry_jumppad:
0x0: {  	(pc) =	sbr.rel $0x88, $3  }
0x1: {  	(tag) =	ssettag $0x0;
	lr =	simm.s32 $0x1  }
0x2: {  	[smem:$0x3F9C] =	sst lr;
	_ =	strace $0xD0000000  }
0x3: {  	_ = 	snop  }
0x4: {  	_ = 	snop  }
0x5: {  	_ = 	snop  }
0x6: {  	_ = 	snop  }
0x7: {  	_ = 	snop  }
__scs_overlays_trampoline_lowered:
0x8: {  	[smem:$0x3FAB] =	sst s0  }
0x9: {  	[smem:$0x3FAC] =	sst s1  }
0xa: {  	[smem:$0x3FAD] =	sst s2  }
0xb: {  	[smem:$0x3FAE] =	sst s3  }
0xc: {  	[smem:$0x3FAF] =	sst s4  }
0xd: {  	[smem:$0x3FB0] =	sst s5  }
0xe: {  	[smem:$0x3FB1] =	sst s6  }
0xf: {  	[smem:$0x3FB2] =	sst s7  }
0x10: {  	[smem:$0x3FB3] =	sst s8  }
0x11: {  	[smem:$0x3FB4] =	sst s9;
	s0 =	simm.s32 @!p0 $0x0  }
0x12: {  	s1 =	sld [smem:$0x3F9A];
	s0 =	simm.s32 @p0 $0x1  }
0x13: {  	[smem:$0x3FB5] =	sst s0;
	s0 =	simm.s32 @!p1 $0x0  }
0x14: {  	s2 =	sld [smem:$0x3F99];
	s0 =	simm.s32 @p1 $0x1  }
0x15: {  	[smem:$0x3FB6] =	sst s0;
	s0 =	simm.s32 @!p2 $0x0  }
0x16: {  	s3 =	sld [smem:$0x3FDB];
	s0 =	simm.s32 @p2 $0x1  }
0x17: {  	s4 =	simm.s32 $0x1BF5;
	[smem:$0x3FB8] =	sst s0  }
0x18: {  	s0 =	sld [smem:$0x3F9B];
	_ =	swait.ge [sflag:s4], $0x0  }
0x19: {  	s7 =	sld [smem:$0x3F9C]  }
0x1a: {  	s8 =	sadd.s32 $0xFFFFE003, lr  }
0x1b: {  	s9 =	sadd.s32 $0xFFFFFEF7, lr;
	s5 =	simm.s32 $0xFFFFFFFF;
	p2 =	slt.u32 s8, $0xFFFFF086  }
0x1c: {  	p1 =	slt.u32 s9, $0xF7A;
	s5 =	simm.s32 @!p2 $0x0  }
0x1d: {  	s5 =	simm.s32 @p1 $0x1;
	p0 =	seq.s32 s7, s2  }
0x1e: {  	s7 =	smul.u32 @!p0 $0xF7A, s2;
	p2 =	seq.s32 @!p0 s5, $0x0  }
0x1f: {  	s9 =	smul.u32 $0xF7A, s1;
	s8 =	simm.s32 @!p0 $0x1BF5;
	p2 =	por !p2, p0  }
0x20: {  	[sflag:s8] =	ssyncset.s32 @!p0 $0xFFFFF086;
	s6 =	sadd.s32 @!p0 s3, s7;
	s7 =	simm.s32 @!p0 $0x108  }
0x21: {  	s3 =	sadd.s32 s3, s9;
	s6 =	sadd.s32 @!p0 $0x88, s6;
	s7 =	simm.s32 @p2 $0x1082  }
0x22: {  	[simem:s7], [sflag:s8] =	dma.local @!p0 [hbm:s6], $0xF7A  }
0x23: {  	s9 =	sor.u32 $0xD0000000, s2;
	s6 =	simm.s32 $0x108;
	_ =	swait.ge @!p0 [sflag:s8], $0x0  }
0x24: {  	s3 =	sadd.s32 $0x88, s3;
	s6 =	simm.s32 @!p1 $0x1082;
	[sflag:s4] =	ssyncset.s32 $0xFFFFF086  }
0x25: {  	[simem:s6], [sflag:s4] =	dma.local [hbm:s3], $0xF7A  }
0x26: {  	[smem:$0x3F9C] =	sst s1;
	(tag) =	ssettag s2;
	_ =	strace s9  }
0x27: {  	s1 =	sld [smem:$0x3FAC]  }
0x28: {  	s2 =	sld [smem:$0x3FAD]  }
0x29: {  	s4 =	sld [smem:$0x3FAF]  }
0x2a: {  	p0 =	seq.s32 s5, $0x0;
	s5 =	sld [smem:$0x3FB0]  }
0x2b: {  	s6 =	sld [smem:$0x3FB1]  }
0x2c: {  	s7 =	sld [smem:$0x3FB2]  }
0x2d: {  	s3 =	simm.s32 $0x108;
	s8 =	sld [smem:$0x3FB3]  }
0x2e: {  	s3 =	simm.s32 @!p0 $0x1082;
	s9 =	sld [smem:$0x3FB4]  }
0x2f: {  	lr =	sadd.s32 s0, s3;
	s0 =	sld [smem:$0x3FAB]  }
0x30: {  	s3 =	sld [smem:$0x3FAE]  }
0x31: {  	[smem:$0x3FB7] =	sst s10  }
0x32: {  	s10 =	sld [smem:$0x3FB5];
	_ =	sdelay $0x3  }
0x33: {  	p0 =	seq.s32 s10, $0x1;
	s10 =	sld [smem:$0x3FB7];
	_ =	sdelay $0x3  }
0x34: {  	[smem:$0x3FB7] =	sst s10  }
0x35: {  	s10 =	sld [smem:$0x3FB6];
	_ =	sdelay $0x3  }
0x36: {  	p1 =	seq.s32 s10, $0x1;
	s10 =	sld [smem:$0x3FB7];
	_ =	sdelay $0x3  }
0x37: {  	[smem:$0x3FB7] =	sst s10  }
0x38: {  	s10 =	sld [smem:$0x3FB8]  }
0x39: {  	_ = 	snop;
	(pc) =	sbr.ind lr, $3  }
0x3a: {  	_ = 	snop  }
0x3b: {  	_ = 	snop  }
0x3c: {  	p2 =	seq.s32 s10, $0x1;
	s10 =	sld [smem:$0x3FB7]  }
0x3d: {  	_ =	shalt  }
0x3e: {  	_ =	shalt  }
0x3f: {  	_ =	shalt  }
0x40: {  	_ =	shalt  }
0x41: {  	_ =	shalt  }
0x42: {  	_ =	shalt  }
0x43: {  	_ =	shalt  }
0x44: {  	_ =	shalt  }
0x45: {  	_ =	shalt  }
0x46: {  	_ =	shalt  }
0x47: {  	_ =	shalt  }
0x48: {  	_ =	shalt  }
0x49: {  	_ =	shalt  }
0x4a: {  	_ =	shalt  }
0x4b: {  	_ =	shalt  }
0x4c: {  	_ =	shalt  }
0x4d: {  	_ =	shalt  }
0x4e: {  	_ =	shalt  }
0x4f: {  	_ =	shalt  }
0x50: {  	_ =	shalt  }
0x51: {  	_ =	shalt  }
0x52: {  	_ =	shalt  }
0x53: {  	_ =	shalt  }
0x54: {  	_ =	shalt  }
0x55: {  	_ =	shalt  }
0x56: {  	_ =	shalt  }
0x57: {  	_ =	shalt  }
0x58: {  	_ =	shalt  }
0x59: {  	_ =	shalt  }
0x5a: {  	_ =	shalt  }
0x5b: {  	_ =	shalt  }
0x5c: {  	_ =	shalt  }
0x5d: {  	_ =	shalt  }
0x5e: {  	_ =	shalt  }
0x5f: {  	_ =	shalt  }
0x60: {  	_ =	shalt  }
0x61: {  	_ =	shalt  }
0x62: {  	_ =	shalt  }
0x63: {  	_ =	shalt  }
0x64: {  	_ =	shalt  }
0x65: {  	_ =	shalt  }
0x66: {  	_ =	shalt  }
0x67: {  	_ =	shalt  }
0x68: {  	_ =	shalt  }
0x69: {  	_ =	shalt  }
0x6a: {  	_ =	shalt  }
0x6b: {  	_ =	shalt  }
0x6c: {  	_ =	shalt  }
0x6d: {  	_ =	shalt  }
0x6e: {  	_ =	shalt  }
0x6f: {  	_ =	shalt  }
0x70: {  	_ =	shalt  }
0x71: {  	_ =	shalt  }
0x72: {  	_ =	shalt  }
0x73: {  	_ =	shalt  }
0x74: {  	_ =	shalt  }
0x75: {  	_ =	shalt  }
0x76: {  	_ =	shalt  }
0x77: {  	_ =	shalt  }
0x78: {  	_ =	shalt  }
0x79: {  	_ =	shalt  }
0x7a: {  	_ =	shalt  }
0x7b: {  	_ =	shalt  }
0x7c: {  	_ =	shalt  }
0x7d: {  	_ =	shalt  }
0x7e: {  	_ =	shalt  }
0x7f: {  	_ =	shalt  }
0x80: {  	_ =	shalt  }
0x81: {  	_ =	shalt  }
0x82: {  	_ =	shalt  }
0x83: {  	_ =	shalt  }
0x84: {  	_ =	shalt  }
0x85: {  	_ =	shalt  }
0x86: {  	_ =	shalt  }
0x87: {  	_ =	shalt  }
.Lfunc_end0:
.L_simem_size_0:
called_computation.1_lowered:
.L_overlay_start_0:
0x88: {  	s2 =	sld [smem:$0x3FD9]  }
0x89: {  	s3 =	sld [smem:$0x3FFE];
	_ =	sdelay $0x1  }
0x8a: {  	s1 =	srdreg.scid  }
0x8b: {  	s0 =	sand.u32 $0x1, s1  }
0x8c: {  	s17 =	sshll.u32 s0, $0xA;
	s2 =	sadd.s32 s3, s2  }
0x8d: {  	s2 =	sadd.s32 s2, s17  }
0x8e: {  	[smem:$0x3FC3] =	sst s2  }
0x8f: {  	_ = 	snop  }
0x90: {  	s2 =	sld [smem:$0x3FC6]  }
0x91: {  	s18 =	sld [smem:$0x3FD0];
	(tm) =	ssettm $0x1  }
0x92: {  	s4 =	sld [smem:$0x3FFB];
	_ =	sdelay $0x3  }
0x93: {  	_ =	strace s4  }
0x94: {  	s4 =	sld [smem:$0x3FFC];
	_ =	sdelay $0x3  }
0x95: {  	_ =	strace s4  }
0x96: {  	s4 =	sld [smem:$0x3FFD];
	_ =	sdelay $0x3  }
0x97: {  	_ =	strace s4  }
0x98: {  	_ =	strace $0x8FFFFFFF  }
0x99: {  	s19 =	sld [smem:$0x3FDB];
	_ =	sdelay $0x1  }
0x9a: {  	s5 =	simm.s32 $_scs_section_size  }
0x9b: {  	s6 =	simm.s32 $_size__tile_overlayer_lowered;
	s7 =	simm.s32 $_tile_overlayer_lowered  }
0x9c: {  	s22 =	simm.s32 $0x1BFF;
	s21 =	sshll.u32 s7, $0x1;
	s4 =	sadd.s32 s5, s19  }
0x9d: {  	s8 =	simm.s32 $0x0;
	s20 =	sshll.u32 s6, $0x1;
	s6 =	sadd.s32 s21, s4  }
0x9e: {  	[timem:s8], [sflag:s22] =	dma.local [hbm:s6], s20  }
0x9f: {  	_ =	swait.ge [sflag:s22], s20  }
0xa0: {  	s5 =	ssub.s32 $0x0, s20;
	[sflag:s22] =	ssyncset.done $0x0  }
0xa1: {  	[sflag:s22] =	ssyncadd.s32 s5;
	_ =	sdelay $0x1  }
0xa2: {  	s23 =	simm.s32 $0x1B8B  }
0xa3: {  	_ =	swait.ge [sflag:s23], $0x1  }
0xa4: {  	[sflag:s23] =	ssyncset.done $0x0  }
0xa5: {  	s25 =	simm.s32 $0x1B8E;
	s24 =	sld [smem:$0x3FFE];
	[sflag:s23] =	ssyncadd.s32 $0xFFFFFFFF  }
0xa6: {  	s26 =	simm.s32 $execute0_lowered;
	[smem:$0x3FD2] =	sst s25  }
0xa7: {  	s6 =	sshll.u32 s26, $0x1;
	_ =	strace $0x80000049;
	[dreg:$0x1] =	wrdreg $0xFFFFFFFF  }
0xa8: {  	s28 =	simm.s32 $_size_execute0_lowered;
	s4 =	sadd.s32 s4, s6;
	[dreg:$0x0] =	wrdreg $0x0  }
0xa9: {  	s6 =	sshll.u32 s28, $0x1;
	[dreg:$0x2] =	wrdreg s4  }
0xaa: {  	[dreg:$0x3] =	wrdreg s6  }
0xab: {  	[dreg:$0x4] =	wrdreg $0xC0  }
0xac: {  	_ =	task [dreg:s8], $0x5FFFF  }
0xad: {  	[dreg:$0x1] =	wrdreg $0xFFFFFFFF  }
0xae: {  	[dreg:$0x0] =	wrdreg $0x60  }
0xaf: {  	[dreg:$0x2] =	wrdreg s24  }
0xb0: {  	[dreg:$0x3] =	wrdreg s2  }
0xb1: {  	[dreg:$0x4] =	wrdreg s18  }
0xb2: {  	[dreg:$0x5] =	wrdreg $0x9  }
0xb3: {  	_ =	task.clear_ibuf [dreg:s8], $0x6FFFF;
	_ =	strace $0x90000049  }
0xb4: {  	s29 =	simm.s32 $0x9;
	_ =	strace $0x8000004B  }
0xb5: {  	_ =	swait.ge [sflag:s29], $0x1  }
0xb6: {  	[sflag:s29] =	ssyncadd.s32 $0xFFFFFFFF  }
0xb7: {  	_ =	strace $0x9000004B  }
0xb8: {  	_ =	sfence  }
0xb9: {  	s30 =	sld [smem:$0x0];
	_ =	sdelay $0x2  }
0xba: {  	s31 =	sshll.u32 s1, $0xD;
	s1 =	sshrl.u32 s1, $0x2  }
0xbb: {  	s3 =	sand.u32 $0x4000, s31;
	s1 =	sadd.s32 s1, s30  }
0xbc: {  	s0 =	sor.u32 s3, s0;
	s1 =	sshll.u32 s1, $0x11  }
0xbd: {  	s0 =	sor.u32 s1, s0  }
0xbe: {  	s0 =	sadd.s32 $0x8F2B, s0  }
0xbf: {  	[sflag:s0] =	ssyncadd.remote.s32 $0x1  }
0xc0: {  	_ =	sfence.sel $0xFFFF  }
0xc1: {  	[dreg:$0x0] =	wrdreg $0xFFFFFFFF;
	(pc) =	sbr.abs _section_cstart, $3  }
0xc2: {  	[dreg:$0x1] =	wrdreg $0xFFFFFFFF  }
0xc3: {  	_ =	task.clear_ibuf [dreg:s8], $0x2FFFF;
	_ =	strace $0x9FFFFFFF  }
0xc4: {  	(tm) =	ssettm $0x7FFFFFFF  }
0xc5: {  	_ =	shalt  }
tec
execute0_lowered:
.L_overlay_start_1:
0x0: {  	(tag) =	ssettag $0x1  }
0x1: {  	v0 =	vimm.s32 $0xEDCBA987;
	v1 =	vimm.s32 $0x65432100;
	v2 =	vimm.s32 $0x54321000  }
0x2: {  	v3 =	vimm.s32 $0xDCBA9876;
	v4 =	vimm.s32 $0xBA987654;
	v5 =	vimm.s32 $0xE40000  }
0x3: {  	s4 =	rddreg [dreg:$0x0];
	v6 =	vimm.s32 $0x32100000;
	v7 =	vimm.s32 $0x7060504;
	v0 =	vunpack.c.l.s4.s8 v0  }
0x4: {  	s5 =	rddreg [dreg:$0x1];
	vm1 =	vcmask $0x3F30;
	v1 =	vunpack.c.l.s4.s8 v1;
	v3 =	vunpack.c.l.s4.s8 v3  }
0x5: {  	s7 =	rddreg [dreg:$0x2];
	v4 =	vunpack.c.l.s4.s8 v4;
	v2 =	vunpack.c.l.s4.s8 v2;
	v0 =	vunpack.c.0.s8.s32 v0  }
0x6: {  	s0 =	rddreg [dreg:$0x3];
	s2 =	simm.s32 $0x0;
	s3 =	srdreg.scid;
	v5 =	vunpack.c.l.s2.s4 v5;
	v6 =	vunpack.c.l.s4.s8 v6;
	v1 =	vunpack.c.0.s8.s32 v1  }
0x7: {  	s1 =	stileid.u32;
	s13 =	simm.s32 $0x80;
	s14 =	simm.s32 $0x400;
	v3 =	vunpack.c.0.s8.s32 v3;
	v2 =	vunpack.c.0.s8.s32 v2;
	v0 =	vand.u32 $0xF, v0  }
0x8: {  	s15 =	simm.s32 $0x0;
	[smem:$0x7FF] =	sst s2;
	s6 =	sand.u32 $0x1, s3;
	v0 =	vcombine.low v1, v0;
	v1 =	vunpack.c.0.s8.s32 v4;
	v4 =	vunpack.c.l.s4.s8 v5  }
0x9: {  	vm0 =	vmmov $0x1;
	s30 =	sshll.u32 s1, $0x1;
	s3 =	sadd.s32 $0xBA00, s4;
	s10 =	sshrl.u32 s1, $0x2;
	v3 =	vand.u32 $0xF, v3;
	v5 =	vunpack.c.0.s8.s32 v6  }
0xa: {  	s8 =	sor.u32 s6, s30;
	s6 =	ssub.s32 $0x2, s6;
	s10 =	smul.u32 $0x14000, s10;
	v6 =	vand.u32 $0xF, v1;
	v4 =	vunpack.c.0.s8.s32 v4;
	v1 =	vcombine.low v2, v3  }
0xb: {  	s9 =	smul.u32 $0x4E2, s8;
	s8 =	sshll.u32 s8, $0x7;
	s31 =	sshrl.u32 s6, $0x1;
	v3 =	vimm.s32 $0xFFEDCBA9;
	v2 =	vcombine.low v5, v6;
	v6 =	vimm.s32 $0x87654321  }
0xc: {  	_ =	strace $0x8000004A;
	s8 =	sand.u32 $0x380, s8;
	s12 =	ssub.s32 s6, s31;
	v5 =	vunpack.c.0.s8.s32 v7;
	v7 =	vunpack.c.l.s4.s8 v3;
	v6 =	vunpack.c.l.s4.s8 v6  }
0xd: {  	vm2 =	vcmask $0x3F08;
	vm3 =	vcmask $0x3F10;
	vm4 =	vcmask $0x3F20;
	s11 =	sadd.s32 s9, s4;
	s4 =	sadd.s32 s5, s9;
	s8 =	sor.u32 s10, s8  }
0xe: {  	s9 =	simm.s32 $0x1;
	s10 =	simm.s32 $0x2780;
	s5 =	sadd.s32 $0x1C00, s11;
	v4 =	vand.u32 $0x3, v4;
	v7 =	vunpack.c.0.s8.s32 v7;
	v6 =	vunpack.c.0.s8.s32 v6  }
0xf: {  	vm5 =	vcmask $0x3F3C;
	s6 =	sadd.s32 $0xC000, s11;
	s8 =	sshrl.u32 s8, $0x3;
	s11 =	simm.s32 $0x4F00;
	v3 =	vimm.f32 $0.0e+00;
	v4 =	vsel vm1, v5, v4  }
0x10: {  	s7 =	sadd.s32 s7, s8;
	s8 =	smax.u32 s12, $0x1;
	s12 =	simm.s32 $0x7700;
	v5 =	vimm.s32 $0x0;
	vm1 =	vcmask $0x3F04;
	v6 =	vcombine.low v6, v7  }
.LBB2_1:
0x11: {  	[tilespmem:s2], [sflag:$0x1] =	stream.linear.gather [hbm4b:s4+s2], $0x2710, $0x38;
	[tilespmem:$0x9F00] =	vst v63  }
0x12: {  	_ =	swait.ge [sflag:s9], $0x2710  }
0x13: {  	[sflag:s9] =	ssyncset.done $0x0  }
0x14: {  	[sflag:s9] =	ssyncadd.s32 $0xFFFFD8F0  }
0x15: {  	[tilespmem:s10], [sflag:$0x1] =	stream.linear.gather [hbm4b:s5+s2], $0x2710, $0x38;
	[tilespmem:$0x9F00] =	vst v63  }
0x16: {  	_ =	swait.ge [sflag:s9], $0x2710  }
0x17: {  	[sflag:s9] =	ssyncset.done $0x0  }
0x18: {  	[sflag:s9] =	ssyncadd.s32 $0xFFFFD8F0  }
0x19: {  	[tilespmem:s11], [sflag:$0x1] =	stream.linear.gather [hbm4b:s3+s2], $0x2800, $0x38;
	[tilespmem:$0x9F00] =	vst v63  }
0x1a: {  	_ =	swait.ge [sflag:s9], $0x2800  }
0x1b: {  	[sflag:s9] =	ssyncset.done $0x0  }
0x1c: {  	s16 =	simm.s32 $0x7740;
	[sflag:s9] =	ssyncadd.s32 $0xFFFFD800  }
0x1d: {  	[tilespmem:s16+$0xFFFFFFC0] =	vst v3  }
0x1e: {  	[tilespmem:s16+$0x30] =	vst v3  }
0x1f: {  	[tilespmem:s16+$0x20] =	vst v3  }
0x20: {  	[tilespmem:s16+$0x10] =	vst v3  }
0x21: {  	[tilespmem:s16+$0x0] =	vst v3  }
0x22: {  	[tilespmem:s16+$0xFFFFFFF0] =	vst v3  }
0x23: {  	s17 =	simm.s32 $0x0;
	[tilespmem:s16+$0xFFFFFFE0] =	vst v3  }
.LBB2_2:
0x24: {  	s17 =	sadd.s32 $0x8, s17;
	[tilespmem:s16+$0xFFFFFFD0] =	vst v3;
	s16 =	sadd.s32 $0x80, s16  }
0x25: {  	[tilespmem:s16+$0xFFFFFFC0] =	vst v3;
	p0 =	slt.u32 s17, $0x278  }
0x26: {  	[tilespmem:s16+$0x30] =	vst v3  }
.Ltmp0:
0x27: {  	[tilespmem:s16+$0x20] =	vst v3;
	(pc) =	sbr.rel @p0 .LBB2_2-.Ltmp0, $4  }
0x28: {  	[tilespmem:s16+$0x10] =	vst v3  }
0x29: {  	[tilespmem:s16+$0x0] =	vst v3  }
0x2a: {  	[tilespmem:s16+$0xFFFFFFF0] =	vst v3  }
0x2b: {  	[tilespmem:s16+$0xFFFFFFE0] =	vst v3  }
0x2c: {  	[tilespmem:s16+$0xFFFFFFD0] =	vst v3;
	s17 =	simm.s32 $0x0;
	s16 =	simm.s32 $0x40  }
.LBB2_4:
0x2d: {  	p0 =	sne.s32 s16, $0x9C00;
	v7 =	vld [tilespmem:s17+$0x0];
	_ =	sdelay $0x7  }
0x2e: {  	v8 =	vld.idx.msk [tilespmem:v7+s11+$0x0], $0xffff  }
0x2f: {  	v9 =	vld [tilespmem:s17+$0x2780];
	_ =	sdelay $0x4  }
0x30: {  	v8 =	vsub.f32 v9, v8;
	_ =	sdelay $0x1  }
0x31: {  	v8 =	vmul.f32 $1.442695020e+00, v8;
	_ =	sdelay $0x1  }
0x32: {  	(erf) = vpow2.f32 v8;
	_ =	sdelay $0x8  }
0x33: {  	v7 =	vxor.u32 $0x80000000, v7;
	v8 =	vpop (erf)  }
0x34: {  	[tilespmem:s17+$0x2780] =	vst v8;
	(xrf1) =	vsort.ascd.msk.u32 $0xffff, v7, v8;
	_ =	sdelay $0xd  }
0x35: {  	v7, v8, _ =	vpop (xrf1)  }
0x36: {  	v7 =	vxor.u32 $0x80000000, v7  }
0x37: {  	v9 =	vperm.xlane v7, v0;
	_ =	sdelay $0x1  }
0x38: {  	vm6 =	vne.s32 v7, v9  }
0x39: {  	vm6 =	vmor vm6, vm0  }
0x3a: {  	v9 =	vsel vm6, $0x1, v5  }
0x3b: {  	(xrf0) =	vadd.scan.msk.s32 $0xffff, v9;
	_ =	sdelay $0x5  }
0x3c: {  	v9, _, _ =	vpop (xrf0)  }
0x3d: {  	v11 =	vperm.xlane v8, v0;
	v10 =	vperm.xlane v9, v0;
	_ =	sdelay $0x1  }
0x3e: {  	vm6 =	veq.s32 v9, v10;
	v10 =	vadd.f32 v8, v11  }
0x3f: {  	vm6 =	vmand vm6, vm1  }
0x40: {  	v8 =	vsel vm6, v10, v8  }
0x41: {  	v10 =	vperm.xlane v9, v1;
	v11 =	vperm.xlane v8, v1;
	_ =	sdelay $0x1  }
0x42: {  	vm6 =	veq.s32 v9, v10;
	v10 =	vadd.f32 v8, v11  }
0x43: {  	vm6 =	vmand vm6, vm2  }
0x44: {  	v8 =	vsel vm6, v10, v8  }
0x45: {  	v10 =	vperm.xlane v9, v2;
	v11 =	vperm.xlane v8, v2;
	_ =	sdelay $0x1  }
0x46: {  	vm6 =	veq.s32 v9, v10;
	v10 =	vadd.f32 v8, v11  }
0x47: {  	vm6 =	vmand vm6, vm3;
	v11 =	vperm.xlane v7, v6  }
0x48: {  	v8 =	vsel vm6, v10, v8;
	v10 =	vld.idx.msk [tilespmem:v7+s12+$0x0], $0xffff  }
0x49: {  	v12 =	vperm.xlane v9, v4;
	vm6 =	vne.s32 v7, v11;
	v13 =	vperm.xlane v8, v4  }
0x4a: {  	vm6 =	vmor vm6, vm5  }
0x4b: {  	vm7 =	veq.s32 v9, v12;
	v9 =	vadd.f32 v8, v13  }
.Ltmp1:
0x4c: {  	vm7 =	vmand vm7, vm4;
	(pc) =	sbr.rel @p0 .LBB2_4-.Ltmp1, $3  }
0x4d: {  	v8 =	vsel vm7, v9, v8  }
0x4e: {  	v8 =	vadd.f32 v8, v10;
	_ =	sdelay $0x1  }
0x4f: {  	s17 =	sshra.s32 s16, $0x2;
	s16 =	sadd.s32 $0x40, s16;
	[tilespmem:v7+s12+$0x0] =	vst.idx.msk vm6, v8  }
0x50: {  	v7 =	vld [tilespmem:s17+$0x0];
	_ =	sdelay $0x6  }
0x51: {  	v9 =	vld [tilespmem:s17+$0x2780]  }
0x52: {  	v8 =	vld.idx.msk [tilespmem:v7+s11+$0x0], $0xffff;
	_ =	sdelay $0x4  }
0x53: {  	v8 =	vsub.f32 v9, v8;
	_ =	sdelay $0x1  }
0x54: {  	v8 =	vmul.f32 $1.442695020e+00, v8;
	_ =	sdelay $0x1  }
0x55: {  	(erf) = vpow2.f32 v8;
	_ =	sdelay $0x8  }
0x56: {  	v7 =	vxor.u32 $0x80000000, v7;
	v8 =	vpop (erf)  }
0x57: {  	(xrf1) =	vsort.ascd.msk.u32 $0xffff, v7, v8;
	_ =	sdelay $0xd  }
0x58: {  	v7, v51, _ =	vpop (xrf1)  }
0x59: {  	v7 =	vxor.u32 $0x80000000, v7  }
0x5a: {  	v10 =	vperm.xlane v7, v0;
	_ =	sdelay $0x1  }
0x5b: {  	vm6 =	vne.s32 v7, v10  }
0x5c: {  	vm6 =	vmor vm6, vm0  }
0x5d: {  	v52 =	vsel vm6, $0x1, v5  }
0x5e: {  	(xrf0) =	vadd.scan.msk.s32 $0xffff, v52;
	_ =	sdelay $0x5  }
0x5f: {  	v10, _, _ =	vpop (xrf0)  }
0x60: {  	v12 =	vperm.xlane v51, v0;
	v11 =	vperm.xlane v10, v0;
	_ =	sdelay $0x1  }
0x61: {  	v53 =	vadd.f32 v51, v12;
	vm6 =	veq.s32 v10, v11  }
0x62: {  	vm6 =	vmand vm6, vm1  }
0x63: {  	v9 =	vsel vm6, v53, v51  }
0x64: {  	v54 =	vperm.xlane v10, v1;
	v55 =	vperm.xlane v9, v1;
	_ =	sdelay $0x1  }
0x65: {  	vm6 =	veq.s32 v10, v54;
	v56 =	vadd.f32 v9, v55  }
0x66: {  	vm6 =	vmand vm6, vm2  }
0x67: {  	v9 =	vsel vm6, v56, v9  }
0x68: {  	v57 =	vperm.xlane v10, v2;
	v58 =	vperm.xlane v9, v2;
	_ =	sdelay $0x1  }
0x69: {  	vm6 =	veq.s32 v10, v57;
	v59 =	vadd.f32 v9, v58  }
0x6a: {  	v60 =	vperm.xlane v7, v6;
	vm6 =	vmand vm6, vm3  }
0x6b: {  	[tilespmem:s17+$0x2780] =	vst v8;
	v8 =	vsel vm6, v59, v9  }
0x6c: {  	v61 =	vld.idx.msk [tilespmem:v7+s12+$0x0], $0xffff;
	v62 =	vperm.xlane v10, v4;
	vm6 =	vne.s32 v7, v60;
	v13 =	vperm.xlane v8, v4  }
0x6d: {  	vm6 =	vmor vm6, vm5  }
0x6e: {  	vm7 =	veq.s32 v10, v62;
	v63 =	vadd.f32 v8, v13  }
0x6f: {  	vm7 =	vmand vm7, vm4  }
0x70: {  	v8 =	vsel vm7, v63, v8  }
0x71: {  	v8 =	vadd.f32 v8, v61;
	_ =	sdelay $0x1  }
0x72: {  	[tilespmem:v7+s12+$0x0] =	vst.idx.msk vm6, v8  }
0x73: {  	[hbm4b:s6+s2] =	stream.linear.scatter [tilespmem:s10], [sflag:$0x1], $0x2710, $0x38;
	[tilespmem:$0x9F00] =	vst v63  }
0x74: {  	s15 =	sadd.s32 $0x1, s15;
	_ =	swait.ge [sflag:s9], $0x2710  }
0x75: {  	p0 =	sne.s32 s15, s8;
	[sflag:s9] =	ssyncset.done $0x0  }
.Ltmp2:
0x76: {  	[sflag:s9] =	ssyncadd.s32 $0xFFFFD8F0;
	(pc) =	sbr.rel @p0 .LBB2_1-.Ltmp2, $4  }
0x77: {  	[hbm4b:s7+s13] =	stream.strided.scatter [tilespmem:s12], [sflag:$0x1], $0x2800, s14, s13, $0x38;
	[tilespmem:$0x9F00] =	vst v63  }
0x78: {  	_ =	swait.ge [sflag:s9], $0x2800  }
0x79: {  	[sflag:s9] =	ssyncset.done $0x0  }
0x7a: {  	[sflag:s9] =	ssyncadd.s32 $0xFFFFD800  }
0x7b: {  	_ =	sfence.sel $0x180000  }
0x7c: {  	[bflag:$0x0] =	sbarrier.arrive $0xFFFF  }
0x7d: {  	p0 =	sne.s32 s1, $0x0;
	_ =	strace $0x9000004A  }
0x7e: {  	s0 =	sadd.s32 @!p0 $0x100000, s0;
	[bflag:$0x2] =	sbarrier.arrive $0xFFFF  }
0x7f: {  	[sflag:s0] =	ssyncadd.tile.s32 @!p0 $0x1;
	_ =	shalt  }
.Lfunc_end2:
_tile_overlayer_lowered:
.L_overlay_start_2:
0x80: {  	(tag) =	ssettag $0x2  }
0x81: {  	s0 =	rddreg [dreg:$0x0];
	s2 =	stileid.u32  }
0x82: {  	s1 =	rddreg [dreg:$0x1];
	p0 =	sne.s32 s2, $0x0  }
0x83: {  	s3 =	rddreg [dreg:$0x2];
	[bflag:$0x3] =	sbarrier.arrive $0xFFFF;
	s2 =	simm.s32 @!p0 $0x1C01  }
0x84: {  	[timem:s3], [sflag:s2] =	dma.local @!p0 [hbm:s0], s1  }
0x85: {  	s0 =	simm.s32 @!p0 $0x1  }
0x86: {  	_ =	swait.ge @!p0 [sflag:s0], s1  }
0x87: {  	s1 =	ssub.s32 @!p0 $0x0, s1;
	[sflag:s0] =	ssyncset.done @!p0 $0x0  }
0x88: {  	[sflag:s0] =	ssyncadd.s32 @!p0 s1  }
0x89: {  	[bflag:$0x3] =	sbarrier.arrive $0xFFFF  }
0x8a: {  	_ =	shalt  }

// kernel: _sc_pipeline.13.cloned.1.call-start
scs
__scs_entry_jumppad:
0x0: {  	(pc) =	sbr.rel $0x88, $3  }
0x1: {  	(tag) =	ssettag $0x0;
	lr =	simm.s32 $0x1  }
0x2: {  	[smem:$0x3F9C] =	sst lr;
	_ =	strace $0xD0000000  }
0x3: {  	_ = 	snop  }
0x4: {  	_ = 	snop  }
0x5: {  	_ = 	snop  }
0x6: {  	_ = 	snop  }
0x7: {  	_ = 	snop  }
__scs_overlays_trampoline_lowered:
0x8: {  	[smem:$0x3FAB] =	sst s0  }
0x9: {  	[smem:$0x3FAC] =	sst s1  }
0xa: {  	[smem:$0x3FAD] =	sst s2  }
0xb: {  	[smem:$0x3FAE] =	sst s3  }
0xc: {  	[smem:$0x3FAF] =	sst s4  }
0xd: {  	[smem:$0x3FB0] =	sst s5  }
0xe: {  	[smem:$0x3FB1] =	sst s6  }
0xf: {  	[smem:$0x3FB2] =	sst s7  }
0x10: {  	[smem:$0x3FB3] =	sst s8  }
0x11: {  	[smem:$0x3FB4] =	sst s9;
	s0 =	simm.s32 @!p0 $0x0  }
0x12: {  	s1 =	sld [smem:$0x3F9A];
	s0 =	simm.s32 @p0 $0x1  }
0x13: {  	[smem:$0x3FB5] =	sst s0;
	s0 =	simm.s32 @!p1 $0x0  }
0x14: {  	s2 =	sld [smem:$0x3F99];
	s0 =	simm.s32 @p1 $0x1  }
0x15: {  	[smem:$0x3FB6] =	sst s0;
	s0 =	simm.s32 @!p2 $0x0  }
0x16: {  	s3 =	sld [smem:$0x3FDB];
	s0 =	simm.s32 @p2 $0x1  }
0x17: {  	s4 =	simm.s32 $0x1BF5;
	[smem:$0x3FB8] =	sst s0  }
0x18: {  	s0 =	sld [smem:$0x3F9B];
	_ =	swait.ge [sflag:s4], $0x0  }
0x19: {  	s7 =	sld [smem:$0x3F9C]  }
0x1a: {  	s8 =	sadd.s32 $0xFFFFE003, lr  }
0x1b: {  	s9 =	sadd.s32 $0xFFFFFEF7, lr;
	s5 =	simm.s32 $0xFFFFFFFF;
	p2 =	slt.u32 s8, $0xFFFFF086  }
0x1c: {  	p1 =	slt.u32 s9, $0xF7A;
	s5 =	simm.s32 @!p2 $0x0  }
0x1d: {  	s5 =	simm.s32 @p1 $0x1;
	p0 =	seq.s32 s7, s2  }
0x1e: {  	s7 =	smul.u32 @!p0 $0xF7A, s2;
	p2 =	seq.s32 @!p0 s5, $0x0  }
0x1f: {  	s9 =	smul.u32 $0xF7A, s1;
	s8 =	simm.s32 @!p0 $0x1BF5;
	p2 =	por !p2, p0  }
0x20: {  	[sflag:s8] =	ssyncset.s32 @!p0 $0xFFFFF086;
	s6 =	sadd.s32 @!p0 s3, s7;
	s7 =	simm.s32 @!p0 $0x108  }
0x21: {  	s3 =	sadd.s32 s3, s9;
	s6 =	sadd.s32 @!p0 $0x88, s6;
	s7 =	simm.s32 @p2 $0x1082  }
0x22: {  	[simem:s7], [sflag:s8] =	dma.local @!p0 [hbm:s6], $0xF7A  }
0x23: {  	s9 =	sor.u32 $0xD0000000, s2;
	s6 =	simm.s32 $0x108;
	_ =	swait.ge @!p0 [sflag:s8], $0x0  }
0x24: {  	s3 =	sadd.s32 $0x88, s3;
	s6 =	simm.s32 @!p1 $0x1082;
	[sflag:s4] =	ssyncset.s32 $0xFFFFF086  }
0x25: {  	[simem:s6], [sflag:s4] =	dma.local [hbm:s3], $0xF7A  }
0x26: {  	[smem:$0x3F9C] =	sst s1;
	(tag) =	ssettag s2;
	_ =	strace s9  }
0x27: {  	s1 =	sld [smem:$0x3FAC]  }
0x28: {  	s2 =	sld [smem:$0x3FAD]  }
0x29: {  	s4 =	sld [smem:$0x3FAF]  }
0x2a: {  	p0 =	seq.s32 s5, $0x0;
	s5 =	sld [smem:$0x3FB0]  }
0x2b: {  	s6 =	sld [smem:$0x3FB1]  }
0x2c: {  	s7 =	sld [smem:$0x3FB2]  }
0x2d: {  	s3 =	simm.s32 $0x108;
	s8 =	sld [smem:$0x3FB3]  }
0x2e: {  	s3 =	simm.s32 @!p0 $0x1082;
	s9 =	sld [smem:$0x3FB4]  }
0x2f: {  	lr =	sadd.s32 s0, s3;
	s0 =	sld [smem:$0x3FAB]  }
0x30: {  	s3 =	sld [smem:$0x3FAE]  }
0x31: {  	[smem:$0x3FB7] =	sst s10  }
0x32: {  	s10 =	sld [smem:$0x3FB5];
	_ =	sdelay $0x3  }
0x33: {  	p0 =	seq.s32 s10, $0x1;
	s10 =	sld [smem:$0x3FB7];
	_ =	sdelay $0x3  }
0x34: {  	[smem:$0x3FB7] =	sst s10  }
0x35: {  	s10 =	sld [smem:$0x3FB6];
	_ =	sdelay $0x3  }
0x36: {  	p1 =	seq.s32 s10, $0x1;
	s10 =	sld [smem:$0x3FB7];
	_ =	sdelay $0x3  }
0x37: {  	[smem:$0x3FB7] =	sst s10  }
0x38: {  	s10 =	sld [smem:$0x3FB8]  }
0x39: {  	_ = 	snop;
	(pc) =	sbr.ind lr, $3  }
0x3a: {  	_ = 	snop  }
0x3b: {  	_ = 	snop  }
0x3c: {  	p2 =	seq.s32 s10, $0x1;
	s10 =	sld [smem:$0x3FB7]  }
0x3d: {  	_ =	shalt  }
0x3e: {  	_ =	shalt  }
0x3f: {  	_ =	shalt  }
0x40: {  	_ =	shalt  }
0x41: {  	_ =	shalt  }
0x42: {  	_ =	shalt  }
0x43: {  	_ =	shalt  }
0x44: {  	_ =	shalt  }
0x45: {  	_ =	shalt  }
0x46: {  	_ =	shalt  }
0x47: {  	_ =	shalt  }
0x48: {  	_ =	shalt  }
0x49: {  	_ =	shalt  }
0x4a: {  	_ =	shalt  }
0x4b: {  	_ =	shalt  }
0x4c: {  	_ =	shalt  }
0x4d: {  	_ =	shalt  }
0x4e: {  	_ =	shalt  }
0x4f: {  	_ =	shalt  }
0x50: {  	_ =	shalt  }
0x51: {  	_ =	shalt  }
0x52: {  	_ =	shalt  }
0x53: {  	_ =	shalt  }
0x54: {  	_ =	shalt  }
0x55: {  	_ =	shalt  }
0x56: {  	_ =	shalt  }
0x57: {  	_ =	shalt  }
0x58: {  	_ =	shalt  }
0x59: {  	_ =	shalt  }
0x5a: {  	_ =	shalt  }
0x5b: {  	_ =	shalt  }
0x5c: {  	_ =	shalt  }
0x5d: {  	_ =	shalt  }
0x5e: {  	_ =	shalt  }
0x5f: {  	_ =	shalt  }
0x60: {  	_ =	shalt  }
0x61: {  	_ =	shalt  }
0x62: {  	_ =	shalt  }
0x63: {  	_ =	shalt  }
0x64: {  	_ =	shalt  }
0x65: {  	_ =	shalt  }
0x66: {  	_ =	shalt  }
0x67: {  	_ =	shalt  }
0x68: {  	_ =	shalt  }
0x69: {  	_ =	shalt  }
0x6a: {  	_ =	shalt  }
0x6b: {  	_ =	shalt  }
0x6c: {  	_ =	shalt  }
0x6d: {  	_ =	shalt  }
0x6e: {  	_ =	shalt  }
0x6f: {  	_ =	shalt  }
0x70: {  	_ =	shalt  }
0x71: {  	_ =	shalt  }
0x72: {  	_ =	shalt  }
0x73: {  	_ =	shalt  }
0x74: {  	_ =	shalt  }
0x75: {  	_ =	shalt  }
0x76: {  	_ =	shalt  }
0x77: {  	_ =	shalt  }
0x78: {  	_ =	shalt  }
0x79: {  	_ =	shalt  }
0x7a: {  	_ =	shalt  }
0x7b: {  	_ =	shalt  }
0x7c: {  	_ =	shalt  }
0x7d: {  	_ =	shalt  }
0x7e: {  	_ =	shalt  }
0x7f: {  	_ =	shalt  }
0x80: {  	_ =	shalt  }
0x81: {  	_ =	shalt  }
0x82: {  	_ =	shalt  }
0x83: {  	_ =	shalt  }
0x84: {  	_ =	shalt  }
0x85: {  	_ =	shalt  }
0x86: {  	_ =	shalt  }
0x87: {  	_ =	shalt  }
.Lfunc_end0:
.L_simem_size_0:
called_computation.2_lowered:
.L_overlay_start_0:
0x88: {  	s2 =	sld [smem:$0x3FD9]  }
0x89: {  	s3 =	sld [smem:$0x3FFE];
	_ =	sdelay $0x1  }
0x8a: {  	s1 =	srdreg.scid  }
0x8b: {  	s0 =	sand.u32 $0x1, s1  }
0x8c: {  	s17 =	sshll.u32 s0, $0xA;
	s2 =	sadd.s32 s3, s2  }
0x8d: {  	s2 =	sadd.s32 s2, s17  }
0x8e: {  	[smem:$0x3FC3] =	sst s2  }
0x8f: {  	_ = 	snop  }
0x90: {  	s2 =	sld [smem:$0x3FC9]  }
0x91: {  	s18 =	sld [smem:$0x3FC8]  }
0x92: {  	s4 =	sld [smem:$0x3FC7]  }
0x93: {  	s5 =	sld [smem:$0x3FC6]  }
0x94: {  	s6 =	sld [smem:$0x3FC5]  }
0x95: {  	s7 =	sld [smem:$0x3FD0];
	(tm) =	ssettm $0x1  }
0x96: {  	s8 =	sld [smem:$0x3FFB];
	_ =	sdelay $0x3  }
0x97: {  	_ =	strace s8  }
0x98: {  	s8 =	sld [smem:$0x3FFC];
	_ =	sdelay $0x3  }
0x99: {  	_ =	strace s8  }
0x9a: {  	s8 =	sld [smem:$0x3FFD];
	_ =	sdelay $0x3  }
0x9b: {  	_ =	strace s8  }
0x9c: {  	_ =	strace $0x8FFFFFFF  }
0x9d: {  	s19 =	sld [smem:$0x3FDB];
	_ =	sdelay $0x1  }
0x9e: {  	s9 =	simm.s32 $_scs_section_size  }
0x9f: {  	s10 =	simm.s32 $_size__tile_overlayer_lowered;
	s11 =	simm.s32 $_tile_overlayer_lowered  }
0xa0: {  	s22 =	simm.s32 $0x1BFF;
	s21 =	sshll.u32 s11, $0x1;
	s8 =	sadd.s32 s9, s19  }
0xa1: {  	s12 =	simm.s32 $0x0;
	s20 =	sshll.u32 s10, $0x1;
	s10 =	sadd.s32 s21, s8  }
0xa2: {  	[timem:s12], [sflag:s22] =	dma.local [hbm:s10], s20  }
0xa3: {  	_ =	swait.ge [sflag:s22], s20  }
0xa4: {  	s9 =	ssub.s32 $0x0, s20;
	[sflag:s22] =	ssyncset.done $0x0  }
0xa5: {  	[sflag:s22] =	ssyncadd.s32 s9;
	_ =	sdelay $0x1  }
0xa6: {  	s23 =	simm.s32 $0x1B8B  }
0xa7: {  	_ =	swait.ge [sflag:s23], $0x1  }
0xa8: {  	[sflag:s23] =	ssyncset.done $0x0  }
0xa9: {  	s25 =	simm.s32 $0x1B8E;
	s24 =	sld [smem:$0x3FFE];
	[sflag:s23] =	ssyncadd.s32 $0xFFFFFFFF  }
0xaa: {  	s26 =	simm.s32 $execute0_lowered;
	[smem:$0x3FD2] =	sst s25  }
0xab: {  	s10 =	sshll.u32 s26, $0x1;
	_ =	strace $0x8000004C;
	[dreg:$0x1] =	wrdreg $0xFFFFFFFF  }
0xac: {  	s28 =	simm.s32 $_size_execute0_lowered;
	s8 =	sadd.s32 s8, s10;
	[dreg:$0x0] =	wrdreg $0x0  }
0xad: {  	s10 =	sshll.u32 s28, $0x1;
	[dreg:$0x2] =	wrdreg s8  }
0xae: {  	[dreg:$0x3] =	wrdreg s10  }
0xaf: {  	[dreg:$0x4] =	wrdreg $0xC0  }
0xb0: {  	_ =	task [dreg:s12], $0x5FFFF  }
0xb1: {  	[dreg:$0x1] =	wrdreg $0xFFFFFFFF  }
0xb2: {  	[dreg:$0x0] =	wrdreg $0x60  }
0xb3: {  	[dreg:$0x2] =	wrdreg s2  }
0xb4: {  	[dreg:$0x3] =	wrdreg s18  }
0xb5: {  	[dreg:$0x4] =	wrdreg s4  }
0xb6: {  	[dreg:$0x5] =	wrdreg s5  }
0xb7: {  	[dreg:$0x6] =	wrdreg s6  }
0xb8: {  	[dreg:$0x7] =	wrdreg s24  }
0xb9: {  	[dreg:$0x8] =	wrdreg s7  }
0xba: {  	[dreg:$0x9] =	wrdreg $0xA9000  }
0xbb: {  	[dreg:$0xa] =	wrdreg $0x9  }
0xbc: {  	_ =	task.clear_ibuf [dreg:s12], $0xBFFFF;
	_ =	strace $0x9000004C  }
0xbd: {  	s29 =	simm.s32 $0x9;
	_ =	strace $0x8000004E  }
0xbe: {  	_ =	swait.ge [sflag:s29], $0x1  }
0xbf: {  	[sflag:s29] =	ssyncadd.s32 $0xFFFFFFFF  }
0xc0: {  	_ =	strace $0x9000004E  }
0xc1: {  	_ =	sfence  }
0xc2: {  	s30 =	sld [smem:$0x0];
	_ =	sdelay $0x2  }
0xc3: {  	s31 =	sshll.u32 s1, $0xD;
	s1 =	sshrl.u32 s1, $0x2  }
0xc4: {  	s3 =	sand.u32 $0x4000, s31;
	s1 =	sadd.s32 s1, s30  }
0xc5: {  	s0 =	sor.u32 s3, s0;
	s1 =	sshll.u32 s1, $0x11  }
0xc6: {  	s0 =	sor.u32 s1, s0  }
0xc7: {  	s0 =	sadd.s32 $0x8F2B, s0  }
0xc8: {  	[sflag:s0] =	ssyncadd.remote.s32 $0x1  }
0xc9: {  	_ =	sfence.sel $0xFFFF  }
0xca: {  	[dreg:$0x0] =	wrdreg $0xFFFFFFFF;
	(pc) =	sbr.abs _section_cstart, $3  }
0xcb: {  	[dreg:$0x1] =	wrdreg $0xFFFFFFFF  }
0xcc: {  	_ =	task.clear_ibuf [dreg:s12], $0x2FFFF;
	_ =	strace $0x9FFFFFFF  }
0xcd: {  	(tm) =	ssettm $0x7FFFFFFF  }
tec
execute0_lowered:
.L_overlay_start_1:
0x0: {  	(tag) =	ssettag $0x1  }
0x1: {  	s0 =	rddreg [dreg:$0x0]  }
0x2: {  	s1 =	rddreg [dreg:$0x1]  }
0x3: {  	s4 =	rddreg [dreg:$0x3]  }
0x4: {  	s2 =	rddreg [dreg:$0x5]  }
0x5: {  	s3 =	rddreg [dreg:$0x6]  }
0x6: {  	s6 =	rddreg [dreg:$0x7];
	s7 =	simm.s32 $0x0;
	s12 =	srdreg.scid  }
0x7: {  	s11 =	stileid.u32;
	[smem:$0x7FF] =	sst s7  }
0x8: {  	s5 =	sadd.s32 $0xC000, s2;
	s8 =	sshll.u32 s11, $0x1;
	s9 =	smul.u32 $0x50000, s11  }
0x9: {  	_ =	strace $0x8000004D;
	[dreg:$0x9] =	wrdreg s5;
	s5 =	sand.u32 $0x1, s12  }
0xa: {  	s2 =	sadd.s32 $0x1C00, s2;
	s8 =	sor.u32 s5, s8;
	s14 =	sshrl.u32 s9, $0x2  }
0xb: {  	[dreg:$0xa] =	wrdreg s2;
	s8 =	smul.u32 $0x2710, s8;
	s9 =	sadd.s32 s14, s6  }
0xc: {  	[dreg:$0xc] =	wrdreg s9  }
0xd: {  	s15 =	sadd.s32 $0x2800, s9;
	[dreg:$0xb] =	wrdreg s8  }
0xe: {  	s17 =	sadd.s32 $0x3C00, s9;
	[dreg:$0xe] =	wrdreg s15  }
0xf: {  	s31 =	simm.s32 $0x800;
	s18 =	sadd.s32 $0x5000, s9;
	[dreg:$0xf] =	wrdreg s17  }
0x10: {  	s16 =	smul.u32 $0x14000, s11;
	s19 =	sadd.s32 $0x6400, s9;
	[dreg:$0x10] =	wrdreg s18  }
0x11: {  	s13 =	ssub.s32 $0x2, s5;
	s20 =	sadd.s32 $0x7800, s9;
	[dreg:$0x11] =	wrdreg s19  }
0x12: {  	s5 =	smul.u32 $0x140000, s5;
	s21 =	sadd.s32 $0x8C00, s9;
	[dreg:$0x12] =	wrdreg s20  }
0x13: {  	s10 =	sshrl.u32 s13, $0x1;
	s22 =	sadd.s32 $0xA000, s9;
	[dreg:$0x13] =	wrdreg s21  }
0x14: {  	s14 =	simm.s32 $0x600;
	s23 =	sadd.s32 $0xB400, s9;
	[dreg:$0x14] =	wrdreg s22  }
0x15: {  	s2 =	ssub.s32 s13, s10;
	s24 =	sadd.s32 $0xC800, s9;
	[dreg:$0x15] =	wrdreg s23  }
0x16: {  	s5 =	sadd.s32 s16, s5;
	s25 =	sadd.s32 $0xDC00, s9;
	[dreg:$0x16] =	wrdreg s24  }
0x17: {  	s26 =	sadd.s32 $0xF000, s9;
	s28 =	sadd.s32 $0x10400, s9;
	[dreg:$0x18] =	wrdreg s25  }
0x18: {  	s29 =	sadd.s32 $0x11800, s9;
	s30 =	sadd.s32 $0x12C00, s9;
	[dreg:$0x1a] =	wrdreg s26  }
0x19: {  	s10 =	simm.s32 $0x200;
	s8 =	sadd.s32 $0x1400, s9;
	[dreg:$0x1b] =	wrdreg s28  }
0x1a: {  	s5 =	sshrl.u32 s5, $0x3;
	s2 =	smax.u32 s2, $0x1;
	[dreg:$0x1c] =	wrdreg s29  }
0x1b: {  	[dreg:$0x1d] =	wrdreg s30;
	s15 =	simm.s32 $0x28;
	s18 =	simm.s32 $0x5800  }
0x1c: {  	s19 =	simm.s32 $0x1;
	s20 =	simm.s32 $0x5880;
	s21 =	simm.s32 $0x6C80  }
0x1d: {  	s22 =	simm.s32 $0x8080;
	s23 =	simm.s32 $0x2;
	s24 =	simm.s32 $0x9500  }
0x1e: {  	s25 =	simm.s32 $0x3;
	s26 =	simm.s32 $0x4;
	[dreg:$0xd] =	wrdreg s8  }
0x1f: {  	s3 =	sadd.s32 s3, s5;
	[dreg:$0x19] =	wrdreg s2;
	s2 =	simm.s32 $0x5  }
0x20: {  	v0 =	vimm.f32 $0.0e+00;
	s8 =	simm.s32 $0x8100;
	s5 =	simm.s32 $0x0;
	[dreg:$0x17] =	wrdreg s3  }
.LBB2_1:
0x21: {  	[dreg:$0x1e] =	wrdreg s5  }
0x22: {  	s3 =	rddreg [dreg:$0xa]  }
0x23: {  	[tilespmem:s31], [sflag:$0x5] =	stream.linear.gather [hbm4b:s3+s7], $0x2800, $0x38;
	[tilespmem:$0x1E900] =	vst v63  }
0x24: {  	_ =	swait.ge [sflag:s2], $0x2800  }
0x25: {  	[sflag:s2] =	ssyncset.done $0x0  }
0x26: {  	s5 =	simm.s32 $0x200;
	s3 =	simm.s32 $0x0;
	[sflag:s2] =	ssyncadd.s32 $0xFFFFD800  }
.LBB2_2:
0x27: {  	p0 =	sne.s32 s5, $0x4E00;
	[tilespmem:s3+$0x8170] =	vst v0  }
0x28: {  	[tilespmem:s3+$0x8100] =	vst v0  }
0x29: {  	[tilespmem:s3+$0x8110] =	vst v0  }
.Ltmp0:
0x2a: {  	[tilespmem:s3+$0x8120] =	vst v0;
	(pc) =	sbr.rel @p0 .LBB2_2-.Ltmp0, $4  }
0x2b: {  	[tilespmem:s3+$0x8130] =	vst v0  }
0x2c: {  	[tilespmem:s3+$0x8140] =	vst v0  }
0x2d: {  	[tilespmem:s3+$0x8150] =	vst v0  }
0x2e: {  	[tilespmem:s3+$0x8160] =	vst v0;
	s3 =	sshra.s32 s5, $0x2;
	s5 =	sadd.s32 $0x200, s5  }
0x2f: {  	[tilespmem:s3+$0x8170] =	vst v0  }
0x30: {  	[tilespmem:s3+$0x8100] =	vst v0  }
0x31: {  	[tilespmem:s3+$0x8110] =	vst v0  }
0x32: {  	[tilespmem:s3+$0x8120] =	vst v0  }
0x33: {  	[tilespmem:s3+$0x8130] =	vst v0  }
0x34: {  	[tilespmem:s3+$0x8140] =	vst v0  }
0x35: {  	[tilespmem:s3+$0x8150] =	vst v0  }
0x36: {  	[tilespmem:s3+$0x8160] =	vst v0  }
0x37: {  	[spmem:s9] =	stream.linear.scatter [tilespmem:s8], [sflag:$0x5], $0x1400, $0x38;
	[tilespmem:$0x1E900] =	vst v63  }
0x38: {  	_ =	swait.ge [sflag:s2], $0x1400  }
0x39: {  	[sflag:s2] =	ssyncset.done $0x0  }
0x3a: {  	s12 =	rddreg [dreg:$0xd];
	[sflag:s2] =	ssyncadd.s32 $0xFFFFEC00  }
0x3b: {  	[spmem:s12] =	stream.linear.scatter [tilespmem:s8], [sflag:$0x5], $0x1400, $0x38;
	[tilespmem:$0x1E900] =	vst v63  }
0x3c: {  	_ =	swait.ge [sflag:s2], $0x1400  }
0x3d: {  	[sflag:s2] =	ssyncset.done $0x0  }
0x3e: {  	s13 =	rddreg [dreg:$0xe];
	[sflag:s2] =	ssyncadd.s32 $0xFFFFEC00  }
0x3f: {  	[spmem:s13] =	stream.linear.scatter [tilespmem:s8], [sflag:$0x5], $0x1400, $0x38;
	[tilespmem:$0x1E900] =	vst v63  }
0x40: {  	_ =	swait.ge [sflag:s2], $0x1400  }
0x41: {  	[sflag:s2] =	ssyncset.done $0x0  }
0x42: {  	s16 =	rddreg [dreg:$0xf];
	[sflag:s2] =	ssyncadd.s32 $0xFFFFEC00  }
0x43: {  	[spmem:s16] =	stream.linear.scatter [tilespmem:s8], [sflag:$0x5], $0x1400, $0x38;
	[tilespmem:$0x1E900] =	vst v63  }
0x44: {  	_ =	swait.ge [sflag:s2], $0x1400  }
0x45: {  	[sflag:s2] =	ssyncset.done $0x0  }
0x46: {  	s17 =	rddreg [dreg:$0x10];
	[sflag:s2] =	ssyncadd.s32 $0xFFFFEC00  }
0x47: {  	[spmem:s17] =	stream.linear.scatter [tilespmem:s8], [sflag:$0x5], $0x1400, $0x38;
	[tilespmem:$0x1E900] =	vst v63  }
0x48: {  	_ =	swait.ge [sflag:s2], $0x1400  }
0x49: {  	[sflag:s2] =	ssyncset.done $0x0  }
0x4a: {  	s28 =	rddreg [dreg:$0x11];
	[sflag:s2] =	ssyncadd.s32 $0xFFFFEC00  }
0x4b: {  	[spmem:s28] =	stream.linear.scatter [tilespmem:s8], [sflag:$0x5], $0x1400, $0x38;
	[tilespmem:$0x1E900] =	vst v63  }
0x4c: {  	_ =	swait.ge [sflag:s2], $0x1400  }
0x4d: {  	[sflag:s2] =	ssyncset.done $0x0  }
0x4e: {  	s30 =	rddreg [dreg:$0x12];
	[sflag:s2] =	ssyncadd.s32 $0xFFFFEC00  }
0x4f: {  	[spmem:s30] =	stream.linear.scatter [tilespmem:s8], [sflag:$0x5], $0x1400, $0x38;
	[tilespmem:$0x1E900] =	vst v63  }
0x50: {  	_ =	swait.ge [sflag:s2], $0x1400  }
0x51: {  	[sflag:s2] =	ssyncset.done $0x0  }
0x52: {  	s5 =	rddreg [dreg:$0x13];
	[sflag:s2] =	ssyncadd.s32 $0xFFFFEC00  }
0x53: {  	[spmem:s5] =	stream.linear.scatter [tilespmem:s8], [sflag:$0x5], $0x1400, $0x38;
	[tilespmem:$0x1E900] =	vst v63  }
0x54: {  	_ =	swait.ge [sflag:s2], $0x1400  }
0x55: {  	[sflag:s2] =	ssyncset.done $0x0  }
0x56: {  	s9 =	rddreg [dreg:$0x14];
	[sflag:s2] =	ssyncadd.s32 $0xFFFFEC00  }
0x57: {  	[spmem:s9] =	stream.linear.scatter [tilespmem:s8], [sflag:$0x5], $0x1400, $0x38;
	[tilespmem:$0x1E900] =	vst v63  }
0x58: {  	_ =	swait.ge [sflag:s2], $0x1400  }
0x59: {  	[sflag:s2] =	ssyncset.done $0x0  }
0x5a: {  	s11 =	rddreg [dreg:$0x15];
	[sflag:s2] =	ssyncadd.s32 $0xFFFFEC00  }
0x5b: {  	[spmem:s11] =	stream.linear.scatter [tilespmem:s8], [sflag:$0x5], $0x1400, $0x38;
	[tilespmem:$0x1E900] =	vst v63  }
0x5c: {  	_ =	swait.ge [sflag:s2], $0x1400  }
0x5d: {  	[sflag:s2] =	ssyncset.done $0x0  }
0x5e: {  	s12 =	rddreg [dreg:$0x16];
	[sflag:s2] =	ssyncadd.s32 $0xFFFFEC00  }
0x5f: {  	[spmem:s12] =	stream.linear.scatter [tilespmem:s8], [sflag:$0x5], $0x1400, $0x38;
	[tilespmem:$0x1E900] =	vst v63  }
0x60: {  	_ =	swait.ge [sflag:s2], $0x1400  }
0x61: {  	[sflag:s2] =	ssyncset.done $0x0  }
0x62: {  	s13 =	rddreg [dreg:$0x18];
	[sflag:s2] =	ssyncadd.s32 $0xFFFFEC00  }
0x63: {  	[spmem:s13] =	stream.linear.scatter [tilespmem:s8], [sflag:$0x5], $0x1400, $0x38;
	[tilespmem:$0x1E900] =	vst v63  }
0x64: {  	_ =	swait.ge [sflag:s2], $0x1400  }
0x65: {  	[sflag:s2] =	ssyncset.done $0x0  }
0x66: {  	s16 =	rddreg [dreg:$0x1a];
	[sflag:s2] =	ssyncadd.s32 $0xFFFFEC00  }
0x67: {  	[spmem:s16] =	stream.linear.scatter [tilespmem:s8], [sflag:$0x5], $0x1400, $0x38;
	[tilespmem:$0x1E900] =	vst v63  }
0x68: {  	_ =	swait.ge [sflag:s2], $0x1400  }
0x69: {  	[sflag:s2] =	ssyncset.done $0x0  }
0x6a: {  	s17 =	rddreg [dreg:$0x1b];
	[sflag:s2] =	ssyncadd.s32 $0xFFFFEC00  }
0x6b: {  	[spmem:s17] =	stream.linear.scatter [tilespmem:s8], [sflag:$0x5], $0x1400, $0x38;
	[tilespmem:$0x1E900] =	vst v63  }
0x6c: {  	_ =	swait.ge [sflag:s2], $0x1400  }
0x6d: {  	[sflag:s2] =	ssyncset.done $0x0  }
0x6e: {  	s28 =	rddreg [dreg:$0x1c];
	[sflag:s2] =	ssyncadd.s32 $0xFFFFEC00  }
0x6f: {  	[spmem:s28] =	stream.linear.scatter [tilespmem:s8], [sflag:$0x5], $0x1400, $0x38;
	[tilespmem:$0x1E900] =	vst v63  }
0x70: {  	_ =	swait.ge [sflag:s2], $0x1400  }
0x71: {  	[sflag:s2] =	ssyncset.done $0x0  }
0x72: {  	s30 =	rddreg [dreg:$0x1d];
	[sflag:s2] =	ssyncadd.s32 $0xFFFFEC00  }
0x73: {  	[spmem:s30] =	stream.linear.scatter [tilespmem:s8], [sflag:$0x5], $0x1400, $0x38;
	[tilespmem:$0x1E900] =	vst v63  }
0x74: {  	_ =	swait.ge [sflag:s2], $0x1400  }
0x75: {  	[sflag:s2] =	ssyncset.done $0x0  }
0x76: {  	[sflag:s2] =	ssyncadd.s32 $0xFFFFEC00  }
0x77: {  	s29 =	simm.s32 $0x0;
	[bflag:$0x0] =	sbarrier.arrive $0xFFFF  }
.LBB2_4:
0x78: {  	s3 =	smul.u32 $0x190, s29  }
0x79: {  	s5 =	rddreg [dreg:$0xb]  }
0x7a: {  	s30 =	sadd.s32 s5, s3  }
0x7b: {  	s16 =	rddreg [dreg:$0x2];
	s5 =	sshrl.u32 s30, $0x3  }
0x7c: {  	s3 =	sadd.s32 s16, s5  }
0x7d: {  	[tilespmem:s7], [sflag:$0x5] =	stream.linear.gather [hbm4b:s3+s7], $0x190, $0x38;
	[tilespmem:$0x1E900] =	vst v63  }
0x7e: {  	_ =	swait.ge [sflag:s2], $0x190  }
0x7f: {  	[sflag:s2] =	ssyncset.done $0x0  }
0x80: {  	[sflag:s2] =	ssyncadd.s32 $0xFFFFFE70  }
0x81: {  	s17 =	rddreg [dreg:$0x4]  }
0x82: {  	s3 =	sadd.s32 s17, s5  }
0x83: {  	[tilespmem:s10], [sflag:$0x5] =	stream.linear.gather [hbm4b:s3+s7], $0x190, $0x38;
	[tilespmem:$0x1E900] =	vst v63  }
0x84: {  	_ =	swait.ge [sflag:s2], $0x190  }
0x85: {  	[sflag:s2] =	ssyncset.done $0x0  }
0x86: {  	s9 =	simm.s32 $0x400;
	s3 =	sadd.s32 s4, s5;
	[sflag:s2] =	ssyncadd.s32 $0xFFFFFE70  }
0x87: {  	[tilespmem:s9], [sflag:$0x5] =	stream.linear.gather [hbm4b:s3+s7], $0x190, $0x38;
	[tilespmem:$0x1E900] =	vst v63  }
0x88: {  	_ =	swait.ge [sflag:s2], $0x190  }
0x89: {  	[sflag:s2] =	ssyncset.done $0x0;
	s28 =	rddreg [dreg:$0x9]  }
0x8a: {  	[sflag:s2] =	ssyncadd.s32 $0xFFFFFE70;
	s5 =	sadd.s32 s28, s5  }
0x8b: {  	[tilespmem:s14], [sflag:$0x5] =	stream.linear.gather [hbm4b:s5+s7], $0x190, $0x38;
	[tilespmem:$0x1E900] =	vst v63  }
0x8c: {  	_ =	swait.ge [sflag:s2], $0x190  }
0x8d: {  	s12 =	simm.s32 $0x410;
	[sflag:s2] =	ssyncset.done $0x0  }
0x8e: {  	s9 =	simm.s32 $0x610;
	s5 =	simm.s32 $0xFFFFFFFE;
	[sflag:s2] =	ssyncadd.s32 $0xFFFFFE70  }
.LBB2_5:
0x8f: {  	v1 =	vld [tilespmem:s12+$0xFFFFFFF0];
	_ =	sdelay $0x7  }
0x90: {  	v1 =	vld.idx.msk [tilespmem:v1+s31+$0x0], $0xffff;
	_ =	sdelay $0x4  }
0x91: {  	v1 =	vadd.f32 $1.000000020e-16, v1;
	_ =	sdelay $0x1  }
0x92: {  	(erf) = vrcp.f32 v1;
	_ =	sdelay $0x4  }
0x93: {  	v1 =	vld [tilespmem:s9+$0xFFFFFFF0];
	_ =	sdelay $0x3  }
0x94: {  	v2 =	vpop (erf)  }
0x95: {  	v1 =	vmul.f32 v2, v1;
	_ =	sdelay $0x1  }
0x96: {  	[tilespmem:s9+$0xFFFFFFF0] =	vst v1  }
0x97: {  	v1 =	vld [tilespmem:s12+$0x0];
	_ =	sdelay $0x7  }
0x98: {  	v1 =	vld.idx.msk [tilespmem:v1+s31+$0x0], $0xffff;
	_ =	sdelay $0x4  }
0x99: {  	v1 =	vadd.f32 $1.000000020e-16, v1;
	_ =	sdelay $0x1  }
0x9a: {  	(erf) = vrcp.f32 v1;
	_ =	sdelay $0x4  }
0x9b: {  	v1 =	vld [tilespmem:s9+$0x0]  }
0x9c: {  	s5 =	sadd.s32 $0x2, s5  }
0x9d: {  	p0 =	slt.u32 s5, $0x16  }
.Ltmp1:
0x9e: {  	_ = 	snop;
	(pc) =	sbr.rel @p0 .LBB2_5-.Ltmp1, $3  }
0x9f: {  	v2 =	vpop (erf)  }
0xa0: {  	v1 =	vmul.f32 v2, v1;
	_ =	sdelay $0x1  }
0xa1: {  	s12 =	sadd.s32 $0x20, s12;
	[tilespmem:s9+$0x0] =	vst v1;
	s9 =	sadd.s32 $0x20, s9  }
0xa2: {  	v1 =	vld [tilespmem:$0x580];
	_ =	sdelay $0x7  }
0xa3: {  	v1 =	vld.idx.msk [tilespmem:v1+s31+$0x0], $0xffff;
	_ =	sdelay $0x4  }
0xa4: {  	v1 =	vadd.f32 $1.000000020e-16, v1;
	_ =	sdelay $0x1  }
0xa5: {  	(erf) = vrcp.f32 v1;
	_ =	sdelay $0x4  }
0xa6: {  	v1 =	vld [tilespmem:$0x780];
	_ =	sdelay $0x3  }
0xa7: {  	v2 =	vpop (erf)  }
0xa8: {  	v1 =	vmul.f32 v2, v1;
	_ =	sdelay $0x1  }
0xa9: {  	s12 =	simm.s32 $0x0;
	s5 =	simm.s32 $0x3000;
	[tilespmem:$0x780] =	vst v1  }
0xaa: {  	[tilespmem:s5], [sflag:$0x1] =	stream.indirect.gather [hbm4b:s0+s15], $0x80, s12, s15, $0xb8;
	[tilespmem:$0x1E900] =	vst v63  }
0xab: {  	s17 =	simm.s32 $0x4400  }
0xac: {  	[tilespmem:s17], [sflag:$0x1] =	stream.indirect.gather [hbm4b:s1+s15], $0x80, s10, s15, $0xb8;
	[tilespmem:$0x1E900] =	vst v63  }
0xad: {  	s28 =	simm.s32 $0x0  }
0xae: {  	[tilespmem:s18], [sflag:$0x1] =	stream.linear.gather [hbm4b:s3+s12], $0x28, $0x38;
	[tilespmem:$0x1E900] =	vst v63  }
.LBB2_7:
0xaf: {  	_ =	swait.ge [sflag:s19], $0x1400  }
0xb0: {  	[sflag:s19] =	ssyncset.done $0x0  }
0xb1: {  	[sflag:s19] =	ssyncadd.s32 $0xFFFFEC00  }
0xb2: {  	_ =	swait.ge [sflag:s19], $0x1400  }
0xb3: {  	[sflag:s19] =	ssyncset.done $0x0  }
0xb4: {  	[sflag:s19] =	ssyncadd.s32 $0xFFFFEC00  }
0xb5: {  	s3 =	smul.u32 $0x50, s28;
	_ =	swait.ge [sflag:s19], $0x28  }
0xb6: {  	[sflag:s19] =	ssyncset.done $0x0  }
0xb7: {  	s5 =	sadd.s32 $0x28, s3;
	[sflag:s19] =	ssyncadd.s32 $0xFFFFFFD8  }
0xb8: {  	[tilespmem:s20], [sflag:$0x2] =	stream.indirect.gather [hbm4b:s0+s15], $0x80, s5, s15, $0xb8;
	[tilespmem:$0x1E900] =	vst v63  }
0xb9: {  	s5 =	sadd.s32 s30, s5  }
0xba: {  	s9 =	sadd.s32 $0x228, s3;
	s5 =	sshrl.u32 s5, $0x3  }
0xbb: {  	[tilespmem:s21], [sflag:$0x2] =	stream.indirect.gather [hbm4b:s1+s15], $0x80, s9, s15, $0xb8;
	[tilespmem:$0x1E900] =	vst v63  }
0xbc: {  	p0 =	seq.s32 s28, $0x0;
	s5 =	sadd.s32 s4, s5  }
0xbd: {  	[tilespmem:s22], [sflag:$0x2] =	stream.linear.gather [hbm4b:s5+s7], $0x28, $0x38;
	[tilespmem:$0x1E900] =	vst v63  }
0xbe: {  	s5 =	simm.s32 @!p0 $0x3  }
0xbf: {  	_ =	swait.ge @!p0 [sflag:s5], $0x1400  }
0xc0: {  	s13 =	simm.s32 $0x4500;
	s16 =	simm.s32 $0x8200;
	[sflag:s5] =	ssyncset.done @!p0 $0x0  }
0xc1: {  	s17 =	simm.s32 $0x0;
	[sflag:s5] =	ssyncadd.s32 @!p0 $0xFFFFEC00;
	s5 =	simm.s32 $0x3100  }
.LBB2_8:
0xc2: {  	s9 =	sadd.s32 s17, s12  }
0xc3: {  	v1 =	vmov s9  }
0xc4: {  	v1 =	vand.u32 $0xFFFFFFFC, v1  }
0xc5: {  	v1 =	vbroadcast v1, $0x0;
	_ =	sdelay $0x2  }
0xc6: {  	v2 =	vld [tilespmem:s5+$0xFFFFFF00]  }
0xc7: {  	v3 =	vld [tilespmem:s13+$0xFFFFFF00];
	_ =	sdelay $0x1  }
0xc8: {  	v1 =	vld.idx.msk [tilespmem:v1+s14+$0x0], $0xffff;
	_ =	sdelay $0x2  }
0xc9: {  	v2 =	vadd.f32 v3, v2;
	_ =	sdelay $0x1  }
0xca: {  	v2 =	vmul.f32 v2, v1;
	_ =	sdelay $0x1  }
0xcb: {  	[tilespmem:s16+$0xFFFFFF00] =	vst v2  }
0xcc: {  	v2 =	vld [tilespmem:s5+$0xFFFFFF10]  }
0xcd: {  	v3 =	vld [tilespmem:s13+$0xFFFFFF10];
	_ =	sdelay $0x4  }
0xce: {  	v2 =	vadd.f32 v3, v2;
	_ =	sdelay $0x1  }
0xcf: {  	v2 =	vmul.f32 v2, v1;
	_ =	sdelay $0x1  }
0xd0: {  	[tilespmem:s16+$0xFFFFFF10] =	vst v2  }
0xd1: {  	v2 =	vld [tilespmem:s5+$0xFFFFFF20]  }
0xd2: {  	v3 =	vld [tilespmem:s13+$0xFFFFFF20];
	_ =	sdelay $0x4  }
0xd3: {  	v2 =	vadd.f32 v3, v2;
	_ =	sdelay $0x1  }
0xd4: {  	v2 =	vmul.f32 v2, v1;
	_ =	sdelay $0x1  }
0xd5: {  	[tilespmem:s16+$0xFFFFFF20] =	vst v2  }
0xd6: {  	v2 =	vld [tilespmem:s5+$0xFFFFFF30]  }
0xd7: {  	v3 =	vld [tilespmem:s13+$0xFFFFFF30];
	_ =	sdelay $0x4  }
0xd8: {  	v2 =	vadd.f32 v3, v2;
	_ =	sdelay $0x1  }
0xd9: {  	v2 =	vmul.f32 v2, v1;
	_ =	sdelay $0x1  }
0xda: {  	[tilespmem:s16+$0xFFFFFF30] =	vst v2  }
0xdb: {  	v2 =	vld [tilespmem:s5+$0xFFFFFF40]  }
0xdc: {  	v3 =	vld [tilespmem:s13+$0xFFFFFF40];
	_ =	sdelay $0x4  }
0xdd: {  	v2 =	vadd.f32 v3, v2;
	_ =	sdelay $0x1  }
0xde: {  	v2 =	vmul.f32 v2, v1;
	_ =	sdelay $0x1  }
0xdf: {  	[tilespmem:s16+$0xFFFFFF40] =	vst v2  }
0xe0: {  	v2 =	vld [tilespmem:s5+$0xFFFFFF50]  }
0xe1: {  	v3 =	vld [tilespmem:s13+$0xFFFFFF50];
	_ =	sdelay $0x4  }
0xe2: {  	v2 =	vadd.f32 v3, v2;
	_ =	sdelay $0x1  }
0xe3: {  	v2 =	vmul.f32 v2, v1;
	_ =	sdelay $0x1  }
0xe4: {  	[tilespmem:s16+$0xFFFFFF50] =	vst v2  }
0xe5: {  	v2 =	vld [tilespmem:s5+$0xFFFFFF60]  }
0xe6: {  	v3 =	vld [tilespmem:s13+$0xFFFFFF60];
	_ =	sdelay $0x4  }
0xe7: {  	v2 =	vadd.f32 v3, v2;
	_ =	sdelay $0x1  }
0xe8: {  	v2 =	vmul.f32 v2, v1;
	_ =	sdelay $0x1  }
0xe9: {  	[tilespmem:s16+$0xFFFFFF60] =	vst v2  }
0xea: {  	v2 =	vld [tilespmem:s5+$0xFFFFFF70]  }
0xeb: {  	v3 =	vld [tilespmem:s13+$0xFFFFFF70];
	_ =	sdelay $0x3  }
0xec: {  	s11 =	sadd.s32 $0x1, s9  }
0xed: {  	v2 =	vadd.f32 v3, v2;
	v3 =	vmov s11  }
0xee: {  	v3 =	vand.u32 $0xFFFFFFFD, v3  }
0xef: {  	v1 =	vmul.f32 v2, v1;
	v2 =	vbroadcast v3, $0x0;
	_ =	sdelay $0x1  }
0xf0: {  	[tilespmem:s16+$0xFFFFFF70] =	vst v1  }
0xf1: {  	v1 =	vld [tilespmem:s5+$0xFFFFFF80]  }
0xf2: {  	v3 =	vld [tilespmem:s13+$0xFFFFFF80];
	_ =	sdelay $0x1  }
0xf3: {  	v2 =	vld.idx.msk [tilespmem:v2+s14+$0x0], $0xffff;
	_ =	sdelay $0x2  }
0xf4: {  	v1 =	vadd.f32 v3, v1;
	_ =	sdelay $0x1  }
0xf5: {  	v1 =	vmul.f32 v1, v2;
	_ =	sdelay $0x1  }
0xf6: {  	[tilespmem:s16+$0xFFFFFF80] =	vst v1  }
0xf7: {  	v1 =	vld [tilespmem:s5+$0xFFFFFF90]  }
0xf8: {  	v3 =	vld [tilespmem:s13+$0xFFFFFF90];
	_ =	sdelay $0x4  }
0xf9: {  	v1 =	vadd.f32 v3, v1;
	_ =	sdelay $0x1  }
0xfa: {  	v1 =	vmul.f32 v1, v2;
	_ =	sdelay $0x1  }
0xfb: {  	[tilespmem:s16+$0xFFFFFF90] =	vst v1  }
0xfc: {  	v1 =	vld [tilespmem:s5+$0xFFFFFFA0]  }
0xfd: {  	v3 =	vld [tilespmem:s13+$0xFFFFFFA0];
	_ =	sdelay $0x4  }
0xfe: {  	v1 =	vadd.f32 v3, v1;
	_ =	sdelay $0x1  }
0xff: {  	v1 =	vmul.f32 v1, v2;
	_ =	sdelay $0x1  }
0x100: {  	[tilespmem:s16+$0xFFFFFFA0] =	vst v1  }
0x101: {  	v1 =	vld [tilespmem:s5+$0xFFFFFFB0]  }
0x102: {  	v3 =	vld [tilespmem:s13+$0xFFFFFFB0];
	_ =	sdelay $0x4  }
0x103: {  	v1 =	vadd.f32 v3, v1;
	_ =	sdelay $0x1  }
0x104: {  	v1 =	vmul.f32 v1, v2;
	_ =	sdelay $0x1  }
0x105: {  	[tilespmem:s16+$0xFFFFFFB0] =	vst v1  }
0x106: {  	v1 =	vld [tilespmem:s5+$0xFFFFFFC0]  }
0x107: {  	v3 =	vld [tilespmem:s13+$0xFFFFFFC0];
	_ =	sdelay $0x4  }
0x108: {  	v1 =	vadd.f32 v3, v1;
	_ =	sdelay $0x1  }
0x109: {  	v1 =	vmul.f32 v1, v2;
	_ =	sdelay $0x1  }
0x10a: {  	[tilespmem:s16+$0xFFFFFFC0] =	vst v1  }
0x10b: {  	v1 =	vld [tilespmem:s5+$0xFFFFFFD0]  }
0x10c: {  	v3 =	vld [tilespmem:s13+$0xFFFFFFD0];
	_ =	sdelay $0x4  }
0x10d: {  	v1 =	vadd.f32 v3, v1;
	_ =	sdelay $0x1  }
0x10e: {  	v1 =	vmul.f32 v1, v2;
	_ =	sdelay $0x1  }
0x10f: {  	[tilespmem:s16+$0xFFFFFFD0] =	vst v1  }
0x110: {  	v1 =	vld [tilespmem:s5+$0xFFFFFFE0]  }
0x111: {  	v3 =	vld [tilespmem:s13+$0xFFFFFFE0];
	_ =	sdelay $0x4  }
0x112: {  	v1 =	vadd.f32 v3, v1;
	_ =	sdelay $0x1  }
0x113: {  	v1 =	vmul.f32 v1, v2;
	_ =	sdelay $0x1  }
0x114: {  	[tilespmem:s16+$0xFFFFFFE0] =	vst v1  }
0x115: {  	v1 =	vld [tilespmem:s5+$0xFFFFFFF0]  }
0x116: {  	v3 =	vld [tilespmem:s13+$0xFFFFFFF0];
	_ =	sdelay $0x3  }
0x117: {  	s11 =	sadd.s32 $0x2, s9  }
0x118: {  	v1 =	vadd.f32 v3, v1;
	v3 =	vmov s11  }
0x119: {  	v3 =	vand.u32 $0xFFFFFFFE, v3  }
0x11a: {  	v1 =	vmul.f32 v1, v2;
	v2 =	vbroadcast v3, $0x0;
	_ =	sdelay $0x1  }
0x11b: {  	[tilespmem:s16+$0xFFFFFFF0] =	vst v1  }
0x11c: {  	v1 =	vld [tilespmem:s5+$0x0]  }
0x11d: {  	v3 =	vld [tilespmem:s13+$0x0];
	_ =	sdelay $0x1  }
0x11e: {  	v2 =	vld.idx.msk [tilespmem:v2+s14+$0x0], $0xffff;
	_ =	sdelay $0x2  }
0x11f: {  	v1 =	vadd.f32 v3, v1;
	_ =	sdelay $0x1  }
0x120: {  	v1 =	vmul.f32 v1, v2;
	_ =	sdelay $0x1  }
0x121: {  	[tilespmem:s16+$0x0] =	vst v1  }
0x122: {  	v1 =	vld [tilespmem:s5+$0x10]  }
0x123: {  	v3 =	vld [tilespmem:s13+$0x10];
	_ =	sdelay $0x4  }
0x124: {  	v1 =	vadd.f32 v3, v1;
	_ =	sdelay $0x1  }
0x125: {  	v1 =	vmul.f32 v1, v2;
	_ =	sdelay $0x1  }
0x126: {  	[tilespmem:s16+$0x10] =	vst v1  }
0x127: {  	v1 =	vld [tilespmem:s5+$0x20]  }
0x128: {  	v3 =	vld [tilespmem:s13+$0x20];
	_ =	sdelay $0x4  }
0x129: {  	v1 =	vadd.f32 v3, v1;
	_ =	sdelay $0x1  }
0x12a: {  	v1 =	vmul.f32 v1, v2;
	_ =	sdelay $0x1  }
0x12b: {  	[tilespmem:s16+$0x20] =	vst v1  }
0x12c: {  	v1 =	vld [tilespmem:s5+$0x30]  }
0x12d: {  	v3 =	vld [tilespmem:s13+$0x30];
	_ =	sdelay $0x4  }
0x12e: {  	v1 =	vadd.f32 v3, v1;
	_ =	sdelay $0x1  }
0x12f: {  	v1 =	vmul.f32 v1, v2;
	_ =	sdelay $0x1  }
0x130: {  	[tilespmem:s16+$0x30] =	vst v1  }
0x131: {  	v1 =	vld [tilespmem:s5+$0x40]  }
0x132: {  	v3 =	vld [tilespmem:s13+$0x40];
	_ =	sdelay $0x4  }
0x133: {  	v1 =	vadd.f32 v3, v1;
	_ =	sdelay $0x1  }
0x134: {  	v1 =	vmul.f32 v1, v2;
	_ =	sdelay $0x1  }
0x135: {  	[tilespmem:s16+$0x40] =	vst v1  }
0x136: {  	v1 =	vld [tilespmem:s5+$0x50]  }
0x137: {  	v3 =	vld [tilespmem:s13+$0x50];
	_ =	sdelay $0x4  }
0x138: {  	v1 =	vadd.f32 v3, v1;
	_ =	sdelay $0x1  }
0x139: {  	v1 =	vmul.f32 v1, v2;
	_ =	sdelay $0x1  }
0x13a: {  	[tilespmem:s16+$0x50] =	vst v1  }
0x13b: {  	v1 =	vld [tilespmem:s5+$0x60]  }
0x13c: {  	v3 =	vld [tilespmem:s13+$0x60];
	_ =	sdelay $0x4  }
0x13d: {  	v1 =	vadd.f32 v3, v1;
	_ =	sdelay $0x1  }
0x13e: {  	v1 =	vmul.f32 v1, v2;
	_ =	sdelay $0x1  }
0x13f: {  	[tilespmem:s16+$0x60] =	vst v1  }
0x140: {  	v1 =	vld [tilespmem:s5+$0x70]  }
0x141: {  	v3 =	vld [tilespmem:s13+$0x70];
	_ =	sdelay $0x4  }
0x142: {  	v1 =	vadd.f32 v3, v1;
	_ =	sdelay $0x1  }
0x143: {  	s9 =	sadd.s32 $0x3, s9;
	v1 =	vmul.f32 v1, v2  }
0x144: {  	v2 =	vmov s9  }
0x145: {  	[tilespmem:s16+$0x70] =	vst v1  }
0x146: {  	v1 =	vld [tilespmem:s5+$0x80]  }
0x147: {  	v3 =	vld [tilespmem:s13+$0x80];
	_ =	sdelay $0x1  }
0x148: {  	v2 =	vld.idx.msk [tilespmem:v2+s14+$0x0], $0xffff;
	_ =	sdelay $0x2  }
0x149: {  	v1 =	vadd.f32 v3, v1;
	_ =	sdelay $0x1  }
0x14a: {  	v1 =	vmul.f32 v1, v2;
	_ =	sdelay $0x1  }
0x14b: {  	[tilespmem:s16+$0x80] =	vst v1  }
0x14c: {  	v1 =	vld [tilespmem:s5+$0x90]  }
0x14d: {  	v3 =	vld [tilespmem:s13+$0x90];
	_ =	sdelay $0x4  }
0x14e: {  	v1 =	vadd.f32 v3, v1;
	_ =	sdelay $0x1  }
0x14f: {  	v1 =	vmul.f32 v1, v2;
	_ =	sdelay $0x1  }
0x150: {  	[tilespmem:s16+$0x90] =	vst v1  }
0x151: {  	v1 =	vld [tilespmem:s5+$0xA0]  }
0x152: {  	v3 =	vld [tilespmem:s13+$0xA0];
	_ =	sdelay $0x4  }
0x153: {  	v1 =	vadd.f32 v3, v1;
	_ =	sdelay $0x1  }
0x154: {  	v1 =	vmul.f32 v1, v2;
	_ =	sdelay $0x1  }
0x155: {  	[tilespmem:s16+$0xA0] =	vst v1  }
0x156: {  	v1 =	vld [tilespmem:s5+$0xB0]  }
0x157: {  	v3 =	vld [tilespmem:s13+$0xB0];
	_ =	sdelay $0x4  }
0x158: {  	v1 =	vadd.f32 v3, v1;
	_ =	sdelay $0x1  }
0x159: {  	v1 =	vmul.f32 v1, v2;
	_ =	sdelay $0x1  }
0x15a: {  	[tilespmem:s16+$0xB0] =	vst v1  }
0x15b: {  	v1 =	vld [tilespmem:s5+$0xC0]  }
0x15c: {  	v3 =	vld [tilespmem:s13+$0xC0];
	_ =	sdelay $0x4  }
0x15d: {  	v1 =	vadd.f32 v3, v1;
	_ =	sdelay $0x1  }
0x15e: {  	v1 =	vmul.f32 v1, v2;
	_ =	sdelay $0x1  }
0x15f: {  	[tilespmem:s16+$0xC0] =	vst v1  }
0x160: {  	v1 =	vld [tilespmem:s5+$0xD0]  }
0x161: {  	v3 =	vld [tilespmem:s13+$0xD0];
	_ =	sdelay $0x4  }
0x162: {  	v1 =	vadd.f32 v3, v1;
	_ =	sdelay $0x1  }
0x163: {  	v1 =	vmul.f32 v1, v2;
	_ =	sdelay $0x1  }
0x164: {  	[tilespmem:s16+$0xD0] =	vst v1  }
0x165: {  	v1 =	vld [tilespmem:s5+$0xE0]  }
0x166: {  	v3 =	vld [tilespmem:s13+$0xE0];
	_ =	sdelay $0x4  }
0x167: {  	v1 =	vadd.f32 v3, v1;
	_ =	sdelay $0x1  }
0x168: {  	v1 =	vmul.f32 v1, v2;
	_ =	sdelay $0x1  }
0x169: {  	[tilespmem:s16+$0xE0] =	vst v1  }
0x16a: {  	v1 =	vld [tilespmem:s5+$0xF0]  }
0x16b: {  	v3 =	vld [tilespmem:s13+$0xF0];
	_ =	sdelay $0x3  }
0x16c: {  	p0 =	sne.s32 s17, $0x24  }
.Ltmp2:
0x16d: {  	v1 =	vadd.f32 v3, v1;
	(pc) =	sbr.rel @p0 .LBB2_8-.Ltmp2, $4  }
0x16e: {  	_ = 	snop  }
0x16f: {  	v1 =	vmul.f32 v1, v2  }
0x170: {  	s17 =	sadd.s32 $0x4, s17  }
0x171: {  	s5 =	sadd.s32 $0x200, s5;
	s13 =	sadd.s32 $0x200, s13;
	[tilespmem:s16+$0xF0] =	vst v1;
	s16 =	sadd.s32 $0x200, s16  }
0x172: {  	[spmem:s6] =	stream.indirect.scatter.add.f32 [tilespmem:s8], [sflag:$0x3], $0x80, s18, s15, $0xb8;
	[tilespmem:$0x1E900] =	vst v63  }
0x173: {  	_ =	swait.ge [sflag:s23], $0x1400  }
0x174: {  	[sflag:s23] =	ssyncset.done $0x0  }
0x175: {  	[sflag:s23] =	ssyncadd.s32 $0xFFFFEC00  }
0x176: {  	_ =	swait.ge [sflag:s23], $0x1400  }
0x177: {  	[sflag:s23] =	ssyncset.done $0x0  }
0x178: {  	[sflag:s23] =	ssyncadd.s32 $0xFFFFEC00  }
0x179: {  	p0 =	seq.s32 s28, $0x4;
	_ =	swait.ge [sflag:s23], $0x28  }
0x17a: {  	s5 =	sadd.s32 @!p0 $0x50, s3;
	[sflag:s23] =	ssyncset.done $0x0  }
0x17b: {  	s9 =	simm.s32 @!p0 $0x28;
	s11 =	simm.s32 @!p0 $0x3000;
	[sflag:s23] =	ssyncadd.s32 $0xFFFFFFD8  }
0x17c: {  	[tilespmem:s11], [sflag:$0x1] =	stream.indirect.gather @!p0 [hbm4b:s0+s9], $0x80, s5, s9, $0xb8;
	[tilespmem:$0x1E900] =	vst v63  }
0x17d: {  	s3 =	sadd.s32 @!p0 $0x250, s3;
	s11 =	simm.s32 @!p0 $0x4400  }
0x17e: {  	[tilespmem:s11], [sflag:$0x1] =	stream.indirect.gather @!p0 [hbm4b:s1+s9], $0x80, s3, s9, $0xb8;
	[tilespmem:$0x1E900] =	vst v63  }
0x17f: {  	s3 =	sadd.s32 @!p0 s30, s5  }
0x180: {  	p1 =	seq.s32 @!p0 s28, $0x0;
	s3 =	sshrl.u32 @!p0 s3, $0x3  }
0x181: {  	s5 =	simm.s32 @!p0 $0x0;
	s9 =	simm.s32 @!p0 $0x5800;
	s3 =	sadd.s32 @!p0 s4, s3  }
0x182: {  	[tilespmem:s9], [sflag:$0x1] =	stream.linear.gather @!p0 [hbm4b:s3+s5], $0x28, $0x38;
	[tilespmem:$0x1E900] =	vst v63  }
0x183: {  	p0 =	por p0, !p1  }
0x184: {  	_ =	swait.ge @p0 [sflag:s26], $0x1400  }
0x185: {  	s13 =	simm.s32 $0x6D80;
	s16 =	simm.s32 $0x9600;
	[sflag:s26] =	ssyncset.done @p0 $0x0  }
0x186: {  	s3 =	simm.s32 $0x0;
	s5 =	simm.s32 $0x5980;
	[sflag:s26] =	ssyncadd.s32 @p0 $0xFFFFEC00  }
.LBB2_10:
0x187: {  	s17 =	sadd.s32 s3, s12  }
0x188: {  	s9 =	sadd.s32 $0x28, s17  }
0x189: {  	v1 =	vmov s9  }
0x18a: {  	v1 =	vand.u32 $0xFFFFFFFC, v1  }
0x18b: {  	v1 =	vbroadcast v1, $0x0;
	_ =	sdelay $0x2  }
0x18c: {  	v2 =	vld [tilespmem:s5+$0xFFFFFF00]  }
0x18d: {  	v3 =	vld [tilespmem:s13+$0xFFFFFF00];
	_ =	sdelay $0x1  }
0x18e: {  	v1 =	vld.idx.msk [tilespmem:v1+s14+$0x0], $0xffff;
	_ =	sdelay $0x2  }
0x18f: {  	v2 =	vadd.f32 v3, v2;
	_ =	sdelay $0x1  }
0x190: {  	v2 =	vmul.f32 v2, v1;
	_ =	sdelay $0x1  }
0x191: {  	[tilespmem:s16+$0xFFFFFF00] =	vst v2  }
0x192: {  	v2 =	vld [tilespmem:s5+$0xFFFFFF10]  }
0x193: {  	v3 =	vld [tilespmem:s13+$0xFFFFFF10];
	_ =	sdelay $0x4  }
0x194: {  	v2 =	vadd.f32 v3, v2;
	_ =	sdelay $0x1  }
0x195: {  	v2 =	vmul.f32 v2, v1;
	_ =	sdelay $0x1  }
0x196: {  	[tilespmem:s16+$0xFFFFFF10] =	vst v2  }
0x197: {  	v2 =	vld [tilespmem:s5+$0xFFFFFF20]  }
0x198: {  	v3 =	vld [tilespmem:s13+$0xFFFFFF20];
	_ =	sdelay $0x4  }
0x199: {  	v2 =	vadd.f32 v3, v2;
	_ =	sdelay $0x1  }
0x19a: {  	v2 =	vmul.f32 v2, v1;
	_ =	sdelay $0x1  }
0x19b: {  	[tilespmem:s16+$0xFFFFFF20] =	vst v2  }
0x19c: {  	v2 =	vld [tilespmem:s5+$0xFFFFFF30]  }
0x19d: {  	v3 =	vld [tilespmem:s13+$0xFFFFFF30];
	_ =	sdelay $0x4  }
0x19e: {  	v2 =	vadd.f32 v3, v2;
	_ =	sdelay $0x1  }
0x19f: {  	v2 =	vmul.f32 v2, v1;
	_ =	sdelay $0x1  }
0x1a0: {  	[tilespmem:s16+$0xFFFFFF30] =	vst v2  }
0x1a1: {  	v2 =	vld [tilespmem:s5+$0xFFFFFF40]  }
0x1a2: {  	v3 =	vld [tilespmem:s13+$0xFFFFFF40];
	_ =	sdelay $0x4  }
0x1a3: {  	v2 =	vadd.f32 v3, v2;
	_ =	sdelay $0x1  }
0x1a4: {  	v2 =	vmul.f32 v2, v1;
	_ =	sdelay $0x1  }
0x1a5: {  	[tilespmem:s16+$0xFFFFFF40] =	vst v2  }
0x1a6: {  	v2 =	vld [tilespmem:s5+$0xFFFFFF50]  }
0x1a7: {  	v3 =	vld [tilespmem:s13+$0xFFFFFF50];
	_ =	sdelay $0x4  }
0x1a8: {  	v2 =	vadd.f32 v3, v2;
	_ =	sdelay $0x1  }
0x1a9: {  	v2 =	vmul.f32 v2, v1;
	_ =	sdelay $0x1  }
0x1aa: {  	[tilespmem:s16+$0xFFFFFF50] =	vst v2  }
0x1ab: {  	v2 =	vld [tilespmem:s5+$0xFFFFFF60]  }
0x1ac: {  	v3 =	vld [tilespmem:s13+$0xFFFFFF60];
	_ =	sdelay $0x4  }
0x1ad: {  	v2 =	vadd.f32 v3, v2;
	_ =	sdelay $0x1  }
0x1ae: {  	v2 =	vmul.f32 v2, v1;
	_ =	sdelay $0x1  }
0x1af: {  	[tilespmem:s16+$0xFFFFFF60] =	vst v2  }
0x1b0: {  	v2 =	vld [tilespmem:s5+$0xFFFFFF70]  }
0x1b1: {  	v3 =	vld [tilespmem:s13+$0xFFFFFF70];
	_ =	sdelay $0x3  }
0x1b2: {  	s11 =	sadd.s32 $0x29, s17  }
0x1b3: {  	v2 =	vadd.f32 v3, v2;
	v3 =	vmov s11  }
0x1b4: {  	v3 =	vand.u32 $0xFFFFFFFD, v3  }
0x1b5: {  	v1 =	vmul.f32 v2, v1;
	v2 =	vbroadcast v3, $0x0;
	_ =	sdelay $0x1  }
0x1b6: {  	[tilespmem:s16+$0xFFFFFF70] =	vst v1  }
0x1b7: {  	v1 =	vld [tilespmem:s5+$0xFFFFFF80]  }
0x1b8: {  	v3 =	vld [tilespmem:s13+$0xFFFFFF80];
	_ =	sdelay $0x1  }
0x1b9: {  	v2 =	vld.idx.msk [tilespmem:v2+s14+$0x0], $0xffff;
	_ =	sdelay $0x2  }
0x1ba: {  	v1 =	vadd.f32 v3, v1;
	_ =	sdelay $0x1  }
0x1bb: {  	v1 =	vmul.f32 v1, v2;
	_ =	sdelay $0x1  }
0x1bc: {  	[tilespmem:s16+$0xFFFFFF80] =	vst v1  }
0x1bd: {  	v1 =	vld [tilespmem:s5+$0xFFFFFF90]  }
0x1be: {  	v3 =	vld [tilespmem:s13+$0xFFFFFF90];
	_ =	sdelay $0x4  }
0x1bf: {  	v1 =	vadd.f32 v3, v1;
	_ =	sdelay $0x1  }
0x1c0: {  	v1 =	vmul.f32 v1, v2;
	_ =	sdelay $0x1  }
0x1c1: {  	[tilespmem:s16+$0xFFFFFF90] =	vst v1  }
0x1c2: {  	v1 =	vld [tilespmem:s5+$0xFFFFFFA0]  }
0x1c3: {  	v3 =	vld [tilespmem:s13+$0xFFFFFFA0];
	_ =	sdelay $0x4  }
0x1c4: {  	v1 =	vadd.f32 v3, v1;
	_ =	sdelay $0x1  }
0x1c5: {  	v1 =	vmul.f32 v1, v2;
	_ =	sdelay $0x1  }
0x1c6: {  	[tilespmem:s16+$0xFFFFFFA0] =	vst v1  }
0x1c7: {  	v1 =	vld [tilespmem:s5+$0xFFFFFFB0]  }
0x1c8: {  	v3 =	vld [tilespmem:s13+$0xFFFFFFB0];
	_ =	sdelay $0x4  }
0x1c9: {  	v1 =	vadd.f32 v3, v1;
	_ =	sdelay $0x1  }
0x1ca: {  	v1 =	vmul.f32 v1, v2;
	_ =	sdelay $0x1  }
0x1cb: {  	[tilespmem:s16+$0xFFFFFFB0] =	vst v1  }
0x1cc: {  	v1 =	vld [tilespmem:s5+$0xFFFFFFC0]  }
0x1cd: {  	v3 =	vld [tilespmem:s13+$0xFFFFFFC0];
	_ =	sdelay $0x4  }
0x1ce: {  	v1 =	vadd.f32 v3, v1;
	_ =	sdelay $0x1  }
0x1cf: {  	v1 =	vmul.f32 v1, v2;
	_ =	sdelay $0x1  }
0x1d0: {  	[tilespmem:s16+$0xFFFFFFC0] =	vst v1  }
0x1d1: {  	v1 =	vld [tilespmem:s5+$0xFFFFFFD0]  }
0x1d2: {  	v3 =	vld [tilespmem:s13+$0xFFFFFFD0];
	_ =	sdelay $0x4  }
0x1d3: {  	v1 =	vadd.f32 v3, v1;
	_ =	sdelay $0x1  }
0x1d4: {  	v1 =	vmul.f32 v1, v2;
	_ =	sdelay $0x1  }
0x1d5: {  	[tilespmem:s16+$0xFFFFFFD0] =	vst v1  }
0x1d6: {  	v1 =	vld [tilespmem:s5+$0xFFFFFFE0]  }
0x1d7: {  	v3 =	vld [tilespmem:s13+$0xFFFFFFE0];
	_ =	sdelay $0x4  }
0x1d8: {  	v1 =	vadd.f32 v3, v1;
	_ =	sdelay $0x1  }
0x1d9: {  	v1 =	vmul.f32 v1, v2;
	_ =	sdelay $0x1  }
0x1da: {  	[tilespmem:s16+$0xFFFFFFE0] =	vst v1  }
0x1db: {  	v1 =	vld [tilespmem:s5+$0xFFFFFFF0]  }
0x1dc: {  	v3 =	vld [tilespmem:s13+$0xFFFFFFF0];
	_ =	sdelay $0x3  }
0x1dd: {  	s11 =	sadd.s32 $0x2A, s17  }
0x1de: {  	v1 =	vadd.f32 v3, v1;
	v3 =	vmov s11  }
0x1df: {  	v3 =	vand.u32 $0xFFFFFFFE, v3  }
0x1e0: {  	v1 =	vmul.f32 v1, v2;
	v2 =	vbroadcast v3, $0x0;
	_ =	sdelay $0x1  }
0x1e1: {  	[tilespmem:s16+$0xFFFFFFF0] =	vst v1  }
0x1e2: {  	v1 =	vld [tilespmem:s5+$0x0]  }
0x1e3: {  	v3 =	vld [tilespmem:s13+$0x0];
	_ =	sdelay $0x1  }
0x1e4: {  	v2 =	vld.idx.msk [tilespmem:v2+s14+$0x0], $0xffff;
	_ =	sdelay $0x2  }
0x1e5: {  	v1 =	vadd.f32 v3, v1;
	_ =	sdelay $0x1  }
0x1e6: {  	v1 =	vmul.f32 v1, v2;
	_ =	sdelay $0x1  }
0x1e7: {  	[tilespmem:s16+$0x0] =	vst v1  }
0x1e8: {  	v1 =	vld [tilespmem:s5+$0x10]  }
0x1e9: {  	v3 =	vld [tilespmem:s13+$0x10];
	_ =	sdelay $0x4  }
0x1ea: {  	v1 =	vadd.f32 v3, v1;
	_ =	sdelay $0x1  }
0x1eb: {  	v1 =	vmul.f32 v1, v2;
	_ =	sdelay $0x1  }
0x1ec: {  	[tilespmem:s16+$0x10] =	vst v1  }
0x1ed: {  	v1 =	vld [tilespmem:s5+$0x20]  }
0x1ee: {  	v3 =	vld [tilespmem:s13+$0x20];
	_ =	sdelay $0x4  }
0x1ef: {  	v1 =	vadd.f32 v3, v1;
	_ =	sdelay $0x1  }
0x1f0: {  	v1 =	vmul.f32 v1, v2;
	_ =	sdelay $0x1  }
0x1f1: {  	[tilespmem:s16+$0x20] =	vst v1  }
0x1f2: {  	v1 =	vld [tilespmem:s5+$0x30]  }
0x1f3: {  	v3 =	vld [tilespmem:s13+$0x30];
	_ =	sdelay $0x4  }
0x1f4: {  	v1 =	vadd.f32 v3, v1;
	_ =	sdelay $0x1  }
0x1f5: {  	v1 =	vmul.f32 v1, v2;
	_ =	sdelay $0x1  }
0x1f6: {  	[tilespmem:s16+$0x30] =	vst v1  }
0x1f7: {  	v1 =	vld [tilespmem:s5+$0x40]  }
0x1f8: {  	v3 =	vld [tilespmem:s13+$0x40];
	_ =	sdelay $0x4  }
0x1f9: {  	v1 =	vadd.f32 v3, v1;
	_ =	sdelay $0x1  }
0x1fa: {  	v1 =	vmul.f32 v1, v2;
	_ =	sdelay $0x1  }
0x1fb: {  	[tilespmem:s16+$0x40] =	vst v1  }
0x1fc: {  	v1 =	vld [tilespmem:s5+$0x50]  }
0x1fd: {  	v3 =	vld [tilespmem:s13+$0x50];
	_ =	sdelay $0x4  }
0x1fe: {  	v1 =	vadd.f32 v3, v1;
	_ =	sdelay $0x1  }
0x1ff: {  	v1 =	vmul.f32 v1, v2;
	_ =	sdelay $0x1  }
0x200: {  	[tilespmem:s16+$0x50] =	vst v1  }
0x201: {  	v1 =	vld [tilespmem:s5+$0x60]  }
0x202: {  	v3 =	vld [tilespmem:s13+$0x60];
	_ =	sdelay $0x4  }
0x203: {  	v1 =	vadd.f32 v3, v1;
	_ =	sdelay $0x1  }
0x204: {  	v1 =	vmul.f32 v1, v2;
	_ =	sdelay $0x1  }
0x205: {  	[tilespmem:s16+$0x60] =	vst v1  }
0x206: {  	v1 =	vld [tilespmem:s5+$0x70]  }
0x207: {  	v3 =	vld [tilespmem:s13+$0x70];
	_ =	sdelay $0x4  }
0x208: {  	v1 =	vadd.f32 v3, v1;
	_ =	sdelay $0x1  }
0x209: {  	s17 =	sadd.s32 $0x2B, s17;
	v1 =	vmul.f32 v1, v2  }
0x20a: {  	v2 =	vmov s17  }
0x20b: {  	[tilespmem:s16+$0x70] =	vst v1  }
0x20c: {  	v1 =	vld [tilespmem:s5+$0x80]  }
0x20d: {  	v3 =	vld [tilespmem:s13+$0x80];
	_ =	sdelay $0x1  }
0x20e: {  	v2 =	vld.idx.msk [tilespmem:v2+s14+$0x0], $0xffff;
	_ =	sdelay $0x2  }
0x20f: {  	v1 =	vadd.f32 v3, v1;
	_ =	sdelay $0x1  }
0x210: {  	v1 =	vmul.f32 v1, v2;
	_ =	sdelay $0x1  }
0x211: {  	[tilespmem:s16+$0x80] =	vst v1  }
0x212: {  	v1 =	vld [tilespmem:s5+$0x90]  }
0x213: {  	v3 =	vld [tilespmem:s13+$0x90];
	_ =	sdelay $0x4  }
0x214: {  	v1 =	vadd.f32 v3, v1;
	_ =	sdelay $0x1  }
0x215: {  	v1 =	vmul.f32 v1, v2;
	_ =	sdelay $0x1  }
0x216: {  	[tilespmem:s16+$0x90] =	vst v1  }
0x217: {  	v1 =	vld [tilespmem:s5+$0xA0]  }
0x218: {  	v3 =	vld [tilespmem:s13+$0xA0];
	_ =	sdelay $0x4  }
0x219: {  	v1 =	vadd.f32 v3, v1;
	_ =	sdelay $0x1  }
0x21a: {  	v1 =	vmul.f32 v1, v2;
	_ =	sdelay $0x1  }
0x21b: {  	[tilespmem:s16+$0xA0] =	vst v1  }
0x21c: {  	v1 =	vld [tilespmem:s5+$0xB0]  }
0x21d: {  	v3 =	vld [tilespmem:s13+$0xB0];
	_ =	sdelay $0x4  }
0x21e: {  	v1 =	vadd.f32 v3, v1;
	_ =	sdelay $0x1  }
0x21f: {  	v1 =	vmul.f32 v1, v2;
	_ =	sdelay $0x1  }
0x220: {  	[tilespmem:s16+$0xB0] =	vst v1  }
0x221: {  	v1 =	vld [tilespmem:s5+$0xC0]  }
0x222: {  	v3 =	vld [tilespmem:s13+$0xC0];
	_ =	sdelay $0x4  }
0x223: {  	v1 =	vadd.f32 v3, v1;
	_ =	sdelay $0x1  }
0x224: {  	v1 =	vmul.f32 v1, v2;
	_ =	sdelay $0x1  }
0x225: {  	[tilespmem:s16+$0xC0] =	vst v1  }
0x226: {  	v1 =	vld [tilespmem:s5+$0xD0]  }
0x227: {  	v3 =	vld [tilespmem:s13+$0xD0];
	_ =	sdelay $0x4  }
0x228: {  	v1 =	vadd.f32 v3, v1;
	_ =	sdelay $0x1  }
0x229: {  	v1 =	vmul.f32 v1, v2;
	_ =	sdelay $0x1  }
0x22a: {  	[tilespmem:s16+$0xD0] =	vst v1  }
0x22b: {  	v1 =	vld [tilespmem:s5+$0xE0]  }
0x22c: {  	v3 =	vld [tilespmem:s13+$0xE0];
	_ =	sdelay $0x4  }
0x22d: {  	v1 =	vadd.f32 v3, v1;
	_ =	sdelay $0x1  }
0x22e: {  	v1 =	vmul.f32 v1, v2;
	_ =	sdelay $0x1  }
0x22f: {  	[tilespmem:s16+$0xE0] =	vst v1  }
0x230: {  	v1 =	vld [tilespmem:s5+$0xF0]  }
0x231: {  	v3 =	vld [tilespmem:s13+$0xF0];
	_ =	sdelay $0x3  }
0x232: {  	p0 =	sne.s32 s3, $0x24  }
.Ltmp3:
0x233: {  	v1 =	vadd.f32 v3, v1;
	(pc) =	sbr.rel @p0 .LBB2_10-.Ltmp3, $4  }
0x234: {  	_ = 	snop  }
0x235: {  	v1 =	vmul.f32 v1, v2  }
0x236: {  	s3 =	sadd.s32 $0x4, s3  }
0x237: {  	s5 =	sadd.s32 $0x200, s5;
	s13 =	sadd.s32 $0x200, s13;
	[tilespmem:s16+$0xF0] =	vst v1;
	s16 =	sadd.s32 $0x200, s16  }
0x238: {  	s28 =	sadd.s32 $0x1, s28  }
0x239: {  	p0 =	sne.s32 s28, $0x5  }
.Ltmp4:
0x23a: {  	_ = 	snop;
	(pc) =	sbr.rel @p0 .LBB2_7-.Ltmp4, $3  }
0x23b: {  	_ =	sdelay $0x1  }
0x23c: {  	[spmem:s6] =	stream.indirect.scatter.add.f32 [tilespmem:s24], [sflag:$0x4], $0x80, s22, s15, $0xb8;
	[tilespmem:$0x1E900] =	vst v63  }
0x23d: {  	s12 =	sadd.s32 $0x50, s12  }
0x23e: {  	s29 =	sadd.s32 $0x1, s29  }
0x23f: {  	_ =	swait.ge [sflag:s25], $0x1400;
	p0 =	sne.s32 s29, $0x19  }
.Ltmp5:
0x240: {  	[sflag:s25] =	ssyncset.done $0x0;
	(pc) =	sbr.rel @p0 .LBB2_4-.Ltmp5, $4  }
0x241: {  	[sflag:s25] =	ssyncadd.s32 $0xFFFFEC00  }
0x242: {  	_ =	swait.ge [sflag:s26], $0x1400  }
0x243: {  	[sflag:s26] =	ssyncset.done $0x0  }
0x244: {  	[sflag:s26] =	ssyncadd.s32 $0xFFFFEC00  }
0x245: {  	s3 =	stileid.u32;
	[bflag:$0x0] =	sbarrier.arrive $0xFFFF  }
0x246: {  	s3 =	sshll.u32 s3, $0x6;
	s9 =	rddreg [dreg:$0xc]  }
0x247: {  	s11 =	rddreg [dreg:$0x17];
	s3 =	sor.u32 $0x1C05, s3;
	s5 =	sshrl.u32 s9, $0x3  }
0x248: {  	[hbm:s11], [sflag:s3] =	dma.local [spmem:s5], $0x2800  }
0x249: {  	_ =	swait.ge [sflag:s2], $0x2800  }
0x24a: {  	s29 =	rddreg [dreg:$0x1e]  }
0x24b: {  	s30 =	rddreg [dreg:$0x19];
	s5 =	sadd.s32 $0x1, s29  }
0x24c: {  	p0 =	sne.s32 s5, s30  }
.Ltmp6:
0x24d: {  	_ = 	snop;
	(pc) =	sbr.rel @p0 .LBB2_1-.Ltmp6, $3  }
0x24e: {  	_ =	sdelay $0x1  }
0x24f: {  	[sflag:s2] =	ssyncset.done $0x0  }
0x250: {  	[sflag:s2] =	ssyncadd.s32 $0xFFFFD800  }
0x251: {  	_ =	sfence.sel $0x180000  }
0x252: {  	[bflag:$0x0] =	sbarrier.arrive $0xFFFF  }
0x253: {  	_ =	strace $0x9000004D  }
0x254: {  	s0 =	stileid.u32;
	[bflag:$0x2] =	sbarrier.arrive $0xFFFF  }
0x255: {  	p0 =	sne.s32 s0, $0x0;
	s0 =	rddreg [dreg:$0x8]  }
0x256: {  	s0 =	sadd.s32 @!p0 $0x100000, s0  }
0x257: {  	[sflag:s0] =	ssyncadd.tile.s32 @!p0 $0x1;
	_ =	shalt  }
.Lfunc_end2:
_tile_overlayer_lowered:
.L_overlay_start_2:
0x258: {  	(tag) =	ssettag $0x2  }
0x259: {  	s0 =	rddreg [dreg:$0x0];
	s2 =	stileid.u32  }
0x25a: {  	s1 =	rddreg [dreg:$0x1];
	p0 =	sne.s32 s2, $0x0  }
0x25b: {  	s3 =	rddreg [dreg:$0x2];
	[bflag:$0x3] =	sbarrier.arrive $0xFFFF;
	s2 =	simm.s32 @!p0 $0x1C05  }
0x25c: {  	[timem:s3], [sflag:s2] =	dma.local @!p0 [hbm:s0], s1  }
0x25d: {  	s0 =	simm.s32 @!p0 $0x5  }
0x25e: {  	_ =	swait.ge @!p0 [sflag:s0], s1  }
0x25f: {  	s1 =	ssub.s32 @!p0 $0x0, s1;
	[sflag:s0] =	ssyncset.done @!p0 $0x0  }
0x260: {  	[sflag:s0] =	ssyncadd.s32 @!p0 s1  }
0x261: {  	[bflag:$0x3] =	sbarrier.arrive $0xFFFF  }
0x262: {  	_ =	shalt  }

// kernel: _sc_pipeline.7.cloned.1.call-start
scs
__scs_entry_jumppad:
0x0: {  	(pc) =	sbr.rel $0x88, $3  }
0x1: {  	(tag) =	ssettag $0x0;
	lr =	simm.s32 $0x1  }
0x2: {  	[smem:$0x3F9C] =	sst lr;
	_ =	strace $0xD0000000  }
0x3: {  	_ = 	snop  }
0x4: {  	_ = 	snop  }
0x5: {  	_ = 	snop  }
0x6: {  	_ = 	snop  }
0x7: {  	_ = 	snop  }
__scs_overlays_trampoline_lowered:
0x8: {  	[smem:$0x3FAB] =	sst s0  }
0x9: {  	[smem:$0x3FAC] =	sst s1  }
0xa: {  	[smem:$0x3FAD] =	sst s2  }
0xb: {  	[smem:$0x3FAE] =	sst s3  }
0xc: {  	[smem:$0x3FAF] =	sst s4  }
0xd: {  	[smem:$0x3FB0] =	sst s5  }
0xe: {  	[smem:$0x3FB1] =	sst s6  }
0xf: {  	[smem:$0x3FB2] =	sst s7  }
0x10: {  	[smem:$0x3FB3] =	sst s8  }
0x11: {  	[smem:$0x3FB4] =	sst s9;
	s0 =	simm.s32 @!p0 $0x0  }
0x12: {  	s1 =	sld [smem:$0x3F9A];
	s0 =	simm.s32 @p0 $0x1  }
0x13: {  	[smem:$0x3FB5] =	sst s0;
	s0 =	simm.s32 @!p1 $0x0  }
0x14: {  	s2 =	sld [smem:$0x3F99];
	s0 =	simm.s32 @p1 $0x1  }
0x15: {  	[smem:$0x3FB6] =	sst s0;
	s0 =	simm.s32 @!p2 $0x0  }
0x16: {  	s3 =	sld [smem:$0x3FDB];
	s0 =	simm.s32 @p2 $0x1  }
0x17: {  	s4 =	simm.s32 $0x1BF5;
	[smem:$0x3FB8] =	sst s0  }
0x18: {  	s0 =	sld [smem:$0x3F9B];
	_ =	swait.ge [sflag:s4], $0x0  }
0x19: {  	s7 =	sld [smem:$0x3F9C]  }
0x1a: {  	s8 =	sadd.s32 $0xFFFFE003, lr  }
0x1b: {  	s9 =	sadd.s32 $0xFFFFFEF7, lr;
	s5 =	simm.s32 $0xFFFFFFFF;
	p2 =	slt.u32 s8, $0xFFFFF086  }
0x1c: {  	p1 =	slt.u32 s9, $0xF7A;
	s5 =	simm.s32 @!p2 $0x0  }
0x1d: {  	s5 =	simm.s32 @p1 $0x1;
	p0 =	seq.s32 s7, s2  }
0x1e: {  	s7 =	smul.u32 @!p0 $0xF7A, s2;
	p2 =	seq.s32 @!p0 s5, $0x0  }
0x1f: {  	s9 =	smul.u32 $0xF7A, s1;
	s8 =	simm.s32 @!p0 $0x1BF5;
	p2 =	por !p2, p0  }
0x20: {  	[sflag:s8] =	ssyncset.s32 @!p0 $0xFFFFF086;
	s6 =	sadd.s32 @!p0 s3, s7;
	s7 =	simm.s32 @!p0 $0x108  }
0x21: {  	s3 =	sadd.s32 s3, s9;
	s6 =	sadd.s32 @!p0 $0x88, s6;
	s7 =	simm.s32 @p2 $0x1082  }
0x22: {  	[simem:s7], [sflag:s8] =	dma.local @!p0 [hbm:s6], $0xF7A  }
0x23: {  	s9 =	sor.u32 $0xD0000000, s2;
	s6 =	simm.s32 $0x108;
	_ =	swait.ge @!p0 [sflag:s8], $0x0  }
0x24: {  	s3 =	sadd.s32 $0x88, s3;
	s6 =	simm.s32 @!p1 $0x1082;
	[sflag:s4] =	ssyncset.s32 $0xFFFFF086  }
0x25: {  	[simem:s6], [sflag:s4] =	dma.local [hbm:s3], $0xF7A  }
0x26: {  	[smem:$0x3F9C] =	sst s1;
	(tag) =	ssettag s2;
	_ =	strace s9  }
0x27: {  	s1 =	sld [smem:$0x3FAC]  }
0x28: {  	s2 =	sld [smem:$0x3FAD]  }
0x29: {  	s4 =	sld [smem:$0x3FAF]  }
0x2a: {  	p0 =	seq.s32 s5, $0x0;
	s5 =	sld [smem:$0x3FB0]  }
0x2b: {  	s6 =	sld [smem:$0x3FB1]  }
0x2c: {  	s7 =	sld [smem:$0x3FB2]  }
0x2d: {  	s3 =	simm.s32 $0x108;
	s8 =	sld [smem:$0x3FB3]  }
0x2e: {  	s3 =	simm.s32 @!p0 $0x1082;
	s9 =	sld [smem:$0x3FB4]  }
0x2f: {  	lr =	sadd.s32 s0, s3;
	s0 =	sld [smem:$0x3FAB]  }
0x30: {  	s3 =	sld [smem:$0x3FAE]  }
0x31: {  	[smem:$0x3FB7] =	sst s10  }
0x32: {  	s10 =	sld [smem:$0x3FB5];
	_ =	sdelay $0x3  }
0x33: {  	p0 =	seq.s32 s10, $0x1;
	s10 =	sld [smem:$0x3FB7];
	_ =	sdelay $0x3  }
0x34: {  	[smem:$0x3FB7] =	sst s10  }
0x35: {  	s10 =	sld [smem:$0x3FB6];
	_ =	sdelay $0x3  }
0x36: {  	p1 =	seq.s32 s10, $0x1;
	s10 =	sld [smem:$0x3FB7];
	_ =	sdelay $0x3  }
0x37: {  	[smem:$0x3FB7] =	sst s10  }
0x38: {  	s10 =	sld [smem:$0x3FB8]  }
0x39: {  	_ = 	snop;
	(pc) =	sbr.ind lr, $3  }
0x3a: {  	_ = 	snop  }
0x3b: {  	_ = 	snop  }
0x3c: {  	p2 =	seq.s32 s10, $0x1;
	s10 =	sld [smem:$0x3FB7]  }
0x3d: {  	_ =	shalt  }
0x3e: {  	_ =	shalt  }
0x3f: {  	_ =	shalt  }
0x40: {  	_ =	shalt  }
0x41: {  	_ =	shalt  }
0x42: {  	_ =	shalt  }
0x43: {  	_ =	shalt  }
0x44: {  	_ =	shalt  }
0x45: {  	_ =	shalt  }
0x46: {  	_ =	shalt  }
0x47: {  	_ =	shalt  }
0x48: {  	_ =	shalt  }
0x49: {  	_ =	shalt  }
0x4a: {  	_ =	shalt  }
0x4b: {  	_ =	shalt  }
0x4c: {  	_ =	shalt  }
0x4d: {  	_ =	shalt  }
0x4e: {  	_ =	shalt  }
0x4f: {  	_ =	shalt  }
0x50: {  	_ =	shalt  }
0x51: {  	_ =	shalt  }
0x52: {  	_ =	shalt  }
0x53: {  	_ =	shalt  }
0x54: {  	_ =	shalt  }
0x55: {  	_ =	shalt  }
0x56: {  	_ =	shalt  }
0x57: {  	_ =	shalt  }
0x58: {  	_ =	shalt  }
0x59: {  	_ =	shalt  }
0x5a: {  	_ =	shalt  }
0x5b: {  	_ =	shalt  }
0x5c: {  	_ =	shalt  }
0x5d: {  	_ =	shalt  }
0x5e: {  	_ =	shalt  }
0x5f: {  	_ =	shalt  }
0x60: {  	_ =	shalt  }
0x61: {  	_ =	shalt  }
0x62: {  	_ =	shalt  }
0x63: {  	_ =	shalt  }
0x64: {  	_ =	shalt  }
0x65: {  	_ =	shalt  }
0x66: {  	_ =	shalt  }
0x67: {  	_ =	shalt  }
0x68: {  	_ =	shalt  }
0x69: {  	_ =	shalt  }
0x6a: {  	_ =	shalt  }
0x6b: {  	_ =	shalt  }
0x6c: {  	_ =	shalt  }
0x6d: {  	_ =	shalt  }
0x6e: {  	_ =	shalt  }
0x6f: {  	_ =	shalt  }
0x70: {  	_ =	shalt  }
0x71: {  	_ =	shalt  }
0x72: {  	_ =	shalt  }
0x73: {  	_ =	shalt  }
0x74: {  	_ =	shalt  }
0x75: {  	_ =	shalt  }
0x76: {  	_ =	shalt  }
0x77: {  	_ =	shalt  }
0x78: {  	_ =	shalt  }
0x79: {  	_ =	shalt  }
0x7a: {  	_ =	shalt  }
0x7b: {  	_ =	shalt  }
0x7c: {  	_ =	shalt  }
0x7d: {  	_ =	shalt  }
0x7e: {  	_ =	shalt  }
0x7f: {  	_ =	shalt  }
0x80: {  	_ =	shalt  }
0x81: {  	_ =	shalt  }
0x82: {  	_ =	shalt  }
0x83: {  	_ =	shalt  }
0x84: {  	_ =	shalt  }
0x85: {  	_ =	shalt  }
0x86: {  	_ =	shalt  }
0x87: {  	_ =	shalt  }
.Lfunc_end0:
.L_simem_size_0:
called_computation_lowered:
.L_overlay_start_0:
0x88: {  	s2 =	sld [smem:$0x3FD9]  }
0x89: {  	s3 =	sld [smem:$0x3FFE];
	_ =	sdelay $0x1  }
0x8a: {  	s1 =	srdreg.scid  }
0x8b: {  	s0 =	sand.u32 $0x1, s1  }
0x8c: {  	s17 =	sshll.u32 s0, $0xA;
	s2 =	sadd.s32 s3, s2  }
0x8d: {  	s2 =	sadd.s32 s2, s17  }
0x8e: {  	[smem:$0x3FC3] =	sst s2  }
0x8f: {  	_ = 	snop  }
0x90: {  	s2 =	sld [smem:$0x3FC9]  }
0x91: {  	s18 =	sld [smem:$0x3FC8]  }
0x92: {  	s4 =	sld [smem:$0x3FC7]  }
0x93: {  	s5 =	sld [smem:$0x3FC6]  }
0x94: {  	s6 =	sld [smem:$0x3FC5]  }
0x95: {  	s7 =	sld [smem:$0x3FD0];
	(tm) =	ssettm $0x1  }
0x96: {  	s8 =	sld [smem:$0x3FFB];
	_ =	sdelay $0x3  }
0x97: {  	_ =	strace s8  }
0x98: {  	s8 =	sld [smem:$0x3FFC];
	_ =	sdelay $0x3  }
0x99: {  	_ =	strace s8  }
0x9a: {  	s8 =	sld [smem:$0x3FFD];
	_ =	sdelay $0x3  }
0x9b: {  	_ =	strace s8  }
0x9c: {  	_ =	strace $0x8FFFFFFF  }
0x9d: {  	s19 =	sld [smem:$0x3FDB];
	_ =	sdelay $0x1  }
0x9e: {  	s9 =	simm.s32 $_scs_section_size  }
0x9f: {  	s10 =	simm.s32 $_size__tile_overlayer_lowered;
	s11 =	simm.s32 $_tile_overlayer_lowered  }
0xa0: {  	s22 =	simm.s32 $0x1BFF;
	s21 =	sshll.u32 s11, $0x1;
	s8 =	sadd.s32 s9, s19  }
0xa1: {  	s12 =	simm.s32 $0x0;
	s20 =	sshll.u32 s10, $0x1;
	s10 =	sadd.s32 s21, s8  }
0xa2: {  	[timem:s12], [sflag:s22] =	dma.local [hbm:s10], s20  }
0xa3: {  	_ =	swait.ge [sflag:s22], s20  }
0xa4: {  	s9 =	ssub.s32 $0x0, s20;
	[sflag:s22] =	ssyncset.done $0x0  }
0xa5: {  	[sflag:s22] =	ssyncadd.s32 s9;
	_ =	sdelay $0x1  }
0xa6: {  	s23 =	simm.s32 $0x1B8B  }
0xa7: {  	_ =	swait.ge [sflag:s23], $0x1  }
0xa8: {  	[sflag:s23] =	ssyncset.done $0x0  }
0xa9: {  	s25 =	simm.s32 $0x1B8E;
	s24 =	sld [smem:$0x3FFE];
	[sflag:s23] =	ssyncadd.s32 $0xFFFFFFFF  }
0xaa: {  	s26 =	simm.s32 $execute0_lowered;
	[smem:$0x3FD2] =	sst s25  }
0xab: {  	s10 =	sshll.u32 s26, $0x1;
	_ =	strace $0x80000046;
	[dreg:$0x1] =	wrdreg $0xFFFFFFFF  }
0xac: {  	s28 =	simm.s32 $_size_execute0_lowered;
	s8 =	sadd.s32 s8, s10;
	[dreg:$0x0] =	wrdreg $0x0  }
0xad: {  	s10 =	sshll.u32 s28, $0x1;
	[dreg:$0x2] =	wrdreg s8  }
0xae: {  	[dreg:$0x3] =	wrdreg s10  }
0xaf: {  	[dreg:$0x4] =	wrdreg $0xC0  }
0xb0: {  	_ =	task [dreg:s12], $0x5FFFF  }
0xb1: {  	[dreg:$0x1] =	wrdreg $0xFFFFFFFF  }
0xb2: {  	[dreg:$0x0] =	wrdreg $0x60  }
0xb3: {  	[dreg:$0x2] =	wrdreg s2  }
0xb4: {  	[dreg:$0x3] =	wrdreg s18  }
0xb5: {  	[dreg:$0x4] =	wrdreg s4  }
0xb6: {  	[dreg:$0x5] =	wrdreg s5  }
0xb7: {  	[dreg:$0x6] =	wrdreg s6  }
0xb8: {  	[dreg:$0x7] =	wrdreg s24  }
0xb9: {  	[dreg:$0x8] =	wrdreg s7  }
0xba: {  	[dreg:$0x9] =	wrdreg $0x9  }
0xbb: {  	_ =	task.clear_ibuf [dreg:s12], $0xAFFFF;
	_ =	strace $0x90000046  }
0xbc: {  	s29 =	simm.s32 $0x9;
	_ =	strace $0x80000048  }
0xbd: {  	_ =	swait.ge [sflag:s29], $0x1  }
0xbe: {  	[sflag:s29] =	ssyncadd.s32 $0xFFFFFFFF  }
0xbf: {  	_ =	strace $0x90000048  }
0xc0: {  	_ =	sfence  }
0xc1: {  	s30 =	sld [smem:$0x0];
	_ =	sdelay $0x2  }
0xc2: {  	s31 =	sshll.u32 s1, $0xD;
	s1 =	sshrl.u32 s1, $0x2  }
0xc3: {  	s3 =	sand.u32 $0x4000, s31;
	s1 =	sadd.s32 s1, s30  }
0xc4: {  	s0 =	sor.u32 s3, s0;
	s1 =	sshll.u32 s1, $0x11  }
0xc5: {  	s0 =	sor.u32 s1, s0  }
0xc6: {  	s0 =	sadd.s32 $0x8F2B, s0  }
0xc7: {  	[sflag:s0] =	ssyncadd.remote.s32 $0x1  }
0xc8: {  	_ =	sfence.sel $0xFFFF  }
0xc9: {  	[dreg:$0x0] =	wrdreg $0xFFFFFFFF;
	(pc) =	sbr.abs _section_cstart, $3  }
0xca: {  	[dreg:$0x1] =	wrdreg $0xFFFFFFFF  }
0xcb: {  	_ =	task.clear_ibuf [dreg:s12], $0x2FFFF;
	_ =	strace $0x9FFFFFFF  }
0xcc: {  	(tm) =	ssettm $0x7FFFFFFF  }
0xcd: {  	_ =	shalt  }
tec
execute0_lowered:
.L_overlay_start_1:
0x0: {  	(tag) =	ssettag $0x1  }
0x1: {  	s0 =	rddreg [dreg:$0x0]  }
0x2: {  	s1 =	rddreg [dreg:$0x1]  }
0x3: {  	s2 =	rddreg [dreg:$0x2]  }
0x4: {  	s3 =	rddreg [dreg:$0x3]  }
0x5: {  	v0 =	vimm.s32 $0xEDCBA987;
	v1 =	vimm.s32 $0x65432100;
	s5 =	rddreg [dreg:$0x4]  }
0x6: {  	s6 =	rddreg [dreg:$0x5];
	s4 =	srdreg.scid;
	v3 =	vimm.s32 $0x54321000;
	v4 =	vimm.s32 $0xDCBA9876;
	v5 =	vimm.s32 $0xBA987654  }
0x7: {  	s11 =	stileid.u32;
	s9 =	rddreg [dreg:$0x6];
	v6 =	vimm.s32 $0xE40000;
	v8 =	vimm.s32 $0x7060504;
	v61 =	vimm.s32 $0xFFEDCBA9  }
0x8: {  	v7 =	vimm.s32 $0x32100000;
	v62 =	vimm.s32 $0x87654321;
	s14 =	simm.s32 $0x50;
	s15 =	simm.s32 $0xC600;
	s16 =	simm.s32 $0xEE00  }
0x9: {  	s17 =	simm.s32 $0x11600;
	s18 =	simm.s32 $0x1;
	s19 =	simm.s32 $0x13E00;
	v0 =	vunpack.c.l.s4.s8 v0;
	v1 =	vunpack.c.l.s4.s8 v1;
	v4 =	vunpack.c.l.s4.s8 v4  }
0xa: {  	s20 =	simm.s32 $0x16600;
	s21 =	simm.s32 $0x18E00;
	s22 =	simm.s32 $0x2;
	v5 =	vunpack.c.l.s4.s8 v5;
	v6 =	vunpack.c.l.s2.s4 v6;
	v3 =	vunpack.c.l.s4.s8 v3  }
0xb: {  	s23 =	simm.s32 $0x9E00;
	s28 =	simm.s32 $0x0;
	s29 =	simm.s32 $0x0;
	v7 =	vunpack.c.l.s4.s8 v7;
	v60 =	vunpack.c.0.s8.s32 v8;
	v63 =	vunpack.c.l.s4.s8 v61  }
0xc: {  	s7 =	sand.u32 $0x1, s4;
	s8 =	sshll.u32 s11, $0x1;
	s11 =	sshrl.u32 s11, $0x2;
	v2 =	vunpack.c.0.s8.s32 v0;
	v1 =	vunpack.c.0.s8.s32 v1;
	v4 =	vunpack.c.0.s8.s32 v4  }
0xd: {  	s4 =	simm.s32 $0x0;
	s8 =	sor.u32 s7, s8;
	s11 =	smul.u32 $0x14000, s11;
	v57 =	vunpack.c.l.s4.s8 v6;
	v58 =	vunpack.c.0.s8.s32 v7;
	v7 =	vunpack.c.l.s4.s8 v62  }
0xe: {  	[smem:$0x7FF] =	sst s4;
	s7 =	ssub.s32 $0x2, s7;
	s10 =	smul.u32 $0x4E2, s8;
	v3 =	vunpack.c.0.s8.s32 v3;
	v8 =	vunpack.c.0.s8.s32 v63;
	v2 =	vand.u32 $0xF, v2  }
0xf: {  	s8 =	sshll.u32 s8, $0x7;
	_ =	strace $0x80000047;
	s12 =	sshrl.u32 s7, $0x1;
	v4 =	vand.u32 $0xF, v4;
	v7 =	vunpack.c.0.s8.s32 v7;
	v9 =	vcombine.low v1, v2  }
0x10: {  	s8 =	sand.u32 $0x380, s8;
	s12 =	ssub.s32 s7, s12;
	s13 =	sadd.s32 s10, s6;
	v2 =	vunpack.c.0.s8.s32 v5;
	v5 =	vunpack.c.0.s8.s32 v57;
	v10 =	vcombine.low v3, v4  }
0x11: {  	s24 =	sor.u32 s11, s8;
	s2 =	sadd.s32 s2, s10;
	s25 =	sadd.s32 s3, s10;
	v8 =	vcombine.low v7, v8;
	[tilespmem:$0x1FFB0] =	vst v9  }
0x12: {  	vm1 =	vcmask $0x3F30;
	s30 =	sadd.s32 s5, s10;
	s10 =	smax.u32 s12, $0x1;
	[dreg:$0x8] =	wrdreg s2;
	v59 =	vand.u32 $0xF, v2;
	v5 =	vand.u32 $0x3, v5;
	[tilespmem:$0x1FFC0] =	vst v10  }
0x13: {  	vm0 =	vmmov $0x1;
	s11 =	simm.s32 $0x3;
	s5 =	simm.s32 $0x2780;
	[dreg:$0x9] =	wrdreg s25;
	v11 =	vcombine.low v58, v59;
	v6 =	vsel vm1, v60, v5;
	[tilespmem:$0x1FFF0] =	vst v8  }
0x14: {  	vm2 =	vcmask $0x3F08;
	vm3 =	vcmask $0x3F10;
	vm4 =	vcmask $0x3F20;
	s26 =	sshrl.u32 s24, $0x3;
	[dreg:$0xa] =	wrdreg s30;
	s31 =	sadd.s32 $0x1C00, s13;
	[tilespmem:$0x1FFE0] =	vst v6  }
0x15: {  	vm5 =	vcmask $0x3F3C;
	v0 =	vimm.f32 $-Inf;
	s6 =	simm.s32 $0x4F00;
	[dreg:$0xb] =	wrdreg s31;
	s9 =	sadd.s32 s9, s26;
	vm1 =	vcmask $0x3F04;
	[tilespmem:$0x1FFD0] =	vst v11  }
.LBB2_1:
0x16: {  	s2 =	rddreg [dreg:$0x8]  }
0x17: {  	[tilespmem:s4], [sflag:$0x3] =	stream.linear.gather [hbm4b:s2+s4], $0x2710, $0x38;
	[tilespmem:$0x1B600] =	vst v63  }
0x18: {  	_ =	swait.ge [sflag:s11], $0x2710  }
0x19: {  	[sflag:s11] =	ssyncset.done $0x0  }
0x1a: {  	s30 =	rddreg [dreg:$0x9];
	[sflag:s11] =	ssyncadd.s32 $0xFFFFD8F0  }
0x1b: {  	[tilespmem:s5], [sflag:$0x3] =	stream.linear.gather [hbm4b:s30+s4], $0x2710, $0x38;
	[tilespmem:$0x1B600] =	vst v63  }
0x1c: {  	_ =	swait.ge [sflag:s11], $0x2710  }
0x1d: {  	[sflag:s11] =	ssyncset.done $0x0  }
0x1e: {  	s31 =	rddreg [dreg:$0xa];
	[sflag:s11] =	ssyncadd.s32 $0xFFFFD8F0  }
0x1f: {  	[tilespmem:s6], [sflag:$0x3] =	stream.linear.gather [hbm4b:s31+s4], $0x2710, $0x38;
	[tilespmem:$0x1B600] =	vst v63  }
0x20: {  	_ =	swait.ge [sflag:s11], $0x2710  }
0x21: {  	[sflag:s11] =	ssyncset.done $0x0  }
0x22: {  	s2 =	simm.s32 $0x9E40;
	[sflag:s11] =	ssyncadd.s32 $0xFFFFD8F0  }
0x23: {  	[tilespmem:s2+$0xFFFFFFC0] =	vst v0  }
0x24: {  	[tilespmem:s2+$0x30] =	vst v0  }
0x25: {  	[tilespmem:s2+$0x20] =	vst v0  }
0x26: {  	[tilespmem:s2+$0x10] =	vst v0  }
0x27: {  	[tilespmem:s2+$0x0] =	vst v0  }
0x28: {  	[tilespmem:s2+$0xFFFFFFF0] =	vst v0  }
0x29: {  	s3 =	simm.s32 $0x0;
	[tilespmem:s2+$0xFFFFFFE0] =	vst v0  }
.LBB2_2:
0x2a: {  	s3 =	sadd.s32 $0x8, s3;
	[tilespmem:s2+$0xFFFFFFD0] =	vst v0;
	s2 =	sadd.s32 $0x80, s2  }
0x2b: {  	[tilespmem:s2+$0xFFFFFFC0] =	vst v0;
	p0 =	slt.u32 s3, $0x278  }
0x2c: {  	[tilespmem:s2+$0x30] =	vst v0  }
.Ltmp0:
0x2d: {  	[tilespmem:s2+$0x20] =	vst v0;
	(pc) =	sbr.rel @p0 .LBB2_2-.Ltmp0, $4  }
0x2e: {  	[tilespmem:s2+$0x10] =	vst v0  }
0x2f: {  	[tilespmem:s2+$0x0] =	vst v0  }
0x30: {  	[tilespmem:s2+$0xFFFFFFF0] =	vst v0  }
0x31: {  	[tilespmem:s2+$0xFFFFFFE0] =	vst v0  }
0x32: {  	[tilespmem:s2+$0xFFFFFFD0] =	vst v0  }
0x33: {  	[tilespmem:s15], [sflag:$0x1] =	stream.indirect.gather [hbm4b:s0+s14], $0x80, s29, s14, $0xb8;
	[tilespmem:$0x1B600] =	vst v63  }
0x34: {  	_ = 	snop  }
0x35: {  	[tilespmem:s16], [sflag:$0x1] =	stream.indirect.gather [hbm4b:s1+s14], $0x80, s6, s14, $0xb8;
	[tilespmem:$0x1B600] =	vst v63  }
0x36: {  	s13 =	simm.s32 $0x7674;
	s31 =	simm.s32 $0x76C4;
	s3 =	simm.s32 $0x0  }
0x37: {  	[tilespmem:s17], [sflag:$0x1] =	stream.indirect.gather [hbm4b:s0+s14], $0x80, s5, s14, $0xb8;
	[tilespmem:$0x1B600] =	vst v63  }
.LBB2_4:
0x38: {  	_ =	swait.ge [sflag:s18], $0x2800  }
0x39: {  	[sflag:s18] =	ssyncset.done $0x0  }
0x3a: {  	[sflag:s18] =	ssyncadd.s32 $0xFFFFD800  }
0x3b: {  	_ =	swait.ge [sflag:s18], $0x2800  }
0x3c: {  	[sflag:s18] =	ssyncset.done $0x0  }
0x3d: {  	[sflag:s18] =	ssyncadd.s32 $0xFFFFD800  }
0x3e: {  	s2 =	smul.u32 $0xA0, s3;
	_ =	swait.ge [sflag:s18], $0x2800  }
0x3f: {  	[sflag:s18] =	ssyncset.done $0x0  }
0x40: {  	s5 =	sadd.s32 $0x50, s2;
	[sflag:s18] =	ssyncadd.s32 $0xFFFFD800  }
0x41: {  	[tilespmem:s19], [sflag:$0x2] =	stream.indirect.gather [hbm4b:s0+s14], $0x80, s5, s14, $0xb8;
	[tilespmem:$0x1B600] =	vst v63  }
0x42: {  	s25 =	sadd.s32 $0x4F50, s2  }
0x43: {  	[tilespmem:s20], [sflag:$0x2] =	stream.indirect.gather [hbm4b:s1+s14], $0x80, s25, s14, $0xb8;
	[tilespmem:$0x1B600] =	vst v63  }
0x44: {  	s6 =	simm.s32 $0x11700;
	s26 =	sadd.s32 $0x27D0, s2  }
0x45: {  	[tilespmem:s21], [sflag:$0x2] =	stream.indirect.gather [hbm4b:s0+s14], $0x80, s26, s14, $0xb8;
	[tilespmem:$0x1B600] =	vst v63  }
0x46: {  	v16 =	vld [tilespmem:s6+$0x80]  }
0x47: {  	v15 =	vld [tilespmem:s6+$0x90]  }
0x48: {  	v18 =	vld [tilespmem:s6+$0xA0]  }
0x49: {  	v17 =	vld [tilespmem:s6+$0xB0]  }
0x4a: {  	v19 =	vld [tilespmem:s6+$0x0]  }
0x4b: {  	v34 =	vld [tilespmem:s6+$0x10]  }
0x4c: {  	v36 =	vld [tilespmem:s6+$0x20]  }
0x4d: {  	v38 =	vld [tilespmem:s6+$0x30]  }
0x4e: {  	v39 =	vld [tilespmem:s6+$0x40]  }
0x4f: {  	v41 =	vld [tilespmem:s6+$0x50]  }
0x50: {  	v61 =	vld [tilespmem:s6+$0x60]  }
0x51: {  	s24 =	simm.s32 $0xC700;
	v60 =	vld [tilespmem:s6+$0x70]  }
0x52: {  	s25 =	simm.s32 $0xEF00;
	v20 =	vld [tilespmem:s24+$0x80]  }
0x53: {  	v21 =	vld [tilespmem:s25+$0x80]  }
0x54: {  	v22 =	vld [tilespmem:s24+$0x90]  }
0x55: {  	v23 =	vld [tilespmem:s25+$0x90]  }
0x56: {  	v24 =	vld [tilespmem:s24+$0xA0]  }
0x57: {  	v25 =	vld [tilespmem:s25+$0xA0]  }
0x58: {  	v26 =	vld [tilespmem:s24+$0xB0]  }
0x59: {  	v27 =	vld [tilespmem:s25+$0xB0]  }
0x5a: {  	v28 =	vld [tilespmem:s24+$0xC0]  }
0x5b: {  	v29 =	vld [tilespmem:s25+$0xC0]  }
0x5c: {  	v30 =	vld [tilespmem:s24+$0xD0]  }
0x5d: {  	v31 =	vld [tilespmem:s25+$0xD0]  }
0x5e: {  	v32 =	vld [tilespmem:s24+$0xE0]  }
0x5f: {  	v33 =	vld [tilespmem:s25+$0xE0]  }
0x60: {  	v37 =	vld [tilespmem:s24+$0xF0]  }
0x61: {  	v35 =	vld [tilespmem:s25+$0xF0]  }
0x62: {  	v40 =	vld [tilespmem:s6+$0xFFFFFF80]  }
0x63: {  	v63 =	vld [tilespmem:s6+$0xFFFFFF90]  }
0x64: {  	v62 =	vld [tilespmem:s6+$0xFFFFFFA0]  }
0x65: {  	v0 =	vld [tilespmem:s6+$0xFFFFFFB0]  }
0x66: {  	v11 =	vld [tilespmem:s6+$0xFFFFFFC0]  }
0x67: {  	v4 =	vld [tilespmem:s6+$0xFFFFFFD0]  }
0x68: {  	v1 =	vld [tilespmem:s6+$0xFFFFFFE0]  }
0x69: {  	v44 =	vld [tilespmem:s24+$0x0]  }
0x6a: {  	v45 =	vld [tilespmem:s25+$0x0]  }
0x6b: {  	v46 =	vld [tilespmem:s24+$0x10]  }
0x6c: {  	v47 =	vld [tilespmem:s25+$0x10]  }
0x6d: {  	v48 =	vld [tilespmem:s24+$0x20]  }
0x6e: {  	v49 =	vld [tilespmem:s25+$0x20]  }
0x6f: {  	v50 =	vld [tilespmem:s24+$0x30]  }
0x70: {  	v51 =	vld [tilespmem:s25+$0x30]  }
0x71: {  	v52 =	vld [tilespmem:s24+$0x40]  }
0x72: {  	v53 =	vld [tilespmem:s25+$0x40]  }
0x73: {  	v54 =	vld [tilespmem:s24+$0x50]  }
0x74: {  	v55 =	vld [tilespmem:s25+$0x50]  }
0x75: {  	v56 =	vld [tilespmem:s24+$0x60]  }
0x76: {  	v57 =	vld [tilespmem:s25+$0x60]  }
0x77: {  	v58 =	vld [tilespmem:s24+$0x70]  }
0x78: {  	v59 =	vld [tilespmem:s25+$0x70]  }
0x79: {  	v2 =	vld [tilespmem:s6+$0xFFFFFF00]  }
0x7a: {  	v42 =	vld [tilespmem:s6+$0xFFFFFF10]  }
0x7b: {  	v43 =	vld [tilespmem:s6+$0xFFFFFF20]  }
0x7c: {  	v5 =	vld [tilespmem:s6+$0xFFFFFF30]  }
0x7d: {  	v3 =	vld [tilespmem:s6+$0xFFFFFF50]  }
0x7e: {  	v9 =	vld [tilespmem:s24+$0xFFFFFF80]  }
0x7f: {  	v7 =	vld [tilespmem:s25+$0xFFFFFF80]  }
0x80: {  	v8 =	vld [tilespmem:s24+$0xFFFFFFA0]  }
0x81: {  	v6 =	vld [tilespmem:s25+$0xFFFFFFA0]  }
0x82: {  	v13 =	vld [tilespmem:s24+$0xFFFFFFB0]  }
0x83: {  	v10 =	vld [tilespmem:s25+$0xFFFFFFB0]  }
0x84: {  	v12 =	vld [tilespmem:s24+$0xFFFFFFC0]  }
0x85: {  	v14 =	vld [tilespmem:s24+$0xFFFFFFD0]  }
0x86: {  	[tilespmem:$0x1FF60] =	vst v0;
	v0 =	vld [tilespmem:s6+$0xFFFFFFF0]  }
0x87: {  	[tilespmem:$0x1FF80] =	vst v2;
	v2 =	vld [tilespmem:s6+$0xFFFFFF40]  }
0x88: {  	[tilespmem:$0x1FF90] =	vst v42;
	v42 =	vld [tilespmem:s24+$0xFFFFFF90]  }
0x89: {  	[tilespmem:$0x1FFA0] =	vst v43;
	v43 =	vld [tilespmem:s25+$0xFFFFFF90]  }
0x8a: {  	[tilespmem:$0x1FF70] =	vst v11;
	v11 =	vld [tilespmem:s25+$0xFFFFFFC0]  }
0x8b: {  	v20 =	vadd.f32 v21, v20;
	v21 =	vadd.f32 v23, v22;
	v22 =	vld [tilespmem:s25+$0xFFFFFFD0]  }
0x8c: {  	v23 =	vadd.f32 v25, v24;
	v25 =	vld [tilespmem:s24+$0xFFFFFFE0]  }
0x8d: {  	v55 =	vadd.f32 v55, v54;
	v54 =	vld [tilespmem:s24+$0xFFFFFF40]  }
0x8e: {  	v57 =	vadd.f32 v57, v56;
	v56 =	vld [tilespmem:s25+$0xFFFFFF40]  }
0x8f: {  	v47 =	vadd.f32 v47, v46;
	v46 =	vadd.f32 v59, v58;
	v58 =	vld [tilespmem:s24+$0xFFFFFF50]  }
0x90: {  	v10 =	vadd.f32 v10, v13;
	v13 =	vld [tilespmem:s25+$0xFFFFFF50]  }
0x91: {  	v59 =	vld [tilespmem:s24+$0xFFFFFF60]  }
0x92: {  	v16 =	vmul.f32 v16, v20;
	v20 =	vld [tilespmem:s25+$0xFFFFFFE0]  }
0x93: {  	v24 =	vadd.f32 v27, v26;
	v15 =	vmul.f32 v15, v21;
	v21 =	vld [tilespmem:s24+$0xFFFFFFF0]  }
0x94: {  	v49 =	vadd.f32 v49, v48;
	v18 =	vmul.f32 v18, v23;
	v23 =	vld [tilespmem:s25+$0xFFFFFFF0]  }
0x95: {  	v51 =	vadd.f32 v51, v50;
	v17 =	vmul.f32 v17, v24;
	v24 =	vld [tilespmem:s25+$0xFFFFFF00]  }
0x96: {  	v53 =	vadd.f32 v53, v52;
	v26 =	vmul.f32 v36, v49;
	v49 =	vld [tilespmem:s25+$0xFFFFFF20]  }
0x97: {  	v27 =	vadd.f32 v29, v28;
	v28 =	vmul.f32 v38, v51;
	v51 =	vld [tilespmem:s24+$0xFFFFFF30]  }
0x98: {  	v29 =	vmul.f32 v39, v53;
	v53 =	vld [tilespmem:s25+$0xFFFFFF30]  }
0x99: {  	v6 =	vadd.f32 v6, v8;
	v38 =	vmul.f32 v60, v46;
	v60 =	vld [tilespmem:$0x1FF60]  }
0x9a: {  	v48 =	vmul.f32 v61, v57;
	v61 =	vld [tilespmem:s25+$0xFFFFFF60]  }
0x9b: {  	v45 =	vadd.f32 v45, v44;
	v30 =	vadd.f32 v31, v30;
	v6 =	vmul.f32 v62, v6;
	v62 =	vld [tilespmem:$0x1FF70]  }
0x9c: {  	v7 =	vadd.f32 v7, v9;
	v36 =	vmul.f32 v41, v55;
	v55 =	vadd.f32 v35, v37;
	v35 =	vld [tilespmem:s25+$0xFFFFFF70]  }
0x9d: {  	v52 =	vadd.f32 v33, v32;
	v37 =	vld [tilespmem:s6+$0xFFFFFF60];
	v15 =	vadd.f32 v15, v16  }
0x9e: {  	v7 =	vmul.f32 v40, v7;
	v39 =	vld [tilespmem:$0x1FF80];
	v17 =	vadd.f32 v17, v18;
	v50 =	vadd.f32 v28, v26  }
0x9f: {  	v40 =	vld [tilespmem:$0x1FF90];
	v16 =	vmul.f32 v19, v45;
	v29 =	vadd.f32 v36, v29;
	v31 =	vadd.f32 v38, v48  }
0xa0: {  	v41 =	vld [tilespmem:s6+$0xC0];
	v18 =	vmul.f32 v34, v47;
	v57 =	vadd.f32 v43, v42;
	v11 =	vadd.f32 v11, v12  }
0xa1: {  	v19 =	vld [tilespmem:s24+$0xFFFFFF00];
	v14 =	vadd.f32 v22, v14;
	v9 =	vadd.f32 v56, v54  }
0xa2: {  	v34 =	vld [tilespmem:s24+$0xFFFFFF10];
	v8 =	vadd.f32 v13, v58;
	v16 =	vadd.f32 v18, v16;
	v12 =	vmul.f32 v63, v57  }
0xa3: {  	v45 =	vld [tilespmem:s25+$0xFFFFFF10];
	v29 =	vadd.f32 v31, v29;
	v10 =	vmul.f32 v60, v10;
	v11 =	vmul.f32 v62, v11  }
0xa4: {  	v47 =	vld [tilespmem:s24+$0xFFFFFF20];
	v20 =	vadd.f32 v20, v25;
	v21 =	vadd.f32 v23, v21;
	v14 =	vmul.f32 v4, v14  }
0xa5: {  	v63 =	vld [tilespmem:s24+$0xFFFFFF70];
	v26 =	vadd.f32 v53, v51;
	v22 =	vadd.f32 v61, v59;
	v9 =	vmul.f32 v2, v9  }
0xa6: {  	v38 =	vld [tilespmem:s6+$0xFFFFFF70];
	v8 =	vmul.f32 v3, v8;
	v16 =	vadd.f32 v50, v16;
	v7 =	vadd.f32 v12, v7  }
0xa7: {  	v42 =	vld [tilespmem:$0x1FFA0];
	v6 =	vadd.f32 v10, v6;
	v12 =	vmul.f32 v1, v20;
	v19 =	vadd.f32 v24, v19  }
0xa8: {  	v13 =	vld [tilespmem:s6+$0xD0];
	v36 =	vadd.f32 v45, v34;
	v21 =	vmul.f32 v0, v21;
	v11 =	vadd.f32 v14, v11  }
0xa9: {  	v44 =	vld [tilespmem:s6+$0xE0];
	v14 =	vadd.f32 v49, v47;
	v43 =	vmul.f32 v5, v26;
	v46 =	vmul.f32 v37, v22  }
0xaa: {  	v45 =	vld [tilespmem:s6+$0xF0];
	v47 =	vmul.f32 v41, v27;
	v8 =	vadd.f32 v8, v9;
	v10 =	vadd.f32 v35, v63  }
0xab: {  	v16 =	vadd.f32 v29, v16;
	v19 =	vmul.f32 v39, v19;
	v20 =	vmul.f32 v40, v36  }
0xac: {  	v14 =	vmul.f32 v42, v14;
	v12 =	vadd.f32 v21, v12;
	v10 =	vmul.f32 v38, v10  }
0xad: {  	v49 =	vmul.f32 v13, v30;
	v6 =	vadd.f32 v6, v7;
	v19 =	vadd.f32 v20, v19  }
0xae: {  	v50 =	vmul.f32 v44, v52;
	v14 =	vadd.f32 v43, v14;
	v7 =	vadd.f32 v10, v46  }
0xaf: {  	v51 =	vadd.f32 v49, v47;
	v48 =	vadd.f32 v12, v11;
	v12 =	vmul.f32 v45, v55  }
0xb0: {  	v13 =	vadd.f32 v14, v19;
	v7 =	vadd.f32 v7, v8  }
0xb1: {  	v6 =	vadd.f32 v48, v6;
	v52 =	vadd.f32 v12, v50  }
0xb2: {  	(xrf2) =	vadd.scan.msk.f32 $0xffff, v16;
	v7 =	vadd.f32 v7, v13  }
0xb3: {  	v53 =	vadd.f32 v17, v15;
	(xrf2) =	vadd.scan.msk.f32 $0xffff, v6;
	v8 =	vadd.f32 v52, v51  }
0xb4: {  	(xrf2) =	vadd.scan.msk.f32 $0xffff, v7  }
0xb5: {  	v6 =	vadd.f32 v8, v53;
	_ =	sdelay $0x1  }
0xb6: {  	(xrf2) =	vadd.scan.msk.f32 $0xffff, v6;
	_ =	sdelay $0x4  }
0xb7: {  	v54, _, _ =	vpop (xrf2)  }
0xb8: {  	s7 =	sand.u32 $0xC, s29;
	v55, _, _ =	vpop (xrf2)  }
0xb9: {  	s12 =	sor.u32 $0x1, s7;
	s8 =	sor.u32 $0x2, s7;
	v58 =	vmov s7;
	v57 =	vimm.f32 $0.0e+00;
	v59 =	vlaneseq.u32;
	v56, _, _ =	vpop (xrf2)  }
0xba: {  	s26 =	sor.u32 $0x3, s7;
	v60 =	vmov s12;
	v61 =	vmov s8;
	v8 =	vbroadcast v56, $0xF  }
0xbb: {  	vm6 =	veq.s32 v58, v59;
	v63 =	vmov s26;
	v7 =	vbroadcast v55, $0xF  }
0xbc: {  	v6 =	vbroadcast v54, $0xF;
	v62, _, _ =	vpop (xrf2);
	v8 =	vsel vm6, v8, v57;
	vm6 =	veq.s32 v60, v59  }
0xbd: {  	v7 =	vsel vm6, v7, v8;
	vm6 =	veq.s32 v61, v59;
	v8 =	vbroadcast v62, $0xF  }
0xbe: {  	v6 =	vsel vm6, v6, v7;
	vm6 =	veq.s32 v63, v59  }
0xbf: {  	p0 =	sne.s32 s7, $0xC;
	v13 =	vsel vm6, v8, v6  }
0xc0: {  	s30 =	smov.u32 s13;
	s12 =	simm.s32 $0x11900;
	s26 =	simm.s32 $0x4;
	[tilespmem:s13+$0x0] =	vst @!p0 v13  }
.LBB2_5:
0xc1: {  	v29 =	vld [tilespmem:s12+$0x80]  }
0xc2: {  	v32 =	vld [tilespmem:s12+$0x90]  }
0xc3: {  	v30 =	vld [tilespmem:s12+$0xA0]  }
0xc4: {  	v33 =	vld [tilespmem:s12+$0xB0]  }
0xc5: {  	v0 =	vld [tilespmem:s12+$0xC0]  }
0xc6: {  	v19 =	vld [tilespmem:s12+$0x0]  }
0xc7: {  	v21 =	vld [tilespmem:s12+$0x10]  }
0xc8: {  	v17 =	vld [tilespmem:s12+$0x20]  }
0xc9: {  	v16 =	vld [tilespmem:s12+$0x30]  }
0xca: {  	v49 =	vld [tilespmem:s12+$0x40]  }
0xcb: {  	v15 =	vld [tilespmem:s12+$0x50]  }
0xcc: {  	v50 =	vld [tilespmem:s12+$0x60]  }
0xcd: {  	v51 =	vld [tilespmem:s12+$0x70]  }
0xce: {  	v25 =	vld [tilespmem:s12+$0xFFFFFF80]  }
0xcf: {  	v22 =	vld [tilespmem:s12+$0xFFFFFF90]  }
0xd0: {  	v24 =	vld [tilespmem:s12+$0xFFFFFFA0]  }
0xd1: {  	v20 =	vld [tilespmem:s12+$0xFFFFFFB0]  }
0xd2: {  	v23 =	vld [tilespmem:s12+$0xFFFFFFC0]  }
0xd3: {  	v18 =	vld [tilespmem:s12+$0xFFFFFFD0]  }
0xd4: {  	v52 =	vld [tilespmem:s12+$0xFFFFFFE0]  }
0xd5: {  	v14 =	vld [tilespmem:s12+$0xFFFFFFF0]  }
0xd6: {  	v36 =	vld [tilespmem:s12+$0xFFFFFF00]  }
0xd7: {  	v37 =	vld [tilespmem:s12+$0xFFFFFF10]  }
0xd8: {  	v34 =	vld [tilespmem:s12+$0xFFFFFF20]  }
0xd9: {  	v28 =	vld [tilespmem:s12+$0xFFFFFF30]  }
0xda: {  	v26 =	vld [tilespmem:s12+$0xFFFFFF40]  }
0xdb: {  	s24 =	sadd.s32 $0x200, s24;
	v27 =	vld [tilespmem:s12+$0xFFFFFF50]  }
0xdc: {  	s25 =	sadd.s32 $0x200, s25;
	v6 =	vld [tilespmem:s24+$0x80]  }
0xdd: {  	v7 =	vld [tilespmem:s25+$0x80]  }
0xde: {  	v42 =	vld [tilespmem:s24+$0x90]  }
0xdf: {  	v43 =	vld [tilespmem:s25+$0x90]  }
0xe0: {  	v44 =	vld [tilespmem:s24+$0xA0]  }
0xe1: {  	v45 =	vld [tilespmem:s25+$0xA0]  }
0xe2: {  	v46 =	vld [tilespmem:s24+$0xB0]  }
0xe3: {  	v47 =	vld [tilespmem:s25+$0xB0]  }
0xe4: {  	v48 =	vld [tilespmem:s24+$0xC0]  }
0xe5: {  	v39 =	vld [tilespmem:s24+$0xD0]  }
0xe6: {  	v41 =	vld [tilespmem:s25+$0xD0]  }
0xe7: {  	v38 =	vld [tilespmem:s24+$0xE0]  }
0xe8: {  	v40 =	vld [tilespmem:s25+$0xE0]  }
0xe9: {  	v31 =	vld [tilespmem:s24+$0xF0]  }
0xea: {  	v35 =	vld [tilespmem:s25+$0xF0]  }
0xeb: {  	v53 =	vld [tilespmem:s25+$0x10]  }
0xec: {  	v54 =	vld [tilespmem:s24+$0x20]  }
0xed: {  	v55 =	vld [tilespmem:s25+$0x20]  }
0xee: {  	v56 =	vld [tilespmem:s24+$0x30]  }
0xef: {  	v57 =	vld [tilespmem:s25+$0x30]  }
0xf0: {  	v58 =	vld [tilespmem:s24+$0x40]  }
0xf1: {  	v59 =	vld [tilespmem:s25+$0x40]  }
0xf2: {  	v60 =	vld [tilespmem:s24+$0x50]  }
0xf3: {  	v61 =	vld [tilespmem:s25+$0x50]  }
0xf4: {  	v62 =	vld [tilespmem:s24+$0x60]  }
0xf5: {  	v63 =	vld [tilespmem:s25+$0x60]  }
0xf6: {  	v2 =	vld [tilespmem:s24+$0x70]  }
0xf7: {  	v3 =	vld [tilespmem:s25+$0x70]  }
0xf8: {  	v5 =	vld [tilespmem:s24+$0xFFFFFF80]  }
0xf9: {  	v1 =	vld [tilespmem:s25+$0xFFFFFF80]  }
0xfa: {  	v4 =	vld [tilespmem:s25+$0xFFFFFF90]  }
0xfb: {  	v8 =	vld [tilespmem:s24+$0xFFFFFFA0]  }
0xfc: {  	v9 =	vld [tilespmem:s25+$0xFFFFFFA0]  }
0xfd: {  	v10 =	vld [tilespmem:s24+$0xFFFFFFB0]  }
0xfe: {  	v11 =	vld [tilespmem:s25+$0xFFFFFFB0]  }
0xff: {  	v12 =	vld [tilespmem:s24+$0xFFFFFFC0]  }
0x100: {  	[tilespmem:$0x1FF10] =	vst v49;
	v49 =	vld [tilespmem:s25+$0xC0]  }
0x101: {  	[tilespmem:$0x1FF20] =	vst v50;
	v50 =	vld [tilespmem:s24+$0x0]  }
0x102: {  	[tilespmem:$0x1FF30] =	vst v51;
	v51 =	vld [tilespmem:s25+$0x0]  }
0x103: {  	[tilespmem:$0x1FF40] =	vst v52;
	v52 =	vld [tilespmem:s24+$0x10]  }
0x104: {  	[tilespmem:$0x1FF50] =	vst v0;
	v0 =	vld [tilespmem:s24+$0xFFFFFF90]  }
0x105: {  	v6 =	vadd.f32 v7, v6;
	v7 =	vadd.f32 v43, v42;
	v42 =	vld [tilespmem:s25+$0xFFFFFFC0]  }
0x106: {  	v43 =	vadd.f32 v45, v44;
	v45 =	vld [tilespmem:s24+$0xFFFFFFD0]  }
0x107: {  	v44 =	vadd.f32 v47, v46;
	v46 =	vld [tilespmem:s25+$0xFFFFFFF0]  }
0x108: {  	v2 =	vadd.f32 v3, v2;
	v3 =	vld [tilespmem:s25+$0xFFFFFF10]  }
0x109: {  	v58 =	vadd.f32 v59, v58;
	v59 =	vadd.f32 v61, v60;
	v61 =	vld [tilespmem:$0x1FF10]  }
0x10a: {  	v39 =	vadd.f32 v41, v39;
	v41 =	vld [tilespmem:s24+$0xFFFFFF20]  }
0x10b: {  	v60 =	vadd.f32 v63, v62;
	v62 =	vld [tilespmem:$0x1FF20]  }
0x10c: {  	v63 =	vld [tilespmem:$0x1FF30]  }
0x10d: {  	v55 =	vadd.f32 v55, v54;
	v54 =	vld [tilespmem:s25+$0xFFFFFF30]  }
0x10e: {  	v57 =	vadd.f32 v57, v56;
	v56 =	vld [tilespmem:s24+$0xFFFFFF40]  }
0x10f: {  	v7 =	vmul.f32 v32, v7;
	v32 =	vld [tilespmem:s25+$0xFFFFFFD0]  }
0x110: {  	v30 =	vmul.f32 v30, v43;
	v43 =	vld [tilespmem:s24+$0xFFFFFFE0]  }
0x111: {  	v33 =	vmul.f32 v33, v44;
	v44 =	vld [tilespmem:s25+$0xFFFFFFE0]  }
0x112: {  	v1 =	vadd.f32 v1, v5;
	v16 =	vmul.f32 v16, v57;
	v57 =	vld [tilespmem:s25+$0xFFFFFF40]  }
0x113: {  	v6 =	vmul.f32 v29, v6;
	v15 =	vmul.f32 v15, v59;
	v59 =	vld [tilespmem:s24+$0xFFFFFF50]  }
0x114: {  	v38 =	vadd.f32 v40, v38;
	v1 =	vmul.f32 v25, v1;
	v25 =	vld [tilespmem:s24+$0xFFFFFF70]  }
0x115: {  	v17 =	vmul.f32 v17, v55;
	v55 =	vadd.f32 v35, v31;
	v35 =	vld [tilespmem:$0x1FF40];
	v29 =	vadd.f32 v7, v6  }
0x116: {  	v30 =	vadd.f32 v33, v30;
	v6 =	vld [tilespmem:s24+$0xFFFFFFF0];
	v7 =	vadd.f32 v51, v50  }
0x117: {  	v53 =	vadd.f32 v53, v52;
	v48 =	vadd.f32 v49, v48;
	v49 =	vld [tilespmem:s25+$0xFFFFFF00]  }
0x118: {  	v33 =	vld [tilespmem:s24+$0xFFFFFF00];
	v16 =	vadd.f32 v16, v17;
	v0 =	vadd.f32 v4, v0;
	v47 =	vmul.f32 v61, v58  }
0x119: {  	v51 =	vld [tilespmem:s24+$0xFFFFFF10];
	v2 =	vmul.f32 v63, v2;
	v58 =	vadd.f32 v9, v8;
	v7 =	vmul.f32 v19, v7  }
0x11a: {  	v52 =	vld [tilespmem:s25+$0xFFFFFF20];
	v61 =	vadd.f32 v42, v12;
	v19 =	vmul.f32 v21, v53;
	v21 =	vmul.f32 v62, v60  }
0x11b: {  	v63 =	vld [tilespmem:s25+$0xFFFFFF60];
	v60 =	vadd.f32 v11, v10;
	v0 =	vmul.f32 v22, v0;
	v15 =	vadd.f32 v15, v47  }
0x11c: {  	v42 =	vld [tilespmem:s12+$0xFFFFFF70];
	v4 =	vmul.f32 v24, v58;
	v12 =	vadd.f32 v32, v45;
	v24 =	vadd.f32 v44, v43  }
0x11d: {  	v53 =	vld [tilespmem:s24+$0xFFFFFF30];
	v10 =	vmul.f32 v23, v61;
	v5 =	vadd.f32 v57, v56;
	v7 =	vadd.f32 v19, v7  }
0x11e: {  	v62 =	vld [tilespmem:s25+$0xFFFFFF50];
	v2 =	vadd.f32 v2, v21;
	v9 =	vmul.f32 v20, v60;
	v0 =	vadd.f32 v0, v1  }
0x11f: {  	v32 =	vld [tilespmem:s25+$0xFFFFFF70];
	v12 =	vmul.f32 v18, v12;
	v6 =	vadd.f32 v46, v6;
	v3 =	vadd.f32 v3, v51  }
0x120: {  	v41 =	vadd.f32 v52, v41;
	v5 =	vmul.f32 v26, v5;
	v2 =	vadd.f32 v2, v15;
	v15 =	vld [tilespmem:s24+$0xFFFFFF60]  }
0x121: {  	v44 =	vld [tilespmem:s12+$0xD0];
	v7 =	vadd.f32 v16, v7;
	v31 =	vadd.f32 v9, v4;
	v9 =	vmul.f32 v35, v24  }
0x122: {  	v6 =	vmul.f32 v14, v6;
	v10 =	vadd.f32 v12, v10;
	v12 =	vadd.f32 v49, v33;
	v14 =	vld [tilespmem:s12+$0xFFFFFF60]  }
0x123: {  	v45 =	vld [tilespmem:s12+$0xE0];
	v3 =	vmul.f32 v37, v3;
	v8 =	vadd.f32 v62, v59;
	v2 =	vadd.f32 v2, v7  }
0x124: {  	v18 =	vmul.f32 v34, v41;
	v49 =	vld [tilespmem:$0x1FF50];
	v4 =	vadd.f32 v32, v25;
	v6 =	vadd.f32 v6, v9  }
0x125: {  	v43 =	vmul.f32 v36, v12;
	v12 =	vadd.f32 v54, v53;
	v7 =	vadd.f32 v63, v15;
	v15 =	vld [tilespmem:s12+$0xF0]  }
0x126: {  	v0 =	vadd.f32 v31, v0;
	v8 =	vmul.f32 v27, v8;
	v4 =	vmul.f32 v42, v4  }
0x127: {  	v12 =	vmul.f32 v28, v12;
	v6 =	vadd.f32 v6, v10;
	v46 =	vmul.f32 v14, v7  }
0x128: {  	v50 =	vmul.f32 v44, v39;
	v3 =	vadd.f32 v3, v43;
	v5 =	vadd.f32 v8, v5  }
0x129: {  	v51 =	vmul.f32 v45, v38;
	v47 =	vadd.f32 v12, v18;
	v1 =	vadd.f32 v4, v46  }
0x12a: {  	v9 =	vmul.f32 v49, v48;
	v0 =	vadd.f32 v6, v0;
	v52 =	vmul.f32 v15, v55  }
0x12b: {  	v3 =	vadd.f32 v47, v3;
	v1 =	vadd.f32 v1, v5  }
0x12c: {  	(xrf2) =	vadd.scan.msk.f32 $0xffff, v2;
	v4 =	vadd.f32 v50, v9;
	v2 =	vadd.f32 v52, v51  }
0x12d: {  	v53 =	vadd.f32 v1, v3  }
0x12e: {  	v54 =	vadd.f32 v30, v29;
	(xrf2) =	vadd.scan.msk.f32 $0xffff, v0;
	v2 =	vadd.f32 v2, v4  }
0x12f: {  	(xrf2) =	vadd.scan.msk.f32 $0xffff, v53  }
0x130: {  	v1 =	vadd.f32 v2, v54;
	_ =	sdelay $0x1  }
0x131: {  	(xrf2) =	vadd.scan.msk.f32 $0xffff, v1;
	_ =	sdelay $0x4  }
0x132: {  	s5 =	smov.u32 s26;
	v55, _, _ =	vpop (xrf2)  }
0x133: {  	s5 =	sand.u32 $0xC, s5;
	v56, _, _ =	vpop (xrf2)  }
0x134: {  	s7 =	sor.u32 $0x3, s5;
	v57 =	vmov s5;
	v61 =	vlaneseq.u32;
	v58, _, _ =	vpop (xrf2)  }
0x135: {  	s26 =	sadd.s32 $0x4, s26;
	s6 =	sor.u32 $0x2, s5;
	s8 =	sor.u32 $0x1, s5;
	v60 =	vmov s7;
	vm6 =	veq.s32 v57, v61;
	v3 =	vbroadcast v58, $0xF  }
0x136: {  	p0 =	sne.s32 s26, $0x50;
	v59 =	vmov s6;
	v62 =	vmov s8;
	v1 =	vbroadcast v56, $0xF  }
.Ltmp1:
0x137: {  	v0 =	vbroadcast v55, $0xF;
	v3 =	vsel vm6, v3, v13;
	vm6 =	veq.s32 v62, v61;
	v63, _, _ =	vpop (xrf2);
	(pc) =	sbr.rel @p0 .LBB2_5-.Ltmp1, $4  }
0x138: {  	v1 =	vsel vm6, v1, v3;
	vm6 =	veq.s32 v59, v61;
	v2 =	vbroadcast v63, $0xF  }
0x139: {  	v0 =	vsel vm6, v0, v1;
	vm6 =	veq.s32 v60, v61  }
0x13a: {  	s30 =	sadd.s32 $0x4, s30;
	p1 =	sne.s32 s5, $0xC;
	v13 =	vsel vm6, v2, v0  }
0x13b: {  	s12 =	sadd.s32 $0x200, s12;
	[tilespmem:s30+$0x0] =	vst @!p1 v13  }
0x13c: {  	_ =	swait.ge [sflag:s22], $0x2800  }
0x13d: {  	[sflag:s22] =	ssyncset.done $0x0  }
0x13e: {  	[sflag:s22] =	ssyncadd.s32 $0xFFFFD800  }
0x13f: {  	_ =	swait.ge [sflag:s22], $0x2800  }
0x140: {  	[sflag:s22] =	ssyncset.done $0x0  }
0x141: {  	[sflag:s22] =	ssyncadd.s32 $0xFFFFD800  }
0x142: {  	_ =	swait.ge [sflag:s22], $0x2800  }
0x143: {  	[sflag:s22] =	ssyncset.done $0x0  }
0x144: {  	s5 =	sadd.s32 $0xA0, s2;
	[sflag:s22] =	ssyncadd.s32 $0xFFFFD800  }
0x145: {  	[tilespmem:s15], [sflag:$0x1] =	stream.indirect.gather [hbm4b:s0+s14], $0x80, s5, s14, $0xb8;
	[tilespmem:$0x1B600] =	vst v63  }
0x146: {  	s12 =	sadd.s32 $0x4FA0, s2  }
0x147: {  	[tilespmem:s16], [sflag:$0x1] =	stream.indirect.gather [hbm4b:s1+s14], $0x80, s12, s14, $0xb8;
	[tilespmem:$0x1B600] =	vst v63  }
0x148: {  	s24 =	sadd.s32 $0x2820, s2;
	s25 =	simm.s32 $0x18F00  }
0x149: {  	[tilespmem:s17], [sflag:$0x1] =	stream.indirect.gather [hbm4b:s0+s14], $0x80, s24, s14, $0xb8;
	[tilespmem:$0x1B600] =	vst v63  }
0x14a: {  	v6 =	vld [tilespmem:s25+$0x80]  }
0x14b: {  	v5 =	vld [tilespmem:s25+$0x90]  }
0x14c: {  	v8 =	vld [tilespmem:s25+$0xA0]  }
0x14d: {  	v7 =	vld [tilespmem:s25+$0xB0]  }
0x14e: {  	v9 =	vld [tilespmem:s25+$0x0]  }
0x14f: {  	v10 =	vld [tilespmem:s25+$0x10]  }
0x150: {  	v11 =	vld [tilespmem:s25+$0x20]  }
0x151: {  	v28 =	vld [tilespmem:s25+$0x30]  }
0x152: {  	v29 =	vld [tilespmem:s25+$0x40]  }
0x153: {  	v31 =	vld [tilespmem:s25+$0x50]  }
0x154: {  	v33 =	vld [tilespmem:s25+$0x60]  }
0x155: {  	s2 =	simm.s32 $0x13F00;
	v32 =	vld [tilespmem:s25+$0x70]  }
0x156: {  	s24 =	simm.s32 $0x16700;
	v12 =	vld [tilespmem:s2+$0x80]  }
0x157: {  	v13 =	vld [tilespmem:s24+$0x80]  }
0x158: {  	v14 =	vld [tilespmem:s2+$0x90]  }
0x159: {  	v15 =	vld [tilespmem:s24+$0x90]  }
0x15a: {  	v16 =	vld [tilespmem:s2+$0xA0]  }
0x15b: {  	v17 =	vld [tilespmem:s24+$0xA0]  }
0x15c: {  	v18 =	vld [tilespmem:s2+$0xB0]  }
0x15d: {  	v19 =	vld [tilespmem:s24+$0xB0]  }
0x15e: {  	v20 =	vld [tilespmem:s2+$0xC0]  }
0x15f: {  	v21 =	vld [tilespmem:s24+$0xC0]  }
0x160: {  	v22 =	vld [tilespmem:s2+$0xD0]  }
0x161: {  	v23 =	vld [tilespmem:s24+$0xD0]  }
0x162: {  	v24 =	vld [tilespmem:s2+$0xE0]  }
0x163: {  	v25 =	vld [tilespmem:s24+$0xE0]  }
0x164: {  	v26 =	vld [tilespmem:s2+$0xF0]  }
0x165: {  	v27 =	vld [tilespmem:s24+$0xF0]  }
0x166: {  	v30 =	vld [tilespmem:s25+$0xFFFFFF80]  }
0x167: {  	v35 =	vld [tilespmem:s25+$0xFFFFFF90]  }
0x168: {  	v34 =	vld [tilespmem:s25+$0xFFFFFFA0]  }
0x169: {  	v55 =	vld [tilespmem:s25+$0xFFFFFFB0]  }
0x16a: {  	v56 =	vld [tilespmem:s25+$0xFFFFFFC0]  }
0x16b: {  	v0 =	vld [tilespmem:s25+$0xFFFFFFD0]  }
0x16c: {  	v61 =	vld [tilespmem:s25+$0xFFFFFFE0]  }
0x16d: {  	v62 =	vld [tilespmem:s25+$0xFFFFFFF0]  }
0x16e: {  	v36 =	vld [tilespmem:s2+$0x0]  }
0x16f: {  	v37 =	vld [tilespmem:s24+$0x0]  }
0x170: {  	v38 =	vld [tilespmem:s2+$0x10]  }
0x171: {  	v39 =	vld [tilespmem:s24+$0x10]  }
0x172: {  	v40 =	vld [tilespmem:s2+$0x20]  }
0x173: {  	v41 =	vld [tilespmem:s24+$0x20]  }
0x174: {  	v42 =	vld [tilespmem:s2+$0x30]  }
0x175: {  	v43 =	vld [tilespmem:s24+$0x30]  }
0x176: {  	v44 =	vld [tilespmem:s2+$0x40]  }
0x177: {  	v45 =	vld [tilespmem:s24+$0x40]  }
0x178: {  	v46 =	vld [tilespmem:s2+$0x50]  }
0x179: {  	v47 =	vld [tilespmem:s24+$0x50]  }
0x17a: {  	v48 =	vld [tilespmem:s2+$0x60]  }
0x17b: {  	v49 =	vld [tilespmem:s24+$0x60]  }
0x17c: {  	v50 =	vld [tilespmem:s2+$0x70]  }
0x17d: {  	v51 =	vld [tilespmem:s24+$0x70]  }
0x17e: {  	v52 =	vld [tilespmem:s25+$0xFFFFFF00]  }
0x17f: {  	v53 =	vld [tilespmem:s25+$0xFFFFFF10]  }
0x180: {  	v54 =	vld [tilespmem:s25+$0xFFFFFF20]  }
0x181: {  	v57 =	vld [tilespmem:s25+$0xFFFFFF30]  }
0x182: {  	v63 =	vld [tilespmem:s25+$0xFFFFFF40]  }
0x183: {  	v4 =	vld [tilespmem:s25+$0xFFFFFF50]  }
0x184: {  	v58 =	vld [tilespmem:s2+$0xFFFFFF80]  }
0x185: {  	v59 =	vld [tilespmem:s24+$0xFFFFFF80]  }
0x186: {  	v60 =	vld [tilespmem:s2+$0xFFFFFF90]  }
0x187: {  	v3 =	vld [tilespmem:s2+$0xFFFFFFB0]  }
0x188: {  	v2 =	vld [tilespmem:s2+$0xFFFFFFC0]  }
0x189: {  	v1 =	vld [tilespmem:s24+$0xFFFFFFC0]  }
0x18a: {  	[tilespmem:$0x1FED0] =	vst v61;
	v61 =	vld [tilespmem:s24+$0xFFFFFF90]  }
0x18b: {  	[tilespmem:$0x1FEE0] =	vst v62;
	v62 =	vld [tilespmem:s2+$0xFFFFFFA0]  }
0x18c: {  	[tilespmem:$0x1FEF0] =	vst v63;
	v63 =	vld [tilespmem:s24+$0xFFFFFFA0]  }
0x18d: {  	[tilespmem:$0x1FEC0] =	vst v0;
	v0 =	vld [tilespmem:s24+$0xFFFFFFB0]  }
0x18e: {  	[tilespmem:$0x1FF00] =	vst v4;
	v4 =	vld [tilespmem:s2+$0xFFFFFFD0]  }
0x18f: {  	v12 =	vadd.f32 v13, v12;
	v13 =	vadd.f32 v15, v14;
	v14 =	vld [tilespmem:s24+$0xFFFFFFD0]  }
0x190: {  	v15 =	vadd.f32 v17, v16;
	v16 =	vadd.f32 v19, v18;
	v17 =	vld [tilespmem:s2+$0xFFFFFFE0]  }
0x191: {  	v38 =	vadd.f32 v39, v38;
	v19 =	vadd.f32 v21, v20;
	v21 =	vld [tilespmem:s2+$0xFFFFFF10]  }
0x192: {  	v39 =	vadd.f32 v41, v40;
	v40 =	vadd.f32 v45, v44;
	v45 =	vld [tilespmem:s2+$0xFFFFFF20]  }
0x193: {  	v41 =	vadd.f32 v47, v46;
	v47 =	vld [tilespmem:s24+$0xFFFFFF20]  }
0x194: {  	v44 =	vadd.f32 v51, v50;
	v50 =	vld [tilespmem:s24+$0xFFFFFF30]  }
0x195: {  	v51 =	vld [tilespmem:s2+$0xFFFFFF40]  }
0x196: {  	v58 =	vadd.f32 v59, v58;
	v59 =	vld [tilespmem:s24+$0xFFFFFF40];
	v8 =	vmul.f32 v8, v15;
	v7 =	vmul.f32 v7, v16  }
0x197: {  	v37 =	vadd.f32 v37, v36;
	v36 =	vld [tilespmem:s2+$0xFFFFFF60]  }
0x198: {  	v7 =	vadd.f32 v7, v8;
	v8 =	vmul.f32 v10, v38;
	v10 =	vadd.f32 v43, v42;
	v43 =	vld [tilespmem:s24+$0xFFFFFF10]  }
0x199: {  	v6 =	vmul.f32 v6, v12;
	v12 =	vld [tilespmem:s24+$0xFFFFFFE0]  }
0x19a: {  	v5 =	vmul.f32 v5, v13;
	v13 =	vld [tilespmem:s2+$0xFFFFFFF0]  }
0x19b: {  	v15 =	vld [tilespmem:s24+$0xFFFFFFF0]  }
0x19c: {  	v20 =	vmul.f32 v29, v40;
	v40 =	vld [tilespmem:$0x1FED0]  }
0x19d: {  	v18 =	vmul.f32 v31, v41;
	v41 =	vadd.f32 v43, v21;
	v43 =	vld [tilespmem:$0x1FEE0]  }
0x19e: {  	v22 =	vadd.f32 v23, v22;
	v1 =	vadd.f32 v1, v2;
	v16 =	vld [tilespmem:s24+$0xFFFFFF00]  }
0x19f: {  	v11 =	vmul.f32 v11, v39;
	v39 =	vld [tilespmem:s24+$0xFFFFFF70];
	v5 =	vadd.f32 v5, v6;
	v42 =	vadd.f32 v49, v48  }
0x1a0: {  	v6 =	vmul.f32 v9, v37;
	v9 =	vld [tilespmem:s2+$0xFFFFFF00];
	v12 =	vadd.f32 v12, v17;
	v13 =	vadd.f32 v15, v13  }
0x1a1: {  	v49 =	vld [tilespmem:s2+$0xFFFFFF30];
	v18 =	vadd.f32 v18, v20;
	v60 =	vadd.f32 v61, v60  }
0x1a2: {  	v38 =	vld [tilespmem:$0x1FEC0];
	v61 =	vadd.f32 v63, v62;
	v12 =	vmul.f32 v40, v12;
	v13 =	vmul.f32 v43, v13  }
0x1a3: {  	v62 =	vld [tilespmem:s2+$0xFFFFFF50];
	v63 =	vmul.f32 v30, v58;
	v0 =	vadd.f32 v0, v3;
	v4 =	vadd.f32 v14, v4  }
0x1a4: {  	v10 =	vmul.f32 v28, v10;
	v46 =	vmul.f32 v33, v42;
	v12 =	vadd.f32 v13, v12;
	v13 =	vld [tilespmem:$0x1FEF0]  }
0x1a5: {  	v30 =	vld [tilespmem:s24+$0xFFFFFF50];
	v28 =	vmul.f32 v32, v44;
	v6 =	vadd.f32 v8, v6;
	v44 =	vadd.f32 v47, v45  }
0x1a6: {  	v14 =	vld [tilespmem:s24+$0xFFFFFF60];
	v8 =	vadd.f32 v59, v51;
	v33 =	vmul.f32 v35, v60;
	v35 =	vmul.f32 v34, v61  }
0x1a7: {  	v42 =	vld [tilespmem:s25+$0xFFFFFF60];
	v0 =	vmul.f32 v55, v0;
	v48 =	vadd.f32 v10, v11;
	v11 =	vadd.f32 v25, v24  }
0x1a8: {  	v15 =	vld [tilespmem:s2+$0xFFFFFF70];
	v23 =	vadd.f32 v28, v46;
	v24 =	vadd.f32 v27, v26  }
0x1a9: {  	v2 =	vadd.f32 v33, v63;
	v0 =	vadd.f32 v0, v35;
	v8 =	vmul.f32 v13, v8;
	v13 =	vld [tilespmem:$0x1FF00]  }
0x1aa: {  	v1 =	vmul.f32 v56, v1;
	v47 =	vld [tilespmem:s25+$0xD0];
	v9 =	vadd.f32 v16, v9;
	v10 =	vadd.f32 v50, v49  }
0x1ab: {  	v45 =	vld [tilespmem:s25+$0xFFFFFF70];
	v4 =	vmul.f32 v38, v4;
	v6 =	vadd.f32 v48, v6;
	v18 =	vadd.f32 v23, v18  }
0x1ac: {  	v46 =	vld [tilespmem:s25+$0xC0];
	v3 =	vadd.f32 v30, v62;
	v14 =	vadd.f32 v14, v36  }
0x1ad: {  	v48 =	vld [tilespmem:s25+$0xE0];
	v1 =	vadd.f32 v4, v1;
	v9 =	vmul.f32 v52, v9;
	v16 =	vmul.f32 v53, v41  }
0x1ae: {  	v4 =	vmul.f32 v54, v44;
	v15 =	vadd.f32 v39, v15;
	v3 =	vmul.f32 v13, v3;
	v13 =	vld [tilespmem:s25+$0xF0]  }
0x1af: {  	v10 =	vmul.f32 v57, v10;
	v0 =	vadd.f32 v0, v2;
	v51 =	vmul.f32 v47, v22  }
0x1b0: {  	v6 =	vadd.f32 v18, v6;
	v49 =	vmul.f32 v42, v14;
	v14 =	vmul.f32 v45, v15  }
0x1b1: {  	v9 =	vadd.f32 v16, v9;
	v4 =	vadd.f32 v10, v4;
	v50 =	vmul.f32 v46, v19  }
0x1b2: {  	v11 =	vmul.f32 v48, v11;
	v2 =	vadd.f32 v14, v49;
	v3 =	vadd.f32 v3, v8  }
0x1b3: {  	v4 =	vadd.f32 v4, v9;
	v1 =	vadd.f32 v12, v1;
	v12 =	vmul.f32 v13, v24  }
0x1b4: {  	v52 =	vadd.f32 v51, v50;
	v2 =	vadd.f32 v2, v3  }
0x1b5: {  	v0 =	vadd.f32 v1, v0;
	v53 =	vadd.f32 v12, v11  }
0x1b6: {  	(xrf2) =	vadd.scan.msk.f32 $0xffff, v6;
	v2 =	vadd.f32 v2, v4  }
0x1b7: {  	v54 =	vadd.f32 v7, v5;
	(xrf2) =	vadd.scan.msk.f32 $0xffff, v0;
	v1 =	vadd.f32 v53, v52  }
0x1b8: {  	(xrf2) =	vadd.scan.msk.f32 $0xffff, v2  }
0x1b9: {  	v0 =	vadd.f32 v1, v54;
	_ =	sdelay $0x1  }
0x1ba: {  	(xrf2) =	vadd.scan.msk.f32 $0xffff, v0;
	_ =	sdelay $0x3  }
0x1bb: {  	s26 =	simm.s32 $0x0  }
0x1bc: {  	s5 =	sand.u32 $0xC, s26;
	v55, _, _ =	vpop (xrf2)  }
0x1bd: {  	v58 =	vmov s5;
	v59 =	vlaneseq.u32;
	v56, _, _ =	vpop (xrf2)  }
0x1be: {  	s6 =	sor.u32 $0x1, s5;
	s30 =	sor.u32 $0x2, s5;
	vm6 =	veq.s32 v58, v59;
	v2, _, _ =	vpop (xrf2)  }
0x1bf: {  	s7 =	sor.u32 $0x3, s5;
	v60 =	vmov s6;
	v61 =	vmov s30;
	v2 =	vbroadcast v2, $0xF  }
0x1c0: {  	v63 =	vmov s7;
	v57 =	vimm.f32 $0.0e+00;
	v1 =	vbroadcast v56, $0xF  }
0x1c1: {  	v0 =	vbroadcast v55, $0xF;
	v2 =	vsel vm6, v2, v57;
	vm6 =	veq.s32 v60, v59;
	v62, _, _ =	vpop (xrf2)  }
0x1c2: {  	v1 =	vsel vm6, v1, v2;
	vm6 =	veq.s32 v61, v59;
	v2 =	vbroadcast v62, $0xF  }
0x1c3: {  	v0 =	vsel vm6, v0, v1;
	vm6 =	veq.s32 v63, v59  }
0x1c4: {  	p0 =	sne.s32 s5, $0xC;
	v13 =	vsel vm6, v2, v0  }
0x1c5: {  	s26 =	smov.u32 s31;
	s12 =	simm.s32 $0x19100;
	s25 =	simm.s32 $0x4;
	[tilespmem:s31+$0x0] =	vst @!p0 v13  }
.LBB2_7:
0x1c6: {  	v29 =	vld [tilespmem:s12+$0x80]  }
0x1c7: {  	v32 =	vld [tilespmem:s12+$0x90]  }
0x1c8: {  	v30 =	vld [tilespmem:s12+$0xA0]  }
0x1c9: {  	v33 =	vld [tilespmem:s12+$0xB0]  }
0x1ca: {  	v0 =	vld [tilespmem:s12+$0xC0]  }
0x1cb: {  	v19 =	vld [tilespmem:s12+$0x0]  }
0x1cc: {  	v21 =	vld [tilespmem:s12+$0x10]  }
0x1cd: {  	v17 =	vld [tilespmem:s12+$0x20]  }
0x1ce: {  	v16 =	vld [tilespmem:s12+$0x30]  }
0x1cf: {  	v42 =	vld [tilespmem:s12+$0x40]  }
0x1d0: {  	v15 =	vld [tilespmem:s12+$0x50]  }
0x1d1: {  	v43 =	vld [tilespmem:s12+$0x60]  }
0x1d2: {  	v44 =	vld [tilespmem:s12+$0x70]  }
0x1d3: {  	v25 =	vld [tilespmem:s12+$0xFFFFFF80]  }
0x1d4: {  	v22 =	vld [tilespmem:s12+$0xFFFFFF90]  }
0x1d5: {  	v24 =	vld [tilespmem:s12+$0xFFFFFFA0]  }
0x1d6: {  	v20 =	vld [tilespmem:s12+$0xFFFFFFB0]  }
0x1d7: {  	v23 =	vld [tilespmem:s12+$0xFFFFFFC0]  }
0x1d8: {  	v18 =	vld [tilespmem:s12+$0xFFFFFFD0]  }
0x1d9: {  	v8 =	vld [tilespmem:s12+$0xFFFFFFE0]  }
0x1da: {  	v14 =	vld [tilespmem:s12+$0xFFFFFFF0]  }
0x1db: {  	v36 =	vld [tilespmem:s12+$0xFFFFFF00]  }
0x1dc: {  	v37 =	vld [tilespmem:s12+$0xFFFFFF10]  }
0x1dd: {  	v34 =	vld [tilespmem:s12+$0xFFFFFF20]  }
0x1de: {  	v28 =	vld [tilespmem:s12+$0xFFFFFF30]  }
0x1df: {  	v26 =	vld [tilespmem:s12+$0xFFFFFF40]  }
0x1e0: {  	s24 =	sadd.s32 $0x200, s24;
	v27 =	vld [tilespmem:s12+$0xFFFFFF50]  }
0x1e1: {  	s2 =	sadd.s32 $0x200, s2;
	v1 =	vld [tilespmem:s24+$0x80]  }
0x1e2: {  	v2 =	vld [tilespmem:s2+$0x90]  }
0x1e3: {  	v3 =	vld [tilespmem:s24+$0x90]  }
0x1e4: {  	v4 =	vld [tilespmem:s2+$0xA0]  }
0x1e5: {  	v5 =	vld [tilespmem:s24+$0xA0]  }
0x1e6: {  	v6 =	vld [tilespmem:s2+$0xB0]  }
0x1e7: {  	v7 =	vld [tilespmem:s24+$0xB0]  }
0x1e8: {  	v39 =	vld [tilespmem:s2+$0xD0]  }
0x1e9: {  	v41 =	vld [tilespmem:s24+$0xD0]  }
0x1ea: {  	v38 =	vld [tilespmem:s2+$0xE0]  }
0x1eb: {  	v40 =	vld [tilespmem:s24+$0xE0]  }
0x1ec: {  	v31 =	vld [tilespmem:s2+$0xF0]  }
0x1ed: {  	v35 =	vld [tilespmem:s24+$0xF0]  }
0x1ee: {  	v45 =	vld [tilespmem:s24+$0x0]  }
0x1ef: {  	v46 =	vld [tilespmem:s2+$0x10]  }
0x1f0: {  	v47 =	vld [tilespmem:s24+$0x10]  }
0x1f1: {  	v48 =	vld [tilespmem:s2+$0x20]  }
0x1f2: {  	v49 =	vld [tilespmem:s24+$0x20]  }
0x1f3: {  	v50 =	vld [tilespmem:s2+$0x30]  }
0x1f4: {  	v51 =	vld [tilespmem:s24+$0x30]  }
0x1f5: {  	v52 =	vld [tilespmem:s2+$0x40]  }
0x1f6: {  	v53 =	vld [tilespmem:s24+$0x40]  }
0x1f7: {  	v54 =	vld [tilespmem:s2+$0x50]  }
0x1f8: {  	v55 =	vld [tilespmem:s24+$0x50]  }
0x1f9: {  	v56 =	vld [tilespmem:s2+$0x60]  }
0x1fa: {  	v57 =	vld [tilespmem:s24+$0x60]  }
0x1fb: {  	v58 =	vld [tilespmem:s2+$0x70]  }
0x1fc: {  	v59 =	vld [tilespmem:s24+$0x70]  }
0x1fd: {  	v60 =	vld [tilespmem:s2+$0xFFFFFF80]  }
0x1fe: {  	v61 =	vld [tilespmem:s24+$0xFFFFFF80]  }
0x1ff: {  	v62 =	vld [tilespmem:s2+$0xFFFFFF90]  }
0x200: {  	v63 =	vld [tilespmem:s24+$0xFFFFFF90]  }
0x201: {  	v9 =	vld [tilespmem:s24+$0xFFFFFFA0]  }
0x202: {  	v10 =	vld [tilespmem:s2+$0xFFFFFFB0]  }
0x203: {  	v11 =	vld [tilespmem:s24+$0xFFFFFFB0]  }
0x204: {  	v12 =	vld [tilespmem:s2+$0xFFFFFFC0]  }
0x205: {  	[tilespmem:$0x1FEB0] =	vst v0;
	v0 =	vld [tilespmem:s2+$0x80]  }
0x206: {  	[tilespmem:$0x1FE70] =	vst v42;
	v42 =	vld [tilespmem:s2+$0xC0]  }
0x207: {  	[tilespmem:$0x1FE80] =	vst v43;
	v43 =	vld [tilespmem:s24+$0xC0]  }
0x208: {  	[tilespmem:$0x1FE90] =	vst v44;
	v44 =	vld [tilespmem:s2+$0x0]  }
0x209: {  	[tilespmem:$0x1FEA0] =	vst v8;
	v8 =	vld [tilespmem:s2+$0xFFFFFFA0]  }
0x20a: {  	v58 =	vadd.f32 v59, v58;
	v59 =	vld [tilespmem:$0x1FE70]  }
0x20b: {  	v39 =	vadd.f32 v41, v39;
	v41 =	vld [tilespmem:s2+$0xFFFFFF20]  }
0x20c: {  	v49 =	vadd.f32 v49, v48;
	v48 =	vld [tilespmem:$0x1FE80]  }
0x20d: {  	v51 =	vadd.f32 v51, v50;
	v50 =	vld [tilespmem:s24+$0xFFFFFF20]  }
0x20e: {  	v53 =	vadd.f32 v53, v52;
	v52 =	vld [tilespmem:s2+$0xFFFFFF30]  }
0x20f: {  	v55 =	vadd.f32 v55, v54;
	v54 =	vld [tilespmem:s24+$0xFFFFFF30]  }
0x210: {  	v57 =	vadd.f32 v57, v56;
	v56 =	vld [tilespmem:s2+$0xFFFFFF40]  }
0x211: {  	v38 =	vadd.f32 v40, v38;
	v40 =	vld [tilespmem:s12+$0xFFFFFF70]  }
0x212: {  	v17 =	vmul.f32 v17, v49;
	v49 =	vld [tilespmem:$0x1FE90]  }
0x213: {  	v0 =	vadd.f32 v1, v0;
	v1 =	vadd.f32 v3, v2;
	v2 =	vld [tilespmem:s24+$0xFFFFFFC0]  }
0x214: {  	v3 =	vadd.f32 v5, v4;
	v5 =	vld [tilespmem:s2+$0xFFFFFFD0]  }
0x215: {  	v4 =	vadd.f32 v7, v6;
	v6 =	vld [tilespmem:s24+$0xFFFFFFD0]  }
0x216: {  	v7 =	vld [tilespmem:s2+$0xFFFFFFE0]  }
0x217: {  	v47 =	vadd.f32 v47, v46;
	v42 =	vadd.f32 v43, v42;
	v43 =	vld [tilespmem:s24+$0xFFFFFF00]  }
0x218: {  	v10 =	vadd.f32 v11, v10;
	v16 =	vmul.f32 v16, v51;
	v1 =	vmul.f32 v32, v1;
	v32 =	vld [tilespmem:s24+$0xFFFFFFE0]  }
0x219: {  	v4 =	vmul.f32 v33, v4;
	v33 =	vmul.f32 v59, v53;
	v59 =	vadd.f32 v63, v62;
	v62 =	vld [tilespmem:s2+$0xFFFFFF60]  }
0x21a: {  	v15 =	vmul.f32 v15, v55;
	v45 =	vadd.f32 v45, v44;
	v0 =	vmul.f32 v29, v0;
	v63 =	vld [tilespmem:s2+$0xFFFFFF70]  }
0x21b: {  	v8 =	vadd.f32 v9, v8;
	v3 =	vmul.f32 v30, v3;
	v44 =	vmul.f32 v49, v58;
	v58 =	vld [tilespmem:s24+$0xFFFFFF40]  }
0x21c: {  	v55 =	vadd.f32 v35, v31;
	v10 =	vmul.f32 v20, v10;
	v29 =	vadd.f32 v1, v0;
	v0 =	vld [tilespmem:s2+$0xFFFFFFF0]  }
0x21d: {  	v51 =	vadd.f32 v16, v17;
	v8 =	vmul.f32 v24, v8;
	v30 =	vadd.f32 v4, v3;
	v4 =	vld [tilespmem:s24+$0xFFFFFFF0]  }
0x21e: {  	v35 =	vadd.f32 v50, v41;
	v1 =	vmul.f32 v19, v45;
	v3 =	vmul.f32 v21, v47;
	v21 =	vld [tilespmem:s2+$0xFFFFFF00]  }
0x21f: {  	v45 =	vld [tilespmem:s2+$0xFFFFFF10];
	v19 =	vmul.f32 v48, v57;
	v15 =	vadd.f32 v15, v33;
	v57 =	vadd.f32 v61, v60  }
0x220: {  	v47 =	vld [tilespmem:s24+$0xFFFFFF10];
	v8 =	vadd.f32 v10, v8;
	v2 =	vadd.f32 v2, v12  }
0x221: {  	v60 =	vld [tilespmem:s2+$0xFFFFFF50];
	v1 =	vadd.f32 v3, v1;
	v53 =	vadd.f32 v44, v19  }
0x222: {  	v61 =	vld [tilespmem:s24+$0xFFFFFF50];
	v12 =	vmul.f32 v22, v59;
	v5 =	vadd.f32 v6, v5;
	v25 =	vmul.f32 v25, v57  }
0x223: {  	v24 =	vld [tilespmem:s24+$0xFFFFFF70];
	v1 =	vadd.f32 v51, v1;
	v15 =	vadd.f32 v53, v15  }
0x224: {  	v44 =	vmul.f32 v34, v35;
	v7 =	vadd.f32 v32, v7;
	v12 =	vadd.f32 v12, v25;
	v25 =	vld [tilespmem:$0x1FEA0]  }
0x225: {  	v2 =	vmul.f32 v23, v2;
	v0 =	vadd.f32 v4, v0;
	v1 =	vadd.f32 v15, v1;
	v15 =	vld [tilespmem:s24+$0xFFFFFF60]  }
0x226: {  	v5 =	vmul.f32 v18, v5;
	v17 =	vadd.f32 v58, v56;
	v32 =	vadd.f32 v43, v21;
	v43 =	vld [tilespmem:s12+$0xD0]  }
0x227: {  	v33 =	vld [tilespmem:s12+$0xFFFFFF60];
	v9 =	vadd.f32 v61, v60;
	v0 =	vmul.f32 v14, v0;
	v14 =	vadd.f32 v47, v45  }
0x228: {  	v49 =	vld [tilespmem:$0x1FEB0];
	v2 =	vadd.f32 v5, v2;
	v4 =	vadd.f32 v24, v63;
	v5 =	vmul.f32 v36, v32  }
0x229: {  	v46 =	vld [tilespmem:s12+$0xF0];
	v9 =	vmul.f32 v27, v9;
	v41 =	vmul.f32 v37, v14;
	v14 =	vadd.f32 v54, v52  }
0x22a: {  	v45 =	vld [tilespmem:s12+$0xE0];
	v4 =	vmul.f32 v40, v4;
	v7 =	vmul.f32 v25, v7;
	v6 =	vadd.f32 v15, v62  }
0x22b: {  	v8 =	vadd.f32 v8, v12;
	v50 =	vmul.f32 v43, v39;
	v14 =	vmul.f32 v28, v14  }
0x22c: {  	v0 =	vadd.f32 v0, v7;
	v15 =	vmul.f32 v26, v17;
	v6 =	vmul.f32 v33, v6  }
0x22d: {  	v47 =	vadd.f32 v41, v5;
	v7 =	vmul.f32 v49, v42;
	v48 =	vadd.f32 v14, v44  }
0x22e: {  	v3 =	vmul.f32 v46, v55;
	v9 =	vadd.f32 v9, v15;
	v4 =	vadd.f32 v4, v6  }
0x22f: {  	v51 =	vmul.f32 v45, v38;
	v0 =	vadd.f32 v0, v2;
	v52 =	vadd.f32 v50, v7  }
0x230: {  	v2 =	vadd.f32 v48, v47;
	v4 =	vadd.f32 v4, v9  }
0x231: {  	(xrf2) =	vadd.scan.msk.f32 $0xffff, v1;
	v1 =	vadd.f32 v3, v51;
	v0 =	vadd.f32 v0, v8  }
0x232: {  	v53 =	vadd.f32 v4, v2  }
0x233: {  	v54 =	vadd.f32 v30, v29;
	v1 =	vadd.f32 v1, v52;
	(xrf2) =	vadd.scan.msk.f32 $0xffff, v0  }
0x234: {  	(xrf2) =	vadd.scan.msk.f32 $0xffff, v53  }
0x235: {  	v1 =	vadd.f32 v1, v54;
	_ =	sdelay $0x1  }
0x236: {  	(xrf2) =	vadd.scan.msk.f32 $0xffff, v1;
	_ =	sdelay $0x3  }
0x237: {  	s5 =	smov.u32 s25  }
0x238: {  	s5 =	sand.u32 $0xC, s5;
	v55, _, _ =	vpop (xrf2)  }
0x239: {  	s6 =	sor.u32 $0x2, s5;
	v56, _, _ =	vpop (xrf2)  }
0x23a: {  	s7 =	sor.u32 $0x3, s5;
	v59 =	vmov s6;
	v57 =	vmov s5;
	v58, _, _ =	vpop (xrf2)  }
0x23b: {  	s25 =	sadd.s32 $0x4, s25;
	s8 =	sor.u32 $0x1, s5;
	v60 =	vmov s7;
	v61 =	vlaneseq.u32;
	v3 =	vbroadcast v58, $0xF  }
0x23c: {  	p0 =	sne.s32 s25, $0x50;
	vm6 =	veq.s32 v57, v61;
	v62 =	vmov s8;
	v1 =	vbroadcast v56, $0xF  }
.Ltmp2:
0x23d: {  	v0 =	vbroadcast v55, $0xF;
	v63, _, _ =	vpop (xrf2);
	v3 =	vsel vm6, v3, v13;
	vm6 =	veq.s32 v62, v61;
	(pc) =	sbr.rel @p0 .LBB2_7-.Ltmp2, $4  }
0x23e: {  	v2 =	vbroadcast v63, $0xF;
	v1 =	vsel vm6, v1, v3;
	vm6 =	veq.s32 v59, v61  }
0x23f: {  	v0 =	vsel vm6, v0, v1;
	vm6 =	veq.s32 v60, v61  }
0x240: {  	s26 =	sadd.s32 $0x4, s26;
	p1 =	sne.s32 s5, $0xC;
	v13 =	vsel vm6, v2, v0  }
0x241: {  	s12 =	sadd.s32 $0x200, s12;
	[tilespmem:s26+$0x0] =	vst @!p1 v13  }
0x242: {  	s3 =	sadd.s32 $0x1, s3  }
0x243: {  	p0 =	sne.s32 s3, $0x3E  }
.Ltmp3:
0x244: {  	_ = 	snop;
	(pc) =	sbr.rel @p0 .LBB2_4-.Ltmp3, $2  }
0x245: {  	_ =	sdelay $0x2  }
0x246: {  	s13 =	sadd.s32 $0xA0, s13;
	s31 =	sadd.s32 $0xA0, s31  }
0x247: {  	_ =	swait.ge [sflag:s18], $0x2800  }
0x248: {  	[sflag:s18] =	ssyncset.done $0x0  }
0x249: {  	[sflag:s18] =	ssyncadd.s32 $0xFFFFD800  }
0x24a: {  	_ =	swait.ge [sflag:s18], $0x2800  }
0x24b: {  	[sflag:s18] =	ssyncset.done $0x0  }
0x24c: {  	[sflag:s18] =	ssyncadd.s32 $0xFFFFD800  }
0x24d: {  	_ =	swait.ge [sflag:s18], $0x2800  }
0x24e: {  	[sflag:s18] =	ssyncset.done $0x0  }
0x24f: {  	s5 =	simm.s32 $0x11700;
	[sflag:s18] =	ssyncadd.s32 $0xFFFFD800  }
0x250: {  	v6 =	vld [tilespmem:s5+$0x80]  }
0x251: {  	v5 =	vld [tilespmem:s5+$0x90]  }
0x252: {  	v8 =	vld [tilespmem:s5+$0xA0]  }
0x253: {  	v7 =	vld [tilespmem:s5+$0xB0]  }
0x254: {  	v9 =	vld [tilespmem:s5+$0x0]  }
0x255: {  	v10 =	vld [tilespmem:s5+$0x10]  }
0x256: {  	v11 =	vld [tilespmem:s5+$0x20]  }
0x257: {  	v28 =	vld [tilespmem:s5+$0x30]  }
0x258: {  	v29 =	vld [tilespmem:s5+$0x40]  }
0x259: {  	v31 =	vld [tilespmem:s5+$0x50]  }
0x25a: {  	v33 =	vld [tilespmem:s5+$0x60]  }
0x25b: {  	s2 =	simm.s32 $0xC700;
	v32 =	vld [tilespmem:s5+$0x70]  }
0x25c: {  	s3 =	simm.s32 $0xEF00;
	v12 =	vld [tilespmem:s2+$0x80]  }
0x25d: {  	v13 =	vld [tilespmem:s3+$0x80]  }
0x25e: {  	v14 =	vld [tilespmem:s2+$0x90]  }
0x25f: {  	v15 =	vld [tilespmem:s3+$0x90]  }
0x260: {  	v16 =	vld [tilespmem:s2+$0xA0]  }
0x261: {  	v17 =	vld [tilespmem:s3+$0xA0]  }
0x262: {  	v18 =	vld [tilespmem:s2+$0xB0]  }
0x263: {  	v19 =	vld [tilespmem:s3+$0xB0]  }
0x264: {  	v20 =	vld [tilespmem:s2+$0xC0]  }
0x265: {  	v21 =	vld [tilespmem:s3+$0xC0]  }
0x266: {  	v22 =	vld [tilespmem:s2+$0xD0]  }
0x267: {  	v23 =	vld [tilespmem:s3+$0xD0]  }
0x268: {  	v24 =	vld [tilespmem:s2+$0xE0]  }
0x269: {  	v25 =	vld [tilespmem:s3+$0xE0]  }
0x26a: {  	v26 =	vld [tilespmem:s2+$0xF0]  }
0x26b: {  	v27 =	vld [tilespmem:s3+$0xF0]  }
0x26c: {  	v30 =	vld [tilespmem:s5+$0xFFFFFF80]  }
0x26d: {  	v35 =	vld [tilespmem:s5+$0xFFFFFF90]  }
0x26e: {  	v34 =	vld [tilespmem:s5+$0xFFFFFFA0]  }
0x26f: {  	v55 =	vld [tilespmem:s5+$0xFFFFFFB0]  }
0x270: {  	v56 =	vld [tilespmem:s5+$0xFFFFFFC0]  }
0x271: {  	v0 =	vld [tilespmem:s5+$0xFFFFFFD0]  }
0x272: {  	v61 =	vld [tilespmem:s5+$0xFFFFFFE0]  }
0x273: {  	v62 =	vld [tilespmem:s5+$0xFFFFFFF0]  }
0x274: {  	v36 =	vld [tilespmem:s2+$0x0]  }
0x275: {  	v37 =	vld [tilespmem:s3+$0x0]  }
0x276: {  	v38 =	vld [tilespmem:s2+$0x10]  }
0x277: {  	v39 =	vld [tilespmem:s3+$0x10]  }
0x278: {  	v40 =	vld [tilespmem:s2+$0x20]  }
0x279: {  	v41 =	vld [tilespmem:s3+$0x20]  }
0x27a: {  	v42 =	vld [tilespmem:s2+$0x30]  }
0x27b: {  	v43 =	vld [tilespmem:s3+$0x30]  }
0x27c: {  	v44 =	vld [tilespmem:s2+$0x40]  }
0x27d: {  	v45 =	vld [tilespmem:s3+$0x40]  }
0x27e: {  	v46 =	vld [tilespmem:s2+$0x50]  }
0x27f: {  	v47 =	vld [tilespmem:s3+$0x50]  }
0x280: {  	v48 =	vld [tilespmem:s2+$0x60]  }
0x281: {  	v49 =	vld [tilespmem:s3+$0x60]  }
0x282: {  	v50 =	vld [tilespmem:s2+$0x70]  }
0x283: {  	v51 =	vld [tilespmem:s3+$0x70]  }
0x284: {  	v52 =	vld [tilespmem:s5+$0xFFFFFF00]  }
0x285: {  	v53 =	vld [tilespmem:s5+$0xFFFFFF10]  }
0x286: {  	v54 =	vld [tilespmem:s5+$0xFFFFFF20]  }
0x287: {  	v57 =	vld [tilespmem:s5+$0xFFFFFF30]  }
0x288: {  	v63 =	vld [tilespmem:s5+$0xFFFFFF40]  }
0x289: {  	v4 =	vld [tilespmem:s5+$0xFFFFFF50]  }
0x28a: {  	v58 =	vld [tilespmem:s2+$0xFFFFFF80]  }
0x28b: {  	v59 =	vld [tilespmem:s3+$0xFFFFFF80]  }
0x28c: {  	v60 =	vld [tilespmem:s2+$0xFFFFFF90]  }
0x28d: {  	v3 =	vld [tilespmem:s2+$0xFFFFFFB0]  }
0x28e: {  	v2 =	vld [tilespmem:s2+$0xFFFFFFC0]  }
0x28f: {  	v1 =	vld [tilespmem:s3+$0xFFFFFFC0]  }
0x290: {  	[tilespmem:$0x1FE30] =	vst v61;
	v61 =	vld [tilespmem:s3+$0xFFFFFF90]  }
0x291: {  	[tilespmem:$0x1FE40] =	vst v62;
	v62 =	vld [tilespmem:s2+$0xFFFFFFA0]  }
0x292: {  	[tilespmem:$0x1FE50] =	vst v63;
	v63 =	vld [tilespmem:s3+$0xFFFFFFA0]  }
0x293: {  	[tilespmem:$0x1FE20] =	vst v0;
	v0 =	vld [tilespmem:s3+$0xFFFFFFB0]  }
0x294: {  	[tilespmem:$0x1FE60] =	vst v4;
	v4 =	vld [tilespmem:s2+$0xFFFFFFD0]  }
0x295: {  	v12 =	vadd.f32 v13, v12;
	v13 =	vadd.f32 v15, v14;
	v14 =	vld [tilespmem:s3+$0xFFFFFFD0]  }
0x296: {  	v15 =	vadd.f32 v17, v16;
	v16 =	vadd.f32 v19, v18;
	v17 =	vld [tilespmem:s2+$0xFFFFFFE0]  }
0x297: {  	v38 =	vadd.f32 v39, v38;
	v19 =	vadd.f32 v21, v20;
	v21 =	vld [tilespmem:s2+$0xFFFFFF10]  }
0x298: {  	v39 =	vadd.f32 v41, v40;
	v40 =	vadd.f32 v45, v44;
	v45 =	vld [tilespmem:s2+$0xFFFFFF20]  }
0x299: {  	v41 =	vadd.f32 v47, v46;
	v47 =	vld [tilespmem:s3+$0xFFFFFF20]  }
0x29a: {  	v44 =	vadd.f32 v51, v50;
	v50 =	vld [tilespmem:s3+$0xFFFFFF30]  }
0x29b: {  	v51 =	vld [tilespmem:s2+$0xFFFFFF40]  }
0x29c: {  	v58 =	vadd.f32 v59, v58;
	v59 =	vld [tilespmem:s3+$0xFFFFFF40];
	v8 =	vmul.f32 v8, v15;
	v7 =	vmul.f32 v7, v16  }
0x29d: {  	v37 =	vadd.f32 v37, v36;
	v36 =	vld [tilespmem:s2+$0xFFFFFF60]  }
0x29e: {  	v7 =	vadd.f32 v7, v8;
	v8 =	vmul.f32 v10, v38;
	v10 =	vadd.f32 v43, v42;
	v43 =	vld [tilespmem:s3+$0xFFFFFF10]  }
0x29f: {  	v6 =	vmul.f32 v6, v12;
	v12 =	vld [tilespmem:s3+$0xFFFFFFE0]  }
0x2a0: {  	v5 =	vmul.f32 v5, v13;
	v13 =	vld [tilespmem:s2+$0xFFFFFFF0]  }
0x2a1: {  	v15 =	vld [tilespmem:s3+$0xFFFFFFF0]  }
0x2a2: {  	v20 =	vmul.f32 v29, v40;
	v40 =	vld [tilespmem:$0x1FE30]  }
0x2a3: {  	v18 =	vmul.f32 v31, v41;
	v41 =	vadd.f32 v43, v21;
	v43 =	vld [tilespmem:$0x1FE40]  }
0x2a4: {  	v22 =	vadd.f32 v23, v22;
	v1 =	vadd.f32 v1, v2;
	v16 =	vld [tilespmem:s3+$0xFFFFFF00]  }
0x2a5: {  	v11 =	vmul.f32 v11, v39;
	v39 =	vld [tilespmem:s3+$0xFFFFFF70];
	v5 =	vadd.f32 v5, v6;
	v42 =	vadd.f32 v49, v48  }
0x2a6: {  	v6 =	vmul.f32 v9, v37;
	v9 =	vld [tilespmem:s2+$0xFFFFFF00];
	v12 =	vadd.f32 v12, v17;
	v13 =	vadd.f32 v15, v13  }
0x2a7: {  	v49 =	vld [tilespmem:s2+$0xFFFFFF30];
	v18 =	vadd.f32 v18, v20;
	v60 =	vadd.f32 v61, v60  }
0x2a8: {  	v38 =	vld [tilespmem:$0x1FE20];
	v61 =	vadd.f32 v63, v62;
	v12 =	vmul.f32 v40, v12;
	v13 =	vmul.f32 v43, v13  }
0x2a9: {  	v62 =	vld [tilespmem:s2+$0xFFFFFF50];
	v63 =	vmul.f32 v30, v58;
	v0 =	vadd.f32 v0, v3;
	v4 =	vadd.f32 v14, v4  }
0x2aa: {  	v10 =	vmul.f32 v28, v10;
	v46 =	vmul.f32 v33, v42;
	v12 =	vadd.f32 v13, v12;
	v13 =	vld [tilespmem:$0x1FE50]  }
0x2ab: {  	v30 =	vld [tilespmem:s3+$0xFFFFFF50];
	v28 =	vmul.f32 v32, v44;
	v6 =	vadd.f32 v8, v6;
	v44 =	vadd.f32 v47, v45  }
0x2ac: {  	v14 =	vld [tilespmem:s3+$0xFFFFFF60];
	v8 =	vadd.f32 v59, v51;
	v33 =	vmul.f32 v35, v60;
	v35 =	vmul.f32 v34, v61  }
0x2ad: {  	v42 =	vld [tilespmem:s5+$0xFFFFFF60];
	v0 =	vmul.f32 v55, v0;
	v48 =	vadd.f32 v10, v11;
	v11 =	vadd.f32 v25, v24  }
0x2ae: {  	v15 =	vld [tilespmem:s2+$0xFFFFFF70];
	v23 =	vadd.f32 v28, v46;
	v24 =	vadd.f32 v27, v26  }
0x2af: {  	v2 =	vadd.f32 v33, v63;
	v0 =	vadd.f32 v0, v35;
	v8 =	vmul.f32 v13, v8;
	v13 =	vld [tilespmem:$0x1FE60]  }
0x2b0: {  	v1 =	vmul.f32 v56, v1;
	v47 =	vld [tilespmem:s5+$0xD0];
	v9 =	vadd.f32 v16, v9;
	v10 =	vadd.f32 v50, v49  }
0x2b1: {  	v45 =	vld [tilespmem:s5+$0xFFFFFF70];
	v4 =	vmul.f32 v38, v4;
	v6 =	vadd.f32 v48, v6;
	v18 =	vadd.f32 v23, v18  }
0x2b2: {  	v46 =	vld [tilespmem:s5+$0xC0];
	v3 =	vadd.f32 v30, v62;
	v14 =	vadd.f32 v14, v36  }
0x2b3: {  	v48 =	vld [tilespmem:s5+$0xE0];
	v1 =	vadd.f32 v4, v1;
	v9 =	vmul.f32 v52, v9;
	v16 =	vmul.f32 v53, v41  }
0x2b4: {  	v4 =	vmul.f32 v54, v44;
	v15 =	vadd.f32 v39, v15;
	v3 =	vmul.f32 v13, v3;
	v13 =	vld [tilespmem:s5+$0xF0]  }
0x2b5: {  	v10 =	vmul.f32 v57, v10;
	v0 =	vadd.f32 v0, v2;
	v51 =	vmul.f32 v47, v22  }
0x2b6: {  	v6 =	vadd.f32 v18, v6;
	v49 =	vmul.f32 v42, v14;
	v14 =	vmul.f32 v45, v15  }
0x2b7: {  	v9 =	vadd.f32 v16, v9;
	v4 =	vadd.f32 v10, v4;
	v50 =	vmul.f32 v46, v19  }
0x2b8: {  	v11 =	vmul.f32 v48, v11;
	v2 =	vadd.f32 v14, v49;
	v3 =	vadd.f32 v3, v8  }
0x2b9: {  	v4 =	vadd.f32 v4, v9;
	v1 =	vadd.f32 v12, v1;
	v12 =	vmul.f32 v13, v24  }
0x2ba: {  	v52 =	vadd.f32 v51, v50;
	v2 =	vadd.f32 v2, v3  }
0x2bb: {  	v0 =	vadd.f32 v1, v0;
	v53 =	vadd.f32 v12, v11  }
0x2bc: {  	(xrf2) =	vadd.scan.msk.f32 $0xffff, v6;
	v2 =	vadd.f32 v2, v4  }
0x2bd: {  	v54 =	vadd.f32 v7, v5;
	(xrf2) =	vadd.scan.msk.f32 $0xffff, v0;
	v1 =	vadd.f32 v53, v52  }
0x2be: {  	(xrf2) =	vadd.scan.msk.f32 $0xffff, v2  }
0x2bf: {  	v0 =	vadd.f32 v1, v54;
	_ =	sdelay $0x1  }
0x2c0: {  	(xrf2) =	vadd.scan.msk.f32 $0xffff, v0;
	_ =	sdelay $0x4  }
0x2c1: {  	s30 =	simm.s32 $0x0;
	v55, _, _ =	vpop (xrf2)  }
0x2c2: {  	s5 =	sand.u32 $0xC, s30;
	v56, _, _ =	vpop (xrf2)  }
0x2c3: {  	v59 =	vlaneseq.u32;
	v57 =	vimm.f32 $0.0e+00;
	v58 =	vmov s5;
	s6 =	sor.u32 $0x1, s5;
	v2, _, _ =	vpop (xrf2)  }
0x2c4: {  	s31 =	sor.u32 $0x2, s5;
	s7 =	sor.u32 $0x3, s5;
	vm6 =	veq.s32 v58, v59;
	v60 =	vmov s6;
	v2 =	vbroadcast v2, $0xF  }
0x2c5: {  	v61 =	vmov s31;
	v63 =	vmov s7;
	v1 =	vbroadcast v56, $0xF  }
0x2c6: {  	v0 =	vbroadcast v55, $0xF;
	v2 =	vsel vm6, v2, v57;
	vm6 =	veq.s32 v60, v59;
	v62, _, _ =	vpop (xrf2)  }
0x2c7: {  	v1 =	vsel vm6, v1, v2;
	vm6 =	veq.s32 v61, v59;
	v2 =	vbroadcast v62, $0xF  }
0x2c8: {  	v0 =	vsel vm6, v0, v1;
	vm6 =	veq.s32 v63, v59  }
0x2c9: {  	s24 =	simm.s32 $0x9D34;
	p0 =	sne.s32 s5, $0xC;
	v13 =	vsel vm6, v2, v0  }
0x2ca: {  	s25 =	simm.s32 $0x4;
	s12 =	simm.s32 $0x11900;
	[tilespmem:s24+$0x0] =	vst @!p0 v13  }
.LBB2_10:
0x2cb: {  	v29 =	vld [tilespmem:s12+$0x80]  }
0x2cc: {  	v32 =	vld [tilespmem:s12+$0x90]  }
0x2cd: {  	v30 =	vld [tilespmem:s12+$0xA0]  }
0x2ce: {  	v33 =	vld [tilespmem:s12+$0xB0]  }
0x2cf: {  	v0 =	vld [tilespmem:s12+$0xC0]  }
0x2d0: {  	v19 =	vld [tilespmem:s12+$0x0]  }
0x2d1: {  	v21 =	vld [tilespmem:s12+$0x10]  }
0x2d2: {  	v17 =	vld [tilespmem:s12+$0x20]  }
0x2d3: {  	v16 =	vld [tilespmem:s12+$0x30]  }
0x2d4: {  	v42 =	vld [tilespmem:s12+$0x40]  }
0x2d5: {  	v15 =	vld [tilespmem:s12+$0x50]  }
0x2d6: {  	v43 =	vld [tilespmem:s12+$0x60]  }
0x2d7: {  	v44 =	vld [tilespmem:s12+$0x70]  }
0x2d8: {  	v25 =	vld [tilespmem:s12+$0xFFFFFF80]  }
0x2d9: {  	v22 =	vld [tilespmem:s12+$0xFFFFFF90]  }
0x2da: {  	v24 =	vld [tilespmem:s12+$0xFFFFFFA0]  }
0x2db: {  	v20 =	vld [tilespmem:s12+$0xFFFFFFB0]  }
0x2dc: {  	v23 =	vld [tilespmem:s12+$0xFFFFFFC0]  }
0x2dd: {  	v18 =	vld [tilespmem:s12+$0xFFFFFFD0]  }
0x2de: {  	v8 =	vld [tilespmem:s12+$0xFFFFFFE0]  }
0x2df: {  	v14 =	vld [tilespmem:s12+$0xFFFFFFF0]  }
0x2e0: {  	v36 =	vld [tilespmem:s12+$0xFFFFFF00]  }
0x2e1: {  	v37 =	vld [tilespmem:s12+$0xFFFFFF10]  }
0x2e2: {  	v34 =	vld [tilespmem:s12+$0xFFFFFF20]  }
0x2e3: {  	v28 =	vld [tilespmem:s12+$0xFFFFFF30]  }
0x2e4: {  	v26 =	vld [tilespmem:s12+$0xFFFFFF40]  }
0x2e5: {  	s3 =	sadd.s32 $0x200, s3;
	v27 =	vld [tilespmem:s12+$0xFFFFFF50]  }
0x2e6: {  	s2 =	sadd.s32 $0x200, s2;
	v1 =	vld [tilespmem:s3+$0x80]  }
0x2e7: {  	v2 =	vld [tilespmem:s2+$0x90]  }
0x2e8: {  	v3 =	vld [tilespmem:s3+$0x90]  }
0x2e9: {  	v4 =	vld [tilespmem:s2+$0xA0]  }
0x2ea: {  	v5 =	vld [tilespmem:s3+$0xA0]  }
0x2eb: {  	v6 =	vld [tilespmem:s2+$0xB0]  }
0x2ec: {  	v7 =	vld [tilespmem:s3+$0xB0]  }
0x2ed: {  	v39 =	vld [tilespmem:s2+$0xD0]  }
0x2ee: {  	v41 =	vld [tilespmem:s3+$0xD0]  }
0x2ef: {  	v38 =	vld [tilespmem:s2+$0xE0]  }
0x2f0: {  	v40 =	vld [tilespmem:s3+$0xE0]  }
0x2f1: {  	v31 =	vld [tilespmem:s2+$0xF0]  }
0x2f2: {  	v35 =	vld [tilespmem:s3+$0xF0]  }
0x2f3: {  	v45 =	vld [tilespmem:s3+$0x0]  }
0x2f4: {  	v46 =	vld [tilespmem:s2+$0x10]  }
0x2f5: {  	v47 =	vld [tilespmem:s3+$0x10]  }
0x2f6: {  	v48 =	vld [tilespmem:s2+$0x20]  }
0x2f7: {  	v49 =	vld [tilespmem:s3+$0x20]  }
0x2f8: {  	v50 =	vld [tilespmem:s2+$0x30]  }
0x2f9: {  	v51 =	vld [tilespmem:s3+$0x30]  }
0x2fa: {  	v52 =	vld [tilespmem:s2+$0x40]  }
0x2fb: {  	v53 =	vld [tilespmem:s3+$0x40]  }
0x2fc: {  	v54 =	vld [tilespmem:s2+$0x50]  }
0x2fd: {  	v55 =	vld [tilespmem:s3+$0x50]  }
0x2fe: {  	v56 =	vld [tilespmem:s2+$0x60]  }
0x2ff: {  	v57 =	vld [tilespmem:s3+$0x60]  }
0x300: {  	v58 =	vld [tilespmem:s2+$0x70]  }
0x301: {  	v59 =	vld [tilespmem:s3+$0x70]  }
0x302: {  	v60 =	vld [tilespmem:s2+$0xFFFFFF80]  }
0x303: {  	v61 =	vld [tilespmem:s3+$0xFFFFFF80]  }
0x304: {  	v62 =	vld [tilespmem:s2+$0xFFFFFF90]  }
0x305: {  	v63 =	vld [tilespmem:s3+$0xFFFFFF90]  }
0x306: {  	v9 =	vld [tilespmem:s3+$0xFFFFFFA0]  }
0x307: {  	v10 =	vld [tilespmem:s2+$0xFFFFFFB0]  }
0x308: {  	v11 =	vld [tilespmem:s3+$0xFFFFFFB0]  }
0x309: {  	v12 =	vld [tilespmem:s2+$0xFFFFFFC0]  }
0x30a: {  	[tilespmem:$0x1FE10] =	vst v0;
	v0 =	vld [tilespmem:s2+$0x80]  }
0x30b: {  	[tilespmem:$0x1FDD0] =	vst v42;
	v42 =	vld [tilespmem:s2+$0xC0]  }
0x30c: {  	[tilespmem:$0x1FDE0] =	vst v43;
	v43 =	vld [tilespmem:s3+$0xC0]  }
0x30d: {  	[tilespmem:$0x1FDF0] =	vst v44;
	v44 =	vld [tilespmem:s2+$0x0]  }
0x30e: {  	[tilespmem:$0x1FE00] =	vst v8;
	v8 =	vld [tilespmem:s2+$0xFFFFFFA0]  }
0x30f: {  	v58 =	vadd.f32 v59, v58;
	v59 =	vld [tilespmem:$0x1FDD0]  }
0x310: {  	v49 =	vadd.f32 v49, v48;
	v48 =	vld [tilespmem:s2+$0xFFFFFF20]  }
0x311: {  	v51 =	vadd.f32 v51, v50;
	v50 =	vld [tilespmem:$0x1FDF0]  }
0x312: {  	v55 =	vadd.f32 v55, v54;
	v17 =	vmul.f32 v17, v49;
	v49 =	vld [tilespmem:$0x1FDE0]  }
0x313: {  	v16 =	vmul.f32 v16, v51;
	v51 =	vld [tilespmem:s3+$0xFFFFFF20]  }
0x314: {  	v15 =	vmul.f32 v15, v55;
	v55 =	vld [tilespmem:s3+$0xFFFFFF30]  }
0x315: {  	v0 =	vadd.f32 v1, v0;
	v1 =	vadd.f32 v3, v2;
	v2 =	vld [tilespmem:s3+$0xFFFFFFC0]  }
0x316: {  	v3 =	vadd.f32 v5, v4;
	v5 =	vld [tilespmem:s2+$0xFFFFFFD0]  }
0x317: {  	v4 =	vadd.f32 v7, v6;
	v6 =	vld [tilespmem:s3+$0xFFFFFFD0]  }
0x318: {  	v7 =	vld [tilespmem:s2+$0xFFFFFFE0]  }
0x319: {  	v42 =	vadd.f32 v43, v42;
	v43 =	vld [tilespmem:s3+$0xFFFFFF00]  }
0x31a: {  	v45 =	vadd.f32 v45, v44;
	v44 =	vmul.f32 v50, v58;
	v58 =	vadd.f32 v61, v60;
	v61 =	vld [tilespmem:s2+$0xFFFFFF50]  }
0x31b: {  	v60 =	vadd.f32 v63, v62;
	v62 =	vld [tilespmem:s3+$0xFFFFFF50]  }
0x31c: {  	v53 =	vadd.f32 v53, v52;
	v63 =	vld [tilespmem:s2+$0xFFFFFF60]  }
0x31d: {  	v47 =	vadd.f32 v47, v46;
	v1 =	vmul.f32 v32, v1;
	v32 =	vld [tilespmem:s3+$0xFFFFFFE0]  }
0x31e: {  	v8 =	vadd.f32 v9, v8;
	v4 =	vmul.f32 v33, v4;
	v33 =	vmul.f32 v59, v53;
	v53 =	vld [tilespmem:s2+$0xFFFFFF30]  }
0x31f: {  	v57 =	vadd.f32 v57, v56;
	v39 =	vadd.f32 v41, v39;
	v0 =	vmul.f32 v29, v0;
	v59 =	vld [tilespmem:s3+$0xFFFFFF40]  }
0x320: {  	v38 =	vadd.f32 v40, v38;
	v3 =	vmul.f32 v30, v3;
	v8 =	vmul.f32 v24, v8;
	v24 =	vld [tilespmem:s2+$0xFFFFFF70]  }
0x321: {  	v56 =	vadd.f32 v35, v31;
	v29 =	vadd.f32 v1, v0;
	v0 =	vld [tilespmem:s2+$0xFFFFFFF0]  }
0x322: {  	v10 =	vadd.f32 v11, v10;
	v30 =	vadd.f32 v4, v3;
	v4 =	vld [tilespmem:s3+$0xFFFFFFF0]  }
0x323: {  	v52 =	vadd.f32 v16, v17;
	v25 =	vmul.f32 v25, v58;
	v3 =	vmul.f32 v21, v47;
	v21 =	vld [tilespmem:s2+$0xFFFFFF00]  }
0x324: {  	v40 =	vadd.f32 v51, v48;
	v1 =	vmul.f32 v19, v45;
	v45 =	vld [tilespmem:s2+$0xFFFFFF10];
	v19 =	vmul.f32 v49, v57  }
0x325: {  	v47 =	vld [tilespmem:s3+$0xFFFFFF10];
	v15 =	vadd.f32 v15, v33;
	v2 =	vadd.f32 v2, v12;
	v12 =	vmul.f32 v22, v60  }
0x326: {  	v57 =	vld [tilespmem:s2+$0xFFFFFF40];
	v1 =	vadd.f32 v3, v1;
	v54 =	vadd.f32 v44, v19  }
0x327: {  	v5 =	vadd.f32 v6, v5;
	v44 =	vld [tilespmem:s12+$0xD0];
	v12 =	vadd.f32 v12, v25  }
0x328: {  	v10 =	vmul.f32 v20, v10;
	v25 =	vld [tilespmem:s3+$0xFFFFFF70];
	v1 =	vadd.f32 v52, v1;
	v15 =	vadd.f32 v54, v15  }
0x329: {  	v9 =	vadd.f32 v62, v61;
	v2 =	vmul.f32 v23, v2;
	v7 =	vadd.f32 v32, v7;
	v32 =	vld [tilespmem:$0x1FE00]  }
0x32a: {  	v5 =	vmul.f32 v18, v5;
	v0 =	vadd.f32 v4, v0;
	v1 =	vadd.f32 v15, v1;
	v15 =	vld [tilespmem:s3+$0xFFFFFF60]  }
0x32b: {  	v41 =	vld [tilespmem:s12+$0xFFFFFF70];
	v8 =	vadd.f32 v10, v8;
	v9 =	vmul.f32 v27, v9;
	v33 =	vadd.f32 v43, v21  }
0x32c: {  	v35 =	vld [tilespmem:s12+$0xFFFFFF60];
	v2 =	vadd.f32 v5, v2;
	v0 =	vmul.f32 v14, v0;
	v14 =	vadd.f32 v47, v45  }
0x32d: {  	v50 =	vld [tilespmem:$0x1FE10];
	v17 =	vadd.f32 v59, v57;
	v5 =	vmul.f32 v36, v33;
	v45 =	vmul.f32 v34, v40  }
0x32e: {  	v46 =	vld [tilespmem:s12+$0xE0];
	v4 =	vadd.f32 v25, v24;
	v43 =	vmul.f32 v37, v14;
	v14 =	vadd.f32 v55, v53  }
0x32f: {  	v47 =	vld [tilespmem:s12+$0xF0];
	v51 =	vmul.f32 v44, v39;
	v7 =	vmul.f32 v32, v7;
	v6 =	vadd.f32 v15, v63  }
0x330: {  	v8 =	vadd.f32 v8, v12;
	v4 =	vmul.f32 v41, v4;
	v14 =	vmul.f32 v28, v14  }
0x331: {  	v0 =	vadd.f32 v0, v7;
	v15 =	vmul.f32 v26, v17;
	v6 =	vmul.f32 v35, v6  }
0x332: {  	v7 =	vmul.f32 v50, v42;
	v48 =	vadd.f32 v43, v5;
	v49 =	vadd.f32 v14, v45  }
0x333: {  	v52 =	vmul.f32 v46, v38;
	v9 =	vadd.f32 v9, v15;
	v4 =	vadd.f32 v4, v6  }
0x334: {  	v0 =	vadd.f32 v0, v2;
	v3 =	vmul.f32 v47, v56;
	v53 =	vadd.f32 v51, v7  }
0x335: {  	v2 =	vadd.f32 v49, v48;
	v4 =	vadd.f32 v4, v9  }
0x336: {  	(xrf2) =	vadd.scan.msk.f32 $0xffff, v1;
	v0 =	vadd.f32 v0, v8;
	v1 =	vadd.f32 v3, v52  }
0x337: {  	v54 =	vadd.f32 v4, v2  }
0x338: {  	v55 =	vadd.f32 v30, v29;
	(xrf2) =	vadd.scan.msk.f32 $0xffff, v0;
	v1 =	vadd.f32 v1, v53  }
0x339: {  	(xrf2) =	vadd.scan.msk.f32 $0xffff, v54  }
0x33a: {  	v1 =	vadd.f32 v1, v55;
	_ =	sdelay $0x1  }
0x33b: {  	(xrf2) =	vadd.scan.msk.f32 $0xffff, v1;
	_ =	sdelay $0x3  }
0x33c: {  	s5 =	smov.u32 s25  }
0x33d: {  	s5 =	sand.u32 $0xC, s5;
	v56, _, _ =	vpop (xrf2)  }
0x33e: {  	s6 =	sor.u32 $0x2, s5;
	v57, _, _ =	vpop (xrf2)  }
0x33f: {  	s7 =	sor.u32 $0x3, s5;
	v58 =	vmov s5;
	v60 =	vmov s6;
	v59, _, _ =	vpop (xrf2)  }
0x340: {  	s25 =	sadd.s32 $0x4, s25;
	s8 =	sor.u32 $0x1, s5;
	v61 =	vmov s7;
	v12 =	vlaneseq.u32;
	v3 =	vbroadcast v59, $0xF  }
0x341: {  	p0 =	sne.s32 s25, $0x50;
	v62 =	vmov s8;
	vm6 =	veq.s32 v58, v12;
	v1 =	vbroadcast v57, $0xF  }
.Ltmp4:
0x342: {  	v0 =	vbroadcast v56, $0xF;
	v63, _, _ =	vpop (xrf2);
	v3 =	vsel vm6, v3, v13;
	vm6 =	veq.s32 v62, v12;
	(pc) =	sbr.rel @p0 .LBB2_10-.Ltmp4, $4  }
0x343: {  	v2 =	vbroadcast v63, $0xF;
	v1 =	vsel vm6, v1, v3;
	vm6 =	veq.s32 v60, v12  }
0x344: {  	v0 =	vsel vm6, v0, v1;
	vm6 =	veq.s32 v61, v12  }
0x345: {  	s24 =	sadd.s32 $0x4, s24;
	p1 =	sne.s32 s5, $0xC;
	v13 =	vsel vm6, v2, v0  }
0x346: {  	s12 =	sadd.s32 $0x200, s12;
	[tilespmem:s24+$0x0] =	vst @!p1 v13  }
0x347: {  	v9 =	vld [tilespmem:$0x1FFB0]  }
0x348: {  	v10 =	vld [tilespmem:$0x1FFC0]  }
0x349: {  	v11 =	vld [tilespmem:$0x1FFD0]  }
0x34a: {  	v6 =	vld [tilespmem:$0x1FFE0]  }
0x34b: {  	s3 =	simm.s32 $0x0;
	s2 =	simm.s32 $0x40;
	v7 =	vimm.s32 $0x0;
	v8 =	vld [tilespmem:$0x1FFF0]  }
.LBB2_12:
0x34c: {  	p0 =	sne.s32 s2, $0x9C00;
	v0 =	vld [tilespmem:s3+$0x2780]  }
0x34d: {  	v1 =	vld [tilespmem:s3+$0x7680];
	_ =	sdelay $0x3  }
0x34e: {  	v0 =	vxor.u32 $0x80000000, v0  }
0x34f: {  	(xrf1) =	vsort.ascd.msk.u32 $0xffff, v0, v1;
	_ =	sdelay $0xd  }
0x350: {  	v0, v1, _ =	vpop (xrf1)  }
0x351: {  	v0 =	vxor.u32 $0x80000000, v0  }
0x352: {  	v2 =	vperm.xlane v0, v9;
	_ =	sdelay $0x1  }
0x353: {  	vm6 =	vne.s32 v0, v2  }
0x354: {  	vm6 =	vmor vm6, vm0  }
0x355: {  	v2 =	vsel vm6, $0x1, v7  }
0x356: {  	(xrf0) =	vadd.scan.msk.s32 $0xffff, v2;
	_ =	sdelay $0x5  }
0x357: {  	v2, _, _ =	vpop (xrf0)  }
0x358: {  	v3 =	vperm.xlane v2, v9  }
0x359: {  	v4 =	vperm.xlane v1, v9  }
0x35a: {  	vm6 =	veq.s32 v2, v3  }
0x35b: {  	v3 =	vmax.f32 v1, v4;
	vm6 =	vmand vm6, vm1  }
0x35c: {  	v1 =	vsel vm6, v3, v1;
	v3 =	vperm.xlane v2, v10  }
0x35d: {  	v4 =	vperm.xlane v1, v10  }
0x35e: {  	vm6 =	veq.s32 v2, v3  }
0x35f: {  	vm6 =	vmand vm6, vm2;
	v3 =	vmax.f32 v1, v4  }
0x360: {  	v1 =	vsel vm6, v3, v1;
	v3 =	vperm.xlane v2, v11  }
0x361: {  	v5 =	vperm.xlane v0, v8;
	v4 =	vperm.xlane v1, v11  }
0x362: {  	vm6 =	veq.s32 v2, v3  }
0x363: {  	vm7 =	vne.s32 v0, v5;
	vm6 =	vmand vm6, vm3;
	v3 =	vmax.f32 v1, v4;
	v4 =	vld.idx.msk [tilespmem:v0+s23+$0x0], $0xffff  }
0x364: {  	v1 =	vsel vm6, v3, v1;
	v3 =	vperm.xlane v2, v6;
	vm6 =	vmor vm7, vm5  }
0x365: {  	v5 =	vperm.xlane v1, v6  }
.Ltmp5:
0x366: {  	vm7 =	veq.s32 v2, v3;
	(pc) =	sbr.rel @p0 .LBB2_12-.Ltmp5, $4  }
0x367: {  	vm7 =	vmand vm7, vm4;
	v2 =	vmax.f32 v1, v5  }
0x368: {  	v1 =	vsel vm7, v2, v1  }
0x369: {  	v1 =	vmax.f32 v4, v1  }
0x36a: {  	s3 =	sshra.s32 s2, $0x2;
	s2 =	sadd.s32 $0x40, s2;
	[tilespmem:v0+s23+$0x0] =	vst.idx.msk vm6, v1  }
0x36b: {  	v0 =	vld [tilespmem:s3+$0x2780]  }
0x36c: {  	v1 =	vld [tilespmem:s3+$0x7680];
	_ =	sdelay $0x3  }
0x36d: {  	v0 =	vxor.u32 $0x80000000, v0  }
0x36e: {  	(xrf1) =	vsort.ascd.msk.u32 $0xffff, v0, v1;
	_ =	sdelay $0xd  }
0x36f: {  	v0, v1, _ =	vpop (xrf1)  }
0x370: {  	v0 =	vxor.u32 $0x80000000, v0  }
0x371: {  	v2 =	vperm.xlane v0, v9;
	_ =	sdelay $0x1  }
0x372: {  	vm6 =	vne.s32 v0, v2  }
0x373: {  	vm6 =	vmor vm6, vm0  }
0x374: {  	v2 =	vsel vm6, $0x1, v7  }
0x375: {  	(xrf0) =	vadd.scan.msk.s32 $0xffff, v2;
	_ =	sdelay $0x5  }
0x376: {  	v2, _, _ =	vpop (xrf0)  }
0x377: {  	v3 =	vperm.xlane v2, v9  }
0x378: {  	v4 =	vperm.xlane v1, v9  }
0x379: {  	vm6 =	veq.s32 v2, v3  }
0x37a: {  	v3 =	vmax.f32 v1, v4;
	vm6 =	vmand vm6, vm1  }
0x37b: {  	v1 =	vsel vm6, v3, v1;
	v3 =	vperm.xlane v2, v10  }
0x37c: {  	v60 =	vperm.xlane v1, v10  }
0x37d: {  	vm6 =	veq.s32 v2, v3  }
0x37e: {  	vm6 =	vmand vm6, vm2;
	v3 =	vmax.f32 v1, v60  }
0x37f: {  	v1 =	vsel vm6, v3, v1;
	v3 =	vperm.xlane v2, v11  }
0x380: {  	v5 =	vperm.xlane v0, v8;
	v61 =	vperm.xlane v1, v11  }
0x381: {  	vm6 =	veq.s32 v2, v3  }
0x382: {  	vm7 =	vne.s32 v0, v5;
	vm6 =	vmand vm6, vm3;
	v3 =	vmax.f32 v1, v61  }
0x383: {  	v62 =	vld.idx.msk [tilespmem:v0+s23+$0x0], $0xffff;
	v1 =	vsel vm6, v3, v1;
	v3 =	vperm.xlane v2, v6;
	vm6 =	vmor vm7, vm5  }
0x384: {  	v63 =	vperm.xlane v1, v6  }
0x385: {  	vm7 =	veq.s32 v2, v3  }
0x386: {  	vm7 =	vmand vm7, vm4;
	v2 =	vmax.f32 v1, v63  }
0x387: {  	v1 =	vsel vm7, v2, v1  }
0x388: {  	v1 =	vmax.f32 v62, v1  }
0x389: {  	s2 =	rddreg [dreg:$0xb];
	s26 =	simm.s32 $0x7680;
	[tilespmem:v0+s23+$0x0] =	vst.idx.msk vm6, v1  }
0x38a: {  	[hbm4b:s2+s4] =	stream.linear.scatter [tilespmem:s26], [sflag:$0x3], $0x2710, $0x38;
	[tilespmem:$0x1B600] =	vst v63  }
0x38b: {  	s28 =	sadd.s32 $0x1, s28;
	_ =	swait.ge [sflag:s11], $0x2710  }
0x38c: {  	s30 =	simm.s32 $0x80;
	p0 =	sne.s32 s28, s10;
	[sflag:s11] =	ssyncset.done $0x0  }
.Ltmp6:
0x38d: {  	s31 =	simm.s32 $0x400;
	[sflag:s11] =	ssyncadd.s32 $0xFFFFD8F0;
	(pc) =	sbr.rel @p0 .LBB2_1-.Ltmp6, $4  }
0x38e: {  	[hbm4b:s9+s30] =	stream.strided.scatter [tilespmem:s23], [sflag:$0x3], $0x2800, s31, s30, $0x38;
	[tilespmem:$0x1B600] =	vst v63  }
0x38f: {  	_ =	swait.ge [sflag:s11], $0x2800  }
0x390: {  	[sflag:s11] =	ssyncset.done $0x0  }
0x391: {  	s5 =	simm.s32 $0x2780;
	s6 =	simm.s32 $0x4F00;
	v0 =	vimm.f32 $-Inf;
	[sflag:s11] =	ssyncadd.s32 $0xFFFFD800  }
0x392: {  	_ =	sfence.sel $0x180000  }
0x393: {  	[bflag:$0x0] =	sbarrier.arrive $0xFFFF  }
0x394: {  	_ =	strace $0x90000047  }
0x395: {  	s0 =	stileid.u32;
	[bflag:$0x2] =	sbarrier.arrive $0xFFFF  }
0x396: {  	p0 =	sne.s32 s0, $0x0;
	s0 =	rddreg [dreg:$0x7]  }
0x397: {  	s0 =	sadd.s32 @!p0 $0x100000, s0  }
0x398: {  	[sflag:s0] =	ssyncadd.tile.s32 @!p0 $0x1;
	_ =	shalt  }
.Lfunc_end2:
_tile_overlayer_lowered:
.L_overlay_start_2:
0x399: {  	(tag) =	ssettag $0x2  }
0x39a: {  	s0 =	rddreg [dreg:$0x0];
	s2 =	stileid.u32  }
0x39b: {  	s1 =	rddreg [dreg:$0x1];
	p0 =	sne.s32 s2, $0x0  }
0x39c: {  	s3 =	rddreg [dreg:$0x2];
	[bflag:$0x3] =	sbarrier.arrive $0xFFFF;
	s2 =	simm.s32 @!p0 $0x1C03  }
0x39d: {  	[timem:s3], [sflag:s2] =	dma.local @!p0 [hbm:s0], s1  }
0x39e: {  	s0 =	simm.s32 @!p0 $0x3  }
0x39f: {  	_ =	swait.ge @!p0 [sflag:s0], s1  }
0x3a0: {  	s1 =	ssub.s32 @!p0 $0x0, s1;
	[sflag:s0] =	ssyncset.done @!p0 $0x0  }
0x3a1: {  	[sflag:s0] =	ssyncadd.s32 @!p0 s1  }
0x3a2: {  	[bflag:$0x3] =	sbarrier.arrive $0xFFFF  }
0x3a3: {  	_ =	shalt  }

</sc_bundles>
